<compile_context>
chip_gen: v7x
topology: tpu7x:2x2x1
jax: 0.10.2.dev20260603
libtpu: 0.0.44.dev20260713+nightly
codegen_flags: <defaults>
</compile_context>

<pallas_src>
import functools

import jax
import jax.numpy as jnp
from jax import lax
from jax.experimental import pallas as pl
from jax.experimental.pallas import tpu as pltpu
from jax.experimental.pallas import tpu_sc as plsc

NI = 4096
NJ = 200
EMBED = 64
NC, NS = 2, 16
NW = NC * NS
DB, DS = 8, 8
IB, IL = NI // 128, 128
SLABS = NJ * DB
PER_W = SLABS // NW
RING = 2
L = 16


def _sc_body(idst_hbm, tables_hbm, out_hbm, ids_v, table_v, buf_v, ssem):
    wid = lax.axis_index("s") * NC + lax.axis_index("c")
    base_w = wid * PER_W

    pltpu.sync_copy(tables_hbm, table_v)

    def store(j, db, b):
        return pltpu.make_async_copy(
            buf_v.at[b],
            out_hbm.at[j, db],
            ssem,
        )

    def slab(t, b):
        s = base_w + t
        j = s // DB
        db = s % DB

        @pl.when(jnp.logical_or(t == 0, db == 0))
        def _stage_ids():
            pltpu.sync_copy(idst_hbm.at[j], ids_v)

        t0s = [table_v[0, db * DS + ds, :] for ds in range(DS)]
        t1s = [table_v[1, db * DS + ds, :] for ds in range(DS)]
        t2s = [table_v[2, db * DS + ds, :] for ds in range(DS)]

        @plsc.parallel_loop(0, IB, unroll=2)
        def ib_body(ib):
            for g in range(IL // L):
                ids_g = ids_v[pl.ds(ib * IL + g * L, L)]
                m1 = ids_g == 1
                m2 = ids_g == 2
                for ds in range(DS):
                    v = jnp.where(m1, t1s[ds], jnp.where(m2, t2s[ds], t0s[ds]))
                    buf_v[b, ib, ds, pl.ds(g * L, L)] = v

        return j, db

    def group(gidx, carry):
        for b in range(RING):
            t = gidx * RING + b

            @pl.when(t >= RING)
            def _wait_buffer_free():
                store(0, 0, b).wait()

            j, db = slab(t, b)
            store(j, db, b).start()

        return carry

    lax.fori_loop(0, PER_W // RING, group, 0)
    store(0, 0, 0).wait()
    store(0, 0, 1).wait()


def kernel(modality_ids, modality_embedding):
    idst = modality_ids.astype(jnp.int32).T
    tables = jnp.tile(modality_embedding[:, :, None], (1, 1, L))

    mesh = plsc.VectorSubcoreMesh(core_axis_name="c", subcore_axis_name="s")
    run = functools.partial(
        pl.kernel,
        mesh=mesh,
        out_type=jax.ShapeDtypeStruct((NJ, DB, IB, DS, IL), jnp.float32),
        scratch_types=[
            pltpu.VMEM((NI,), jnp.int32),
            pltpu.VMEM((3, EMBED, L), jnp.float32),
            pltpu.VMEM((RING, IB, DS, IL), jnp.float32),
            pltpu.SemaphoreType.DMA,
        ],
    )(_sc_body)
    out5 = run(idst, tables)
    return out5.transpose(2, 4, 0, 1, 3).reshape(NI, NJ, EMBED)

# --- scband reference (transcript-rebuilt; emitter-appended) ---
"""Pipeline reference for scband-modality-embedding-20126216749276 (READ-ONLY COPY).

The authoritative reference and input builder live on the scoring server;
editing this copy changes nothing except your own understanding.
"""

import jax, jax.numpy as jnp
import numpy as np

NUM_MODALITIES = 3
EMBED_DIM = 64

def setup_inputs(seed: int = 0) -> dict:
    key = jax.random.key(seed)
    k1, k2 = jax.random.split(key)
    modality_ids = jax.random.randint(k1, (4096, 200), 0, NUM_MODALITIES, dtype=jnp.int64 if jax.config.jax_enable_x64 else jnp.int32)
    modality_embedding = jax.random.normal(k2, (NUM_MODALITIES, EMBED_DIM), dtype=jnp.float32) * 0.02
    return {"modality_ids": modality_ids, "modality_embedding": modality_embedding}

def reference(modality_ids, modality_embedding):
    # Faithful translation of ModalityEmbedding.__call__: table[ids] gather
    return jnp.take(modality_embedding, modality_ids, axis=0)

if __name__ == "__main__":
    import jax
    _d = setup_inputs()
    print(jax.jit(kernel)(*tuple(_d.values())))

</pallas_src>

<mosaic_0001>
#map = affine_map<(d0, d1) -> (0, 0)>
#map1 = affine_map<(d0, d1) -> (0, 0, 0)>
#map2 = affine_map<(d0, d1) -> (0, 0, 0, 0, 0)>
module attributes {stable_mosaic.version = 14 : i64} {
  func.func @_sc_body(%arg0: i32, %arg1: i32, %arg2: memref<200x4096xi32, #tpu.memory_space<hbm>>, %arg3: memref<3x64x16xf32, #tpu.memory_space<hbm>>, %arg4: memref<200x8x32x8x128xf32, #tpu.memory_space<hbm>>, %arg5: memref<4096xi32, #tpu.memory_space<vmem>>, %arg6: memref<3x64x16xf32, #tpu.memory_space<vmem>>, %arg7: memref<2x32x8x128xf32, #tpu.memory_space<vmem>>, %arg8: memref<!tpu.dma_semaphore, #tpu.memory_space<semaphore_mem>>) attributes {dimension_semantics = [#tpu.dimension_semantics<core_parallel>, #tpu.dimension_semantics<subcore_parallel>], iteration_bounds = array<i64: 2, 16>, scalar_prefetch = 0 : i64, scratch_operands = 4 : i64, tpu.core_type = #tpu.core_type<sc_vector_subcore>, window_params = [{transform_indices = #map}, {transform_indices = #map1}, {transform_indices = #map2}]} {
    %mul3A = arith.constant 2 : i32
    %mul3A_0 = arith.muli %arg1, %mul3A : i32
    %add3A = arith.addi %mul3A_0, %arg0 : i32
    %mul3A_1 = arith.constant 50 : i32
    %mul3A_2 = arith.muli %add3A, %mul3A_1 : i32
    "tpu.region"() ({
      %run_scoped3A = tpu.sem_alloc : memref<!tpu.dma_semaphore, #tpu.memory_space<semaphore_mem>>
      tpu.enqueue_dma source(%arg3 : memref<3x64x16xf32, #tpu.memory_space<hbm>>) target(%arg6 : memref<3x64x16xf32, #tpu.memory_space<vmem>>) target_semaphore(%run_scoped3A : memref<!tpu.dma_semaphore, #tpu.memory_space<semaphore_mem>>)
      tpu.wait_dma2 semaphore(%run_scoped3A : memref<!tpu.dma_semaphore, #tpu.memory_space<semaphore_mem>>) src(%arg3 : memref<3x64x16xf32, #tpu.memory_space<hbm>>) dst(%arg6 : memref<3x64x16xf32, #tpu.memory_space<vmem>>)
      tpu.yield
    }) : () -> ()
    %scan3A = arith.constant 0 : i32
    %scan3A_3 = arith.constant 0 : i32
    %scan3A_4 = arith.constant 25 : i32
    %scan3A_5 = arith.addi %scan3A_3, %scan3A_4 : i32
    %scan3A_6 = arith.constant 1 : i32
    scf.for %scan3A_53 = %scan3A_3 to %scan3A_5 step %scan3A_6  : i32 {
      %mul3A_54 = arith.constant 2 : i32
      %mul3A_55 = arith.muli %scan3A_53, %mul3A_54 : i32
      %add3A_56 = arith.constant 0 : i32
      %add3A_57 = arith.addi %mul3A_55, %add3A_56 : i32
      %ge3A = arith.constant 2 : i32
      %ge3A_58 = arith.cmpi sge, %add3A_57, %ge3A : i32
      %convert_element_type3A = arith.extui %ge3A_58 : i1 to i32
      %cond3A = arith.constant 0 : i32
      %cond3A_59 = arith.cmpi ne, %convert_element_type3A, %cond3A : i32
      scf.if %cond3A_59 {
        %dma_wait3A_681 = arith.constant 0 : i32
        %dma_wait3A_682 = arith.constant 0 : i32
        %dma_wait3A_683 = arith.constant 0 : i32
        %dma_wait3A_684 = arith.constant 0 : i32
        %dma_wait3A_685 = arith.constant 0 : i32
        %dma_wait3A_686 = arith.constant 0 : i32
        %dma_wait3A_687 = tpu.memref_slice %arg7[%dma_wait3A_681, %dma_wait3A_684, %dma_wait3A_685, %dma_wait3A_686] : memref<2x32x8x128xf32, #tpu.memory_space<vmem>> -> memref<1x32x8x128xf32, #tpu.memory_space<vmem>>
        %dma_wait3A_688 = tpu.memref_squeeze %dma_wait3A_687 : memref<1x32x8x128xf32, #tpu.memory_space<vmem>> -> memref<32x8x128xf32, #tpu.memory_space<vmem>>
        %dma_wait3A_689 = arith.constant 0 : i32
        %dma_wait3A_690 = arith.constant 0 : i32
        %dma_wait3A_691 = arith.constant 0 : i32
        %dma_wait3A_692 = tpu.memref_slice %arg4[%dma_wait3A_682, %dma_wait3A_683, %dma_wait3A_689, %dma_wait3A_690, %dma_wait3A_691] : memref<200x8x32x8x128xf32, #tpu.memory_space<hbm>> -> memref<1x1x32x8x128xf32, #tpu.memory_space<hbm>>
        %dma_wait3A_693 = tpu.memref_squeeze %dma_wait3A_692 : memref<1x1x32x8x128xf32, #tpu.memory_space<hbm>> -> memref<32x8x128xf32, #tpu.memory_space<hbm>>
        %dma_wait3A_694 = arith.constant 0 : i32
        %dma_wait3A_695 = arith.constant 0 : i32
        %dma_wait3A_696 = arith.constant 0 : i32
        %dma_wait3A_697 = tpu.memref_slice %arg4[%dma_wait3A_682, %dma_wait3A_683, %dma_wait3A_694, %dma_wait3A_695, %dma_wait3A_696] : memref<200x8x32x8x128xf32, #tpu.memory_space<hbm>> -> memref<1x1x32x8x128xf32, #tpu.memory_space<hbm>>
        %dma_wait3A_698 = tpu.memref_squeeze %dma_wait3A_697 : memref<1x1x32x8x128xf32, #tpu.memory_space<hbm>> -> memref<32x8x128xf32, #tpu.memory_space<hbm>>
        %dma_wait3A_699 = arith.constant 0 : i32
        %dma_wait3A_700 = arith.constant 0 : i32
        %dma_wait3A_701 = arith.constant 0 : i32
        %dma_wait3A_702 = tpu.memref_slice %arg7[%dma_wait3A_681, %dma_wait3A_699, %dma_wait3A_700, %dma_wait3A_701] : memref<2x32x8x128xf32, #tpu.memory_space<vmem>> -> memref<1x32x8x128xf32, #tpu.memory_space<vmem>>
        %dma_wait3A_703 = tpu.memref_squeeze %dma_wait3A_702 : memref<1x32x8x128xf32, #tpu.memory_space<vmem>> -> memref<32x8x128xf32, #tpu.memory_space<vmem>>
        tpu.wait_dma2 semaphore(%arg8 : memref<!tpu.dma_semaphore, #tpu.memory_space<semaphore_mem>>) src(%dma_wait3A_703 : memref<32x8x128xf32, #tpu.memory_space<vmem>>) dst(%dma_wait3A_698 : memref<32x8x128xf32, #tpu.memory_space<hbm>>)
      } else {
      }
      %add3A_60 = arith.addi %mul3A_2, %add3A_57 : i32
      %jit3A = arith.constant 8 : i32
      %div3A = arith.divsi %add3A_60, %jit3A : i32
      %sign3A = arith.constant 0 : i32
      %sign3A_61 = arith.cmpi sgt, %add3A_60, %sign3A : i32
      %sign3A_62 = arith.extui %sign3A_61 : i1 to i32
      %sign3A_63 = arith.constant 0 : i32
      %sign3A_64 = arith.cmpi slt, %add3A_60, %sign3A_63 : i32
      %sign3A_65 = arith.extui %sign3A_64 : i1 to i32
      %sign3A_66 = arith.subi %sign3A_62, %sign3A_65 : i32
      %sign3A_67 = arith.constant 0 : i32
      %sign3A_68 = arith.cmpi sgt, %jit3A, %sign3A_67 : i32
      %sign3A_69 = arith.extui %sign3A_68 : i1 to i32
      %sign3A_70 = arith.constant 0 : i32
      %sign3A_71 = arith.cmpi slt, %jit3A, %sign3A_70 : i32
      %sign3A_72 = arith.extui %sign3A_71 : i1 to i32
      %sign3A_73 = arith.subi %sign3A_69, %sign3A_72 : i32
      %ne3A = arith.cmpi ne, %sign3A_66, %sign3A_73 : i32
      %rem3A = arith.remsi %add3A_60, %jit3A : i32
      %ne3A_74 = arith.constant 0 : i32
      %ne3A_75 = arith.cmpi ne, %rem3A, %ne3A_74 : i32
      %and3A = arith.andi %ne3A, %ne3A_75 : i1
      %sub3A = arith.constant 1 : i32
      %sub3A_76 = arith.subi %div3A, %sub3A : i32
      %select_n3A = arith.select %and3A, %sub3A_76, %div3A : i32
      %jit3A_77 = arith.constant 8 : i32
      %eq3A = arith.constant 0 : i32
      %eq3A_78 = arith.cmpi eq, %jit3A_77, %eq3A : i32
      %jit3A_79 = arith.constant 1 : i32
      %select_n3A_80 = arith.select %eq3A_78, %jit3A_79, %jit3A_77 : i32
      %rem3A_81 = arith.remsi %add3A_60, %select_n3A_80 : i32
      %ne3A_82 = arith.constant 0 : i32
      %ne3A_83 = arith.cmpi ne, %rem3A_81, %ne3A_82 : i32
      %lt3A = arith.constant 0 : i32
      %lt3A_84 = arith.cmpi slt, %rem3A_81, %lt3A : i32
      %lt3A_85 = arith.constant 0 : i32
      %lt3A_86 = arith.cmpi slt, %select_n3A_80, %lt3A_85 : i32
      %ne3A_87 = arith.xori %lt3A_84, %lt3A_86 : i1
      %and3A_88 = arith.andi %ne3A_87, %ne3A_83 : i1
      %add3A_89 = arith.addi %rem3A_81, %select_n3A_80 : i32
      %select_n3A_90 = arith.select %and3A_88, %add3A_89, %rem3A_81 : i32
      %eq3A_91 = arith.constant 0 : i32
      %eq3A_92 = arith.cmpi eq, %add3A_57, %eq3A_91 : i32
      %eq3A_93 = arith.constant 0 : i32
      %eq3A_94 = arith.cmpi eq, %select_n3A_90, %eq3A_93 : i32
      %or3A = arith.ori %eq3A_92, %eq3A_94 : i1
      %convert_element_type3A_95 = arith.extui %or3A : i1 to i32
      %cond3A_96 = arith.constant 0 : i32
      %cond3A_97 = arith.cmpi ne, %convert_element_type3A_95, %cond3A_96 : i32
      scf.if %cond3A_97 {
        "tpu.region"() ({
          %run_scoped3A = tpu.sem_alloc : memref<!tpu.dma_semaphore, #tpu.memory_space<semaphore_mem>>
          %dma_start3A_681 = arith.constant 0 : i32
          %dma_start3A_682 = tpu.memref_slice %arg2[%select_n3A, %dma_start3A_681] : memref<200x4096xi32, #tpu.memory_space<hbm>> -> memref<1x4096xi32, #tpu.memory_space<hbm>>
          %dma_start3A_683 = tpu.memref_squeeze %dma_start3A_682 : memref<1x4096xi32, #tpu.memory_space<hbm>> -> memref<4096xi32, #tpu.memory_space<hbm>>
          %dma_start3A_684 = arith.constant 0 : i32
          %dma_start3A_685 = tpu.memref_slice %arg2[%select_n3A, %dma_start3A_684] : memref<200x4096xi32, #tpu.memory_space<hbm>> -> memref<1x4096xi32, #tpu.memory_space<hbm>>
          %dma_start3A_686 = tpu.memref_squeeze %dma_start3A_685 : memref<1x4096xi32, #tpu.memory_space<hbm>> -> memref<4096xi32, #tpu.memory_space<hbm>>
          tpu.enqueue_dma source(%dma_start3A_686 : memref<4096xi32, #tpu.memory_space<hbm>>) target(%arg5 : memref<4096xi32, #tpu.memory_space<vmem>>) target_semaphore(%run_scoped3A : memref<!tpu.dma_semaphore, #tpu.memory_space<semaphore_mem>>)
          %dma_wait3A_687 = arith.constant 0 : i32
          %dma_wait3A_688 = tpu.memref_slice %arg2[%select_n3A, %dma_wait3A_687] : memref<200x4096xi32, #tpu.memory_space<hbm>> -> memref<1x4096xi32, #tpu.memory_space<hbm>>
          %dma_wait3A_689 = tpu.memref_squeeze %dma_wait3A_688 : memref<1x4096xi32, #tpu.memory_space<hbm>> -> memref<4096xi32, #tpu.memory_space<hbm>>
          %dma_wait3A_690 = arith.constant 0 : i32
          %dma_wait3A_691 = tpu.memref_slice %arg2[%select_n3A, %dma_wait3A_690] : memref<200x4096xi32, #tpu.memory_space<hbm>> -> memref<1x4096xi32, #tpu.memory_space<hbm>>
          %dma_wait3A_692 = tpu.memref_squeeze %dma_wait3A_691 : memref<1x4096xi32, #tpu.memory_space<hbm>> -> memref<4096xi32, #tpu.memory_space<hbm>>
          tpu.wait_dma2 semaphore(%run_scoped3A : memref<!tpu.dma_semaphore, #tpu.memory_space<semaphore_mem>>) src(%dma_wait3A_692 : memref<4096xi32, #tpu.memory_space<hbm>>) dst(%arg5 : memref<4096xi32, #tpu.memory_space<vmem>>)
          tpu.yield
        }) : () -> ()
      } else {
      }
      %mul3A_98 = arith.constant 8 : i32
      %mul3A_99 = arith.muli %select_n3A_90, %mul3A_98 : i32
      %add3A_100 = arith.constant 0 : i32
      %add3A_101 = arith.addi %mul3A_99, %add3A_100 : i32
      %get3A = arith.constant 0 : i32
      %get3A_102 = arith.index_cast %get3A : i32 to index
      %get3A_103 = arith.index_cast %add3A_101 : i32 to index
      %get3A_104 = arith.constant 0 : index
      %get3A_105 = tpu.vector_load %arg6[%get3A_102, %get3A_103, %get3A_104] {strides = array<i32>} : memref<3x64x16xf32, #tpu.memory_space<vmem>>, vector<1x1x16xf32>,
      %get3A_106 = vector.shape_cast %get3A_105 : vector<1x1x16xf32> to vector<16xf32>
      %mul3A_107 = arith.constant 8 : i32
      %mul3A_108 = arith.muli %select_n3A_90, %mul3A_107 : i32
      %add3A_109 = arith.constant 1 : i32
      %add3A_110 = arith.addi %mul3A_108, %add3A_109 : i32
      %get3A_111 = arith.constant 0 : i32
      %get3A_112 = arith.index_cast %get3A_111 : i32 to index
      %get3A_113 = arith.index_cast %add3A_110 : i32 to index
      %get3A_114 = arith.constant 0 : index
      %get3A_115 = tpu.vector_load %arg6[%get3A_112, %get3A_113, %get3A_114] {strides = array<i32>} : memref<3x64x16xf32, #tpu.memory_space<vmem>>, vector<1x1x16xf32>,
      %get3A_116 = vector.shape_cast %get3A_115 : vector<1x1x16xf32> to vector<16xf32>
      %mul3A_117 = arith.constant 8 : i32
      %mul3A_118 = arith.muli %select_n3A_90, %mul3A_117 : i32
      %add3A_119 = arith.constant 2 : i32
      %add3A_120 = arith.addi %mul3A_118, %add3A_119 : i32
      %get3A_121 = arith.constant 0 : i32
      %get3A_122 = arith.index_cast %get3A_121 : i32 to index
      %get3A_123 = arith.index_cast %add3A_120 : i32 to index
      %get3A_124 = arith.constant 0 : index
      %get3A_125 = tpu.vector_load %arg6[%get3A_122, %get3A_123, %get3A_124] {strides = array<i32>} : memref<3x64x16xf32, #tpu.memory_space<vmem>>, vector<1x1x16xf32>,
      %get3A_126 = vector.shape_cast %get3A_125 : vector<1x1x16xf32> to vector<16xf32>
      %mul3A_127 = arith.constant 8 : i32
      %mul3A_128 = arith.muli %select_n3A_90, %mul3A_127 : i32
      %add3A_129 = arith.constant 3 : i32
      %add3A_130 = arith.addi %mul3A_128, %add3A_129 : i32
      %get3A_131 = arith.constant 0 : i32
      %get3A_132 = arith.index_cast %get3A_131 : i32 to index
      %get3A_133 = arith.index_cast %add3A_130 : i32 to index
      %get3A_134 = arith.constant 0 : index
      %get3A_135 = tpu.vector_load %arg6[%get3A_132, %get3A_133, %get3A_134] {strides = array<i32>} : memref<3x64x16xf32, #tpu.memory_space<vmem>>, vector<1x1x16xf32>,
      %get3A_136 = vector.shape_cast %get3A_135 : vector<1x1x16xf32> to vector<16xf32>
      %mul3A_137 = arith.constant 8 : i32
      %mul3A_138 = arith.muli %select_n3A_90, %mul3A_137 : i32
      %add3A_139 = arith.constant 4 : i32
      %add3A_140 = arith.addi %mul3A_138, %add3A_139 : i32
      %get3A_141 = arith.constant 0 : i32
      %get3A_142 = arith.index_cast %get3A_141 : i32 to index
      %get3A_143 = arith.index_cast %add3A_140 : i32 to index
      %get3A_144 = arith.constant 0 : index
      %get3A_145 = tpu.vector_load %arg6[%get3A_142, %get3A_143, %get3A_144] {strides = array<i32>} : memref<3x64x16xf32, #tpu.memory_space<vmem>>, vector<1x1x16xf32>,
      %get3A_146 = vector.shape_cast %get3A_145 : vector<1x1x16xf32> to vector<16xf32>
      %mul3A_147 = arith.constant 8 : i32
      %mul3A_148 = arith.muli %select_n3A_90, %mul3A_147 : i32
      %add3A_149 = arith.constant 5 : i32
      %add3A_150 = arith.addi %mul3A_148, %add3A_149 : i32
      %get3A_151 = arith.constant 0 : i32
      %get3A_152 = arith.index_cast %get3A_151 : i32 to index
      %get3A_153 = arith.index_cast %add3A_150 : i32 to index
      %get3A_154 = arith.constant 0 : index
      %get3A_155 = tpu.vector_load %arg6[%get3A_152, %get3A_153, %get3A_154] {strides = array<i32>} : memref<3x64x16xf32, #tpu.memory_space<vmem>>, vector<1x1x16xf32>,
      %get3A_156 = vector.shape_cast %get3A_155 : vector<1x1x16xf32> to vector<16xf32>
      %mul3A_157 = arith.constant 8 : i32
      %mul3A_158 = arith.muli %select_n3A_90, %mul3A_157 : i32
      %add3A_159 = arith.constant 6 : i32
      %add3A_160 = arith.addi %mul3A_158, %add3A_159 : i32
      %get3A_161 = arith.constant 0 : i32
      %get3A_162 = arith.index_cast %get3A_161 : i32 to index
      %get3A_163 = arith.index_cast %add3A_160 : i32 to index
      %get3A_164 = arith.constant 0 : index
      %get3A_165 = tpu.vector_load %arg6[%get3A_162, %get3A_163, %get3A_164] {strides = array<i32>} : memref<3x64x16xf32, #tpu.memory_space<vmem>>, vector<1x1x16xf32>,
      %get3A_166 = vector.shape_cast %get3A_165 : vector<1x1x16xf32> to vector<16xf32>
      %mul3A_167 = arith.constant 8 : i32
      %mul3A_168 = arith.muli %select_n3A_90, %mul3A_167 : i32
      %add3A_169 = arith.constant 7 : i32
      %add3A_170 = arith.addi %mul3A_168, %add3A_169 : i32
      %get3A_171 = arith.constant 0 : i32
      %get3A_172 = arith.index_cast %get3A_171 : i32 to index
      %get3A_173 = arith.index_cast %add3A_170 : i32 to index
      %get3A_174 = arith.constant 0 : index
      %get3A_175 = tpu.vector_load %arg6[%get3A_172, %get3A_173, %get3A_174] {strides = array<i32>} : memref<3x64x16xf32, #tpu.memory_space<vmem>>, vector<1x1x16xf32>,
      %get3A_176 = vector.shape_cast %get3A_175 : vector<1x1x16xf32> to vector<16xf32>
      %mul3A_177 = arith.constant 8 : i32
      %mul3A_178 = arith.muli %select_n3A_90, %mul3A_177 : i32
      %add3A_179 = arith.constant 0 : i32
      %add3A_180 = arith.addi %mul3A_178, %add3A_179 : i32
      %get3A_181 = arith.constant 1 : i32
      %get3A_182 = arith.index_cast %get3A_181 : i32 to index
      %get3A_183 = arith.index_cast %add3A_180 : i32 to index
      %get3A_184 = arith.constant 0 : index
      %get3A_185 = tpu.vector_load %arg6[%get3A_182, %get3A_183, %get3A_184] {strides = array<i32>} : memref<3x64x16xf32, #tpu.memory_space<vmem>>, vector<1x1x16xf32>,
      %get3A_186 = vector.shape_cast %get3A_185 : vector<1x1x16xf32> to vector<16xf32>
      %mul3A_187 = arith.constant 8 : i32
      %mul3A_188 = arith.muli %select_n3A_90, %mul3A_187 : i32
      %add3A_189 = arith.constant 1 : i32
      %add3A_190 = arith.addi %mul3A_188, %add3A_189 : i32
      %get3A_191 = arith.constant 1 : i32
      %get3A_192 = arith.index_cast %get3A_191 : i32 to index
      %get3A_193 = arith.index_cast %add3A_190 : i32 to index
      %get3A_194 = arith.constant 0 : index
      %get3A_195 = tpu.vector_load %arg6[%get3A_192, %get3A_193, %get3A_194] {strides = array<i32>} : memref<3x64x16xf32, #tpu.memory_space<vmem>>, vector<1x1x16xf32>,
      %get3A_196 = vector.shape_cast %get3A_195 : vector<1x1x16xf32> to vector<16xf32>
      %mul3A_197 = arith.constant 8 : i32
      %mul3A_198 = arith.muli %select_n3A_90, %mul3A_197 : i32
      %add3A_199 = arith.constant 2 : i32
      %add3A_200 = arith.addi %mul3A_198, %add3A_199 : i32
      %get3A_201 = arith.constant 1 : i32
      %get3A_202 = arith.index_cast %get3A_201 : i32 to index
      %get3A_203 = arith.index_cast %add3A_200 : i32 to index
      %get3A_204 = arith.constant 0 : index
      %get3A_205 = tpu.vector_load %arg6[%get3A_202, %get3A_203, %get3A_204] {strides = array<i32>} : memref<3x64x16xf32, #tpu.memory_space<vmem>>, vector<1x1x16xf32>,
      %get3A_206 = vector.shape_cast %get3A_205 : vector<1x1x16xf32> to vector<16xf32>
      %mul3A_207 = arith.constant 8 : i32
      %mul3A_208 = arith.muli %select_n3A_90, %mul3A_207 : i32
      %add3A_209 = arith.constant 3 : i32
      %add3A_210 = arith.addi %mul3A_208, %add3A_209 : i32
      %get3A_211 = arith.constant 1 : i32
      %get3A_212 = arith.index_cast %get3A_211 : i32 to index
      %get3A_213 = arith.index_cast %add3A_210 : i32 to index
      %get3A_214 = arith.constant 0 : index
      %get3A_215 = tpu.vector_load %arg6[%get3A_212, %get3A_213, %get3A_214] {strides = array<i32>} : memref<3x64x16xf32, #tpu.memory_space<vmem>>, vector<1x1x16xf32>,
      %get3A_216 = vector.shape_cast %get3A_215 : vector<1x1x16xf32> to vector<16xf32>
      %mul3A_217 = arith.constant 8 : i32
      %mul3A_218 = arith.muli %select_n3A_90, %mul3A_217 : i32
      %add3A_219 = arith.constant 4 : i32
      %add3A_220 = arith.addi %mul3A_218, %add3A_219 : i32
      %get3A_221 = arith.constant 1 : i32
      %get3A_222 = arith.index_cast %get3A_221 : i32 to index
      %get3A_223 = arith.index_cast %add3A_220 : i32 to index
      %get3A_224 = arith.constant 0 : index
      %get3A_225 = tpu.vector_load %arg6[%get3A_222, %get3A_223, %get3A_224] {strides = array<i32>} : memref<3x64x16xf32, #tpu.memory_space<vmem>>, vector<1x1x16xf32>,
      %get3A_226 = vector.shape_cast %get3A_225 : vector<1x1x16xf32> to vector<16xf32>
      %mul3A_227 = arith.constant 8 : i32
      %mul3A_228 = arith.muli %select_n3A_90, %mul3A_227 : i32
      %add3A_229 = arith.constant 5 : i32
      %add3A_230 = arith.addi %mul3A_228, %add3A_229 : i32
      %get3A_231 = arith.constant 1 : i32
      %get3A_232 = arith.index_cast %get3A_231 : i32 to index
      %get3A_233 = arith.index_cast %add3A_230 : i32 to index
      %get3A_234 = arith.constant 0 : index
      %get3A_235 = tpu.vector_load %arg6[%get3A_232, %get3A_233, %get3A_234] {strides = array<i32>} : memref<3x64x16xf32, #tpu.memory_space<vmem>>, vector<1x1x16xf32>,
      %get3A_236 = vector.shape_cast %get3A_235 : vector<1x1x16xf32> to vector<16xf32>
      %mul3A_237 = arith.constant 8 : i32
      %mul3A_238 = arith.muli %select_n3A_90, %mul3A_237 : i32
      %add3A_239 = arith.constant 6 : i32
      %add3A_240 = arith.addi %mul3A_238, %add3A_239 : i32
      %get3A_241 = arith.constant 1 : i32
      %get3A_242 = arith.index_cast %get3A_241 : i32 to index
      %get3A_243 = arith.index_cast %add3A_240 : i32 to index
      %get3A_244 = arith.constant 0 : index
      %get3A_245 = tpu.vector_load %arg6[%get3A_242, %get3A_243, %get3A_244] {strides = array<i32>} : memref<3x64x16xf32, #tpu.memory_space<vmem>>, vector<1x1x16xf32>,
      %get3A_246 = vector.shape_cast %get3A_245 : vector<1x1x16xf32> to vector<16xf32>
      %mul3A_247 = arith.constant 8 : i32
      %mul3A_248 = arith.muli %select_n3A_90, %mul3A_247 : i32
      %add3A_249 = arith.constant 7 : i32
      %add3A_250 = arith.addi %mul3A_248, %add3A_249 : i32
      %get3A_251 = arith.constant 1 : i32
      %get3A_252 = arith.index_cast %get3A_251 : i32 to index
      %get3A_253 = arith.index_cast %add3A_250 : i32 to index
      %get3A_254 = arith.constant 0 : index
      %get3A_255 = tpu.vector_load %arg6[%get3A_252, %get3A_253, %get3A_254] {strides = array<i32>} : memref<3x64x16xf32, #tpu.memory_space<vmem>>, vector<1x1x16xf32>,
      %get3A_256 = vector.shape_cast %get3A_255 : vector<1x1x16xf32> to vector<16xf32>
      %mul3A_257 = arith.constant 8 : i32
      %mul3A_258 = arith.muli %select_n3A_90, %mul3A_257 : i32
      %add3A_259 = arith.constant 0 : i32
      %add3A_260 = arith.addi %mul3A_258, %add3A_259 : i32
      %get3A_261 = arith.constant 2 : i32
      %get3A_262 = arith.index_cast %get3A_261 : i32 to index
      %get3A_263 = arith.index_cast %add3A_260 : i32 to index
      %get3A_264 = arith.constant 0 : index
      %get3A_265 = tpu.vector_load %arg6[%get3A_262, %get3A_263, %get3A_264] {strides = array<i32>} : memref<3x64x16xf32, #tpu.memory_space<vmem>>, vector<1x1x16xf32>,
      %get3A_266 = vector.shape_cast %get3A_265 : vector<1x1x16xf32> to vector<16xf32>
      %mul3A_267 = arith.constant 8 : i32
      %mul3A_268 = arith.muli %select_n3A_90, %mul3A_267 : i32
      %add3A_269 = arith.constant 1 : i32
      %add3A_270 = arith.addi %mul3A_268, %add3A_269 : i32
      %get3A_271 = arith.constant 2 : i32
      %get3A_272 = arith.index_cast %get3A_271 : i32 to index
      %get3A_273 = arith.index_cast %add3A_270 : i32 to index
      %get3A_274 = arith.constant 0 : index
      %get3A_275 = tpu.vector_load %arg6[%get3A_272, %get3A_273, %get3A_274] {strides = array<i32>} : memref<3x64x16xf32, #tpu.memory_space<vmem>>, vector<1x1x16xf32>,
      %get3A_276 = vector.shape_cast %get3A_275 : vector<1x1x16xf32> to vector<16xf32>
      %mul3A_277 = arith.constant 8 : i32
      %mul3A_278 = arith.muli %select_n3A_90, %mul3A_277 : i32
      %add3A_279 = arith.constant 2 : i32
      %add3A_280 = arith.addi %mul3A_278, %add3A_279 : i32
      %get3A_281 = arith.constant 2 : i32
      %get3A_282 = arith.index_cast %get3A_281 : i32 to index
      %get3A_283 = arith.index_cast %add3A_280 : i32 to index
      %get3A_284 = arith.constant 0 : index
      %get3A_285 = tpu.vector_load %arg6[%get3A_282, %get3A_283, %get3A_284] {strides = array<i32>} : memref<3x64x16xf32, #tpu.memory_space<vmem>>, vector<1x1x16xf32>,
      %get3A_286 = vector.shape_cast %get3A_285 : vector<1x1x16xf32> to vector<16xf32>
      %mul3A_287 = arith.constant 8 : i32
      %mul3A_288 = arith.muli %select_n3A_90, %mul3A_287 : i32
      %add3A_289 = arith.constant 3 : i32
      %add3A_290 = arith.addi %mul3A_288, %add3A_289 : i32
      %get3A_291 = arith.constant 2 : i32
      %get3A_292 = arith.index_cast %get3A_291 : i32 to index
      %get3A_293 = arith.index_cast %add3A_290 : i32 to index
      %get3A_294 = arith.constant 0 : index
      %get3A_295 = tpu.vector_load %arg6[%get3A_292, %get3A_293, %get3A_294] {strides = array<i32>} : memref<3x64x16xf32, #tpu.memory_space<vmem>>, vector<1x1x16xf32>,
      %get3A_296 = vector.shape_cast %get3A_295 : vector<1x1x16xf32> to vector<16xf32>
      %mul3A_297 = arith.constant 8 : i32
      %mul3A_298 = arith.muli %select_n3A_90, %mul3A_297 : i32
      %add3A_299 = arith.constant 4 : i32
      %add3A_300 = arith.addi %mul3A_298, %add3A_299 : i32
      %get3A_301 = arith.constant 2 : i32
      %get3A_302 = arith.index_cast %get3A_301 : i32 to index
      %get3A_303 = arith.index_cast %add3A_300 : i32 to index
      %get3A_304 = arith.constant 0 : index
      %get3A_305 = tpu.vector_load %arg6[%get3A_302, %get3A_303, %get3A_304] {strides = array<i32>} : memref<3x64x16xf32, #tpu.memory_space<vmem>>, vector<1x1x16xf32>,
      %get3A_306 = vector.shape_cast %get3A_305 : vector<1x1x16xf32> to vector<16xf32>
      %mul3A_307 = arith.constant 8 : i32
      %mul3A_308 = arith.muli %select_n3A_90, %mul3A_307 : i32
      %add3A_309 = arith.constant 5 : i32
      %add3A_310 = arith.addi %mul3A_308, %add3A_309 : i32
      %get3A_311 = arith.constant 2 : i32
      %get3A_312 = arith.index_cast %get3A_311 : i32 to index
      %get3A_313 = arith.index_cast %add3A_310 : i32 to index
      %get3A_314 = arith.constant 0 : index
      %get3A_315 = tpu.vector_load %arg6[%get3A_312, %get3A_313, %get3A_314] {strides = array<i32>} : memref<3x64x16xf32, #tpu.memory_space<vmem>>, vector<1x1x16xf32>,
      %get3A_316 = vector.shape_cast %get3A_315 : vector<1x1x16xf32> to vector<16xf32>
      %mul3A_317 = arith.constant 8 : i32
      %mul3A_318 = arith.muli %select_n3A_90, %mul3A_317 : i32
      %add3A_319 = arith.constant 6 : i32
      %add3A_320 = arith.addi %mul3A_318, %add3A_319 : i32
      %get3A_321 = arith.constant 2 : i32
      %get3A_322 = arith.index_cast %get3A_321 : i32 to index
      %get3A_323 = arith.index_cast %add3A_320 : i32 to index
      %get3A_324 = arith.constant 0 : index
      %get3A_325 = tpu.vector_load %arg6[%get3A_322, %get3A_323, %get3A_324] {strides = array<i32>} : memref<3x64x16xf32, #tpu.memory_space<vmem>>, vector<1x1x16xf32>,
      %get3A_326 = vector.shape_cast %get3A_325 : vector<1x1x16xf32> to vector<16xf32>
      %mul3A_327 = arith.constant 8 : i32
      %mul3A_328 = arith.muli %select_n3A_90, %mul3A_327 : i32
      %add3A_329 = arith.constant 7 : i32
      %add3A_330 = arith.addi %mul3A_328, %add3A_329 : i32
      %get3A_331 = arith.constant 2 : i32
      %get3A_332 = arith.index_cast %get3A_331 : i32 to index
      %get3A_333 = arith.index_cast %add3A_330 : i32 to index
      %get3A_334 = arith.constant 0 : index
      %get3A_335 = tpu.vector_load %arg6[%get3A_332, %get3A_333, %get3A_334] {strides = array<i32>} : memref<3x64x16xf32, #tpu.memory_space<vmem>>, vector<1x1x16xf32>,
      %get3A_336 = vector.shape_cast %get3A_335 : vector<1x1x16xf32> to vector<16xf32>
      %parallel_loop3A = arith.constant 0 : i32
      %parallel_loop3A_337 = arith.constant 32 : i32
      %parallel_loop3A_338 = arith.constant 1 : i32
      scf.for %parallel_loop3A_681 = %parallel_loop3A to %parallel_loop3A_337 step %parallel_loop3A_338  : i32 {
        %parallel_loop3A_682 = arith.constant 128 : i32
        %parallel_loop3A_683 = arith.muli %parallel_loop3A_681, %parallel_loop3A_682 : i32
        %parallel_loop3A_684 = arith.constant 0 : i32
        %parallel_loop3A_685 = arith.addi %parallel_loop3A_683, %parallel_loop3A_684 : i32
        %parallel_loop3A_686 = arith.index_cast %parallel_loop3A_685 : i32 to index
        %parallel_loop3A_687 = tpu.vector_load %arg5[%parallel_loop3A_686] {strides = array<i32>} : memref<4096xi32, #tpu.memory_space<vmem>>, vector<16xi32>,
        %parallel_loop3A_688 = vector.shape_cast %parallel_loop3A_687 : vector<16xi32> to vector<16xi32>
        %parallel_loop3A_689 = arith.constant 1 : i32
        %parallel_loop3A_690 = vector.broadcast %parallel_loop3A_689 : i32 to vector<16xi32>
        %parallel_loop3A_691 = arith.cmpi eq, %parallel_loop3A_688, %parallel_loop3A_690 : vector<16xi32>
        %parallel_loop3A_692 = arith.constant 2 : i32
        %parallel_loop3A_693 = vector.broadcast %parallel_loop3A_692 : i32 to vector<16xi32>
        %parallel_loop3A_694 = arith.cmpi eq, %parallel_loop3A_688, %parallel_loop3A_693 : vector<16xi32>
        %parallel_loop3A_695 = arith.select %parallel_loop3A_694, %get3A_266, %get3A_106 : vector<16xi1>, vector<16xf32>
        %parallel_loop3A_696 = arith.select %parallel_loop3A_691, %get3A_186, %parallel_loop3A_695 : vector<16xi1>, vector<16xf32>
        %parallel_loop3A_697 = arith.constant 0 : i32
        %parallel_loop3A_698 = arith.constant 0 : i32
        %parallel_loop3A_699 = arith.index_cast %parallel_loop3A_697 : i32 to index
        %parallel_loop3A_700 = arith.index_cast %parallel_loop3A_681 : i32 to index
        %parallel_loop3A_701 = arith.index_cast %parallel_loop3A_698 : i32 to index
        %parallel_loop3A_702 = arith.constant 0 : index
        %parallel_loop3A_703 = tpu.vector_load %arg7[%parallel_loop3A_699, %parallel_loop3A_700, %parallel_loop3A_701, %parallel_loop3A_702] {strides = array<i32>} : memref<2x32x8x128xf32, #tpu.memory_space<vmem>>, vector<1x1x1x16xf32>,
        %parallel_loop3A_704 = vector.shape_cast %parallel_loop3A_703 : vector<1x1x1x16xf32> to vector<16xf32>
        %parallel_loop3A_705 = vector.shape_cast %parallel_loop3A_696 : vector<16xf32> to vector<1x1x1x16xf32>
        tpu.vector_store %arg7[%parallel_loop3A_699, %parallel_loop3A_700, %parallel_loop3A_701, %parallel_loop3A_702], %parallel_loop3A_705 {strides = array<i32>} : memref<2x32x8x128xf32, #tpu.memory_space<vmem>>, vector<1x1x1x16xf32>,
        %parallel_loop3A_706 = arith.select %parallel_loop3A_694, %get3A_276, %get3A_116 : vector<16xi1>, vector<16xf32>
        %parallel_loop3A_707 = arith.select %parallel_loop3A_691, %get3A_196, %parallel_loop3A_706 : vector<16xi1>, vector<16xf32>
        %parallel_loop3A_708 = arith.constant 0 : i32
        %parallel_loop3A_709 = arith.constant 1 : i32
        %parallel_loop3A_710 = arith.index_cast %parallel_loop3A_708 : i32 to index
        %parallel_loop3A_711 = arith.index_cast %parallel_loop3A_681 : i32 to index
        %parallel_loop3A_712 = arith.index_cast %parallel_loop3A_709 : i32 to index
        %parallel_loop3A_713 = arith.constant 0 : index
        %parallel_loop3A_714 = tpu.vector_load %arg7[%parallel_loop3A_710, %parallel_loop3A_711, %parallel_loop3A_712, %parallel_loop3A_713] {strides = array<i32>} : memref<2x32x8x128xf32, #tpu.memory_space<vmem>>, vector<1x1x1x16xf32>,
        %parallel_loop3A_715 = vector.shape_cast %parallel_loop3A_714 : vector<1x1x1x16xf32> to vector<16xf32>
        %parallel_loop3A_716 = vector.shape_cast %parallel_loop3A_707 : vector<16xf32> to vector<1x1x1x16xf32>
        tpu.vector_store %arg7[%parallel_loop3A_710, %parallel_loop3A_711, %parallel_loop3A_712, %parallel_loop3A_713], %parallel_loop3A_716 {strides = array<i32>} : memref<2x32x8x128xf32, #tpu.memory_space<vmem>>, vector<1x1x1x16xf32>,
        %parallel_loop3A_717 = arith.select %parallel_loop3A_694, %get3A_286, %get3A_126 : vector<16xi1>, vector<16xf32>
        %parallel_loop3A_718 = arith.select %parallel_loop3A_691, %get3A_206, %parallel_loop3A_717 : vector<16xi1>, vector<16xf32>
        %parallel_loop3A_719 = arith.constant 0 : i32
        %parallel_loop3A_720 = arith.constant 2 : i32
        %parallel_loop3A_721 = arith.index_cast %parallel_loop3A_719 : i32 to index
        %parallel_loop3A_722 = arith.index_cast %parallel_loop3A_681 : i32 to index
        %parallel_loop3A_723 = arith.index_cast %parallel_loop3A_720 : i32 to index
        %parallel_loop3A_724 = arith.constant 0 : index
        %parallel_loop3A_725 = tpu.vector_load %arg7[%parallel_loop3A_721, %parallel_loop3A_722, %parallel_loop3A_723, %parallel_loop3A_724] {strides = array<i32>} : memref<2x32x8x128xf32, #tpu.memory_space<vmem>>, vector<1x1x1x16xf32>,
        %parallel_loop3A_726 = vector.shape_cast %parallel_loop3A_725 : vector<1x1x1x16xf32> to vector<16xf32>
        %parallel_loop3A_727 = vector.shape_cast %parallel_loop3A_718 : vector<16xf32> to vector<1x1x1x16xf32>
        tpu.vector_store %arg7[%parallel_loop3A_721, %parallel_loop3A_722, %parallel_loop3A_723, %parallel_loop3A_724], %parallel_loop3A_727 {strides = array<i32>} : memref<2x32x8x128xf32, #tpu.memory_space<vmem>>, vector<1x1x1x16xf32>,
        %parallel_loop3A_728 = arith.select %parallel_loop3A_694, %get3A_296, %get3A_136 : vector<16xi1>, vector<16xf32>
        %parallel_loop3A_729 = arith.select %parallel_loop3A_691, %get3A_216, %parallel_loop3A_728 : vector<16xi1>, vector<16xf32>
        %parallel_loop3A_730 = arith.constant 0 : i32
        %parallel_loop3A_731 = arith.constant 3 : i32
        %parallel_loop3A_732 = arith.index_cast %parallel_loop3A_730 : i32 to index
        %parallel_loop3A_733 = arith.index_cast %parallel_loop3A_681 : i32 to index
        %parallel_loop3A_734 = arith.index_cast %parallel_loop3A_731 : i32 to index
        %parallel_loop3A_735 = arith.constant 0 : index
        %parallel_loop3A_736 = tpu.vector_load %arg7[%parallel_loop3A_732, %parallel_loop3A_733, %parallel_loop3A_734, %parallel_loop3A_735] {strides = array<i32>} : memref<2x32x8x128xf32, #tpu.memory_space<vmem>>, vector<1x1x1x16xf32>,
        %parallel_loop3A_737 = vector.shape_cast %parallel_loop3A_736 : vector<1x1x1x16xf32> to vector<16xf32>
        %parallel_loop3A_738 = vector.shape_cast %parallel_loop3A_729 : vector<16xf32> to vector<1x1x1x16xf32>
        tpu.vector_store %arg7[%parallel_loop3A_732, %parallel_loop3A_733, %parallel_loop3A_734, %parallel_loop3A_735], %parallel_loop3A_738 {strides = array<i32>} : memref<2x32x8x128xf32, #tpu.memory_space<vmem>>, vector<1x1x1x16xf32>,
        %parallel_loop3A_739 = arith.select %parallel_loop3A_694, %get3A_306, %get3A_146 : vector<16xi1>, vector<16xf32>
        %parallel_loop3A_740 = arith.select %parallel_loop3A_691, %get3A_226, %parallel_loop3A_739 : vector<16xi1>, vector<16xf32>
        %parallel_loop3A_741 = arith.constant 0 : i32
        %parallel_loop3A_742 = arith.constant 4 : i32
        %parallel_loop3A_743 = arith.index_cast %parallel_loop3A_741 : i32 to index
        %parallel_loop3A_744 = arith.index_cast %parallel_loop3A_681 : i32 to index
        %parallel_loop3A_745 = arith.index_cast %parallel_loop3A_742 : i32 to index
        %parallel_loop3A_746 = arith.constant 0 : index
        %parallel_loop3A_747 = tpu.vector_load %arg7[%parallel_loop3A_743, %parallel_loop3A_744, %parallel_loop3A_745, %parallel_loop3A_746] {strides = array<i32>} : memref<2x32x8x128xf32, #tpu.memory_space<vmem>>, vector<1x1x1x16xf32>,
        %parallel_loop3A_748 = vector.shape_cast %parallel_loop3A_747 : vector<1x1x1x16xf32> to vector<16xf32>
        %parallel_loop3A_749 = vector.shape_cast %parallel_loop3A_740 : vector<16xf32> to vector<1x1x1x16xf32>
        tpu.vector_store %arg7[%parallel_loop3A_743, %parallel_loop3A_744, %parallel_loop3A_745, %parallel_loop3A_746], %parallel_loop3A_749 {strides = array<i32>} : memref<2x32x8x128xf32, #tpu.memory_space<vmem>>, vector<1x1x1x16xf32>,
        %parallel_loop3A_750 = arith.select %parallel_loop3A_694, %get3A_316, %get3A_156 : vector<16xi1>, vector<16xf32>
        %parallel_loop3A_751 = arith.select %parallel_loop3A_691, %get3A_236, %parallel_loop3A_750 : vector<16xi1>, vector<16xf32>
        %parallel_loop3A_752 = arith.constant 0 : i32
        %parallel_loop3A_753 = arith.constant 5 : i32
        %parallel_loop3A_754 = arith.index_cast %parallel_loop3A_752 : i32 to index
        %parallel_loop3A_755 = arith.index_cast %parallel_loop3A_681 : i32 to index
        %parallel_loop3A_756 = arith.index_cast %parallel_loop3A_753 : i32 to index
        %parallel_loop3A_757 = arith.constant 0 : index
        %parallel_loop3A_758 = tpu.vector_load %arg7[%parallel_loop3A_754, %parallel_loop3A_755, %parallel_loop3A_756, %parallel_loop3A_757] {strides = array<i32>} : memref<2x32x8x128xf32, #tpu.memory_space<vmem>>, vector<1x1x1x16xf32>,
        %parallel_loop3A_759 = vector.shape_cast %parallel_loop3A_758 : vector<1x1x1x16xf32> to vector<16xf32>
        %parallel_loop3A_760 = vector.shape_cast %parallel_loop3A_751 : vector<16xf32> to vector<1x1x1x16xf32>
        tpu.vector_store %arg7[%parallel_loop3A_754, %parallel_loop3A_755, %parallel_loop3A_756, %parallel_loop3A_757], %parallel_loop3A_760 {strides = array<i32>} : memref<2x32x8x128xf32, #tpu.memory_space<vmem>>, vector<1x1x1x16xf32>,
        %parallel_loop3A_761 = arith.select %parallel_loop3A_694, %get3A_326, %get3A_166 : vector<16xi1>, vector<16xf32>
        %parallel_loop3A_762 = arith.select %parallel_loop3A_691, %get3A_246, %parallel_loop3A_761 : vector<16xi1>, vector<16xf32>
        %parallel_loop3A_763 = arith.constant 0 : i32
        %parallel_loop3A_764 = arith.constant 6 : i32
        %parallel_loop3A_765 = arith.index_cast %parallel_loop3A_763 : i32 to index
        %parallel_loop3A_766 = arith.index_cast %parallel_loop3A_681 : i32 to index
        %parallel_loop3A_767 = arith.index_cast %parallel_loop3A_764 : i32 to index
        %parallel_loop3A_768 = arith.constant 0 : index
        %parallel_loop3A_769 = tpu.vector_load %arg7[%parallel_loop3A_765, %parallel_loop3A_766, %parallel_loop3A_767, %parallel_loop3A_768] {strides = array<i32>} : memref<2x32x8x128xf32, #tpu.memory_space<vmem>>, vector<1x1x1x16xf32>,
        %parallel_loop3A_770 = vector.shape_cast %parallel_loop3A_769 : vector<1x1x1x16xf32> to vector<16xf32>
        %parallel_loop3A_771 = vector.shape_cast %parallel_loop3A_762 : vector<16xf32> to vector<1x1x1x16xf32>
        tpu.vector_store %arg7[%parallel_loop3A_765, %parallel_loop3A_766, %parallel_loop3A_767, %parallel_loop3A_768], %parallel_loop3A_771 {strides = array<i32>} : memref<2x32x8x128xf32, #tpu.memory_space<vmem>>, vector<1x1x1x16xf32>,
        %parallel_loop3A_772 = arith.select %parallel_loop3A_694, %get3A_336, %get3A_176 : vector<16xi1>, vector<16xf32>
        %parallel_loop3A_773 = arith.select %parallel_loop3A_691, %get3A_256, %parallel_loop3A_772 : vector<16xi1>, vector<16xf32>
        %parallel_loop3A_774 = arith.constant 0 : i32
        %parallel_loop3A_775 = arith.constant 7 : i32
        %parallel_loop3A_776 = arith.index_cast %parallel_loop3A_774 : i32 to index
        %parallel_loop3A_777 = arith.index_cast %parallel_loop3A_681 : i32 to index
        %parallel_loop3A_778 = arith.index_cast %parallel_loop3A_775 : i32 to index
        %parallel_loop3A_779 = arith.constant 0 : index
        %parallel_loop3A_780 = tpu.vector_load %arg7[%parallel_loop3A_776, %parallel_loop3A_777, %parallel_loop3A_778, %parallel_loop3A_779] {strides = array<i32>} : memref<2x32x8x128xf32, #tpu.memory_space<vmem>>, vector<1x1x1x16xf32>,
        %parallel_loop3A_781 = vector.shape_cast %parallel_loop3A_780 : vector<1x1x1x16xf32> to vector<16xf32>
        %parallel_loop3A_782 = vector.shape_cast %parallel_loop3A_773 : vector<16xf32> to vector<1x1x1x16xf32>
        tpu.vector_store %arg7[%parallel_loop3A_776, %parallel_loop3A_777, %parallel_loop3A_778, %parallel_loop3A_779], %parallel_loop3A_782 {strides = array<i32>} : memref<2x32x8x128xf32, #tpu.memory_space<vmem>>, vector<1x1x1x16xf32>,
        %parallel_loop3A_783 = arith.constant 128 : i32
        %parallel_loop3A_784 = arith.muli %parallel_loop3A_681, %parallel_loop3A_783 : i32
        %parallel_loop3A_785 = arith.constant 16 : i32
        %parallel_loop3A_786 = arith.addi %parallel_loop3A_784, %parallel_loop3A_785 : i32
        %parallel_loop3A_787 = arith.index_cast %parallel_loop3A_786 : i32 to index
        %parallel_loop3A_788 = tpu.vector_load %arg5[%parallel_loop3A_787] {strides = array<i32>} : memref<4096xi32, #tpu.memory_space<vmem>>, vector<16xi32>,
        %parallel_loop3A_789 = vector.shape_cast %parallel_loop3A_788 : vector<16xi32> to vector<16xi32>
        %parallel_loop3A_790 = arith.constant 1 : i32
        %parallel_loop3A_791 = vector.broadcast %parallel_loop3A_790 : i32 to vector<16xi32>
        %parallel_loop3A_792 = arith.cmpi eq, %parallel_loop3A_789, %parallel_loop3A_791 : vector<16xi32>
        %parallel_loop3A_793 = arith.constant 2 : i32
        %parallel_loop3A_794 = vector.broadcast %parallel_loop3A_793 : i32 to vector<16xi32>
        %parallel_loop3A_795 = arith.cmpi eq, %parallel_loop3A_789, %parallel_loop3A_794 : vector<16xi32>
        %parallel_loop3A_796 = arith.select %parallel_loop3A_795, %get3A_266, %get3A_106 : vector<16xi1>, vector<16xf32>
        %parallel_loop3A_797 = arith.select %parallel_loop3A_792, %get3A_186, %parallel_loop3A_796 : vector<16xi1>, vector<16xf32>
        %parallel_loop3A_798 = arith.constant 0 : i32
        %parallel_loop3A_799 = arith.constant 0 : i32
        %parallel_loop3A_800 = arith.index_cast %parallel_loop3A_798 : i32 to index
        %parallel_loop3A_801 = arith.index_cast %parallel_loop3A_681 : i32 to index
        %parallel_loop3A_802 = arith.index_cast %parallel_loop3A_799 : i32 to index
        %parallel_loop3A_803 = arith.constant 16 : index
        %parallel_loop3A_804 = tpu.vector_load %arg7[%parallel_loop3A_800, %parallel_loop3A_801, %parallel_loop3A_802, %parallel_loop3A_803] {strides = array<i32>} : memref<2x32x8x128xf32, #tpu.memory_space<vmem>>, vector<1x1x1x16xf32>,
        %parallel_loop3A_805 = vector.shape_cast %parallel_loop3A_804 : vector<1x1x1x16xf32> to vector<16xf32>
        %parallel_loop3A_806 = vector.shape_cast %parallel_loop3A_797 : vector<16xf32> to vector<1x1x1x16xf32>
        tpu.vector_store %arg7[%parallel_loop3A_800, %parallel_loop3A_801, %parallel_loop3A_802, %parallel_loop3A_803], %parallel_loop3A_806 {strides = array<i32>} : memref<2x32x8x128xf32, #tpu.memory_space<vmem>>, vector<1x1x1x16xf32>,
        %parallel_loop3A_807 = arith.select %parallel_loop3A_795, %get3A_276, %get3A_116 : vector<16xi1>, vector<16xf32>
        %parallel_loop3A_808 = arith.select %parallel_loop3A_792, %get3A_196, %parallel_loop3A_807 : vector<16xi1>, vector<16xf32>
        %parallel_loop3A_809 = arith.constant 0 : i32
        %parallel_loop3A_810 = arith.constant 1 : i32
        %parallel_loop3A_811 = arith.index_cast %parallel_loop3A_809 : i32 to index
        %parallel_loop3A_812 = arith.index_cast %parallel_loop3A_681 : i32 to index
        %parallel_loop3A_813 = arith.index_cast %parallel_loop3A_810 : i32 to index
        %parallel_loop3A_814 = arith.constant 16 : index
        %parallel_loop3A_815 = tpu.vector_load %arg7[%parallel_loop3A_811, %parallel_loop3A_812, %parallel_loop3A_813, %parallel_loop3A_814] {strides = array<i32>} : memref<2x32x8x128xf32, #tpu.memory_space<vmem>>, vector<1x1x1x16xf32>,
        %parallel_loop3A_816 = vector.shape_cast %parallel_loop3A_815 : vector<1x1x1x16xf32> to vector<16xf32>
        %parallel_loop3A_817 = vector.shape_cast %parallel_loop3A_808 : vector<16xf32> to vector<1x1x1x16xf32>
        tpu.vector_store %arg7[%parallel_loop3A_811, %parallel_loop3A_812, %parallel_loop3A_813, %parallel_loop3A_814], %parallel_loop3A_817 {strides = array<i32>} : memref<2x32x8x128xf32, #tpu.memory_space<vmem>>, vector<1x1x1x16xf32>,
        %parallel_loop3A_818 = arith.select %parallel_loop3A_795, %get3A_286, %get3A_126 : vector<16xi1>, vector<16xf32>
        %parallel_loop3A_819 = arith.select %parallel_loop3A_792, %get3A_206, %parallel_loop3A_818 : vector<16xi1>, vector<16xf32>
        %parallel_loop3A_820 = arith.constant 0 : i32
        %parallel_loop3A_821 = arith.constant 2 : i32
        %parallel_loop3A_822 = arith.index_cast %parallel_loop3A_820 : i32 to index
        %parallel_loop3A_823 = arith.index_cast %parallel_loop3A_681 : i32 to index
        %parallel_loop3A_824 = arith.index_cast %parallel_loop3A_821 : i32 to index
        %parallel_loop3A_825 = arith.constant 16 : index
        %parallel_loop3A_826 = tpu.vector_load %arg7[%parallel_loop3A_822, %parallel_loop3A_823, %parallel_loop3A_824, %parallel_loop3A_825] {strides = array<i32>} : memref<2x32x8x128xf32, #tpu.memory_space<vmem>>, vector<1x1x1x16xf32>,
        %parallel_loop3A_827 = vector.shape_cast %parallel_loop3A_826 : vector<1x1x1x16xf32> to vector<16xf32>
        %parallel_loop3A_828 = vector.shape_cast %parallel_loop3A_819 : vector<16xf32> to vector<1x1x1x16xf32>
        tpu.vector_store %arg7[%parallel_loop3A_822, %parallel_loop3A_823, %parallel_loop3A_824, %parallel_loop3A_825], %parallel_loop3A_828 {strides = array<i32>} : memref<2x32x8x128xf32, #tpu.memory_space<vmem>>, vector<1x1x1x16xf32>,
        %parallel_loop3A_829 = arith.select %parallel_loop3A_795, %get3A_296, %get3A_136 : vector<16xi1>, vector<16xf32>
        %parallel_loop3A_830 = arith.select %parallel_loop3A_792, %get3A_216, %parallel_loop3A_829 : vector<16xi1>, vector<16xf32>
        %parallel_loop3A_831 = arith.constant 0 : i32
        %parallel_loop3A_832 = arith.constant 3 : i32
        %parallel_loop3A_833 = arith.index_cast %parallel_loop3A_831 : i32 to index
        %parallel_loop3A_834 = arith.index_cast %parallel_loop3A_681 : i32 to index
        %parallel_loop3A_835 = arith.index_cast %parallel_loop3A_832 : i32 to index
        %parallel_loop3A_836 = arith.constant 16 : index
        %parallel_loop3A_837 = tpu.vector_load %arg7[%parallel_loop3A_833, %parallel_loop3A_834, %parallel_loop3A_835, %parallel_loop3A_836] {strides = array<i32>} : memref<2x32x8x128xf32, #tpu.memory_space<vmem>>, vector<1x1x1x16xf32>,
        %parallel_loop3A_838 = vector.shape_cast %parallel_loop3A_837 : vector<1x1x1x16xf32> to vector<16xf32>
        %parallel_loop3A_839 = vector.shape_cast %parallel_loop3A_830 : vector<16xf32> to vector<1x1x1x16xf32>
        tpu.vector_store %arg7[%parallel_loop3A_833, %parallel_loop3A_834, %parallel_loop3A_835, %parallel_loop3A_836], %parallel_loop3A_839 {strides = array<i32>} : memref<2x32x8x128xf32, #tpu.memory_space<vmem>>, vector<1x1x1x16xf32>,
        %parallel_loop3A_840 = arith.select %parallel_loop3A_795, %get3A_306, %get3A_146 : vector<16xi1>, vector<16xf32>
        %parallel_loop3A_841 = arith.select %parallel_loop3A_792, %get3A_226, %parallel_loop3A_840 : vector<16xi1>, vector<16xf32>
        %parallel_loop3A_842 = arith.constant 0 : i32
        %parallel_loop3A_843 = arith.constant 4 : i32
        %parallel_loop3A_844 = arith.index_cast %parallel_loop3A_842 : i32 to index
        %parallel_loop3A_845 = arith.index_cast %parallel_loop3A_681 : i32 to index
        %parallel_loop3A_846 = arith.index_cast %parallel_loop3A_843 : i32 to index
        %parallel_loop3A_847 = arith.constant 16 : index
        %parallel_loop3A_848 = tpu.vector_load %arg7[%parallel_loop3A_844, %parallel_loop3A_845, %parallel_loop3A_846, %parallel_loop3A_847] {strides = array<i32>} : memref<2x32x8x128xf32, #tpu.memory_space<vmem>>, vector<1x1x1x16xf32>,
        %parallel_loop3A_849 = vector.shape_cast %parallel_loop3A_848 : vector<1x1x1x16xf32> to vector<16xf32>
        %parallel_loop3A_850 = vector.shape_cast %parallel_loop3A_841 : vector<16xf32> to vector<1x1x1x16xf32>
        tpu.vector_store %arg7[%parallel_loop3A_844, %parallel_loop3A_845, %parallel_loop3A_846, %parallel_loop3A_847], %parallel_loop3A_850 {strides = array<i32>} : memref<2x32x8x128xf32, #tpu.memory_space<vmem>>, vector<1x1x1x16xf32>,
        %parallel_loop3A_851 = arith.select %parallel_loop3A_795, %get3A_316, %get3A_156 : vector<16xi1>, vector<16xf32>
        %parallel_loop3A_852 = arith.select %parallel_loop3A_792, %get3A_236, %parallel_loop3A_851 : vector<16xi1>, vector<16xf32>
        %parallel_loop3A_853 = arith.constant 0 : i32
        %parallel_loop3A_854 = arith.constant 5 : i32
        %parallel_loop3A_855 = arith.index_cast %parallel_loop3A_853 : i32 to index
        %parallel_loop3A_856 = arith.index_cast %parallel_loop3A_681 : i32 to index
        %parallel_loop3A_857 = arith.index_cast %parallel_loop3A_854 : i32 to index
        %parallel_loop3A_858 = arith.constant 16 : index
        %parallel_loop3A_859 = tpu.vector_load %arg7[%parallel_loop3A_855, %parallel_loop3A_856, %parallel_loop3A_857, %parallel_loop3A_858] {strides = array<i32>} : memref<2x32x8x128xf32, #tpu.memory_space<vmem>>, vector<1x1x1x16xf32>,
        %parallel_loop3A_860 = vector.shape_cast %parallel_loop3A_859 : vector<1x1x1x16xf32> to vector<16xf32>
        %parallel_loop3A_861 = vector.shape_cast %parallel_loop3A_852 : vector<16xf32> to vector<1x1x1x16xf32>
        tpu.vector_store %arg7[%parallel_loop3A_855, %parallel_loop3A_856, %parallel_loop3A_857, %parallel_loop3A_858], %parallel_loop3A_861 {strides = array<i32>} : memref<2x32x8x128xf32, #tpu.memory_space<vmem>>, vector<1x1x1x16xf32>,
        %parallel_loop3A_862 = arith.select %parallel_loop3A_795, %get3A_326, %get3A_166 : vector<16xi1>, vector<16xf32>
        %parallel_loop3A_863 = arith.select %parallel_loop3A_792, %get3A_246, %parallel_loop3A_862 : vector<16xi1>, vector<16xf32>
        %parallel_loop3A_864 = arith.constant 0 : i32
        %parallel_loop3A_865 = arith.constant 6 : i32
        %parallel_loop3A_866 = arith.index_cast %parallel_loop3A_864 : i32 to index
        %parallel_loop3A_867 = arith.index_cast %parallel_loop3A_681 : i32 to index
        %parallel_loop3A_868 = arith.index_cast %parallel_loop3A_865 : i32 to index
        %parallel_loop3A_869 = arith.constant 16 : index
        %parallel_loop3A_870 = tpu.vector_load %arg7[%parallel_loop3A_866, %parallel_loop3A_867, %parallel_loop3A_868, %parallel_loop3A_869] {strides = array<i32>} : memref<2x32x8x128xf32, #tpu.memory_space<vmem>>, vector<1x1x1x16xf32>,
        %parallel_loop3A_871 = vector.shape_cast %parallel_loop3A_870 : vector<1x1x1x16xf32> to vector<16xf32>
        %parallel_loop3A_872 = vector.shape_cast %parallel_loop3A_863 : vector<16xf32> to vector<1x1x1x16xf32>
        tpu.vector_store %arg7[%parallel_loop3A_866, %parallel_loop3A_867, %parallel_loop3A_868, %parallel_loop3A_869], %parallel_loop3A_872 {strides = array<i32>} : memref<2x32x8x128xf32, #tpu.memory_space<vmem>>, vector<1x1x1x16xf32>,
        %parallel_loop3A_873 = arith.select %parallel_loop3A_795, %get3A_336, %get3A_176 : vector<16xi1>, vector<16xf32>
        %parallel_loop3A_874 = arith.select %parallel_loop3A_792, %get3A_256, %parallel_loop3A_873 : vector<16xi1>, vector<16xf32>
        %parallel_loop3A_875 = arith.constant 0 : i32
        %parallel_loop3A_876 = arith.constant 7 : i32
        %parallel_loop3A_877 = arith.index_cast %parallel_loop3A_875 : i32 to index
        %parallel_loop3A_878 = arith.index_cast %parallel_loop3A_681 : i32 to index
        %parallel_loop3A_879 = arith.index_cast %parallel_loop3A_876 : i32 to index
        %parallel_loop3A_880 = arith.constant 16 : index
        %parallel_loop3A_881 = tpu.vector_load %arg7[%parallel_loop3A_877, %parallel_loop3A_878, %parallel_loop3A_879, %parallel_loop3A_880] {strides = array<i32>} : memref<2x32x8x128xf32, #tpu.memory_space<vmem>>, vector<1x1x1x16xf32>,
        %parallel_loop3A_882 = vector.shape_cast %parallel_loop3A_881 : vector<1x1x1x16xf32> to vector<16xf32>
        %parallel_loop3A_883 = vector.shape_cast %parallel_loop3A_874 : vector<16xf32> to vector<1x1x1x16xf32>
        tpu.vector_store %arg7[%parallel_loop3A_877, %parallel_loop3A_878, %parallel_loop3A_879, %parallel_loop3A_880], %parallel_loop3A_883 {strides = array<i32>} : memref<2x32x8x128xf32, #tpu.memory_space<vmem>>, vector<1x1x1x16xf32>,
        %parallel_loop3A_884 = arith.constant 128 : i32
        %parallel_loop3A_885 = arith.muli %parallel_loop3A_681, %parallel_loop3A_884 : i32
        %parallel_loop3A_886 = arith.constant 32 : i32
        %parallel_loop3A_887 = arith.addi %parallel_loop3A_885, %parallel_loop3A_886 : i32
        %parallel_loop3A_888 = arith.index_cast %parallel_loop3A_887 : i32 to index
        %parallel_loop3A_889 = tpu.vector_load %arg5[%parallel_loop3A_888] {strides = array<i32>} : memref<4096xi32, #tpu.memory_space<vmem>>, vector<16xi32>,
        %parallel_loop3A_890 = vector.shape_cast %parallel_loop3A_889 : vector<16xi32> to vector<16xi32>
        %parallel_loop3A_891 = arith.constant 1 : i32
        %parallel_loop3A_892 = vector.broadcast %parallel_loop3A_891 : i32 to vector<16xi32>
        %parallel_loop3A_893 = arith.cmpi eq, %parallel_loop3A_890, %parallel_loop3A_892 : vector<16xi32>
        %parallel_loop3A_894 = arith.constant 2 : i32
        %parallel_loop3A_895 = vector.broadcast %parallel_loop3A_894 : i32 to vector<16xi32>
        %parallel_loop3A_896 = arith.cmpi eq, %parallel_loop3A_890, %parallel_loop3A_895 : vector<16xi32>
        %parallel_loop3A_897 = arith.select %parallel_loop3A_896, %get3A_266, %get3A_106 : vector<16xi1>, vector<16xf32>
        %parallel_loop3A_898 = arith.select %parallel_loop3A_893, %get3A_186, %parallel_loop3A_897 : vector<16xi1>, vector<16xf32>
        %parallel_loop3A_899 = arith.constant 0 : i32
        %parallel_loop3A_900 = arith.constant 0 : i32
        %parallel_loop3A_901 = arith.index_cast %parallel_loop3A_899 : i32 to index
        %parallel_loop3A_902 = arith.index_cast %parallel_loop3A_681 : i32 to index
        %parallel_loop3A_903 = arith.index_cast %parallel_loop3A_900 : i32 to index
        %parallel_loop3A_904 = arith.constant 32 : index
        %parallel_loop3A_905 = tpu.vector_load %arg7[%parallel_loop3A_901, %parallel_loop3A_902, %parallel_loop3A_903, %parallel_loop3A_904] {strides = array<i32>} : memref<2x32x8x128xf32, #tpu.memory_space<vmem>>, vector<1x1x1x16xf32>,
        %parallel_loop3A_906 = vector.shape_cast %parallel_loop3A_905 : vector<1x1x1x16xf32> to vector<16xf32>
        %parallel_loop3A_907 = vector.shape_cast %parallel_loop3A_898 : vector<16xf32> to vector<1x1x1x16xf32>
        tpu.vector_store %arg7[%parallel_loop3A_901, %parallel_loop3A_902, %parallel_loop3A_903, %parallel_loop3A_904], %parallel_loop3A_907 {strides = array<i32>} : memref<2x32x8x128xf32, #tpu.memory_space<vmem>>, vector<1x1x1x16xf32>,
        %parallel_loop3A_908 = arith.select %parallel_loop3A_896, %get3A_276, %get3A_116 : vector<16xi1>, vector<16xf32>
        %parallel_loop3A_909 = arith.select %parallel_loop3A_893, %get3A_196, %parallel_loop3A_908 : vector<16xi1>, vector<16xf32>
        %parallel_loop3A_910 = arith.constant 0 : i32
        %parallel_loop3A_911 = arith.constant 1 : i32
        %parallel_loop3A_912 = arith.index_cast %parallel_loop3A_910 : i32 to index
        %parallel_loop3A_913 = arith.index_cast %parallel_loop3A_681 : i32 to index
        %parallel_loop3A_914 = arith.index_cast %parallel_loop3A_911 : i32 to index
        %parallel_loop3A_915 = arith.constant 32 : index
        %parallel_loop3A_916 = tpu.vector_load %arg7[%parallel_loop3A_912, %parallel_loop3A_913, %parallel_loop3A_914, %parallel_loop3A_915] {strides = array<i32>} : memref<2x32x8x128xf32, #tpu.memory_space<vmem>>, vector<1x1x1x16xf32>,
        %parallel_loop3A_917 = vector.shape_cast %parallel_loop3A_916 : vector<1x1x1x16xf32> to vector<16xf32>
        %parallel_loop3A_918 = vector.shape_cast %parallel_loop3A_909 : vector<16xf32> to vector<1x1x1x16xf32>
        tpu.vector_store %arg7[%parallel_loop3A_912, %parallel_loop3A_913, %parallel_loop3A_914, %parallel_loop3A_915], %parallel_loop3A_918 {strides = array<i32>} : memref<2x32x8x128xf32, #tpu.memory_space<vmem>>, vector<1x1x1x16xf32>,
        %parallel_loop3A_919 = arith.select %parallel_loop3A_896, %get3A_286, %get3A_126 : vector<16xi1>, vector<16xf32>
        %parallel_loop3A_920 = arith.select %parallel_loop3A_893, %get3A_206, %parallel_loop3A_919 : vector<16xi1>, vector<16xf32>
        %parallel_loop3A_921 = arith.constant 0 : i32
        %parallel_loop3A_922 = arith.constant 2 : i32
        %parallel_loop3A_923 = arith.index_cast %parallel_loop3A_921 : i32 to index
        %parallel_loop3A_924 = arith.index_cast %parallel_loop3A_681 : i32 to index
        %parallel_loop3A_925 = arith.index_cast %parallel_loop3A_922 : i32 to index
        %parallel_loop3A_926 = arith.constant 32 : index
        %parallel_loop3A_927 = tpu.vector_load %arg7[%parallel_loop3A_923, %parallel_loop3A_924, %parallel_loop3A_925, %parallel_loop3A_926] {strides = array<i32>} : memref<2x32x8x128xf32, #tpu.memory_space<vmem>>, vector<1x1x1x16xf32>,
        %parallel_loop3A_928 = vector.shape_cast %parallel_loop3A_927 : vector<1x1x1x16xf32> to vector<16xf32>
        %parallel_loop3A_929 = vector.shape_cast %parallel_loop3A_920 : vector<16xf32> to vector<1x1x1x16xf32>
        tpu.vector_store %arg7[%parallel_loop3A_923, %parallel_loop3A_924, %parallel_loop3A_925, %parallel_loop3A_926], %parallel_loop3A_929 {strides = array<i32>} : memref<2x32x8x128xf32, #tpu.memory_space<vmem>>, vector<1x1x1x16xf32>,
        %parallel_loop3A_930 = arith.select %parallel_loop3A_896, %get3A_296, %get3A_136 : vector<16xi1>, vector<16xf32>
        %parallel_loop3A_931 = arith.select %parallel_loop3A_893, %get3A_216, %parallel_loop3A_930 : vector<16xi1>, vector<16xf32>
        %parallel_loop3A_932 = arith.constant 0 : i32
        %parallel_loop3A_933 = arith.constant 3 : i32
        %parallel_loop3A_934 = arith.index_cast %parallel_loop3A_932 : i32 to index
        %parallel_loop3A_935 = arith.index_cast %parallel_loop3A_681 : i32 to index
        %parallel_loop3A_936 = arith.index_cast %parallel_loop3A_933 : i32 to index
        %parallel_loop3A_937 = arith.constant 32 : index
        %parallel_loop3A_938 = tpu.vector_load %arg7[%parallel_loop3A_934, %parallel_loop3A_935, %parallel_loop3A_936, %parallel_loop3A_937] {strides = array<i32>} : memref<2x32x8x128xf32, #tpu.memory_space<vmem>>, vector<1x1x1x16xf32>,
        %parallel_loop3A_939 = vector.shape_cast %parallel_loop3A_938 : vector<1x1x1x16xf32> to vector<16xf32>
        %parallel_loop3A_940 = vector.shape_cast %parallel_loop3A_931 : vector<16xf32> to vector<1x1x1x16xf32>
        tpu.vector_store %arg7[%parallel_loop3A_934, %parallel_loop3A_935, %parallel_loop3A_936, %parallel_loop3A_937], %parallel_loop3A_940 {strides = array<i32>} : memref<2x32x8x128xf32, #tpu.memory_space<vmem>>, vector<1x1x1x16xf32>,
        %parallel_loop3A_941 = arith.select %parallel_loop3A_896, %get3A_306, %get3A_146 : vector<16xi1>, vector<16xf32>
        %parallel_loop3A_942 = arith.select %parallel_loop3A_893, %get3A_226, %parallel_loop3A_941 : vector<16xi1>, vector<16xf32>
        %parallel_loop3A_943 = arith.constant 0 : i32
        %parallel_loop3A_944 = arith.constant 4 : i32
        %parallel_loop3A_945 = arith.index_cast %parallel_loop3A_943 : i32 to index
        %parallel_loop3A_946 = arith.index_cast %parallel_loop3A_681 : i32 to index
        %parallel_loop3A_947 = arith.index_cast %parallel_loop3A_944 : i32 to index
        %parallel_loop3A_948 = arith.constant 32 : index
        %parallel_loop3A_949 = tpu.vector_load %arg7[%parallel_loop3A_945, %parallel_loop3A_946, %parallel_loop3A_947, %parallel_loop3A_948] {strides = array<i32>} : memref<2x32x8x128xf32, #tpu.memory_space<vmem>>, vector<1x1x1x16xf32>,
        %parallel_loop3A_950 = vector.shape_cast %parallel_loop3A_949 : vector<1x1x1x16xf32> to vector<16xf32>
        %parallel_loop3A_951 = vector.shape_cast %parallel_loop3A_942 : vector<16xf32> to vector<1x1x1x16xf32>
        tpu.vector_store %arg7[%parallel_loop3A_945, %parallel_loop3A_946, %parallel_loop3A_947, %parallel_loop3A_948], %parallel_loop3A_951 {strides = array<i32>} : memref<2x32x8x128xf32, #tpu.memory_space<vmem>>, vector<1x1x1x16xf32>,
        %parallel_loop3A_952 = arith.select %parallel_loop3A_896, %get3A_316, %get3A_156 : vector<16xi1>, vector<16xf32>
        %parallel_loop3A_953 = arith.select %parallel_loop3A_893, %get3A_236, %parallel_loop3A_952 : vector<16xi1>, vector<16xf32>
        %parallel_loop3A_954 = arith.constant 0 : i32
        %parallel_loop3A_955 = arith.constant 5 : i32
        %parallel_loop3A_956 = arith.index_cast %parallel_loop3A_954 : i32 to index
        %parallel_loop3A_957 = arith.index_cast %parallel_loop3A_681 : i32 to index
        %parallel_loop3A_958 = arith.index_cast %parallel_loop3A_955 : i32 to index
        %parallel_loop3A_959 = arith.constant 32 : index
        %parallel_loop3A_960 = tpu.vector_load %arg7[%parallel_loop3A_956, %parallel_loop3A_957, %parallel_loop3A_958, %parallel_loop3A_959] {strides = array<i32>} : memref<2x32x8x128xf32, #tpu.memory_space<vmem>>, vector<1x1x1x16xf32>,
        %parallel_loop3A_961 = vector.shape_cast %parallel_loop3A_960 : vector<1x1x1x16xf32> to vector<16xf32>
        %parallel_loop3A_962 = vector.shape_cast %parallel_loop3A_953 : vector<16xf32> to vector<1x1x1x16xf32>
        tpu.vector_store %arg7[%parallel_loop3A_956, %parallel_loop3A_957, %parallel_loop3A_958, %parallel_loop3A_959], %parallel_loop3A_962 {strides = array<i32>} : memref<2x32x8x128xf32, #tpu.memory_space<vmem>>, vector<1x1x1x16xf32>,
        %parallel_loop3A_963 = arith.select %parallel_loop3A_896, %get3A_326, %get3A_166 : vector<16xi1>, vector<16xf32>
        %parallel_loop3A_964 = arith.select %parallel_loop3A_893, %get3A_246, %parallel_loop3A_963 : vector<16xi1>, vector<16xf32>
        %parallel_loop3A_965 = arith.constant 0 : i32
        %parallel_loop3A_966 = arith.constant 6 : i32
        %parallel_loop3A_967 = arith.index_cast %parallel_loop3A_965 : i32 to index
        %parallel_loop3A_968 = arith.index_cast %parallel_loop3A_681 : i32 to index
        %parallel_loop3A_969 = arith.index_cast %parallel_loop3A_966 : i32 to index
        %parallel_loop3A_970 = arith.constant 32 : index
        %parallel_loop3A_971 = tpu.vector_load %arg7[%parallel_loop3A_967, %parallel_loop3A_968, %parallel_loop3A_969, %parallel_loop3A_970] {strides = array<i32>} : memref<2x32x8x128xf32, #tpu.memory_space<vmem>>, vector<1x1x1x16xf32>,
        %parallel_loop3A_972 = vector.shape_cast %parallel_loop3A_971 : vector<1x1x1x16xf32> to vector<16xf32>
        %parallel_loop3A_973 = vector.shape_cast %parallel_loop3A_964 : vector<16xf32> to vector<1x1x1x16xf32>
        tpu.vector_store %arg7[%parallel_loop3A_967, %parallel_loop3A_968, %parallel_loop3A_969, %parallel_loop3A_970], %parallel_loop3A_973 {strides = array<i32>} : memref<2x32x8x128xf32, #tpu.memory_space<vmem>>, vector<1x1x1x16xf32>,
        %parallel_loop3A_974 = arith.select %parallel_loop3A_896, %get3A_336, %get3A_176 : vector<16xi1>, vector<16xf32>
        %parallel_loop3A_975 = arith.select %parallel_loop3A_893, %get3A_256, %parallel_loop3A_974 : vector<16xi1>, vector<16xf32>
        %parallel_loop3A_976 = arith.constant 0 : i32
        %parallel_loop3A_977 = arith.constant 7 : i32
        %parallel_loop3A_978 = arith.index_cast %parallel_loop3A_976 : i32 to index
        %parallel_loop3A_979 = arith.index_cast %parallel_loop3A_681 : i32 to index
        %parallel_loop3A_980 = arith.index_cast %parallel_loop3A_977 : i32 to index
        %parallel_loop3A_981 = arith.constant 32 : index
        %parallel_loop3A_982 = tpu.vector_load %arg7[%parallel_loop3A_978, %parallel_loop3A_979, %parallel_loop3A_980, %parallel_loop3A_981] {strides = array<i32>} : memref<2x32x8x128xf32, #tpu.memory_space<vmem>>, vector<1x1x1x16xf32>,
        %parallel_loop3A_983 = vector.shape_cast %parallel_loop3A_982 : vector<1x1x1x16xf32> to vector<16xf32>
        %parallel_loop3A_984 = vector.shape_cast %parallel_loop3A_975 : vector<16xf32> to vector<1x1x1x16xf32>
        tpu.vector_store %arg7[%parallel_loop3A_978, %parallel_loop3A_979, %parallel_loop3A_980, %parallel_loop3A_981], %parallel_loop3A_984 {strides = array<i32>} : memref<2x32x8x128xf32, #tpu.memory_space<vmem>>, vector<1x1x1x16xf32>,
        %parallel_loop3A_985 = arith.constant 128 : i32
        %parallel_loop3A_986 = arith.muli %parallel_loop3A_681, %parallel_loop3A_985 : i32
        %parallel_loop3A_987 = arith.constant 48 : i32
        %parallel_loop3A_988 = arith.addi %parallel_loop3A_986, %parallel_loop3A_987 : i32
        %parallel_loop3A_989 = arith.index_cast %parallel_loop3A_988 : i32 to index
        %parallel_loop3A_990 = tpu.vector_load %arg5[%parallel_loop3A_989] {strides = array<i32>} : memref<4096xi32, #tpu.memory_space<vmem>>, vector<16xi32>,
        %parallel_loop3A_991 = vector.shape_cast %parallel_loop3A_990 : vector<16xi32> to vector<16xi32>
        %parallel_loop3A_992 = arith.constant 1 : i32
        %parallel_loop3A_993 = vector.broadcast %parallel_loop3A_992 : i32 to vector<16xi32>
        %parallel_loop3A_994 = arith.cmpi eq, %parallel_loop3A_991, %parallel_loop3A_993 : vector<16xi32>
        %parallel_loop3A_995 = arith.constant 2 : i32
        %parallel_loop3A_996 = vector.broadcast %parallel_loop3A_995 : i32 to vector<16xi32>
        %parallel_loop3A_997 = arith.cmpi eq, %parallel_loop3A_991, %parallel_loop3A_996 : vector<16xi32>
        %parallel_loop3A_998 = arith.select %parallel_loop3A_997, %get3A_266, %get3A_106 : vector<16xi1>, vector<16xf32>
        %parallel_loop3A_999 = arith.select %parallel_loop3A_994, %get3A_186, %parallel_loop3A_998 : vector<16xi1>, vector<16xf32>
        %parallel_loop3A_1000 = arith.constant 0 : i32
        %parallel_loop3A_1001 = arith.constant 0 : i32
        %parallel_loop3A_1002 = arith.index_cast %parallel_loop3A_1000 : i32 to index
        %parallel_loop3A_1003 = arith.index_cast %parallel_loop3A_681 : i32 to index
        %parallel_loop3A_1004 = arith.index_cast %parallel_loop3A_1001 : i32 to index
        %parallel_loop3A_1005 = arith.constant 48 : index
        %parallel_loop3A_1006 = tpu.vector_load %arg7[%parallel_loop3A_1002, %parallel_loop3A_1003, %parallel_loop3A_1004, %parallel_loop3A_1005] {strides = array<i32>} : memref<2x32x8x128xf32, #tpu.memory_space<vmem>>, vector<1x1x1x16xf32>,
        %parallel_loop3A_1007 = vector.shape_cast %parallel_loop3A_1006 : vector<1x1x1x16xf32> to vector<16xf32>
        %parallel_loop3A_1008 = vector.shape_cast %parallel_loop3A_999 : vector<16xf32> to vector<1x1x1x16xf32>
        tpu.vector_store %arg7[%parallel_loop3A_1002, %parallel_loop3A_1003, %parallel_loop3A_1004, %parallel_loop3A_1005], %parallel_loop3A_1008 {strides = array<i32>} : memref<2x32x8x128xf32, #tpu.memory_space<vmem>>, vector<1x1x1x16xf32>,
        %parallel_loop3A_1009 = arith.select %parallel_loop3A_997, %get3A_276, %get3A_116 : vector<16xi1>, vector<16xf32>
        %parallel_loop3A_1010 = arith.select %parallel_loop3A_994, %get3A_196, %parallel_loop3A_1009 : vector<16xi1>, vector<16xf32>
        %parallel_loop3A_1011 = arith.constant 0 : i32
        %parallel_loop3A_1012 = arith.constant 1 : i32
        %parallel_loop3A_1013 = arith.index_cast %parallel_loop3A_1011 : i32 to index
        %parallel_loop3A_1014 = arith.index_cast %parallel_loop3A_681 : i32 to index
        %parallel_loop3A_1015 = arith.index_cast %parallel_loop3A_1012 : i32 to index
        %parallel_loop3A_1016 = arith.constant 48 : index
        %parallel_loop3A_1017 = tpu.vector_load %arg7[%parallel_loop3A_1013, %parallel_loop3A_1014, %parallel_loop3A_1015, %parallel_loop3A_1016] {strides = array<i32>} : memref<2x32x8x128xf32, #tpu.memory_space<vmem>>, vector<1x1x1x16xf32>,
        %parallel_loop3A_1018 = vector.shape_cast %parallel_loop3A_1017 : vector<1x1x1x16xf32> to vector<16xf32>
        %parallel_loop3A_1019 = vector.shape_cast %parallel_loop3A_1010 : vector<16xf32> to vector<1x1x1x16xf32>
        tpu.vector_store %arg7[%parallel_loop3A_1013, %parallel_loop3A_1014, %parallel_loop3A_1015, %parallel_loop3A_1016], %parallel_loop3A_1019 {strides = array<i32>} : memref<2x32x8x128xf32, #tpu.memory_space<vmem>>, vector<1x1x1x16xf32>,
        %parallel_loop3A_1020 = arith.select %parallel_loop3A_997, %get3A_286, %get3A_126 : vector<16xi1>, vector<16xf32>
        %parallel_loop3A_1021 = arith.select %parallel_loop3A_994, %get3A_206, %parallel_loop3A_1020 : vector<16xi1>, vector<16xf32>
        %parallel_loop3A_1022 = arith.constant 0 : i32
        %parallel_loop3A_1023 = arith.constant 2 : i32
        %parallel_loop3A_1024 = arith.index_cast %parallel_loop3A_1022 : i32 to index
        %parallel_loop3A_1025 = arith.index_cast %parallel_loop3A_681 : i32 to index
        %parallel_loop3A_1026 = arith.index_cast %parallel_loop3A_1023 : i32 to index
        %parallel_loop3A_1027 = arith.constant 48 : index
        %parallel_loop3A_1028 = tpu.vector_load %arg7[%parallel_loop3A_1024, %parallel_loop3A_1025, %parallel_loop3A_1026, %parallel_loop3A_1027] {strides = array<i32>} : memref<2x32x8x128xf32, #tpu.memory_space<vmem>>, vector<1x1x1x16xf32>,
        %parallel_loop3A_1029 = vector.shape_cast %parallel_loop3A_1028 : vector<1x1x1x16xf32> to vector<16xf32>
        %parallel_loop3A_1030 = vector.shape_cast %parallel_loop3A_1021 : vector<16xf32> to vector<1x1x1x16xf32>
        tpu.vector_store %arg7[%parallel_loop3A_1024, %parallel_loop3A_1025, %parallel_loop3A_1026, %parallel_loop3A_1027], %parallel_loop3A_1030 {strides = array<i32>} : memref<2x32x8x128xf32, #tpu.memory_space<vmem>>, vector<1x1x1x16xf32>,
        %parallel_loop3A_1031 = arith.select %parallel_loop3A_997, %get3A_296, %get3A_136 : vector<16xi1>, vector<16xf32>
        %parallel_loop3A_1032 = arith.select %parallel_loop3A_994, %get3A_216, %parallel_loop3A_1031 : vector<16xi1>, vector<16xf32>
        %parallel_loop3A_1033 = arith.constant 0 : i32
        %parallel_loop3A_1034 = arith.constant 3 : i32
        %parallel_loop3A_1035 = arith.index_cast %parallel_loop3A_1033 : i32 to index
        %parallel_loop3A_1036 = arith.index_cast %parallel_loop3A_681 : i32 to index
        %parallel_loop3A_1037 = arith.index_cast %parallel_loop3A_1034 : i32 to index
        %parallel_loop3A_1038 = arith.constant 48 : index
        %parallel_loop3A_1039 = tpu.vector_load %arg7[%parallel_loop3A_1035, %parallel_loop3A_1036, %parallel_loop3A_1037, %parallel_loop3A_1038] {strides = array<i32>} : memref<2x32x8x128xf32, #tpu.memory_space<vmem>>, vector<1x1x1x16xf32>,
        %parallel_loop3A_1040 = vector.shape_cast %parallel_loop3A_1039 : vector<1x1x1x16xf32> to vector<16xf32>
        %parallel_loop3A_1041 = vector.shape_cast %parallel_loop3A_1032 : vector<16xf32> to vector<1x1x1x16xf32>
        tpu.vector_store %arg7[%parallel_loop3A_1035, %parallel_loop3A_1036, %parallel_loop3A_1037, %parallel_loop3A_1038], %parallel_loop3A_1041 {strides = array<i32>} : memref<2x32x8x128xf32, #tpu.memory_space<vmem>>, vector<1x1x1x16xf32>,
        %parallel_loop3A_1042 = arith.select %parallel_loop3A_997, %get3A_306, %get3A_146 : vector<16xi1>, vector<16xf32>
        %parallel_loop3A_1043 = arith.select %parallel_loop3A_994, %get3A_226, %parallel_loop3A_1042 : vector<16xi1>, vector<16xf32>
        %parallel_loop3A_1044 = arith.constant 0 : i32
        %parallel_loop3A_1045 = arith.constant 4 : i32
        %parallel_loop3A_1046 = arith.index_cast %parallel_loop3A_1044 : i32 to index
        %parallel_loop3A_1047 = arith.index_cast %parallel_loop3A_681 : i32 to index
        %parallel_loop3A_1048 = arith.index_cast %parallel_loop3A_1045 : i32 to index
        %parallel_loop3A_1049 = arith.constant 48 : index
        %parallel_loop3A_1050 = tpu.vector_load %arg7[%parallel_loop3A_1046, %parallel_loop3A_1047, %parallel_loop3A_1048, %parallel_loop3A_1049] {strides = array<i32>} : memref<2x32x8x128xf32, #tpu.memory_space<vmem>>, vector<1x1x1x16xf32>,
        %parallel_loop3A_1051 = vector.shape_cast %parallel_loop3A_1050 : vector<1x1x1x16xf32> to vector<16xf32>
        %parallel_loop3A_1052 = vector.shape_cast %parallel_loop3A_1043 : vector<16xf32> to vector<1x1x1x16xf32>
        tpu.vector_store %arg7[%parallel_loop3A_1046, %parallel_loop3A_1047, %parallel_loop3A_1048, %parallel_loop3A_1049], %parallel_loop3A_1052 {strides = array<i32>} : memref<2x32x8x128xf32, #tpu.memory_space<vmem>>, vector<1x1x1x16xf32>,
        %parallel_loop3A_1053 = arith.select %parallel_loop3A_997, %get3A_316, %get3A_156 : vector<16xi1>, vector<16xf32>
        %parallel_loop3A_1054 = arith.select %parallel_loop3A_994, %get3A_236, %parallel_loop3A_1053 : vector<16xi1>, vector<16xf32>
        %parallel_loop3A_1055 = arith.constant 0 : i32
        %parallel_loop3A_1056 = arith.constant 5 : i32
        %parallel_loop3A_1057 = arith.index_cast %parallel_loop3A_1055 : i32 to index
        %parallel_loop3A_1058 = arith.index_cast %parallel_loop3A_681 : i32 to index
        %parallel_loop3A_1059 = arith.index_cast %parallel_loop3A_1056 : i32 to index
        %parallel_loop3A_1060 = arith.constant 48 : index
        %parallel_loop3A_1061 = tpu.vector_load %arg7[%parallel_loop3A_1057, %parallel_loop3A_1058, %parallel_loop3A_1059, %parallel_loop3A_1060] {strides = array<i32>} : memref<2x32x8x128xf32, #tpu.memory_space<vmem>>, vector<1x1x1x16xf32>,
        %parallel_loop3A_1062 = vector.shape_cast %parallel_loop3A_1061 : vector<1x1x1x16xf32> to vector<16xf32>
        %parallel_loop3A_1063 = vector.shape_cast %parallel_loop3A_1054 : vector<16xf32> to vector<1x1x1x16xf32>
        tpu.vector_store %arg7[%parallel_loop3A_1057, %parallel_loop3A_1058, %parallel_loop3A_1059, %parallel_loop3A_1060], %parallel_loop3A_1063 {strides = array<i32>} : memref<2x32x8x128xf32, #tpu.memory_space<vmem>>, vector<1x1x1x16xf32>,
        %parallel_loop3A_1064 = arith.select %parallel_loop3A_997, %get3A_326, %get3A_166 : vector<16xi1>, vector<16xf32>
        %parallel_loop3A_1065 = arith.select %parallel_loop3A_994, %get3A_246, %parallel_loop3A_1064 : vector<16xi1>, vector<16xf32>
        %parallel_loop3A_1066 = arith.constant 0 : i32
        %parallel_loop3A_1067 = arith.constant 6 : i32
        %parallel_loop3A_1068 = arith.index_cast %parallel_loop3A_1066 : i32 to index
        %parallel_loop3A_1069 = arith.index_cast %parallel_loop3A_681 : i32 to index
        %parallel_loop3A_1070 = arith.index_cast %parallel_loop3A_1067 : i32 to index
        %parallel_loop3A_1071 = arith.constant 48 : index
        %parallel_loop3A_1072 = tpu.vector_load %arg7[%parallel_loop3A_1068, %parallel_loop3A_1069, %parallel_loop3A_1070, %parallel_loop3A_1071] {strides = array<i32>} : memref<2x32x8x128xf32, #tpu.memory_space<vmem>>, vector<1x1x1x16xf32>,
        %parallel_loop3A_1073 = vector.shape_cast %parallel_loop3A_1072 : vector<1x1x1x16xf32> to vector<16xf32>
        %parallel_loop3A_1074 = vector.shape_cast %parallel_loop3A_1065 : vector<16xf32> to vector<1x1x1x16xf32>
        tpu.vector_store %arg7[%parallel_loop3A_1068, %parallel_loop3A_1069, %parallel_loop3A_1070, %parallel_loop3A_1071], %parallel_loop3A_1074 {strides = array<i32>} : memref<2x32x8x128xf32, #tpu.memory_space<vmem>>, vector<1x1x1x16xf32>,
        %parallel_loop3A_1075 = arith.select %parallel_loop3A_997, %get3A_336, %get3A_176 : vector<16xi1>, vector<16xf32>
        %parallel_loop3A_1076 = arith.select %parallel_loop3A_994, %get3A_256, %parallel_loop3A_1075 : vector<16xi1>, vector<16xf32>
        %parallel_loop3A_1077 = arith.constant 0 : i32
        %parallel_loop3A_1078 = arith.constant 7 : i32
        %parallel_loop3A_1079 = arith.index_cast %parallel_loop3A_1077 : i32 to index
        %parallel_loop3A_1080 = arith.index_cast %parallel_loop3A_681 : i32 to index
        %parallel_loop3A_1081 = arith.index_cast %parallel_loop3A_1078 : i32 to index
        %parallel_loop3A_1082 = arith.constant 48 : index
        %parallel_loop3A_1083 = tpu.vector_load %arg7[%parallel_loop3A_1079, %parallel_loop3A_1080, %parallel_loop3A_1081, %parallel_loop3A_1082] {strides = array<i32>} : memref<2x32x8x128xf32, #tpu.memory_space<vmem>>, vector<1x1x1x16xf32>,
        %parallel_loop3A_1084 = vector.shape_cast %parallel_loop3A_1083 : vector<1x1x1x16xf32> to vector<16xf32>
        %parallel_loop3A_1085 = vector.shape_cast %parallel_loop3A_1076 : vector<16xf32> to vector<1x1x1x16xf32>
        tpu.vector_store %arg7[%parallel_loop3A_1079, %parallel_loop3A_1080, %parallel_loop3A_1081, %parallel_loop3A_1082], %parallel_loop3A_1085 {strides = array<i32>} : memref<2x32x8x128xf32, #tpu.memory_space<vmem>>, vector<1x1x1x16xf32>,
        %parallel_loop3A_1086 = arith.constant 128 : i32
        %parallel_loop3A_1087 = arith.muli %parallel_loop3A_681, %parallel_loop3A_1086 : i32
        %parallel_loop3A_1088 = arith.constant 64 : i32
        %parallel_loop3A_1089 = arith.addi %parallel_loop3A_1087, %parallel_loop3A_1088 : i32
        %parallel_loop3A_1090 = arith.index_cast %parallel_loop3A_1089 : i32 to index
        %parallel_loop3A_1091 = tpu.vector_load %arg5[%parallel_loop3A_1090] {strides = array<i32>} : memref<4096xi32, #tpu.memory_space<vmem>>, vector<16xi32>,
        %parallel_loop3A_1092 = vector.shape_cast %parallel_loop3A_1091 : vector<16xi32> to vector<16xi32>
        %parallel_loop3A_1093 = arith.constant 1 : i32
        %parallel_loop3A_1094 = vector.broadcast %parallel_loop3A_1093 : i32 to vector<16xi32>
        %parallel_loop3A_1095 = arith.cmpi eq, %parallel_loop3A_1092, %parallel_loop3A_1094 : vector<16xi32>
        %parallel_loop3A_1096 = arith.constant 2 : i32
        %parallel_loop3A_1097 = vector.broadcast %parallel_loop3A_1096 : i32 to vector<16xi32>
        %parallel_loop3A_1098 = arith.cmpi eq, %parallel_loop3A_1092, %parallel_loop3A_1097 : vector<16xi32>
        %parallel_loop3A_1099 = arith.select %parallel_loop3A_1098, %get3A_266, %get3A_106 : vector<16xi1>, vector<16xf32>
        %parallel_loop3A_1100 = arith.select %parallel_loop3A_1095, %get3A_186, %parallel_loop3A_1099 : vector<16xi1>, vector<16xf32>
        %parallel_loop3A_1101 = arith.constant 0 : i32
        %parallel_loop3A_1102 = arith.constant 0 : i32
        %parallel_loop3A_1103 = arith.index_cast %parallel_loop3A_1101 : i32 to index
        %parallel_loop3A_1104 = arith.index_cast %parallel_loop3A_681 : i32 to index
        %parallel_loop3A_1105 = arith.index_cast %parallel_loop3A_1102 : i32 to index
        %parallel_loop3A_1106 = arith.constant 64 : index
        %parallel_loop3A_1107 = tpu.vector_load %arg7[%parallel_loop3A_1103, %parallel_loop3A_1104, %parallel_loop3A_1105, %parallel_loop3A_1106] {strides = array<i32>} : memref<2x32x8x128xf32, #tpu.memory_space<vmem>>, vector<1x1x1x16xf32>,
        %parallel_loop3A_1108 = vector.shape_cast %parallel_loop3A_1107 : vector<1x1x1x16xf32> to vector<16xf32>
        %parallel_loop3A_1109 = vector.shape_cast %parallel_loop3A_1100 : vector<16xf32> to vector<1x1x1x16xf32>
        tpu.vector_store %arg7[%parallel_loop3A_1103, %parallel_loop3A_1104, %parallel_loop3A_1105, %parallel_loop3A_1106], %parallel_loop3A_1109 {strides = array<i32>} : memref<2x32x8x128xf32, #tpu.memory_space<vmem>>, vector<1x1x1x16xf32>,
        %parallel_loop3A_1110 = arith.select %parallel_loop3A_1098, %get3A_276, %get3A_116 : vector<16xi1>, vector<16xf32>
        %parallel_loop3A_1111 = arith.select %parallel_loop3A_1095, %get3A_196, %parallel_loop3A_1110 : vector<16xi1>, vector<16xf32>
        %parallel_loop3A_1112 = arith.constant 0 : i32
        %parallel_loop3A_1113 = arith.constant 1 : i32
        %parallel_loop3A_1114 = arith.index_cast %parallel_loop3A_1112 : i32 to index
        %parallel_loop3A_1115 = arith.index_cast %parallel_loop3A_681 : i32 to index
        %parallel_loop3A_1116 = arith.index_cast %parallel_loop3A_1113 : i32 to index
        %parallel_loop3A_1117 = arith.constant 64 : index
        %parallel_loop3A_1118 = tpu.vector_load %arg7[%parallel_loop3A_1114, %parallel_loop3A_1115, %parallel_loop3A_1116, %parallel_loop3A_1117] {strides = array<i32>} : memref<2x32x8x128xf32, #tpu.memory_space<vmem>>, vector<1x1x1x16xf32>,
        %parallel_loop3A_1119 = vector.shape_cast %parallel_loop3A_1118 : vector<1x1x1x16xf32> to vector<16xf32>
        %parallel_loop3A_1120 = vector.shape_cast %parallel_loop3A_1111 : vector<16xf32> to vector<1x1x1x16xf32>
        tpu.vector_store %arg7[%parallel_loop3A_1114, %parallel_loop3A_1115, %parallel_loop3A_1116, %parallel_loop3A_1117], %parallel_loop3A_1120 {strides = array<i32>} : memref<2x32x8x128xf32, #tpu.memory_space<vmem>>, vector<1x1x1x16xf32>,
        %parallel_loop3A_1121 = arith.select %parallel_loop3A_1098, %get3A_286, %get3A_126 : vector<16xi1>, vector<16xf32>
        %parallel_loop3A_1122 = arith.select %parallel_loop3A_1095, %get3A_206, %parallel_loop3A_1121 : vector<16xi1>, vector<16xf32>
        %parallel_loop3A_1123 = arith.constant 0 : i32
        %parallel_loop3A_1124 = arith.constant 2 : i32
        %parallel_loop3A_1125 = arith.index_cast %parallel_loop3A_1123 : i32 to index
        %parallel_loop3A_1126 = arith.index_cast %parallel_loop3A_681 : i32 to index
        %parallel_loop3A_1127 = arith.index_cast %parallel_loop3A_1124 : i32 to index
        %parallel_loop3A_1128 = arith.constant 64 : index
        %parallel_loop3A_1129 = tpu.vector_load %arg7[%parallel_loop3A_1125, %parallel_loop3A_1126, %parallel_loop3A_1127, %parallel_loop3A_1128] {strides = array<i32>} : memref<2x32x8x128xf32, #tpu.memory_space<vmem>>, vector<1x1x1x16xf32>,
        %parallel_loop3A_1130 = vector.shape_cast %parallel_loop3A_1129 : vector<1x1x1x16xf32> to vector<16xf32>
        %parallel_loop3A_1131 = vector.shape_cast %parallel_loop3A_1122 : vector<16xf32> to vector<1x1x1x16xf32>
        tpu.vector_store %arg7[%parallel_loop3A_1125, %parallel_loop3A_1126, %parallel_loop3A_1127, %parallel_loop3A_1128], %parallel_loop3A_1131 {strides = array<i32>} : memref<2x32x8x128xf32, #tpu.memory_space<vmem>>, vector<1x1x1x16xf32>,
        %parallel_loop3A_1132 = arith.select %parallel_loop3A_1098, %get3A_296, %get3A_136 : vector<16xi1>, vector<16xf32>
        %parallel_loop3A_1133 = arith.select %parallel_loop3A_1095, %get3A_216, %parallel_loop3A_1132 : vector<16xi1>, vector<16xf32>
        %parallel_loop3A_1134 = arith.constant 0 : i32
        %parallel_loop3A_1135 = arith.constant 3 : i32
        %parallel_loop3A_1136 = arith.index_cast %parallel_loop3A_1134 : i32 to index
        %parallel_loop3A_1137 = arith.index_cast %parallel_loop3A_681 : i32 to index
        %parallel_loop3A_1138 = arith.index_cast %parallel_loop3A_1135 : i32 to index
        %parallel_loop3A_1139 = arith.constant 64 : index
        %parallel_loop3A_1140 = tpu.vector_load %arg7[%parallel_loop3A_1136, %parallel_loop3A_1137, %parallel_loop3A_1138, %parallel_loop3A_1139] {strides = array<i32>} : memref<2x32x8x128xf32, #tpu.memory_space<vmem>>, vector<1x1x1x16xf32>,
        %parallel_loop3A_1141 = vector.shape_cast %parallel_loop3A_1140 : vector<1x1x1x16xf32> to vector<16xf32>
        %parallel_loop3A_1142 = vector.shape_cast %parallel_loop3A_1133 : vector<16xf32> to vector<1x1x1x16xf32>
        tpu.vector_store %arg7[%parallel_loop3A_1136, %parallel_loop3A_1137, %parallel_loop3A_1138, %parallel_loop3A_1139], %parallel_loop3A_1142 {strides = array<i32>} : memref<2x32x8x128xf32, #tpu.memory_space<vmem>>, vector<1x1x1x16xf32>,
        %parallel_loop3A_1143 = arith.select %parallel_loop3A_1098, %get3A_306, %get3A_146 : vector<16xi1>, vector<16xf32>
        %parallel_loop3A_1144 = arith.select %parallel_loop3A_1095, %get3A_226, %parallel_loop3A_1143 : vector<16xi1>, vector<16xf32>
        %parallel_loop3A_1145 = arith.constant 0 : i32
        %parallel_loop3A_1146 = arith.constant 4 : i32
        %parallel_loop3A_1147 = arith.index_cast %parallel_loop3A_1145 : i32 to index
        %parallel_loop3A_1148 = arith.index_cast %parallel_loop3A_681 : i32 to index
        %parallel_loop3A_1149 = arith.index_cast %parallel_loop3A_1146 : i32 to index
        %parallel_loop3A_1150 = arith.constant 64 : index
        %parallel_loop3A_1151 = tpu.vector_load %arg7[%parallel_loop3A_1147, %parallel_loop3A_1148, %parallel_loop3A_1149, %parallel_loop3A_1150] {strides = array<i32>} : memref<2x32x8x128xf32, #tpu.memory_space<vmem>>, vector<1x1x1x16xf32>,
        %parallel_loop3A_1152 = vector.shape_cast %parallel_loop3A_1151 : vector<1x1x1x16xf32> to vector<16xf32>
        %parallel_loop3A_1153 = vector.shape_cast %parallel_loop3A_1144 : vector<16xf32> to vector<1x1x1x16xf32>
        tpu.vector_store %arg7[%parallel_loop3A_1147, %parallel_loop3A_1148, %parallel_loop3A_1149, %parallel_loop3A_1150], %parallel_loop3A_1153 {strides = array<i32>} : memref<2x32x8x128xf32, #tpu.memory_space<vmem>>, vector<1x1x1x16xf32>,
        %parallel_loop3A_1154 = arith.select %parallel_loop3A_1098, %get3A_316, %get3A_156 : vector<16xi1>, vector<16xf32>
        %parallel_loop3A_1155 = arith.select %parallel_loop3A_1095, %get3A_236, %parallel_loop3A_1154 : vector<16xi1>, vector<16xf32>
        %parallel_loop3A_1156 = arith.constant 0 : i32
        %parallel_loop3A_1157 = arith.constant 5 : i32
        %parallel_loop3A_1158 = arith.index_cast %parallel_loop3A_1156 : i32 to index
        %parallel_loop3A_1159 = arith.index_cast %parallel_loop3A_681 : i32 to index
        %parallel_loop3A_1160 = arith.index_cast %parallel_loop3A_1157 : i32 to index
        %parallel_loop3A_1161 = arith.constant 64 : index
        %parallel_loop3A_1162 = tpu.vector_load %arg7[%parallel_loop3A_1158, %parallel_loop3A_1159, %parallel_loop3A_1160, %parallel_loop3A_1161] {strides = array<i32>} : memref<2x32x8x128xf32, #tpu.memory_space<vmem>>, vector<1x1x1x16xf32>,
        %parallel_loop3A_1163 = vector.shape_cast %parallel_loop3A_1162 : vector<1x1x1x16xf32> to vector<16xf32>
        %parallel_loop3A_1164 = vector.shape_cast %parallel_loop3A_1155 : vector<16xf32> to vector<1x1x1x16xf32>
        tpu.vector_store %arg7[%parallel_loop3A_1158, %parallel_loop3A_1159, %parallel_loop3A_1160, %parallel_loop3A_1161], %parallel_loop3A_1164 {strides = array<i32>} : memref<2x32x8x128xf32, #tpu.memory_space<vmem>>, vector<1x1x1x16xf32>,
        %parallel_loop3A_1165 = arith.select %parallel_loop3A_1098, %get3A_326, %get3A_166 : vector<16xi1>, vector<16xf32>
        %parallel_loop3A_1166 = arith.select %parallel_loop3A_1095, %get3A_246, %parallel_loop3A_1165 : vector<16xi1>, vector<16xf32>
        %parallel_loop3A_1167 = arith.constant 0 : i32
        %parallel_loop3A_1168 = arith.constant 6 : i32
        %parallel_loop3A_1169 = arith.index_cast %parallel_loop3A_1167 : i32 to index
        %parallel_loop3A_1170 = arith.index_cast %parallel_loop3A_681 : i32 to index
        %parallel_loop3A_1171 = arith.index_cast %parallel_loop3A_1168 : i32 to index
        %parallel_loop3A_1172 = arith.constant 64 : index
        %parallel_loop3A_1173 = tpu.vector_load %arg7[%parallel_loop3A_1169, %parallel_loop3A_1170, %parallel_loop3A_1171, %parallel_loop3A_1172] {strides = array<i32>} : memref<2x32x8x128xf32, #tpu.memory_space<vmem>>, vector<1x1x1x16xf32>,
        %parallel_loop3A_1174 = vector.shape_cast %parallel_loop3A_1173 : vector<1x1x1x16xf32> to vector<16xf32>
        %parallel_loop3A_1175 = vector.shape_cast %parallel_loop3A_1166 : vector<16xf32> to vector<1x1x1x16xf32>
        tpu.vector_store %arg7[%parallel_loop3A_1169, %parallel_loop3A_1170, %parallel_loop3A_1171, %parallel_loop3A_1172], %parallel_loop3A_1175 {strides = array<i32>} : memref<2x32x8x128xf32, #tpu.memory_space<vmem>>, vector<1x1x1x16xf32>,
        %parallel_loop3A_1176 = arith.select %parallel_loop3A_1098, %get3A_336, %get3A_176 : vector<16xi1>, vector<16xf32>
        %parallel_loop3A_1177 = arith.select %parallel_loop3A_1095, %get3A_256, %parallel_loop3A_1176 : vector<16xi1>, vector<16xf32>
        %parallel_loop3A_1178 = arith.constant 0 : i32
        %parallel_loop3A_1179 = arith.constant 7 : i32
        %parallel_loop3A_1180 = arith.index_cast %parallel_loop3A_1178 : i32 to index
        %parallel_loop3A_1181 = arith.index_cast %parallel_loop3A_681 : i32 to index
        %parallel_loop3A_1182 = arith.index_cast %parallel_loop3A_1179 : i32 to index
        %parallel_loop3A_1183 = arith.constant 64 : index
        %parallel_loop3A_1184 = tpu.vector_load %arg7[%parallel_loop3A_1180, %parallel_loop3A_1181, %parallel_loop3A_1182, %parallel_loop3A_1183] {strides = array<i32>} : memref<2x32x8x128xf32, #tpu.memory_space<vmem>>, vector<1x1x1x16xf32>,
        %parallel_loop3A_1185 = vector.shape_cast %parallel_loop3A_1184 : vector<1x1x1x16xf32> to vector<16xf32>
        %parallel_loop3A_1186 = vector.shape_cast %parallel_loop3A_1177 : vector<16xf32> to vector<1x1x1x16xf32>
        tpu.vector_store %arg7[%parallel_loop3A_1180, %parallel_loop3A_1181, %parallel_loop3A_1182, %parallel_loop3A_1183], %parallel_loop3A_1186 {strides = array<i32>} : memref<2x32x8x128xf32, #tpu.memory_space<vmem>>, vector<1x1x1x16xf32>,
        %parallel_loop3A_1187 = arith.constant 128 : i32
        %parallel_loop3A_1188 = arith.muli %parallel_loop3A_681, %parallel_loop3A_1187 : i32
        %parallel_loop3A_1189 = arith.constant 80 : i32
        %parallel_loop3A_1190 = arith.addi %parallel_loop3A_1188, %parallel_loop3A_1189 : i32
        %parallel_loop3A_1191 = arith.index_cast %parallel_loop3A_1190 : i32 to index
        %parallel_loop3A_1192 = tpu.vector_load %arg5[%parallel_loop3A_1191] {strides = array<i32>} : memref<4096xi32, #tpu.memory_space<vmem>>, vector<16xi32>,
        %parallel_loop3A_1193 = vector.shape_cast %parallel_loop3A_1192 : vector<16xi32> to vector<16xi32>
        %parallel_loop3A_1194 = arith.constant 1 : i32
        %parallel_loop3A_1195 = vector.broadcast %parallel_loop3A_1194 : i32 to vector<16xi32>
        %parallel_loop3A_1196 = arith.cmpi eq, %parallel_loop3A_1193, %parallel_loop3A_1195 : vector<16xi32>
        %parallel_loop3A_1197 = arith.constant 2 : i32
        %parallel_loop3A_1198 = vector.broadcast %parallel_loop3A_1197 : i32 to vector<16xi32>
        %parallel_loop3A_1199 = arith.cmpi eq, %parallel_loop3A_1193, %parallel_loop3A_1198 : vector<16xi32>
        %parallel_loop3A_1200 = arith.select %parallel_loop3A_1199, %get3A_266, %get3A_106 : vector<16xi1>, vector<16xf32>
        %parallel_loop3A_1201 = arith.select %parallel_loop3A_1196, %get3A_186, %parallel_loop3A_1200 : vector<16xi1>, vector<16xf32>
        %parallel_loop3A_1202 = arith.constant 0 : i32
        %parallel_loop3A_1203 = arith.constant 0 : i32
        %parallel_loop3A_1204 = arith.index_cast %parallel_loop3A_1202 : i32 to index
        %parallel_loop3A_1205 = arith.index_cast %parallel_loop3A_681 : i32 to index
        %parallel_loop3A_1206 = arith.index_cast %parallel_loop3A_1203 : i32 to index
        %parallel_loop3A_1207 = arith.constant 80 : index
        %parallel_loop3A_1208 = tpu.vector_load %arg7[%parallel_loop3A_1204, %parallel_loop3A_1205, %parallel_loop3A_1206, %parallel_loop3A_1207] {strides = array<i32>} : memref<2x32x8x128xf32, #tpu.memory_space<vmem>>, vector<1x1x1x16xf32>,
        %parallel_loop3A_1209 = vector.shape_cast %parallel_loop3A_1208 : vector<1x1x1x16xf32> to vector<16xf32>
        %parallel_loop3A_1210 = vector.shape_cast %parallel_loop3A_1201 : vector<16xf32> to vector<1x1x1x16xf32>
        tpu.vector_store %arg7[%parallel_loop3A_1204, %parallel_loop3A_1205, %parallel_loop3A_1206, %parallel_loop3A_1207], %parallel_loop3A_1210 {strides = array<i32>} : memref<2x32x8x128xf32, #tpu.memory_space<vmem>>, vector<1x1x1x16xf32>,
        %parallel_loop3A_1211 = arith.select %parallel_loop3A_1199, %get3A_276, %get3A_116 : vector<16xi1>, vector<16xf32>
        %parallel_loop3A_1212 = arith.select %parallel_loop3A_1196, %get3A_196, %parallel_loop3A_1211 : vector<16xi1>, vector<16xf32>
        %parallel_loop3A_1213 = arith.constant 0 : i32
        %parallel_loop3A_1214 = arith.constant 1 : i32
        %parallel_loop3A_1215 = arith.index_cast %parallel_loop3A_1213 : i32 to index
        %parallel_loop3A_1216 = arith.index_cast %parallel_loop3A_681 : i32 to index
        %parallel_loop3A_1217 = arith.index_cast %parallel_loop3A_1214 : i32 to index
        %parallel_loop3A_1218 = arith.constant 80 : index
        %parallel_loop3A_1219 = tpu.vector_load %arg7[%parallel_loop3A_1215, %parallel_loop3A_1216, %parallel_loop3A_1217, %parallel_loop3A_1218] {strides = array<i32>} : memref<2x32x8x128xf32, #tpu.memory_space<vmem>>, vector<1x1x1x16xf32>,
        %parallel_loop3A_1220 = vector.shape_cast %parallel_loop3A_1219 : vector<1x1x1x16xf32> to vector<16xf32>
        %parallel_loop3A_1221 = vector.shape_cast %parallel_loop3A_1212 : vector<16xf32> to vector<1x1x1x16xf32>
        tpu.vector_store %arg7[%parallel_loop3A_1215, %parallel_loop3A_1216, %parallel_loop3A_1217, %parallel_loop3A_1218], %parallel_loop3A_1221 {strides = array<i32>} : memref<2x32x8x128xf32, #tpu.memory_space<vmem>>, vector<1x1x1x16xf32>,
        %parallel_loop3A_1222 = arith.select %parallel_loop3A_1199, %get3A_286, %get3A_126 : vector<16xi1>, vector<16xf32>
        %parallel_loop3A_1223 = arith.select %parallel_loop3A_1196, %get3A_206, %parallel_loop3A_1222 : vector<16xi1>, vector<16xf32>
        %parallel_loop3A_1224 = arith.constant 0 : i32
        %parallel_loop3A_1225 = arith.constant 2 : i32
        %parallel_loop3A_1226 = arith.index_cast %parallel_loop3A_1224 : i32 to index
        %parallel_loop3A_1227 = arith.index_cast %parallel_loop3A_681 : i32 to index
        %parallel_loop3A_1228 = arith.index_cast %parallel_loop3A_1225 : i32 to index
        %parallel_loop3A_1229 = arith.constant 80 : index
        %parallel_loop3A_1230 = tpu.vector_load %arg7[%parallel_loop3A_1226, %parallel_loop3A_1227, %parallel_loop3A_1228, %parallel_loop3A_1229] {strides = array<i32>} : memref<2x32x8x128xf32, #tpu.memory_space<vmem>>, vector<1x1x1x16xf32>,
        %parallel_loop3A_1231 = vector.shape_cast %parallel_loop3A_1230 : vector<1x1x1x16xf32> to vector<16xf32>
        %parallel_loop3A_1232 = vector.shape_cast %parallel_loop3A_1223 : vector<16xf32> to vector<1x1x1x16xf32>
        tpu.vector_store %arg7[%parallel_loop3A_1226, %parallel_loop3A_1227, %parallel_loop3A_1228, %parallel_loop3A_1229], %parallel_loop3A_1232 {strides = array<i32>} : memref<2x32x8x128xf32, #tpu.memory_space<vmem>>, vector<1x1x1x16xf32>,
        %parallel_loop3A_1233 = arith.select %parallel_loop3A_1199, %get3A_296, %get3A_136 : vector<16xi1>, vector<16xf32>
        %parallel_loop3A_1234 = arith.select %parallel_loop3A_1196, %get3A_216, %parallel_loop3A_1233 : vector<16xi1>, vector<16xf32>
        %parallel_loop3A_1235 = arith.constant 0 : i32
        %parallel_loop3A_1236 = arith.constant 3 : i32
        %parallel_loop3A_1237 = arith.index_cast %parallel_loop3A_1235 : i32 to index
        %parallel_loop3A_1238 = arith.index_cast %parallel_loop3A_681 : i32 to index
        %parallel_loop3A_1239 = arith.index_cast %parallel_loop3A_1236 : i32 to index
        %parallel_loop3A_1240 = arith.constant 80 : index
        %parallel_loop3A_1241 = tpu.vector_load %arg7[%parallel_loop3A_1237, %parallel_loop3A_1238, %parallel_loop3A_1239, %parallel_loop3A_1240] {strides = array<i32>} : memref<2x32x8x128xf32, #tpu.memory_space<vmem>>, vector<1x1x1x16xf32>,
        %parallel_loop3A_1242 = vector.shape_cast %parallel_loop3A_1241 : vector<1x1x1x16xf32> to vector<16xf32>
        %parallel_loop3A_1243 = vector.shape_cast %parallel_loop3A_1234 : vector<16xf32> to vector<1x1x1x16xf32>
        tpu.vector_store %arg7[%parallel_loop3A_1237, %parallel_loop3A_1238, %parallel_loop3A_1239, %parallel_loop3A_1240], %parallel_loop3A_1243 {strides = array<i32>} : memref<2x32x8x128xf32, #tpu.memory_space<vmem>>, vector<1x1x1x16xf32>,
        %parallel_loop3A_1244 = arith.select %parallel_loop3A_1199, %get3A_306, %get3A_146 : vector<16xi1>, vector<16xf32>
        %parallel_loop3A_1245 = arith.select %parallel_loop3A_1196, %get3A_226, %parallel_loop3A_1244 : vector<16xi1>, vector<16xf32>
        %parallel_loop3A_1246 = arith.constant 0 : i32
        %parallel_loop3A_1247 = arith.constant 4 : i32
        %parallel_loop3A_1248 = arith.index_cast %parallel_loop3A_1246 : i32 to index
        %parallel_loop3A_1249 = arith.index_cast %parallel_loop3A_681 : i32 to index
        %parallel_loop3A_1250 = arith.index_cast %parallel_loop3A_1247 : i32 to index
        %parallel_loop3A_1251 = arith.constant 80 : index
        %parallel_loop3A_1252 = tpu.vector_load %arg7[%parallel_loop3A_1248, %parallel_loop3A_1249, %parallel_loop3A_1250, %parallel_loop3A_1251] {strides = array<i32>} : memref<2x32x8x128xf32, #tpu.memory_space<vmem>>, vector<1x1x1x16xf32>,
        %parallel_loop3A_1253 = vector.shape_cast %parallel_loop3A_1252 : vector<1x1x1x16xf32> to vector<16xf32>
        %parallel_loop3A_1254 = vector.shape_cast %parallel_loop3A_1245 : vector<16xf32> to vector<1x1x1x16xf32>
        tpu.vector_store %arg7[%parallel_loop3A_1248, %parallel_loop3A_1249, %parallel_loop3A_1250, %parallel_loop3A_1251], %parallel_loop3A_1254 {strides = array<i32>} : memref<2x32x8x128xf32, #tpu.memory_space<vmem>>, vector<1x1x1x16xf32>,
        %parallel_loop3A_1255 = arith.select %parallel_loop3A_1199, %get3A_316, %get3A_156 : vector<16xi1>, vector<16xf32>
        %parallel_loop3A_1256 = arith.select %parallel_loop3A_1196, %get3A_236, %parallel_loop3A_1255 : vector<16xi1>, vector<16xf32>
        %parallel_loop3A_1257 = arith.constant 0 : i32
        %parallel_loop3A_1258 = arith.constant 5 : i32
        %parallel_loop3A_1259 = arith.index_cast %parallel_loop3A_1257 : i32 to index
        %parallel_loop3A_1260 = arith.index_cast %parallel_loop3A_681 : i32 to index
        %parallel_loop3A_1261 = arith.index_cast %parallel_loop3A_1258 : i32 to index
        %parallel_loop3A_1262 = arith.constant 80 : index
        %parallel_loop3A_1263 = tpu.vector_load %arg7[%parallel_loop3A_1259, %parallel_loop3A_1260, %parallel_loop3A_1261, %parallel_loop3A_1262] {strides = array<i32>} : memref<2x32x8x128xf32, #tpu.memory_space<vmem>>, vector<1x1x1x16xf32>,
        %parallel_loop3A_1264 = vector.shape_cast %parallel_loop3A_1263 : vector<1x1x1x16xf32> to vector<16xf32>
        %parallel_loop3A_1265 = vector.shape_cast %parallel_loop3A_1256 : vector<16xf32> to vector<1x1x1x16xf32>
        tpu.vector_store %arg7[%parallel_loop3A_1259, %parallel_loop3A_1260, %parallel_loop3A_1261, %parallel_loop3A_1262], %parallel_loop3A_1265 {strides = array<i32>} : memref<2x32x8x128xf32, #tpu.memory_space<vmem>>, vector<1x1x1x16xf32>,
        %parallel_loop3A_1266 = arith.select %parallel_loop3A_1199, %get3A_326, %get3A_166 : vector<16xi1>, vector<16xf32>
        %parallel_loop3A_1267 = arith.select %parallel_loop3A_1196, %get3A_246, %parallel_loop3A_1266 : vector<16xi1>, vector<16xf32>
        %parallel_loop3A_1268 = arith.constant 0 : i32
        %parallel_loop3A_1269 = arith.constant 6 : i32
        %parallel_loop3A_1270 = arith.index_cast %parallel_loop3A_1268 : i32 to index
        %parallel_loop3A_1271 = arith.index_cast %parallel_loop3A_681 : i32 to index
        %parallel_loop3A_1272 = arith.index_cast %parallel_loop3A_1269 : i32 to index
        %parallel_loop3A_1273 = arith.constant 80 : index
        %parallel_loop3A_1274 = tpu.vector_load %arg7[%parallel_loop3A_1270, %parallel_loop3A_1271, %parallel_loop3A_1272, %parallel_loop3A_1273] {strides = array<i32>} : memref<2x32x8x128xf32, #tpu.memory_space<vmem>>, vector<1x1x1x16xf32>,
        %parallel_loop3A_1275 = vector.shape_cast %parallel_loop3A_1274 : vector<1x1x1x16xf32> to vector<16xf32>
        %parallel_loop3A_1276 = vector.shape_cast %parallel_loop3A_1267 : vector<16xf32> to vector<1x1x1x16xf32>
        tpu.vector_store %arg7[%parallel_loop3A_1270, %parallel_loop3A_1271, %parallel_loop3A_1272, %parallel_loop3A_1273], %parallel_loop3A_1276 {strides = array<i32>} : memref<2x32x8x128xf32, #tpu.memory_space<vmem>>, vector<1x1x1x16xf32>,
        %parallel_loop3A_1277 = arith.select %parallel_loop3A_1199, %get3A_336, %get3A_176 : vector<16xi1>, vector<16xf32>
        %parallel_loop3A_1278 = arith.select %parallel_loop3A_1196, %get3A_256, %parallel_loop3A_1277 : vector<16xi1>, vector<16xf32>
        %parallel_loop3A_1279 = arith.constant 0 : i32
        %parallel_loop3A_1280 = arith.constant 7 : i32
        %parallel_loop3A_1281 = arith.index_cast %parallel_loop3A_1279 : i32 to index
        %parallel_loop3A_1282 = arith.index_cast %parallel_loop3A_681 : i32 to index
        %parallel_loop3A_1283 = arith.index_cast %parallel_loop3A_1280 : i32 to index
        %parallel_loop3A_1284 = arith.constant 80 : index
        %parallel_loop3A_1285 = tpu.vector_load %arg7[%parallel_loop3A_1281, %parallel_loop3A_1282, %parallel_loop3A_1283, %parallel_loop3A_1284] {strides = array<i32>} : memref<2x32x8x128xf32, #tpu.memory_space<vmem>>, vector<1x1x1x16xf32>,
        %parallel_loop3A_1286 = vector.shape_cast %parallel_loop3A_1285 : vector<1x1x1x16xf32> to vector<16xf32>
        %parallel_loop3A_1287 = vector.shape_cast %parallel_loop3A_1278 : vector<16xf32> to vector<1x1x1x16xf32>
        tpu.vector_store %arg7[%parallel_loop3A_1281, %parallel_loop3A_1282, %parallel_loop3A_1283, %parallel_loop3A_1284], %parallel_loop3A_1287 {strides = array<i32>} : memref<2x32x8x128xf32, #tpu.memory_space<vmem>>, vector<1x1x1x16xf32>,
        %parallel_loop3A_1288 = arith.constant 128 : i32
        %parallel_loop3A_1289 = arith.muli %parallel_loop3A_681, %parallel_loop3A_1288 : i32
        %parallel_loop3A_1290 = arith.constant 96 : i32
        %parallel_loop3A_1291 = arith.addi %parallel_loop3A_1289, %parallel_loop3A_1290 : i32
        %parallel_loop3A_1292 = arith.index_cast %parallel_loop3A_1291 : i32 to index
        %parallel_loop3A_1293 = tpu.vector_load %arg5[%parallel_loop3A_1292] {strides = array<i32>} : memref<4096xi32, #tpu.memory_space<vmem>>, vector<16xi32>,
        %parallel_loop3A_1294 = vector.shape_cast %parallel_loop3A_1293 : vector<16xi32> to vector<16xi32>
        %parallel_loop3A_1295 = arith.constant 1 : i32
        %parallel_loop3A_1296 = vector.broadcast %parallel_loop3A_1295 : i32 to vector<16xi32>
        %parallel_loop3A_1297 = arith.cmpi eq, %parallel_loop3A_1294, %parallel_loop3A_1296 : vector<16xi32>
        %parallel_loop3A_1298 = arith.constant 2 : i32
        %parallel_loop3A_1299 = vector.broadcast %parallel_loop3A_1298 : i32 to vector<16xi32>
        %parallel_loop3A_1300 = arith.cmpi eq, %parallel_loop3A_1294, %parallel_loop3A_1299 : vector<16xi32>
        %parallel_loop3A_1301 = arith.select %parallel_loop3A_1300, %get3A_266, %get3A_106 : vector<16xi1>, vector<16xf32>
        %parallel_loop3A_1302 = arith.select %parallel_loop3A_1297, %get3A_186, %parallel_loop3A_1301 : vector<16xi1>, vector<16xf32>
        %parallel_loop3A_1303 = arith.constant 0 : i32
        %parallel_loop3A_1304 = arith.constant 0 : i32
        %parallel_loop3A_1305 = arith.index_cast %parallel_loop3A_1303 : i32 to index
        %parallel_loop3A_1306 = arith.index_cast %parallel_loop3A_681 : i32 to index
        %parallel_loop3A_1307 = arith.index_cast %parallel_loop3A_1304 : i32 to index
        %parallel_loop3A_1308 = arith.constant 96 : index
        %parallel_loop3A_1309 = tpu.vector_load %arg7[%parallel_loop3A_1305, %parallel_loop3A_1306, %parallel_loop3A_1307, %parallel_loop3A_1308] {strides = array<i32>} : memref<2x32x8x128xf32, #tpu.memory_space<vmem>>, vector<1x1x1x16xf32>,
        %parallel_loop3A_1310 = vector.shape_cast %parallel_loop3A_1309 : vector<1x1x1x16xf32> to vector<16xf32>
        %parallel_loop3A_1311 = vector.shape_cast %parallel_loop3A_1302 : vector<16xf32> to vector<1x1x1x16xf32>
        tpu.vector_store %arg7[%parallel_loop3A_1305, %parallel_loop3A_1306, %parallel_loop3A_1307, %parallel_loop3A_1308], %parallel_loop3A_1311 {strides = array<i32>} : memref<2x32x8x128xf32, #tpu.memory_space<vmem>>, vector<1x1x1x16xf32>,
        %parallel_loop3A_1312 = arith.select %parallel_loop3A_1300, %get3A_276, %get3A_116 : vector<16xi1>, vector<16xf32>
        %parallel_loop3A_1313 = arith.select %parallel_loop3A_1297, %get3A_196, %parallel_loop3A_1312 : vector<16xi1>, vector<16xf32>
        %parallel_loop3A_1314 = arith.constant 0 : i32
        %parallel_loop3A_1315 = arith.constant 1 : i32
        %parallel_loop3A_1316 = arith.index_cast %parallel_loop3A_1314 : i32 to index
        %parallel_loop3A_1317 = arith.index_cast %parallel_loop3A_681 : i32 to index
        %parallel_loop3A_1318 = arith.index_cast %parallel_loop3A_1315 : i32 to index
        %parallel_loop3A_1319 = arith.constant 96 : index
        %parallel_loop3A_1320 = tpu.vector_load %arg7[%parallel_loop3A_1316, %parallel_loop3A_1317, %parallel_loop3A_1318, %parallel_loop3A_1319] {strides = array<i32>} : memref<2x32x8x128xf32, #tpu.memory_space<vmem>>, vector<1x1x1x16xf32>,
        %parallel_loop3A_1321 = vector.shape_cast %parallel_loop3A_1320 : vector<1x1x1x16xf32> to vector<16xf32>
        %parallel_loop3A_1322 = vector.shape_cast %parallel_loop3A_1313 : vector<16xf32> to vector<1x1x1x16xf32>
        tpu.vector_store %arg7[%parallel_loop3A_1316, %parallel_loop3A_1317, %parallel_loop3A_1318, %parallel_loop3A_1319], %parallel_loop3A_1322 {strides = array<i32>} : memref<2x32x8x128xf32, #tpu.memory_space<vmem>>, vector<1x1x1x16xf32>,
        %parallel_loop3A_1323 = arith.select %parallel_loop3A_1300, %get3A_286, %get3A_126 : vector<16xi1>, vector<16xf32>
        %parallel_loop3A_1324 = arith.select %parallel_loop3A_1297, %get3A_206, %parallel_loop3A_1323 : vector<16xi1>, vector<16xf32>
        %parallel_loop3A_1325 = arith.constant 0 : i32
        %parallel_loop3A_1326 = arith.constant 2 : i32
        %parallel_loop3A_1327 = arith.index_cast %parallel_loop3A_1325 : i32 to index
        %parallel_loop3A_1328 = arith.index_cast %parallel_loop3A_681 : i32 to index
        %parallel_loop3A_1329 = arith.index_cast %parallel_loop3A_1326 : i32 to index
        %parallel_loop3A_1330 = arith.constant 96 : index
        %parallel_loop3A_1331 = tpu.vector_load %arg7[%parallel_loop3A_1327, %parallel_loop3A_1328, %parallel_loop3A_1329, %parallel_loop3A_1330] {strides = array<i32>} : memref<2x32x8x128xf32, #tpu.memory_space<vmem>>, vector<1x1x1x16xf32>,
        %parallel_loop3A_1332 = vector.shape_cast %parallel_loop3A_1331 : vector<1x1x1x16xf32> to vector<16xf32>
        %parallel_loop3A_1333 = vector.shape_cast %parallel_loop3A_1324 : vector<16xf32> to vector<1x1x1x16xf32>
        tpu.vector_store %arg7[%parallel_loop3A_1327, %parallel_loop3A_1328, %parallel_loop3A_1329, %parallel_loop3A_1330], %parallel_loop3A_1333 {strides = array<i32>} : memref<2x32x8x128xf32, #tpu.memory_space<vmem>>, vector<1x1x1x16xf32>,
        %parallel_loop3A_1334 = arith.select %parallel_loop3A_1300, %get3A_296, %get3A_136 : vector<16xi1>, vector<16xf32>
        %parallel_loop3A_1335 = arith.select %parallel_loop3A_1297, %get3A_216, %parallel_loop3A_1334 : vector<16xi1>, vector<16xf32>
        %parallel_loop3A_1336 = arith.constant 0 : i32
        %parallel_loop3A_1337 = arith.constant 3 : i32
        %parallel_loop3A_1338 = arith.index_cast %parallel_loop3A_1336 : i32 to index
        %parallel_loop3A_1339 = arith.index_cast %parallel_loop3A_681 : i32 to index
        %parallel_loop3A_1340 = arith.index_cast %parallel_loop3A_1337 : i32 to index
        %parallel_loop3A_1341 = arith.constant 96 : index
        %parallel_loop3A_1342 = tpu.vector_load %arg7[%parallel_loop3A_1338, %parallel_loop3A_1339, %parallel_loop3A_1340, %parallel_loop3A_1341] {strides = array<i32>} : memref<2x32x8x128xf32, #tpu.memory_space<vmem>>, vector<1x1x1x16xf32>,
        %parallel_loop3A_1343 = vector.shape_cast %parallel_loop3A_1342 : vector<1x1x1x16xf32> to vector<16xf32>
        %parallel_loop3A_1344 = vector.shape_cast %parallel_loop3A_1335 : vector<16xf32> to vector<1x1x1x16xf32>
        tpu.vector_store %arg7[%parallel_loop3A_1338, %parallel_loop3A_1339, %parallel_loop3A_1340, %parallel_loop3A_1341], %parallel_loop3A_1344 {strides = array<i32>} : memref<2x32x8x128xf32, #tpu.memory_space<vmem>>, vector<1x1x1x16xf32>,
        %parallel_loop3A_1345 = arith.select %parallel_loop3A_1300, %get3A_306, %get3A_146 : vector<16xi1>, vector<16xf32>
        %parallel_loop3A_1346 = arith.select %parallel_loop3A_1297, %get3A_226, %parallel_loop3A_1345 : vector<16xi1>, vector<16xf32>
        %parallel_loop3A_1347 = arith.constant 0 : i32
        %parallel_loop3A_1348 = arith.constant 4 : i32
        %parallel_loop3A_1349 = arith.index_cast %parallel_loop3A_1347 : i32 to index
        %parallel_loop3A_1350 = arith.index_cast %parallel_loop3A_681 : i32 to index
        %parallel_loop3A_1351 = arith.index_cast %parallel_loop3A_1348 : i32 to index
        %parallel_loop3A_1352 = arith.constant 96 : index
        %parallel_loop3A_1353 = tpu.vector_load %arg7[%parallel_loop3A_1349, %parallel_loop3A_1350, %parallel_loop3A_1351, %parallel_loop3A_1352] {strides = array<i32>} : memref<2x32x8x128xf32, #tpu.memory_space<vmem>>, vector<1x1x1x16xf32>,
        %parallel_loop3A_1354 = vector.shape_cast %parallel_loop3A_1353 : vector<1x1x1x16xf32> to vector<16xf32>
        %parallel_loop3A_1355 = vector.shape_cast %parallel_loop3A_1346 : vector<16xf32> to vector<1x1x1x16xf32>
        tpu.vector_store %arg7[%parallel_loop3A_1349, %parallel_loop3A_1350, %parallel_loop3A_1351, %parallel_loop3A_1352], %parallel_loop3A_1355 {strides = array<i32>} : memref<2x32x8x128xf32, #tpu.memory_space<vmem>>, vector<1x1x1x16xf32>,
        %parallel_loop3A_1356 = arith.select %parallel_loop3A_1300, %get3A_316, %get3A_156 : vector<16xi1>, vector<16xf32>
        %parallel_loop3A_1357 = arith.select %parallel_loop3A_1297, %get3A_236, %parallel_loop3A_1356 : vector<16xi1>, vector<16xf32>
        %parallel_loop3A_1358 = arith.constant 0 : i32
        %parallel_loop3A_1359 = arith.constant 5 : i32
        %parallel_loop3A_1360 = arith.index_cast %parallel_loop3A_1358 : i32 to index
        %parallel_loop3A_1361 = arith.index_cast %parallel_loop3A_681 : i32 to index
        %parallel_loop3A_1362 = arith.index_cast %parallel_loop3A_1359 : i32 to index
        %parallel_loop3A_1363 = arith.constant 96 : index
        %parallel_loop3A_1364 = tpu.vector_load %arg7[%parallel_loop3A_1360, %parallel_loop3A_1361, %parallel_loop3A_1362, %parallel_loop3A_1363] {strides = array<i32>} : memref<2x32x8x128xf32, #tpu.memory_space<vmem>>, vector<1x1x1x16xf32>,
        %parallel_loop3A_1365 = vector.shape_cast %parallel_loop3A_1364 : vector<1x1x1x16xf32> to vector<16xf32>
        %parallel_loop3A_1366 = vector.shape_cast %parallel_loop3A_1357 : vector<16xf32> to vector<1x1x1x16xf32>
        tpu.vector_store %arg7[%parallel_loop3A_1360, %parallel_loop3A_1361, %parallel_loop3A_1362, %parallel_loop3A_1363], %parallel_loop3A_1366 {strides = array<i32>} : memref<2x32x8x128xf32, #tpu.memory_space<vmem>>, vector<1x1x1x16xf32>,
        %parallel_loop3A_1367 = arith.select %parallel_loop3A_1300, %get3A_326, %get3A_166 : vector<16xi1>, vector<16xf32>
        %parallel_loop3A_1368 = arith.select %parallel_loop3A_1297, %get3A_246, %parallel_loop3A_1367 : vector<16xi1>, vector<16xf32>
        %parallel_loop3A_1369 = arith.constant 0 : i32
        %parallel_loop3A_1370 = arith.constant 6 : i32
        %parallel_loop3A_1371 = arith.index_cast %parallel_loop3A_1369 : i32 to index
        %parallel_loop3A_1372 = arith.index_cast %parallel_loop3A_681 : i32 to index
        %parallel_loop3A_1373 = arith.index_cast %parallel_loop3A_1370 : i32 to index
        %parallel_loop3A_1374 = arith.constant 96 : index
        %parallel_loop3A_1375 = tpu.vector_load %arg7[%parallel_loop3A_1371, %parallel_loop3A_1372, %parallel_loop3A_1373, %parallel_loop3A_1374] {strides = array<i32>} : memref<2x32x8x128xf32, #tpu.memory_space<vmem>>, vector<1x1x1x16xf32>,
        %parallel_loop3A_1376 = vector.shape_cast %parallel_loop3A_1375 : vector<1x1x1x16xf32> to vector<16xf32>
        %parallel_loop3A_1377 = vector.shape_cast %parallel_loop3A_1368 : vector<16xf32> to vector<1x1x1x16xf32>
        tpu.vector_store %arg7[%parallel_loop3A_1371, %parallel_loop3A_1372, %parallel_loop3A_1373, %parallel_loop3A_1374], %parallel_loop3A_1377 {strides = array<i32>} : memref<2x32x8x128xf32, #tpu.memory_space<vmem>>, vector<1x1x1x16xf32>,
        %parallel_loop3A_1378 = arith.select %parallel_loop3A_1300, %get3A_336, %get3A_176 : vector<16xi1>, vector<16xf32>
        %parallel_loop3A_1379 = arith.select %parallel_loop3A_1297, %get3A_256, %parallel_loop3A_1378 : vector<16xi1>, vector<16xf32>
        %parallel_loop3A_1380 = arith.constant 0 : i32
        %parallel_loop3A_1381 = arith.constant 7 : i32
        %parallel_loop3A_1382 = arith.index_cast %parallel_loop3A_1380 : i32 to index
        %parallel_loop3A_1383 = arith.index_cast %parallel_loop3A_681 : i32 to index
        %parallel_loop3A_1384 = arith.index_cast %parallel_loop3A_1381 : i32 to index
        %parallel_loop3A_1385 = arith.constant 96 : index
        %parallel_loop3A_1386 = tpu.vector_load %arg7[%parallel_loop3A_1382, %parallel_loop3A_1383, %parallel_loop3A_1384, %parallel_loop3A_1385] {strides = array<i32>} : memref<2x32x8x128xf32, #tpu.memory_space<vmem>>, vector<1x1x1x16xf32>,
        %parallel_loop3A_1387 = vector.shape_cast %parallel_loop3A_1386 : vector<1x1x1x16xf32> to vector<16xf32>
        %parallel_loop3A_1388 = vector.shape_cast %parallel_loop3A_1379 : vector<16xf32> to vector<1x1x1x16xf32>
        tpu.vector_store %arg7[%parallel_loop3A_1382, %parallel_loop3A_1383, %parallel_loop3A_1384, %parallel_loop3A_1385], %parallel_loop3A_1388 {strides = array<i32>} : memref<2x32x8x128xf32, #tpu.memory_space<vmem>>, vector<1x1x1x16xf32>,
        %parallel_loop3A_1389 = arith.constant 128 : i32
        %parallel_loop3A_1390 = arith.muli %parallel_loop3A_681, %parallel_loop3A_1389 : i32
        %parallel_loop3A_1391 = arith.constant 112 : i32
        %parallel_loop3A_1392 = arith.addi %parallel_loop3A_1390, %parallel_loop3A_1391 : i32
        %parallel_loop3A_1393 = arith.index_cast %parallel_loop3A_1392 : i32 to index
        %parallel_loop3A_1394 = tpu.vector_load %arg5[%parallel_loop3A_1393] {strides = array<i32>} : memref<4096xi32, #tpu.memory_space<vmem>>, vector<16xi32>,
        %parallel_loop3A_1395 = vector.shape_cast %parallel_loop3A_1394 : vector<16xi32> to vector<16xi32>
        %parallel_loop3A_1396 = arith.constant 1 : i32
        %parallel_loop3A_1397 = vector.broadcast %parallel_loop3A_1396 : i32 to vector<16xi32>
        %parallel_loop3A_1398 = arith.cmpi eq, %parallel_loop3A_1395, %parallel_loop3A_1397 : vector<16xi32>
        %parallel_loop3A_1399 = arith.constant 2 : i32
        %parallel_loop3A_1400 = vector.broadcast %parallel_loop3A_1399 : i32 to vector<16xi32>
        %parallel_loop3A_1401 = arith.cmpi eq, %parallel_loop3A_1395, %parallel_loop3A_1400 : vector<16xi32>
        %parallel_loop3A_1402 = arith.select %parallel_loop3A_1401, %get3A_266, %get3A_106 : vector<16xi1>, vector<16xf32>
        %parallel_loop3A_1403 = arith.select %parallel_loop3A_1398, %get3A_186, %parallel_loop3A_1402 : vector<16xi1>, vector<16xf32>
        %parallel_loop3A_1404 = arith.constant 0 : i32
        %parallel_loop3A_1405 = arith.constant 0 : i32
        %parallel_loop3A_1406 = arith.index_cast %parallel_loop3A_1404 : i32 to index
        %parallel_loop3A_1407 = arith.index_cast %parallel_loop3A_681 : i32 to index
        %parallel_loop3A_1408 = arith.index_cast %parallel_loop3A_1405 : i32 to index
        %parallel_loop3A_1409 = arith.constant 112 : index
        %parallel_loop3A_1410 = tpu.vector_load %arg7[%parallel_loop3A_1406, %parallel_loop3A_1407, %parallel_loop3A_1408, %parallel_loop3A_1409] {strides = array<i32>} : memref<2x32x8x128xf32, #tpu.memory_space<vmem>>, vector<1x1x1x16xf32>,
        %parallel_loop3A_1411 = vector.shape_cast %parallel_loop3A_1410 : vector<1x1x1x16xf32> to vector<16xf32>
        %parallel_loop3A_1412 = vector.shape_cast %parallel_loop3A_1403 : vector<16xf32> to vector<1x1x1x16xf32>
        tpu.vector_store %arg7[%parallel_loop3A_1406, %parallel_loop3A_1407, %parallel_loop3A_1408, %parallel_loop3A_1409], %parallel_loop3A_1412 {strides = array<i32>} : memref<2x32x8x128xf32, #tpu.memory_space<vmem>>, vector<1x1x1x16xf32>,
        %parallel_loop3A_1413 = arith.select %parallel_loop3A_1401, %get3A_276, %get3A_116 : vector<16xi1>, vector<16xf32>
        %parallel_loop3A_1414 = arith.select %parallel_loop3A_1398, %get3A_196, %parallel_loop3A_1413 : vector<16xi1>, vector<16xf32>
        %parallel_loop3A_1415 = arith.constant 0 : i32
        %parallel_loop3A_1416 = arith.constant 1 : i32
        %parallel_loop3A_1417 = arith.index_cast %parallel_loop3A_1415 : i32 to index
        %parallel_loop3A_1418 = arith.index_cast %parallel_loop3A_681 : i32 to index
        %parallel_loop3A_1419 = arith.index_cast %parallel_loop3A_1416 : i32 to index
        %parallel_loop3A_1420 = arith.constant 112 : index
        %parallel_loop3A_1421 = tpu.vector_load %arg7[%parallel_loop3A_1417, %parallel_loop3A_1418, %parallel_loop3A_1419, %parallel_loop3A_1420] {strides = array<i32>} : memref<2x32x8x128xf32, #tpu.memory_space<vmem>>, vector<1x1x1x16xf32>,
        %parallel_loop3A_1422 = vector.shape_cast %parallel_loop3A_1421 : vector<1x1x1x16xf32> to vector<16xf32>
        %parallel_loop3A_1423 = vector.shape_cast %parallel_loop3A_1414 : vector<16xf32> to vector<1x1x1x16xf32>
        tpu.vector_store %arg7[%parallel_loop3A_1417, %parallel_loop3A_1418, %parallel_loop3A_1419, %parallel_loop3A_1420], %parallel_loop3A_1423 {strides = array<i32>} : memref<2x32x8x128xf32, #tpu.memory_space<vmem>>, vector<1x1x1x16xf32>,
        %parallel_loop3A_1424 = arith.select %parallel_loop3A_1401, %get3A_286, %get3A_126 : vector<16xi1>, vector<16xf32>
        %parallel_loop3A_1425 = arith.select %parallel_loop3A_1398, %get3A_206, %parallel_loop3A_1424 : vector<16xi1>, vector<16xf32>
        %parallel_loop3A_1426 = arith.constant 0 : i32
        %parallel_loop3A_1427 = arith.constant 2 : i32
        %parallel_loop3A_1428 = arith.index_cast %parallel_loop3A_1426 : i32 to index
        %parallel_loop3A_1429 = arith.index_cast %parallel_loop3A_681 : i32 to index
        %parallel_loop3A_1430 = arith.index_cast %parallel_loop3A_1427 : i32 to index
        %parallel_loop3A_1431 = arith.constant 112 : index
        %parallel_loop3A_1432 = tpu.vector_load %arg7[%parallel_loop3A_1428, %parallel_loop3A_1429, %parallel_loop3A_1430, %parallel_loop3A_1431] {strides = array<i32>} : memref<2x32x8x128xf32, #tpu.memory_space<vmem>>, vector<1x1x1x16xf32>,
        %parallel_loop3A_1433 = vector.shape_cast %parallel_loop3A_1432 : vector<1x1x1x16xf32> to vector<16xf32>
        %parallel_loop3A_1434 = vector.shape_cast %parallel_loop3A_1425 : vector<16xf32> to vector<1x1x1x16xf32>
        tpu.vector_store %arg7[%parallel_loop3A_1428, %parallel_loop3A_1429, %parallel_loop3A_1430, %parallel_loop3A_1431], %parallel_loop3A_1434 {strides = array<i32>} : memref<2x32x8x128xf32, #tpu.memory_space<vmem>>, vector<1x1x1x16xf32>,
        %parallel_loop3A_1435 = arith.select %parallel_loop3A_1401, %get3A_296, %get3A_136 : vector<16xi1>, vector<16xf32>
        %parallel_loop3A_1436 = arith.select %parallel_loop3A_1398, %get3A_216, %parallel_loop3A_1435 : vector<16xi1>, vector<16xf32>
        %parallel_loop3A_1437 = arith.constant 0 : i32
        %parallel_loop3A_1438 = arith.constant 3 : i32
        %parallel_loop3A_1439 = arith.index_cast %parallel_loop3A_1437 : i32 to index
        %parallel_loop3A_1440 = arith.index_cast %parallel_loop3A_681 : i32 to index
        %parallel_loop3A_1441 = arith.index_cast %parallel_loop3A_1438 : i32 to index
        %parallel_loop3A_1442 = arith.constant 112 : index
        %parallel_loop3A_1443 = tpu.vector_load %arg7[%parallel_loop3A_1439, %parallel_loop3A_1440, %parallel_loop3A_1441, %parallel_loop3A_1442] {strides = array<i32>} : memref<2x32x8x128xf32, #tpu.memory_space<vmem>>, vector<1x1x1x16xf32>,
        %parallel_loop3A_1444 = vector.shape_cast %parallel_loop3A_1443 : vector<1x1x1x16xf32> to vector<16xf32>
        %parallel_loop3A_1445 = vector.shape_cast %parallel_loop3A_1436 : vector<16xf32> to vector<1x1x1x16xf32>
        tpu.vector_store %arg7[%parallel_loop3A_1439, %parallel_loop3A_1440, %parallel_loop3A_1441, %parallel_loop3A_1442], %parallel_loop3A_1445 {strides = array<i32>} : memref<2x32x8x128xf32, #tpu.memory_space<vmem>>, vector<1x1x1x16xf32>,
        %parallel_loop3A_1446 = arith.select %parallel_loop3A_1401, %get3A_306, %get3A_146 : vector<16xi1>, vector<16xf32>
        %parallel_loop3A_1447 = arith.select %parallel_loop3A_1398, %get3A_226, %parallel_loop3A_1446 : vector<16xi1>, vector<16xf32>
        %parallel_loop3A_1448 = arith.constant 0 : i32
        %parallel_loop3A_1449 = arith.constant 4 : i32
        %parallel_loop3A_1450 = arith.index_cast %parallel_loop3A_1448 : i32 to index
        %parallel_loop3A_1451 = arith.index_cast %parallel_loop3A_681 : i32 to index
        %parallel_loop3A_1452 = arith.index_cast %parallel_loop3A_1449 : i32 to index
        %parallel_loop3A_1453 = arith.constant 112 : index
        %parallel_loop3A_1454 = tpu.vector_load %arg7[%parallel_loop3A_1450, %parallel_loop3A_1451, %parallel_loop3A_1452, %parallel_loop3A_1453] {strides = array<i32>} : memref<2x32x8x128xf32, #tpu.memory_space<vmem>>, vector<1x1x1x16xf32>,
        %parallel_loop3A_1455 = vector.shape_cast %parallel_loop3A_1454 : vector<1x1x1x16xf32> to vector<16xf32>
        %parallel_loop3A_1456 = vector.shape_cast %parallel_loop3A_1447 : vector<16xf32> to vector<1x1x1x16xf32>
        tpu.vector_store %arg7[%parallel_loop3A_1450, %parallel_loop3A_1451, %parallel_loop3A_1452, %parallel_loop3A_1453], %parallel_loop3A_1456 {strides = array<i32>} : memref<2x32x8x128xf32, #tpu.memory_space<vmem>>, vector<1x1x1x16xf32>,
        %parallel_loop3A_1457 = arith.select %parallel_loop3A_1401, %get3A_316, %get3A_156 : vector<16xi1>, vector<16xf32>
        %parallel_loop3A_1458 = arith.select %parallel_loop3A_1398, %get3A_236, %parallel_loop3A_1457 : vector<16xi1>, vector<16xf32>
        %parallel_loop3A_1459 = arith.constant 0 : i32
        %parallel_loop3A_1460 = arith.constant 5 : i32
        %parallel_loop3A_1461 = arith.index_cast %parallel_loop3A_1459 : i32 to index
        %parallel_loop3A_1462 = arith.index_cast %parallel_loop3A_681 : i32 to index
        %parallel_loop3A_1463 = arith.index_cast %parallel_loop3A_1460 : i32 to index
        %parallel_loop3A_1464 = arith.constant 112 : index
        %parallel_loop3A_1465 = tpu.vector_load %arg7[%parallel_loop3A_1461, %parallel_loop3A_1462, %parallel_loop3A_1463, %parallel_loop3A_1464] {strides = array<i32>} : memref<2x32x8x128xf32, #tpu.memory_space<vmem>>, vector<1x1x1x16xf32>,
        %parallel_loop3A_1466 = vector.shape_cast %parallel_loop3A_1465 : vector<1x1x1x16xf32> to vector<16xf32>
        %parallel_loop3A_1467 = vector.shape_cast %parallel_loop3A_1458 : vector<16xf32> to vector<1x1x1x16xf32>
        tpu.vector_store %arg7[%parallel_loop3A_1461, %parallel_loop3A_1462, %parallel_loop3A_1463, %parallel_loop3A_1464], %parallel_loop3A_1467 {strides = array<i32>} : memref<2x32x8x128xf32, #tpu.memory_space<vmem>>, vector<1x1x1x16xf32>,
        %parallel_loop3A_1468 = arith.select %parallel_loop3A_1401, %get3A_326, %get3A_166 : vector<16xi1>, vector<16xf32>
        %parallel_loop3A_1469 = arith.select %parallel_loop3A_1398, %get3A_246, %parallel_loop3A_1468 : vector<16xi1>, vector<16xf32>
        %parallel_loop3A_1470 = arith.constant 0 : i32
        %parallel_loop3A_1471 = arith.constant 6 : i32
        %parallel_loop3A_1472 = arith.index_cast %parallel_loop3A_1470 : i32 to index
        %parallel_loop3A_1473 = arith.index_cast %parallel_loop3A_681 : i32 to index
        %parallel_loop3A_1474 = arith.index_cast %parallel_loop3A_1471 : i32 to index
        %parallel_loop3A_1475 = arith.constant 112 : index
        %parallel_loop3A_1476 = tpu.vector_load %arg7[%parallel_loop3A_1472, %parallel_loop3A_1473, %parallel_loop3A_1474, %parallel_loop3A_1475] {strides = array<i32>} : memref<2x32x8x128xf32, #tpu.memory_space<vmem>>, vector<1x1x1x16xf32>,
        %parallel_loop3A_1477 = vector.shape_cast %parallel_loop3A_1476 : vector<1x1x1x16xf32> to vector<16xf32>
        %parallel_loop3A_1478 = vector.shape_cast %parallel_loop3A_1469 : vector<16xf32> to vector<1x1x1x16xf32>
        tpu.vector_store %arg7[%parallel_loop3A_1472, %parallel_loop3A_1473, %parallel_loop3A_1474, %parallel_loop3A_1475], %parallel_loop3A_1478 {strides = array<i32>} : memref<2x32x8x128xf32, #tpu.memory_space<vmem>>, vector<1x1x1x16xf32>,
        %parallel_loop3A_1479 = arith.select %parallel_loop3A_1401, %get3A_336, %get3A_176 : vector<16xi1>, vector<16xf32>
        %parallel_loop3A_1480 = arith.select %parallel_loop3A_1398, %get3A_256, %parallel_loop3A_1479 : vector<16xi1>, vector<16xf32>
        %parallel_loop3A_1481 = arith.constant 0 : i32
        %parallel_loop3A_1482 = arith.constant 7 : i32
        %parallel_loop3A_1483 = arith.index_cast %parallel_loop3A_1481 : i32 to index
        %parallel_loop3A_1484 = arith.index_cast %parallel_loop3A_681 : i32 to index
        %parallel_loop3A_1485 = arith.index_cast %parallel_loop3A_1482 : i32 to index
        %parallel_loop3A_1486 = arith.constant 112 : index
        %parallel_loop3A_1487 = tpu.vector_load %arg7[%parallel_loop3A_1483, %parallel_loop3A_1484, %parallel_loop3A_1485, %parallel_loop3A_1486] {strides = array<i32>} : memref<2x32x8x128xf32, #tpu.memory_space<vmem>>, vector<1x1x1x16xf32>,
        %parallel_loop3A_1488 = vector.shape_cast %parallel_loop3A_1487 : vector<1x1x1x16xf32> to vector<16xf32>
        %parallel_loop3A_1489 = vector.shape_cast %parallel_loop3A_1480 : vector<16xf32> to vector<1x1x1x16xf32>
        tpu.vector_store %arg7[%parallel_loop3A_1483, %parallel_loop3A_1484, %parallel_loop3A_1485, %parallel_loop3A_1486], %parallel_loop3A_1489 {strides = array<i32>} : memref<2x32x8x128xf32, #tpu.memory_space<vmem>>, vector<1x1x1x16xf32>,
      } {sc.loop_unroll_factor = 2 : i64, sc.parallel_access}
      %dma_start3A = arith.constant 0 : i32
      %dma_start3A_339 = arith.constant 0 : i32
      %dma_start3A_340 = arith.constant 0 : i32
      %dma_start3A_341 = arith.constant 0 : i32
      %dma_start3A_342 = tpu.memref_slice %arg7[%dma_start3A, %dma_start3A_339, %dma_start3A_340, %dma_start3A_341] : memref<2x32x8x128xf32, #tpu.memory_space<vmem>> -> memref<1x32x8x128xf32, #tpu.memory_space<vmem>>
      %dma_start3A_343 = tpu.memref_squeeze %dma_start3A_342 : memref<1x32x8x128xf32, #tpu.memory_space<vmem>> -> memref<32x8x128xf32, #tpu.memory_space<vmem>>
      %dma_start3A_344 = arith.constant 0 : i32
      %dma_start3A_345 = arith.constant 0 : i32
      %dma_start3A_346 = arith.constant 0 : i32
      %dma_start3A_347 = tpu.memref_slice %arg4[%select_n3A, %select_n3A_90, %dma_start3A_344, %dma_start3A_345, %dma_start3A_346] : memref<200x8x32x8x128xf32, #tpu.memory_space<hbm>> -> memref<1x1x32x8x128xf32, #tpu.memory_space<hbm>>
      %dma_start3A_348 = tpu.memref_squeeze %dma_start3A_347 : memref<1x1x32x8x128xf32, #tpu.memory_space<hbm>> -> memref<32x8x128xf32, #tpu.memory_space<hbm>>
      %dma_start3A_349 = arith.constant 0 : i32
      %dma_start3A_350 = arith.constant 0 : i32
      %dma_start3A_351 = arith.constant 0 : i32
      %dma_start3A_352 = tpu.memref_slice %arg4[%select_n3A, %select_n3A_90, %dma_start3A_349, %dma_start3A_350, %dma_start3A_351] : memref<200x8x32x8x128xf32, #tpu.memory_space<hbm>> -> memref<1x1x32x8x128xf32, #tpu.memory_space<hbm>>
      %dma_start3A_353 = tpu.memref_squeeze %dma_start3A_352 : memref<1x1x32x8x128xf32, #tpu.memory_space<hbm>> -> memref<32x8x128xf32, #tpu.memory_space<hbm>>
      %dma_start3A_354 = arith.constant 0 : i32
      %dma_start3A_355 = arith.constant 0 : i32
      %dma_start3A_356 = arith.constant 0 : i32
      %dma_start3A_357 = tpu.memref_slice %arg7[%dma_start3A, %dma_start3A_354, %dma_start3A_355, %dma_start3A_356] : memref<2x32x8x128xf32, #tpu.memory_space<vmem>> -> memref<1x32x8x128xf32, #tpu.memory_space<vmem>>
      %dma_start3A_358 = tpu.memref_squeeze %dma_start3A_357 : memref<1x32x8x128xf32, #tpu.memory_space<vmem>> -> memref<32x8x128xf32, #tpu.memory_space<vmem>>
      tpu.enqueue_dma source(%dma_start3A_358 : memref<32x8x128xf32, #tpu.memory_space<vmem>>) target(%dma_start3A_353 : memref<32x8x128xf32, #tpu.memory_space<hbm>>) target_semaphore(%arg8 : memref<!tpu.dma_semaphore, #tpu.memory_space<semaphore_mem>>)
      %mul3A_359 = arith.constant 2 : i32
      %mul3A_360 = arith.muli %scan3A_53, %mul3A_359 : i32
      %add3A_361 = arith.constant 1 : i32
      %add3A_362 = arith.addi %mul3A_360, %add3A_361 : i32
      %ge3A_363 = arith.constant 2 : i32
      %ge3A_364 = arith.cmpi sge, %add3A_362, %ge3A_363 : i32
      %convert_element_type3A_365 = arith.extui %ge3A_364 : i1 to i32
      %cond3A_366 = arith.constant 0 : i32
      %cond3A_367 = arith.cmpi ne, %convert_element_type3A_365, %cond3A_366 : i32
      scf.if %cond3A_367 {
        %dma_wait3A_681 = arith.constant 1 : i32
        %dma_wait3A_682 = arith.constant 0 : i32
        %dma_wait3A_683 = arith.constant 0 : i32
        %dma_wait3A_684 = arith.constant 0 : i32
        %dma_wait3A_685 = arith.constant 0 : i32
        %dma_wait3A_686 = arith.constant 0 : i32
        %dma_wait3A_687 = tpu.memref_slice %arg7[%dma_wait3A_681, %dma_wait3A_684, %dma_wait3A_685, %dma_wait3A_686] : memref<2x32x8x128xf32, #tpu.memory_space<vmem>> -> memref<1x32x8x128xf32, #tpu.memory_space<vmem>>
        %dma_wait3A_688 = tpu.memref_squeeze %dma_wait3A_687 : memref<1x32x8x128xf32, #tpu.memory_space<vmem>> -> memref<32x8x128xf32, #tpu.memory_space<vmem>>
        %dma_wait3A_689 = arith.constant 0 : i32
        %dma_wait3A_690 = arith.constant 0 : i32
        %dma_wait3A_691 = arith.constant 0 : i32
        %dma_wait3A_692 = tpu.memref_slice %arg4[%dma_wait3A_682, %dma_wait3A_683, %dma_wait3A_689, %dma_wait3A_690, %dma_wait3A_691] : memref<200x8x32x8x128xf32, #tpu.memory_space<hbm>> -> memref<1x1x32x8x128xf32, #tpu.memory_space<hbm>>
        %dma_wait3A_693 = tpu.memref_squeeze %dma_wait3A_692 : memref<1x1x32x8x128xf32, #tpu.memory_space<hbm>> -> memref<32x8x128xf32, #tpu.memory_space<hbm>>
        %dma_wait3A_694 = arith.constant 0 : i32
        %dma_wait3A_695 = arith.constant 0 : i32
        %dma_wait3A_696 = arith.constant 0 : i32
        %dma_wait3A_697 = tpu.memref_slice %arg4[%dma_wait3A_682, %dma_wait3A_683, %dma_wait3A_694, %dma_wait3A_695, %dma_wait3A_696] : memref<200x8x32x8x128xf32, #tpu.memory_space<hbm>> -> memref<1x1x32x8x128xf32, #tpu.memory_space<hbm>>
        %dma_wait3A_698 = tpu.memref_squeeze %dma_wait3A_697 : memref<1x1x32x8x128xf32, #tpu.memory_space<hbm>> -> memref<32x8x128xf32, #tpu.memory_space<hbm>>
        %dma_wait3A_699 = arith.constant 0 : i32
        %dma_wait3A_700 = arith.constant 0 : i32
        %dma_wait3A_701 = arith.constant 0 : i32
        %dma_wait3A_702 = tpu.memref_slice %arg7[%dma_wait3A_681, %dma_wait3A_699, %dma_wait3A_700, %dma_wait3A_701] : memref<2x32x8x128xf32, #tpu.memory_space<vmem>> -> memref<1x32x8x128xf32, #tpu.memory_space<vmem>>
        %dma_wait3A_703 = tpu.memref_squeeze %dma_wait3A_702 : memref<1x32x8x128xf32, #tpu.memory_space<vmem>> -> memref<32x8x128xf32, #tpu.memory_space<vmem>>
        tpu.wait_dma2 semaphore(%arg8 : memref<!tpu.dma_semaphore, #tpu.memory_space<semaphore_mem>>) src(%dma_wait3A_703 : memref<32x8x128xf32, #tpu.memory_space<vmem>>) dst(%dma_wait3A_698 : memref<32x8x128xf32, #tpu.memory_space<hbm>>)
      } else {
      }
      %add3A_368 = arith.addi %mul3A_2, %add3A_362 : i32
      %jit3A_369 = arith.constant 8 : i32
      %div3A_370 = arith.divsi %add3A_368, %jit3A_369 : i32
      %sign3A_371 = arith.constant 0 : i32
      %sign3A_372 = arith.cmpi sgt, %add3A_368, %sign3A_371 : i32
      %sign3A_373 = arith.extui %sign3A_372 : i1 to i32
      %sign3A_374 = arith.constant 0 : i32
      %sign3A_375 = arith.cmpi slt, %add3A_368, %sign3A_374 : i32
      %sign3A_376 = arith.extui %sign3A_375 : i1 to i32
      %sign3A_377 = arith.subi %sign3A_373, %sign3A_376 : i32
      %sign3A_378 = arith.constant 0 : i32
      %sign3A_379 = arith.cmpi sgt, %jit3A_369, %sign3A_378 : i32
      %sign3A_380 = arith.extui %sign3A_379 : i1 to i32
      %sign3A_381 = arith.constant 0 : i32
      %sign3A_382 = arith.cmpi slt, %jit3A_369, %sign3A_381 : i32
      %sign3A_383 = arith.extui %sign3A_382 : i1 to i32
      %sign3A_384 = arith.subi %sign3A_380, %sign3A_383 : i32
      %ne3A_385 = arith.cmpi ne, %sign3A_377, %sign3A_384 : i32
      %rem3A_386 = arith.remsi %add3A_368, %jit3A_369 : i32
      %ne3A_387 = arith.constant 0 : i32
      %ne3A_388 = arith.cmpi ne, %rem3A_386, %ne3A_387 : i32
      %and3A_389 = arith.andi %ne3A_385, %ne3A_388 : i1
      %sub3A_390 = arith.constant 1 : i32
      %sub3A_391 = arith.subi %div3A_370, %sub3A_390 : i32
      %select_n3A_392 = arith.select %and3A_389, %sub3A_391, %div3A_370 : i32
      %jit3A_393 = arith.constant 8 : i32
      %eq3A_394 = arith.constant 0 : i32
      %eq3A_395 = arith.cmpi eq, %jit3A_393, %eq3A_394 : i32
      %jit3A_396 = arith.constant 1 : i32
      %select_n3A_397 = arith.select %eq3A_395, %jit3A_396, %jit3A_393 : i32
      %rem3A_398 = arith.remsi %add3A_368, %select_n3A_397 : i32
      %ne3A_399 = arith.constant 0 : i32
      %ne3A_400 = arith.cmpi ne, %rem3A_398, %ne3A_399 : i32
      %lt3A_401 = arith.constant 0 : i32
      %lt3A_402 = arith.cmpi slt, %rem3A_398, %lt3A_401 : i32
      %lt3A_403 = arith.constant 0 : i32
      %lt3A_404 = arith.cmpi slt, %select_n3A_397, %lt3A_403 : i32
      %ne3A_405 = arith.xori %lt3A_402, %lt3A_404 : i1
      %and3A_406 = arith.andi %ne3A_405, %ne3A_400 : i1
      %add3A_407 = arith.addi %rem3A_398, %select_n3A_397 : i32
      %select_n3A_408 = arith.select %and3A_406, %add3A_407, %rem3A_398 : i32
      %eq3A_409 = arith.constant 0 : i32
      %eq3A_410 = arith.cmpi eq, %add3A_362, %eq3A_409 : i32
      %eq3A_411 = arith.constant 0 : i32
      %eq3A_412 = arith.cmpi eq, %select_n3A_408, %eq3A_411 : i32
      %or3A_413 = arith.ori %eq3A_410, %eq3A_412 : i1
      %convert_element_type3A_414 = arith.extui %or3A_413 : i1 to i32
      %cond3A_415 = arith.constant 0 : i32
      %cond3A_416 = arith.cmpi ne, %convert_element_type3A_414, %cond3A_415 : i32
      scf.if %cond3A_416 {
        "tpu.region"() ({
          %run_scoped3A = tpu.sem_alloc : memref<!tpu.dma_semaphore, #tpu.memory_space<semaphore_mem>>
          %dma_start3A_681 = arith.constant 0 : i32
          %dma_start3A_682 = tpu.memref_slice %arg2[%select_n3A_392, %dma_start3A_681] : memref<200x4096xi32, #tpu.memory_space<hbm>> -> memref<1x4096xi32, #tpu.memory_space<hbm>>
          %dma_start3A_683 = tpu.memref_squeeze %dma_start3A_682 : memref<1x4096xi32, #tpu.memory_space<hbm>> -> memref<4096xi32, #tpu.memory_space<hbm>>
          %dma_start3A_684 = arith.constant 0 : i32
          %dma_start3A_685 = tpu.memref_slice %arg2[%select_n3A_392, %dma_start3A_684] : memref<200x4096xi32, #tpu.memory_space<hbm>> -> memref<1x4096xi32, #tpu.memory_space<hbm>>
          %dma_start3A_686 = tpu.memref_squeeze %dma_start3A_685 : memref<1x4096xi32, #tpu.memory_space<hbm>> -> memref<4096xi32, #tpu.memory_space<hbm>>
          tpu.enqueue_dma source(%dma_start3A_686 : memref<4096xi32, #tpu.memory_space<hbm>>) target(%arg5 : memref<4096xi32, #tpu.memory_space<vmem>>) target_semaphore(%run_scoped3A : memref<!tpu.dma_semaphore, #tpu.memory_space<semaphore_mem>>)
          %dma_wait3A_687 = arith.constant 0 : i32
          %dma_wait3A_688 = tpu.memref_slice %arg2[%select_n3A_392, %dma_wait3A_687] : memref<200x4096xi32, #tpu.memory_space<hbm>> -> memref<1x4096xi32, #tpu.memory_space<hbm>>
          %dma_wait3A_689 = tpu.memref_squeeze %dma_wait3A_688 : memref<1x4096xi32, #tpu.memory_space<hbm>> -> memref<4096xi32, #tpu.memory_space<hbm>>
          %dma_wait3A_690 = arith.constant 0 : i32
          %dma_wait3A_691 = tpu.memref_slice %arg2[%select_n3A_392, %dma_wait3A_690] : memref<200x4096xi32, #tpu.memory_space<hbm>> -> memref<1x4096xi32, #tpu.memory_space<hbm>>
          %dma_wait3A_692 = tpu.memref_squeeze %dma_wait3A_691 : memref<1x4096xi32, #tpu.memory_space<hbm>> -> memref<4096xi32, #tpu.memory_space<hbm>>
          tpu.wait_dma2 semaphore(%run_scoped3A : memref<!tpu.dma_semaphore, #tpu.memory_space<semaphore_mem>>) src(%dma_wait3A_692 : memref<4096xi32, #tpu.memory_space<hbm>>) dst(%arg5 : memref<4096xi32, #tpu.memory_space<vmem>>)
          tpu.yield
        }) : () -> ()
      } else {
      }
      %mul3A_417 = arith.constant 8 : i32
      %mul3A_418 = arith.muli %select_n3A_408, %mul3A_417 : i32
      %add3A_419 = arith.constant 0 : i32
      %add3A_420 = arith.addi %mul3A_418, %add3A_419 : i32
      %get3A_421 = arith.constant 0 : i32
      %get3A_422 = arith.index_cast %get3A_421 : i32 to index
      %get3A_423 = arith.index_cast %add3A_420 : i32 to index
      %get3A_424 = arith.constant 0 : index
      %get3A_425 = tpu.vector_load %arg6[%get3A_422, %get3A_423, %get3A_424] {strides = array<i32>} : memref<3x64x16xf32, #tpu.memory_space<vmem>>, vector<1x1x16xf32>,
      %get3A_426 = vector.shape_cast %get3A_425 : vector<1x1x16xf32> to vector<16xf32>
      %mul3A_427 = arith.constant 8 : i32
      %mul3A_428 = arith.muli %select_n3A_408, %mul3A_427 : i32
      %add3A_429 = arith.constant 1 : i32
      %add3A_430 = arith.addi %mul3A_428, %add3A_429 : i32
      %get3A_431 = arith.constant 0 : i32
      %get3A_432 = arith.index_cast %get3A_431 : i32 to index
      %get3A_433 = arith.index_cast %add3A_430 : i32 to index
      %get3A_434 = arith.constant 0 : index
      %get3A_435 = tpu.vector_load %arg6[%get3A_432, %get3A_433, %get3A_434] {strides = array<i32>} : memref<3x64x16xf32, #tpu.memory_space<vmem>>, vector<1x1x16xf32>,
      %get3A_436 = vector.shape_cast %get3A_435 : vector<1x1x16xf32> to vector<16xf32>
      %mul3A_437 = arith.constant 8 : i32
      %mul3A_438 = arith.muli %select_n3A_408, %mul3A_437 : i32
      %add3A_439 = arith.constant 2 : i32
      %add3A_440 = arith.addi %mul3A_438, %add3A_439 : i32
      %get3A_441 = arith.constant 0 : i32
      %get3A_442 = arith.index_cast %get3A_441 : i32 to index
      %get3A_443 = arith.index_cast %add3A_440 : i32 to index
      %get3A_444 = arith.constant 0 : index
      %get3A_445 = tpu.vector_load %arg6[%get3A_442, %get3A_443, %get3A_444] {strides = array<i32>} : memref<3x64x16xf32, #tpu.memory_space<vmem>>, vector<1x1x16xf32>,
      %get3A_446 = vector.shape_cast %get3A_445 : vector<1x1x16xf32> to vector<16xf32>
      %mul3A_447 = arith.constant 8 : i32
      %mul3A_448 = arith.muli %select_n3A_408, %mul3A_447 : i32
      %add3A_449 = arith.constant 3 : i32
      %add3A_450 = arith.addi %mul3A_448, %add3A_449 : i32
      %get3A_451 = arith.constant 0 : i32
      %get3A_452 = arith.index_cast %get3A_451 : i32 to index
      %get3A_453 = arith.index_cast %add3A_450 : i32 to index
      %get3A_454 = arith.constant 0 : index
      %get3A_455 = tpu.vector_load %arg6[%get3A_452, %get3A_453, %get3A_454] {strides = array<i32>} : memref<3x64x16xf32, #tpu.memory_space<vmem>>, vector<1x1x16xf32>,
      %get3A_456 = vector.shape_cast %get3A_455 : vector<1x1x16xf32> to vector<16xf32>
      %mul3A_457 = arith.constant 8 : i32
      %mul3A_458 = arith.muli %select_n3A_408, %mul3A_457 : i32
      %add3A_459 = arith.constant 4 : i32
      %add3A_460 = arith.addi %mul3A_458, %add3A_459 : i32
      %get3A_461 = arith.constant 0 : i32
      %get3A_462 = arith.index_cast %get3A_461 : i32 to index
      %get3A_463 = arith.index_cast %add3A_460 : i32 to index
      %get3A_464 = arith.constant 0 : index
      %get3A_465 = tpu.vector_load %arg6[%get3A_462, %get3A_463, %get3A_464] {strides = array<i32>} : memref<3x64x16xf32, #tpu.memory_space<vmem>>, vector<1x1x16xf32>,
      %get3A_466 = vector.shape_cast %get3A_465 : vector<1x1x16xf32> to vector<16xf32>
      %mul3A_467 = arith.constant 8 : i32
      %mul3A_468 = arith.muli %select_n3A_408, %mul3A_467 : i32
      %add3A_469 = arith.constant 5 : i32
      %add3A_470 = arith.addi %mul3A_468, %add3A_469 : i32
      %get3A_471 = arith.constant 0 : i32
      %get3A_472 = arith.index_cast %get3A_471 : i32 to index
      %get3A_473 = arith.index_cast %add3A_470 : i32 to index
      %get3A_474 = arith.constant 0 : index
      %get3A_475 = tpu.vector_load %arg6[%get3A_472, %get3A_473, %get3A_474] {strides = array<i32>} : memref<3x64x16xf32, #tpu.memory_space<vmem>>, vector<1x1x16xf32>,
      %get3A_476 = vector.shape_cast %get3A_475 : vector<1x1x16xf32> to vector<16xf32>
      %mul3A_477 = arith.constant 8 : i32
      %mul3A_478 = arith.muli %select_n3A_408, %mul3A_477 : i32
      %add3A_479 = arith.constant 6 : i32
      %add3A_480 = arith.addi %mul3A_478, %add3A_479 : i32
      %get3A_481 = arith.constant 0 : i32
      %get3A_482 = arith.index_cast %get3A_481 : i32 to index
      %get3A_483 = arith.index_cast %add3A_480 : i32 to index
      %get3A_484 = arith.constant 0 : index
      %get3A_485 = tpu.vector_load %arg6[%get3A_482, %get3A_483, %get3A_484] {strides = array<i32>} : memref<3x64x16xf32, #tpu.memory_space<vmem>>, vector<1x1x16xf32>,
      %get3A_486 = vector.shape_cast %get3A_485 : vector<1x1x16xf32> to vector<16xf32>
      %mul3A_487 = arith.constant 8 : i32
      %mul3A_488 = arith.muli %select_n3A_408, %mul3A_487 : i32
      %add3A_489 = arith.constant 7 : i32
      %add3A_490 = arith.addi %mul3A_488, %add3A_489 : i32
      %get3A_491 = arith.constant 0 : i32
      %get3A_492 = arith.index_cast %get3A_491 : i32 to index
      %get3A_493 = arith.index_cast %add3A_490 : i32 to index
      %get3A_494 = arith.constant 0 : index
      %get3A_495 = tpu.vector_load %arg6[%get3A_492, %get3A_493, %get3A_494] {strides = array<i32>} : memref<3x64x16xf32, #tpu.memory_space<vmem>>, vector<1x1x16xf32>,
      %get3A_496 = vector.shape_cast %get3A_495 : vector<1x1x16xf32> to vector<16xf32>
      %mul3A_497 = arith.constant 8 : i32
      %mul3A_498 = arith.muli %select_n3A_408, %mul3A_497 : i32
      %add3A_499 = arith.constant 0 : i32
      %add3A_500 = arith.addi %mul3A_498, %add3A_499 : i32
      %get3A_501 = arith.constant 1 : i32
      %get3A_502 = arith.index_cast %get3A_501 : i32 to index
      %get3A_503 = arith.index_cast %add3A_500 : i32 to index
      %get3A_504 = arith.constant 0 : index
      %get3A_505 = tpu.vector_load %arg6[%get3A_502, %get3A_503, %get3A_504] {strides = array<i32>} : memref<3x64x16xf32, #tpu.memory_space<vmem>>, vector<1x1x16xf32>,
      %get3A_506 = vector.shape_cast %get3A_505 : vector<1x1x16xf32> to vector<16xf32>
      %mul3A_507 = arith.constant 8 : i32
      %mul3A_508 = arith.muli %select_n3A_408, %mul3A_507 : i32
      %add3A_509 = arith.constant 1 : i32
      %add3A_510 = arith.addi %mul3A_508, %add3A_509 : i32
      %get3A_511 = arith.constant 1 : i32
      %get3A_512 = arith.index_cast %get3A_511 : i32 to index
      %get3A_513 = arith.index_cast %add3A_510 : i32 to index
      %get3A_514 = arith.constant 0 : index
      %get3A_515 = tpu.vector_load %arg6[%get3A_512, %get3A_513, %get3A_514] {strides = array<i32>} : memref<3x64x16xf32, #tpu.memory_space<vmem>>, vector<1x1x16xf32>,
      %get3A_516 = vector.shape_cast %get3A_515 : vector<1x1x16xf32> to vector<16xf32>
      %mul3A_517 = arith.constant 8 : i32
      %mul3A_518 = arith.muli %select_n3A_408, %mul3A_517 : i32
      %add3A_519 = arith.constant 2 : i32
      %add3A_520 = arith.addi %mul3A_518, %add3A_519 : i32
      %get3A_521 = arith.constant 1 : i32
      %get3A_522 = arith.index_cast %get3A_521 : i32 to index
      %get3A_523 = arith.index_cast %add3A_520 : i32 to index
      %get3A_524 = arith.constant 0 : index
      %get3A_525 = tpu.vector_load %arg6[%get3A_522, %get3A_523, %get3A_524] {strides = array<i32>} : memref<3x64x16xf32, #tpu.memory_space<vmem>>, vector<1x1x16xf32>,
      %get3A_526 = vector.shape_cast %get3A_525 : vector<1x1x16xf32> to vector<16xf32>
      %mul3A_527 = arith.constant 8 : i32
      %mul3A_528 = arith.muli %select_n3A_408, %mul3A_527 : i32
      %add3A_529 = arith.constant 3 : i32
      %add3A_530 = arith.addi %mul3A_528, %add3A_529 : i32
      %get3A_531 = arith.constant 1 : i32
      %get3A_532 = arith.index_cast %get3A_531 : i32 to index
      %get3A_533 = arith.index_cast %add3A_530 : i32 to index
      %get3A_534 = arith.constant 0 : index
      %get3A_535 = tpu.vector_load %arg6[%get3A_532, %get3A_533, %get3A_534] {strides = array<i32>} : memref<3x64x16xf32, #tpu.memory_space<vmem>>, vector<1x1x16xf32>,
      %get3A_536 = vector.shape_cast %get3A_535 : vector<1x1x16xf32> to vector<16xf32>
      %mul3A_537 = arith.constant 8 : i32
      %mul3A_538 = arith.muli %select_n3A_408, %mul3A_537 : i32
      %add3A_539 = arith.constant 4 : i32
      %add3A_540 = arith.addi %mul3A_538, %add3A_539 : i32
      %get3A_541 = arith.constant 1 : i32
      %get3A_542 = arith.index_cast %get3A_541 : i32 to index
      %get3A_543 = arith.index_cast %add3A_540 : i32 to index
      %get3A_544 = arith.constant 0 : index
      %get3A_545 = tpu.vector_load %arg6[%get3A_542, %get3A_543, %get3A_544] {strides = array<i32>} : memref<3x64x16xf32, #tpu.memory_space<vmem>>, vector<1x1x16xf32>,
      %get3A_546 = vector.shape_cast %get3A_545 : vector<1x1x16xf32> to vector<16xf32>
      %mul3A_547 = arith.constant 8 : i32
      %mul3A_548 = arith.muli %select_n3A_408, %mul3A_547 : i32
      %add3A_549 = arith.constant 5 : i32
      %add3A_550 = arith.addi %mul3A_548, %add3A_549 : i32
      %get3A_551 = arith.constant 1 : i32
      %get3A_552 = arith.index_cast %get3A_551 : i32 to index
      %get3A_553 = arith.index_cast %add3A_550 : i32 to index
      %get3A_554 = arith.constant 0 : index
      %get3A_555 = tpu.vector_load %arg6[%get3A_552, %get3A_553, %get3A_554] {strides = array<i32>} : memref<3x64x16xf32, #tpu.memory_space<vmem>>, vector<1x1x16xf32>,
      %get3A_556 = vector.shape_cast %get3A_555 : vector<1x1x16xf32> to vector<16xf32>
      %mul3A_557 = arith.constant 8 : i32
      %mul3A_558 = arith.muli %select_n3A_408, %mul3A_557 : i32
      %add3A_559 = arith.constant 6 : i32
      %add3A_560 = arith.addi %mul3A_558, %add3A_559 : i32
      %get3A_561 = arith.constant 1 : i32
      %get3A_562 = arith.index_cast %get3A_561 : i32 to index
      %get3A_563 = arith.index_cast %add3A_560 : i32 to index
      %get3A_564 = arith.constant 0 : index
      %get3A_565 = tpu.vector_load %arg6[%get3A_562, %get3A_563, %get3A_564] {strides = array<i32>} : memref<3x64x16xf32, #tpu.memory_space<vmem>>, vector<1x1x16xf32>,
      %get3A_566 = vector.shape_cast %get3A_565 : vector<1x1x16xf32> to vector<16xf32>
      %mul3A_567 = arith.constant 8 : i32
      %mul3A_568 = arith.muli %select_n3A_408, %mul3A_567 : i32
      %add3A_569 = arith.constant 7 : i32
      %add3A_570 = arith.addi %mul3A_568, %add3A_569 : i32
      %get3A_571 = arith.constant 1 : i32
      %get3A_572 = arith.index_cast %get3A_571 : i32 to index
      %get3A_573 = arith.index_cast %add3A_570 : i32 to index
      %get3A_574 = arith.constant 0 : index
      %get3A_575 = tpu.vector_load %arg6[%get3A_572, %get3A_573, %get3A_574] {strides = array<i32>} : memref<3x64x16xf32, #tpu.memory_space<vmem>>, vector<1x1x16xf32>,
      %get3A_576 = vector.shape_cast %get3A_575 : vector<1x1x16xf32> to vector<16xf32>
      %mul3A_577 = arith.constant 8 : i32
      %mul3A_578 = arith.muli %select_n3A_408, %mul3A_577 : i32
      %add3A_579 = arith.constant 0 : i32
      %add3A_580 = arith.addi %mul3A_578, %add3A_579 : i32
      %get3A_581 = arith.constant 2 : i32
      %get3A_582 = arith.index_cast %get3A_581 : i32 to index
      %get3A_583 = arith.index_cast %add3A_580 : i32 to index
      %get3A_584 = arith.constant 0 : index
      %get3A_585 = tpu.vector_load %arg6[%get3A_582, %get3A_583, %get3A_584] {strides = array<i32>} : memref<3x64x16xf32, #tpu.memory_space<vmem>>, vector<1x1x16xf32>,
      %get3A_586 = vector.shape_cast %get3A_585 : vector<1x1x16xf32> to vector<16xf32>
      %mul3A_587 = arith.constant 8 : i32
      %mul3A_588 = arith.muli %select_n3A_408, %mul3A_587 : i32
      %add3A_589 = arith.constant 1 : i32
      %add3A_590 = arith.addi %mul3A_588, %add3A_589 : i32
      %get3A_591 = arith.constant 2 : i32
      %get3A_592 = arith.index_cast %get3A_591 : i32 to index
      %get3A_593 = arith.index_cast %add3A_590 : i32 to index
      %get3A_594 = arith.constant 0 : index
      %get3A_595 = tpu.vector_load %arg6[%get3A_592, %get3A_593, %get3A_594] {strides = array<i32>} : memref<3x64x16xf32, #tpu.memory_space<vmem>>, vector<1x1x16xf32>,
      %get3A_596 = vector.shape_cast %get3A_595 : vector<1x1x16xf32> to vector<16xf32>
      %mul3A_597 = arith.constant 8 : i32
      %mul3A_598 = arith.muli %select_n3A_408, %mul3A_597 : i32
      %add3A_599 = arith.constant 2 : i32
      %add3A_600 = arith.addi %mul3A_598, %add3A_599 : i32
      %get3A_601 = arith.constant 2 : i32
      %get3A_602 = arith.index_cast %get3A_601 : i32 to index
      %get3A_603 = arith.index_cast %add3A_600 : i32 to index
      %get3A_604 = arith.constant 0 : index
      %get3A_605 = tpu.vector_load %arg6[%get3A_602, %get3A_603, %get3A_604] {strides = array<i32>} : memref<3x64x16xf32, #tpu.memory_space<vmem>>, vector<1x1x16xf32>,
      %get3A_606 = vector.shape_cast %get3A_605 : vector<1x1x16xf32> to vector<16xf32>
      %mul3A_607 = arith.constant 8 : i32
      %mul3A_608 = arith.muli %select_n3A_408, %mul3A_607 : i32
      %add3A_609 = arith.constant 3 : i32
      %add3A_610 = arith.addi %mul3A_608, %add3A_609 : i32
      %get3A_611 = arith.constant 2 : i32
      %get3A_612 = arith.index_cast %get3A_611 : i32 to index
      %get3A_613 = arith.index_cast %add3A_610 : i32 to index
      %get3A_614 = arith.constant 0 : index
      %get3A_615 = tpu.vector_load %arg6[%get3A_612, %get3A_613, %get3A_614] {strides = array<i32>} : memref<3x64x16xf32, #tpu.memory_space<vmem>>, vector<1x1x16xf32>,
      %get3A_616 = vector.shape_cast %get3A_615 : vector<1x1x16xf32> to vector<16xf32>
      %mul3A_617 = arith.constant 8 : i32
      %mul3A_618 = arith.muli %select_n3A_408, %mul3A_617 : i32
      %add3A_619 = arith.constant 4 : i32
      %add3A_620 = arith.addi %mul3A_618, %add3A_619 : i32
      %get3A_621 = arith.constant 2 : i32
      %get3A_622 = arith.index_cast %get3A_621 : i32 to index
      %get3A_623 = arith.index_cast %add3A_620 : i32 to index
      %get3A_624 = arith.constant 0 : index
      %get3A_625 = tpu.vector_load %arg6[%get3A_622, %get3A_623, %get3A_624] {strides = array<i32>} : memref<3x64x16xf32, #tpu.memory_space<vmem>>, vector<1x1x16xf32>,
      %get3A_626 = vector.shape_cast %get3A_625 : vector<1x1x16xf32> to vector<16xf32>
      %mul3A_627 = arith.constant 8 : i32
      %mul3A_628 = arith.muli %select_n3A_408, %mul3A_627 : i32
      %add3A_629 = arith.constant 5 : i32
      %add3A_630 = arith.addi %mul3A_628, %add3A_629 : i32
      %get3A_631 = arith.constant 2 : i32
      %get3A_632 = arith.index_cast %get3A_631 : i32 to index
      %get3A_633 = arith.index_cast %add3A_630 : i32 to index
      %get3A_634 = arith.constant 0 : index
      %get3A_635 = tpu.vector_load %arg6[%get3A_632, %get3A_633, %get3A_634] {strides = array<i32>} : memref<3x64x16xf32, #tpu.memory_space<vmem>>, vector<1x1x16xf32>,
      %get3A_636 = vector.shape_cast %get3A_635 : vector<1x1x16xf32> to vector<16xf32>
      %mul3A_637 = arith.constant 8 : i32
      %mul3A_638 = arith.muli %select_n3A_408, %mul3A_637 : i32
      %add3A_639 = arith.constant 6 : i32
      %add3A_640 = arith.addi %mul3A_638, %add3A_639 : i32
      %get3A_641 = arith.constant 2 : i32
      %get3A_642 = arith.index_cast %get3A_641 : i32 to index
      %get3A_643 = arith.index_cast %add3A_640 : i32 to index
      %get3A_644 = arith.constant 0 : index
      %get3A_645 = tpu.vector_load %arg6[%get3A_642, %get3A_643, %get3A_644] {strides = array<i32>} : memref<3x64x16xf32, #tpu.memory_space<vmem>>, vector<1x1x16xf32>,
      %get3A_646 = vector.shape_cast %get3A_645 : vector<1x1x16xf32> to vector<16xf32>
      %mul3A_647 = arith.constant 8 : i32
      %mul3A_648 = arith.muli %select_n3A_408, %mul3A_647 : i32
      %add3A_649 = arith.constant 7 : i32
      %add3A_650 = arith.addi %mul3A_648, %add3A_649 : i32
      %get3A_651 = arith.constant 2 : i32
      %get3A_652 = arith.index_cast %get3A_651 : i32 to index
      %get3A_653 = arith.index_cast %add3A_650 : i32 to index
      %get3A_654 = arith.constant 0 : index
      %get3A_655 = tpu.vector_load %arg6[%get3A_652, %get3A_653, %get3A_654] {strides = array<i32>} : memref<3x64x16xf32, #tpu.memory_space<vmem>>, vector<1x1x16xf32>,
      %get3A_656 = vector.shape_cast %get3A_655 : vector<1x1x16xf32> to vector<16xf32>
      %parallel_loop3A_657 = arith.constant 0 : i32
      %parallel_loop3A_658 = arith.constant 32 : i32
      %parallel_loop3A_659 = arith.constant 1 : i32
      scf.for %parallel_loop3A_681 = %parallel_loop3A_657 to %parallel_loop3A_658 step %parallel_loop3A_659  : i32 {
        %parallel_loop3A_682 = arith.constant 128 : i32
        %parallel_loop3A_683 = arith.muli %parallel_loop3A_681, %parallel_loop3A_682 : i32
        %parallel_loop3A_684 = arith.constant 0 : i32
        %parallel_loop3A_685 = arith.addi %parallel_loop3A_683, %parallel_loop3A_684 : i32
        %parallel_loop3A_686 = arith.index_cast %parallel_loop3A_685 : i32 to index
        %parallel_loop3A_687 = tpu.vector_load %arg5[%parallel_loop3A_686] {strides = array<i32>} : memref<4096xi32, #tpu.memory_space<vmem>>, vector<16xi32>,
        %parallel_loop3A_688 = vector.shape_cast %parallel_loop3A_687 : vector<16xi32> to vector<16xi32>
        %parallel_loop3A_689 = arith.constant 1 : i32
        %parallel_loop3A_690 = vector.broadcast %parallel_loop3A_689 : i32 to vector<16xi32>
        %parallel_loop3A_691 = arith.cmpi eq, %parallel_loop3A_688, %parallel_loop3A_690 : vector<16xi32>
        %parallel_loop3A_692 = arith.constant 2 : i32
        %parallel_loop3A_693 = vector.broadcast %parallel_loop3A_692 : i32 to vector<16xi32>
        %parallel_loop3A_694 = arith.cmpi eq, %parallel_loop3A_688, %parallel_loop3A_693 : vector<16xi32>
        %parallel_loop3A_695 = arith.select %parallel_loop3A_694, %get3A_586, %get3A_426 : vector<16xi1>, vector<16xf32>
        %parallel_loop3A_696 = arith.select %parallel_loop3A_691, %get3A_506, %parallel_loop3A_695 : vector<16xi1>, vector<16xf32>
        %parallel_loop3A_697 = arith.constant 1 : i32
        %parallel_loop3A_698 = arith.constant 0 : i32
        %parallel_loop3A_699 = arith.index_cast %parallel_loop3A_697 : i32 to index
        %parallel_loop3A_700 = arith.index_cast %parallel_loop3A_681 : i32 to index
        %parallel_loop3A_701 = arith.index_cast %parallel_loop3A_698 : i32 to index
        %parallel_loop3A_702 = arith.constant 0 : index
        %parallel_loop3A_703 = tpu.vector_load %arg7[%parallel_loop3A_699, %parallel_loop3A_700, %parallel_loop3A_701, %parallel_loop3A_702] {strides = array<i32>} : memref<2x32x8x128xf32, #tpu.memory_space<vmem>>, vector<1x1x1x16xf32>,
        %parallel_loop3A_704 = vector.shape_cast %parallel_loop3A_703 : vector<1x1x1x16xf32> to vector<16xf32>
        %parallel_loop3A_705 = vector.shape_cast %parallel_loop3A_696 : vector<16xf32> to vector<1x1x1x16xf32>
        tpu.vector_store %arg7[%parallel_loop3A_699, %parallel_loop3A_700, %parallel_loop3A_701, %parallel_loop3A_702], %parallel_loop3A_705 {strides = array<i32>} : memref<2x32x8x128xf32, #tpu.memory_space<vmem>>, vector<1x1x1x16xf32>,
        %parallel_loop3A_706 = arith.select %parallel_loop3A_694, %get3A_596, %get3A_436 : vector<16xi1>, vector<16xf32>
        %parallel_loop3A_707 = arith.select %parallel_loop3A_691, %get3A_516, %parallel_loop3A_706 : vector<16xi1>, vector<16xf32>
        %parallel_loop3A_708 = arith.constant 1 : i32
        %parallel_loop3A_709 = arith.constant 1 : i32
        %parallel_loop3A_710 = arith.index_cast %parallel_loop3A_708 : i32 to index
        %parallel_loop3A_711 = arith.index_cast %parallel_loop3A_681 : i32 to index
        %parallel_loop3A_712 = arith.index_cast %parallel_loop3A_709 : i32 to index
        %parallel_loop3A_713 = arith.constant 0 : index
        %parallel_loop3A_714 = tpu.vector_load %arg7[%parallel_loop3A_710, %parallel_loop3A_711, %parallel_loop3A_712, %parallel_loop3A_713] {strides = array<i32>} : memref<2x32x8x128xf32, #tpu.memory_space<vmem>>, vector<1x1x1x16xf32>,
        %parallel_loop3A_715 = vector.shape_cast %parallel_loop3A_714 : vector<1x1x1x16xf32> to vector<16xf32>
        %parallel_loop3A_716 = vector.shape_cast %parallel_loop3A_707 : vector<16xf32> to vector<1x1x1x16xf32>
        tpu.vector_store %arg7[%parallel_loop3A_710, %parallel_loop3A_711, %parallel_loop3A_712, %parallel_loop3A_713], %parallel_loop3A_716 {strides = array<i32>} : memref<2x32x8x128xf32, #tpu.memory_space<vmem>>, vector<1x1x1x16xf32>,
        %parallel_loop3A_717 = arith.select %parallel_loop3A_694, %get3A_606, %get3A_446 : vector<16xi1>, vector<16xf32>
        %parallel_loop3A_718 = arith.select %parallel_loop3A_691, %get3A_526, %parallel_loop3A_717 : vector<16xi1>, vector<16xf32>
        %parallel_loop3A_719 = arith.constant 1 : i32
        %parallel_loop3A_720 = arith.constant 2 : i32
        %parallel_loop3A_721 = arith.index_cast %parallel_loop3A_719 : i32 to index
        %parallel_loop3A_722 = arith.index_cast %parallel_loop3A_681 : i32 to index
        %parallel_loop3A_723 = arith.index_cast %parallel_loop3A_720 : i32 to index
        %parallel_loop3A_724 = arith.constant 0 : index
        %parallel_loop3A_725 = tpu.vector_load %arg7[%parallel_loop3A_721, %parallel_loop3A_722, %parallel_loop3A_723, %parallel_loop3A_724] {strides = array<i32>} : memref<2x32x8x128xf32, #tpu.memory_space<vmem>>, vector<1x1x1x16xf32>,
        %parallel_loop3A_726 = vector.shape_cast %parallel_loop3A_725 : vector<1x1x1x16xf32> to vector<16xf32>
        %parallel_loop3A_727 = vector.shape_cast %parallel_loop3A_718 : vector<16xf32> to vector<1x1x1x16xf32>
        tpu.vector_store %arg7[%parallel_loop3A_721, %parallel_loop3A_722, %parallel_loop3A_723, %parallel_loop3A_724], %parallel_loop3A_727 {strides = array<i32>} : memref<2x32x8x128xf32, #tpu.memory_space<vmem>>, vector<1x1x1x16xf32>,
        %parallel_loop3A_728 = arith.select %parallel_loop3A_694, %get3A_616, %get3A_456 : vector<16xi1>, vector<16xf32>
        %parallel_loop3A_729 = arith.select %parallel_loop3A_691, %get3A_536, %parallel_loop3A_728 : vector<16xi1>, vector<16xf32>
        %parallel_loop3A_730 = arith.constant 1 : i32
        %parallel_loop3A_731 = arith.constant 3 : i32
        %parallel_loop3A_732 = arith.index_cast %parallel_loop3A_730 : i32 to index
        %parallel_loop3A_733 = arith.index_cast %parallel_loop3A_681 : i32 to index
        %parallel_loop3A_734 = arith.index_cast %parallel_loop3A_731 : i32 to index
        %parallel_loop3A_735 = arith.constant 0 : index
        %parallel_loop3A_736 = tpu.vector_load %arg7[%parallel_loop3A_732, %parallel_loop3A_733, %parallel_loop3A_734, %parallel_loop3A_735] {strides = array<i32>} : memref<2x32x8x128xf32, #tpu.memory_space<vmem>>, vector<1x1x1x16xf32>,
        %parallel_loop3A_737 = vector.shape_cast %parallel_loop3A_736 : vector<1x1x1x16xf32> to vector<16xf32>
        %parallel_loop3A_738 = vector.shape_cast %parallel_loop3A_729 : vector<16xf32> to vector<1x1x1x16xf32>
        tpu.vector_store %arg7[%parallel_loop3A_732, %parallel_loop3A_733, %parallel_loop3A_734, %parallel_loop3A_735], %parallel_loop3A_738 {strides = array<i32>} : memref<2x32x8x128xf32, #tpu.memory_space<vmem>>, vector<1x1x1x16xf32>,
        %parallel_loop3A_739 = arith.select %parallel_loop3A_694, %get3A_626, %get3A_466 : vector<16xi1>, vector<16xf32>
        %parallel_loop3A_740 = arith.select %parallel_loop3A_691, %get3A_546, %parallel_loop3A_739 : vector<16xi1>, vector<16xf32>
        %parallel_loop3A_741 = arith.constant 1 : i32
        %parallel_loop3A_742 = arith.constant 4 : i32
        %parallel_loop3A_743 = arith.index_cast %parallel_loop3A_741 : i32 to index
        %parallel_loop3A_744 = arith.index_cast %parallel_loop3A_681 : i32 to index
        %parallel_loop3A_745 = arith.index_cast %parallel_loop3A_742 : i32 to index
        %parallel_loop3A_746 = arith.constant 0 : index
        %parallel_loop3A_747 = tpu.vector_load %arg7[%parallel_loop3A_743, %parallel_loop3A_744, %parallel_loop3A_745, %parallel_loop3A_746] {strides = array<i32>} : memref<2x32x8x128xf32, #tpu.memory_space<vmem>>, vector<1x1x1x16xf32>,
        %parallel_loop3A_748 = vector.shape_cast %parallel_loop3A_747 : vector<1x1x1x16xf32> to vector<16xf32>
        %parallel_loop3A_749 = vector.shape_cast %parallel_loop3A_740 : vector<16xf32> to vector<1x1x1x16xf32>
        tpu.vector_store %arg7[%parallel_loop3A_743, %parallel_loop3A_744, %parallel_loop3A_745, %parallel_loop3A_746], %parallel_loop3A_749 {strides = array<i32>} : memref<2x32x8x128xf32, #tpu.memory_space<vmem>>, vector<1x1x1x16xf32>,
        %parallel_loop3A_750 = arith.select %parallel_loop3A_694, %get3A_636, %get3A_476 : vector<16xi1>, vector<16xf32>
        %parallel_loop3A_751 = arith.select %parallel_loop3A_691, %get3A_556, %parallel_loop3A_750 : vector<16xi1>, vector<16xf32>
        %parallel_loop3A_752 = arith.constant 1 : i32
        %parallel_loop3A_753 = arith.constant 5 : i32
        %parallel_loop3A_754 = arith.index_cast %parallel_loop3A_752 : i32 to index
        %parallel_loop3A_755 = arith.index_cast %parallel_loop3A_681 : i32 to index
        %parallel_loop3A_756 = arith.index_cast %parallel_loop3A_753 : i32 to index
        %parallel_loop3A_757 = arith.constant 0 : index
        %parallel_loop3A_758 = tpu.vector_load %arg7[%parallel_loop3A_754, %parallel_loop3A_755, %parallel_loop3A_756, %parallel_loop3A_757] {strides = array<i32>} : memref<2x32x8x128xf32, #tpu.memory_space<vmem>>, vector<1x1x1x16xf32>,
        %parallel_loop3A_759 = vector.shape_cast %parallel_loop3A_758 : vector<1x1x1x16xf32> to vector<16xf32>
        %parallel_loop3A_760 = vector.shape_cast %parallel_loop3A_751 : vector<16xf32> to vector<1x1x1x16xf32>
        tpu.vector_store %arg7[%parallel_loop3A_754, %parallel_loop3A_755, %parallel_loop3A_756, %parallel_loop3A_757], %parallel_loop3A_760 {strides = array<i32>} : memref<2x32x8x128xf32, #tpu.memory_space<vmem>>, vector<1x1x1x16xf32>,
        %parallel_loop3A_761 = arith.select %parallel_loop3A_694, %get3A_646, %get3A_486 : vector<16xi1>, vector<16xf32>
        %parallel_loop3A_762 = arith.select %parallel_loop3A_691, %get3A_566, %parallel_loop3A_761 : vector<16xi1>, vector<16xf32>
        %parallel_loop3A_763 = arith.constant 1 : i32
        %parallel_loop3A_764 = arith.constant 6 : i32
        %parallel_loop3A_765 = arith.index_cast %parallel_loop3A_763 : i32 to index
        %parallel_loop3A_766 = arith.index_cast %parallel_loop3A_681 : i32 to index
        %parallel_loop3A_767 = arith.index_cast %parallel_loop3A_764 : i32 to index
        %parallel_loop3A_768 = arith.constant 0 : index
        %parallel_loop3A_769 = tpu.vector_load %arg7[%parallel_loop3A_765, %parallel_loop3A_766, %parallel_loop3A_767, %parallel_loop3A_768] {strides = array<i32>} : memref<2x32x8x128xf32, #tpu.memory_space<vmem>>, vector<1x1x1x16xf32>,
        %parallel_loop3A_770 = vector.shape_cast %parallel_loop3A_769 : vector<1x1x1x16xf32> to vector<16xf32>
        %parallel_loop3A_771 = vector.shape_cast %parallel_loop3A_762 : vector<16xf32> to vector<1x1x1x16xf32>
        tpu.vector_store %arg7[%parallel_loop3A_765, %parallel_loop3A_766, %parallel_loop3A_767, %parallel_loop3A_768], %parallel_loop3A_771 {strides = array<i32>} : memref<2x32x8x128xf32, #tpu.memory_space<vmem>>, vector<1x1x1x16xf32>,
        %parallel_loop3A_772 = arith.select %parallel_loop3A_694, %get3A_656, %get3A_496 : vector<16xi1>, vector<16xf32>
        %parallel_loop3A_773 = arith.select %parallel_loop3A_691, %get3A_576, %parallel_loop3A_772 : vector<16xi1>, vector<16xf32>
        %parallel_loop3A_774 = arith.constant 1 : i32
        %parallel_loop3A_775 = arith.constant 7 : i32
        %parallel_loop3A_776 = arith.index_cast %parallel_loop3A_774 : i32 to index
        %parallel_loop3A_777 = arith.index_cast %parallel_loop3A_681 : i32 to index
        %parallel_loop3A_778 = arith.index_cast %parallel_loop3A_775 : i32 to index
        %parallel_loop3A_779 = arith.constant 0 : index
        %parallel_loop3A_780 = tpu.vector_load %arg7[%parallel_loop3A_776, %parallel_loop3A_777, %parallel_loop3A_778, %parallel_loop3A_779] {strides = array<i32>} : memref<2x32x8x128xf32, #tpu.memory_space<vmem>>, vector<1x1x1x16xf32>,
        %parallel_loop3A_781 = vector.shape_cast %parallel_loop3A_780 : vector<1x1x1x16xf32> to vector<16xf32>
        %parallel_loop3A_782 = vector.shape_cast %parallel_loop3A_773 : vector<16xf32> to vector<1x1x1x16xf32>
        tpu.vector_store %arg7[%parallel_loop3A_776, %parallel_loop3A_777, %parallel_loop3A_778, %parallel_loop3A_779], %parallel_loop3A_782 {strides = array<i32>} : memref<2x32x8x128xf32, #tpu.memory_space<vmem>>, vector<1x1x1x16xf32>,
        %parallel_loop3A_783 = arith.constant 128 : i32
        %parallel_loop3A_784 = arith.muli %parallel_loop3A_681, %parallel_loop3A_783 : i32
        %parallel_loop3A_785 = arith.constant 16 : i32
        %parallel_loop3A_786 = arith.addi %parallel_loop3A_784, %parallel_loop3A_785 : i32
        %parallel_loop3A_787 = arith.index_cast %parallel_loop3A_786 : i32 to index
        %parallel_loop3A_788 = tpu.vector_load %arg5[%parallel_loop3A_787] {strides = array<i32>} : memref<4096xi32, #tpu.memory_space<vmem>>, vector<16xi32>,
        %parallel_loop3A_789 = vector.shape_cast %parallel_loop3A_788 : vector<16xi32> to vector<16xi32>
        %parallel_loop3A_790 = arith.constant 1 : i32
        %parallel_loop3A_791 = vector.broadcast %parallel_loop3A_790 : i32 to vector<16xi32>
        %parallel_loop3A_792 = arith.cmpi eq, %parallel_loop3A_789, %parallel_loop3A_791 : vector<16xi32>
        %parallel_loop3A_793 = arith.constant 2 : i32
        %parallel_loop3A_794 = vector.broadcast %parallel_loop3A_793 : i32 to vector<16xi32>
        %parallel_loop3A_795 = arith.cmpi eq, %parallel_loop3A_789, %parallel_loop3A_794 : vector<16xi32>
        %parallel_loop3A_796 = arith.select %parallel_loop3A_795, %get3A_586, %get3A_426 : vector<16xi1>, vector<16xf32>
        %parallel_loop3A_797 = arith.select %parallel_loop3A_792, %get3A_506, %parallel_loop3A_796 : vector<16xi1>, vector<16xf32>
        %parallel_loop3A_798 = arith.constant 1 : i32
        %parallel_loop3A_799 = arith.constant 0 : i32
        %parallel_loop3A_800 = arith.index_cast %parallel_loop3A_798 : i32 to index
        %parallel_loop3A_801 = arith.index_cast %parallel_loop3A_681 : i32 to index
        %parallel_loop3A_802 = arith.index_cast %parallel_loop3A_799 : i32 to index
        %parallel_loop3A_803 = arith.constant 16 : index
        %parallel_loop3A_804 = tpu.vector_load %arg7[%parallel_loop3A_800, %parallel_loop3A_801, %parallel_loop3A_802, %parallel_loop3A_803] {strides = array<i32>} : memref<2x32x8x128xf32, #tpu.memory_space<vmem>>, vector<1x1x1x16xf32>,
        %parallel_loop3A_805 = vector.shape_cast %parallel_loop3A_804 : vector<1x1x1x16xf32> to vector<16xf32>
        %parallel_loop3A_806 = vector.shape_cast %parallel_loop3A_797 : vector<16xf32> to vector<1x1x1x16xf32>
        tpu.vector_store %arg7[%parallel_loop3A_800, %parallel_loop3A_801, %parallel_loop3A_802, %parallel_loop3A_803], %parallel_loop3A_806 {strides = array<i32>} : memref<2x32x8x128xf32, #tpu.memory_space<vmem>>, vector<1x1x1x16xf32>,
        %parallel_loop3A_807 = arith.select %parallel_loop3A_795, %get3A_596, %get3A_436 : vector<16xi1>, vector<16xf32>
        %parallel_loop3A_808 = arith.select %parallel_loop3A_792, %get3A_516, %parallel_loop3A_807 : vector<16xi1>, vector<16xf32>
        %parallel_loop3A_809 = arith.constant 1 : i32
        %parallel_loop3A_810 = arith.constant 1 : i32
        %parallel_loop3A_811 = arith.index_cast %parallel_loop3A_809 : i32 to index
        %parallel_loop3A_812 = arith.index_cast %parallel_loop3A_681 : i32 to index
        %parallel_loop3A_813 = arith.index_cast %parallel_loop3A_810 : i32 to index
        %parallel_loop3A_814 = arith.constant 16 : index
        %parallel_loop3A_815 = tpu.vector_load %arg7[%parallel_loop3A_811, %parallel_loop3A_812, %parallel_loop3A_813, %parallel_loop3A_814] {strides = array<i32>} : memref<2x32x8x128xf32, #tpu.memory_space<vmem>>, vector<1x1x1x16xf32>,
        %parallel_loop3A_816 = vector.shape_cast %parallel_loop3A_815 : vector<1x1x1x16xf32> to vector<16xf32>
        %parallel_loop3A_817 = vector.shape_cast %parallel_loop3A_808 : vector<16xf32> to vector<1x1x1x16xf32>
        tpu.vector_store %arg7[%parallel_loop3A_811, %parallel_loop3A_812, %parallel_loop3A_813, %parallel_loop3A_814], %parallel_loop3A_817 {strides = array<i32>} : memref<2x32x8x128xf32, #tpu.memory_space<vmem>>, vector<1x1x1x16xf32>,
        %parallel_loop3A_818 = arith.select %parallel_loop3A_795, %get3A_606, %get3A_446 : vector<16xi1>, vector<16xf32>
        %parallel_loop3A_819 = arith.select %parallel_loop3A_792, %get3A_526, %parallel_loop3A_818 : vector<16xi1>, vector<16xf32>
        %parallel_loop3A_820 = arith.constant 1 : i32
        %parallel_loop3A_821 = arith.constant 2 : i32
        %parallel_loop3A_822 = arith.index_cast %parallel_loop3A_820 : i32 to index
        %parallel_loop3A_823 = arith.index_cast %parallel_loop3A_681 : i32 to index
        %parallel_loop3A_824 = arith.index_cast %parallel_loop3A_821 : i32 to index
        %parallel_loop3A_825 = arith.constant 16 : index
        %parallel_loop3A_826 = tpu.vector_load %arg7[%parallel_loop3A_822, %parallel_loop3A_823, %parallel_loop3A_824, %parallel_loop3A_825] {strides = array<i32>} : memref<2x32x8x128xf32, #tpu.memory_space<vmem>>, vector<1x1x1x16xf32>,
        %parallel_loop3A_827 = vector.shape_cast %parallel_loop3A_826 : vector<1x1x1x16xf32> to vector<16xf32>
        %parallel_loop3A_828 = vector.shape_cast %parallel_loop3A_819 : vector<16xf32> to vector<1x1x1x16xf32>
        tpu.vector_store %arg7[%parallel_loop3A_822, %parallel_loop3A_823, %parallel_loop3A_824, %parallel_loop3A_825], %parallel_loop3A_828 {strides = array<i32>} : memref<2x32x8x128xf32, #tpu.memory_space<vmem>>, vector<1x1x1x16xf32>,
        %parallel_loop3A_829 = arith.select %parallel_loop3A_795, %get3A_616, %get3A_456 : vector<16xi1>, vector<16xf32>
        %parallel_loop3A_830 = arith.select %parallel_loop3A_792, %get3A_536, %parallel_loop3A_829 : vector<16xi1>, vector<16xf32>
        %parallel_loop3A_831 = arith.constant 1 : i32
        %parallel_loop3A_832 = arith.constant 3 : i32
        %parallel_loop3A_833 = arith.index_cast %parallel_loop3A_831 : i32 to index
        %parallel_loop3A_834 = arith.index_cast %parallel_loop3A_681 : i32 to index
        %parallel_loop3A_835 = arith.index_cast %parallel_loop3A_832 : i32 to index
        %parallel_loop3A_836 = arith.constant 16 : index
        %parallel_loop3A_837 = tpu.vector_load %arg7[%parallel_loop3A_833, %parallel_loop3A_834, %parallel_loop3A_835, %parallel_loop3A_836] {strides = array<i32>} : memref<2x32x8x128xf32, #tpu.memory_space<vmem>>, vector<1x1x1x16xf32>,
        %parallel_loop3A_838 = vector.shape_cast %parallel_loop3A_837 : vector<1x1x1x16xf32> to vector<16xf32>
        %parallel_loop3A_839 = vector.shape_cast %parallel_loop3A_830 : vector<16xf32> to vector<1x1x1x16xf32>
        tpu.vector_store %arg7[%parallel_loop3A_833, %parallel_loop3A_834, %parallel_loop3A_835, %parallel_loop3A_836], %parallel_loop3A_839 {strides = array<i32>} : memref<2x32x8x128xf32, #tpu.memory_space<vmem>>, vector<1x1x1x16xf32>,
        %parallel_loop3A_840 = arith.select %parallel_loop3A_795, %get3A_626, %get3A_466 : vector<16xi1>, vector<16xf32>
        %parallel_loop3A_841 = arith.select %parallel_loop3A_792, %get3A_546, %parallel_loop3A_840 : vector<16xi1>, vector<16xf32>
        %parallel_loop3A_842 = arith.constant 1 : i32
        %parallel_loop3A_843 = arith.constant 4 : i32
        %parallel_loop3A_844 = arith.index_cast %parallel_loop3A_842 : i32 to index
        %parallel_loop3A_845 = arith.index_cast %parallel_loop3A_681 : i32 to index
        %parallel_loop3A_846 = arith.index_cast %parallel_loop3A_843 : i32 to index
        %parallel_loop3A_847 = arith.constant 16 : index
        %parallel_loop3A_848 = tpu.vector_load %arg7[%parallel_loop3A_844, %parallel_loop3A_845, %parallel_loop3A_846, %parallel_loop3A_847] {strides = array<i32>} : memref<2x32x8x128xf32, #tpu.memory_space<vmem>>, vector<1x1x1x16xf32>,
        %parallel_loop3A_849 = vector.shape_cast %parallel_loop3A_848 : vector<1x1x1x16xf32> to vector<16xf32>
        %parallel_loop3A_850 = vector.shape_cast %parallel_loop3A_841 : vector<16xf32> to vector<1x1x1x16xf32>
        tpu.vector_store %arg7[%parallel_loop3A_844, %parallel_loop3A_845, %parallel_loop3A_846, %parallel_loop3A_847], %parallel_loop3A_850 {strides = array<i32>} : memref<2x32x8x128xf32, #tpu.memory_space<vmem>>, vector<1x1x1x16xf32>,
        %parallel_loop3A_851 = arith.select %parallel_loop3A_795, %get3A_636, %get3A_476 : vector<16xi1>, vector<16xf32>
        %parallel_loop3A_852 = arith.select %parallel_loop3A_792, %get3A_556, %parallel_loop3A_851 : vector<16xi1>, vector<16xf32>
        %parallel_loop3A_853 = arith.constant 1 : i32
        %parallel_loop3A_854 = arith.constant 5 : i32
        %parallel_loop3A_855 = arith.index_cast %parallel_loop3A_853 : i32 to index
        %parallel_loop3A_856 = arith.index_cast %parallel_loop3A_681 : i32 to index
        %parallel_loop3A_857 = arith.index_cast %parallel_loop3A_854 : i32 to index
        %parallel_loop3A_858 = arith.constant 16 : index
        %parallel_loop3A_859 = tpu.vector_load %arg7[%parallel_loop3A_855, %parallel_loop3A_856, %parallel_loop3A_857, %parallel_loop3A_858] {strides = array<i32>} : memref<2x32x8x128xf32, #tpu.memory_space<vmem>>, vector<1x1x1x16xf32>,
        %parallel_loop3A_860 = vector.shape_cast %parallel_loop3A_859 : vector<1x1x1x16xf32> to vector<16xf32>
        %parallel_loop3A_861 = vector.shape_cast %parallel_loop3A_852 : vector<16xf32> to vector<1x1x1x16xf32>
        tpu.vector_store %arg7[%parallel_loop3A_855, %parallel_loop3A_856, %parallel_loop3A_857, %parallel_loop3A_858], %parallel_loop3A_861 {strides = array<i32>} : memref<2x32x8x128xf32, #tpu.memory_space<vmem>>, vector<1x1x1x16xf32>,
        %parallel_loop3A_862 = arith.select %parallel_loop3A_795, %get3A_646, %get3A_486 : vector<16xi1>, vector<16xf32>
        %parallel_loop3A_863 = arith.select %parallel_loop3A_792, %get3A_566, %parallel_loop3A_862 : vector<16xi1>, vector<16xf32>
        %parallel_loop3A_864 = arith.constant 1 : i32
        %parallel_loop3A_865 = arith.constant 6 : i32
        %parallel_loop3A_866 = arith.index_cast %parallel_loop3A_864 : i32 to index
        %parallel_loop3A_867 = arith.index_cast %parallel_loop3A_681 : i32 to index
        %parallel_loop3A_868 = arith.index_cast %parallel_loop3A_865 : i32 to index
        %parallel_loop3A_869 = arith.constant 16 : index
        %parallel_loop3A_870 = tpu.vector_load %arg7[%parallel_loop3A_866, %parallel_loop3A_867, %parallel_loop3A_868, %parallel_loop3A_869] {strides = array<i32>} : memref<2x32x8x128xf32, #tpu.memory_space<vmem>>, vector<1x1x1x16xf32>,
        %parallel_loop3A_871 = vector.shape_cast %parallel_loop3A_870 : vector<1x1x1x16xf32> to vector<16xf32>
        %parallel_loop3A_872 = vector.shape_cast %parallel_loop3A_863 : vector<16xf32> to vector<1x1x1x16xf32>
        tpu.vector_store %arg7[%parallel_loop3A_866, %parallel_loop3A_867, %parallel_loop3A_868, %parallel_loop3A_869], %parallel_loop3A_872 {strides = array<i32>} : memref<2x32x8x128xf32, #tpu.memory_space<vmem>>, vector<1x1x1x16xf32>,
        %parallel_loop3A_873 = arith.select %parallel_loop3A_795, %get3A_656, %get3A_496 : vector<16xi1>, vector<16xf32>
        %parallel_loop3A_874 = arith.select %parallel_loop3A_792, %get3A_576, %parallel_loop3A_873 : vector<16xi1>, vector<16xf32>
        %parallel_loop3A_875 = arith.constant 1 : i32
        %parallel_loop3A_876 = arith.constant 7 : i32
        %parallel_loop3A_877 = arith.index_cast %parallel_loop3A_875 : i32 to index
        %parallel_loop3A_878 = arith.index_cast %parallel_loop3A_681 : i32 to index
        %parallel_loop3A_879 = arith.index_cast %parallel_loop3A_876 : i32 to index
        %parallel_loop3A_880 = arith.constant 16 : index
        %parallel_loop3A_881 = tpu.vector_load %arg7[%parallel_loop3A_877, %parallel_loop3A_878, %parallel_loop3A_879, %parallel_loop3A_880] {strides = array<i32>} : memref<2x32x8x128xf32, #tpu.memory_space<vmem>>, vector<1x1x1x16xf32>,
        %parallel_loop3A_882 = vector.shape_cast %parallel_loop3A_881 : vector<1x1x1x16xf32> to vector<16xf32>
        %parallel_loop3A_883 = vector.shape_cast %parallel_loop3A_874 : vector<16xf32> to vector<1x1x1x16xf32>
        tpu.vector_store %arg7[%parallel_loop3A_877, %parallel_loop3A_878, %parallel_loop3A_879, %parallel_loop3A_880], %parallel_loop3A_883 {strides = array<i32>} : memref<2x32x8x128xf32, #tpu.memory_space<vmem>>, vector<1x1x1x16xf32>,
        %parallel_loop3A_884 = arith.constant 128 : i32
        %parallel_loop3A_885 = arith.muli %parallel_loop3A_681, %parallel_loop3A_884 : i32
        %parallel_loop3A_886 = arith.constant 32 : i32
        %parallel_loop3A_887 = arith.addi %parallel_loop3A_885, %parallel_loop3A_886 : i32
        %parallel_loop3A_888 = arith.index_cast %parallel_loop3A_887 : i32 to index
        %parallel_loop3A_889 = tpu.vector_load %arg5[%parallel_loop3A_888] {strides = array<i32>} : memref<4096xi32, #tpu.memory_space<vmem>>, vector<16xi32>,
        %parallel_loop3A_890 = vector.shape_cast %parallel_loop3A_889 : vector<16xi32> to vector<16xi32>
        %parallel_loop3A_891 = arith.constant 1 : i32
        %parallel_loop3A_892 = vector.broadcast %parallel_loop3A_891 : i32 to vector<16xi32>
        %parallel_loop3A_893 = arith.cmpi eq, %parallel_loop3A_890, %parallel_loop3A_892 : vector<16xi32>
        %parallel_loop3A_894 = arith.constant 2 : i32
        %parallel_loop3A_895 = vector.broadcast %parallel_loop3A_894 : i32 to vector<16xi32>
        %parallel_loop3A_896 = arith.cmpi eq, %parallel_loop3A_890, %parallel_loop3A_895 : vector<16xi32>
        %parallel_loop3A_897 = arith.select %parallel_loop3A_896, %get3A_586, %get3A_426 : vector<16xi1>, vector<16xf32>
        %parallel_loop3A_898 = arith.select %parallel_loop3A_893, %get3A_506, %parallel_loop3A_897 : vector<16xi1>, vector<16xf32>
        %parallel_loop3A_899 = arith.constant 1 : i32
        %parallel_loop3A_900 = arith.constant 0 : i32
        %parallel_loop3A_901 = arith.index_cast %parallel_loop3A_899 : i32 to index
        %parallel_loop3A_902 = arith.index_cast %parallel_loop3A_681 : i32 to index
        %parallel_loop3A_903 = arith.index_cast %parallel_loop3A_900 : i32 to index
        %parallel_loop3A_904 = arith.constant 32 : index
        %parallel_loop3A_905 = tpu.vector_load %arg7[%parallel_loop3A_901, %parallel_loop3A_902, %parallel_loop3A_903, %parallel_loop3A_904] {strides = array<i32>} : memref<2x32x8x128xf32, #tpu.memory_space<vmem>>, vector<1x1x1x16xf32>,
        %parallel_loop3A_906 = vector.shape_cast %parallel_loop3A_905 : vector<1x1x1x16xf32> to vector<16xf32>
        %parallel_loop3A_907 = vector.shape_cast %parallel_loop3A_898 : vector<16xf32> to vector<1x1x1x16xf32>
        tpu.vector_store %arg7[%parallel_loop3A_901, %parallel_loop3A_902, %parallel_loop3A_903, %parallel_loop3A_904], %parallel_loop3A_907 {strides = array<i32>} : memref<2x32x8x128xf32, #tpu.memory_space<vmem>>, vector<1x1x1x16xf32>,
        %parallel_loop3A_908 = arith.select %parallel_loop3A_896, %get3A_596, %get3A_436 : vector<16xi1>, vector<16xf32>
        %parallel_loop3A_909 = arith.select %parallel_loop3A_893, %get3A_516, %parallel_loop3A_908 : vector<16xi1>, vector<16xf32>
        %parallel_loop3A_910 = arith.constant 1 : i32
        %parallel_loop3A_911 = arith.constant 1 : i32
        %parallel_loop3A_912 = arith.index_cast %parallel_loop3A_910 : i32 to index
        %parallel_loop3A_913 = arith.index_cast %parallel_loop3A_681 : i32 to index
        %parallel_loop3A_914 = arith.index_cast %parallel_loop3A_911 : i32 to index
        %parallel_loop3A_915 = arith.constant 32 : index
        %parallel_loop3A_916 = tpu.vector_load %arg7[%parallel_loop3A_912, %parallel_loop3A_913, %parallel_loop3A_914, %parallel_loop3A_915] {strides = array<i32>} : memref<2x32x8x128xf32, #tpu.memory_space<vmem>>, vector<1x1x1x16xf32>,
        %parallel_loop3A_917 = vector.shape_cast %parallel_loop3A_916 : vector<1x1x1x16xf32> to vector<16xf32>
        %parallel_loop3A_918 = vector.shape_cast %parallel_loop3A_909 : vector<16xf32> to vector<1x1x1x16xf32>
        tpu.vector_store %arg7[%parallel_loop3A_912, %parallel_loop3A_913, %parallel_loop3A_914, %parallel_loop3A_915], %parallel_loop3A_918 {strides = array<i32>} : memref<2x32x8x128xf32, #tpu.memory_space<vmem>>, vector<1x1x1x16xf32>,
        %parallel_loop3A_919 = arith.select %parallel_loop3A_896, %get3A_606, %get3A_446 : vector<16xi1>, vector<16xf32>
        %parallel_loop3A_920 = arith.select %parallel_loop3A_893, %get3A_526, %parallel_loop3A_919 : vector<16xi1>, vector<16xf32>
        %parallel_loop3A_921 = arith.constant 1 : i32
        %parallel_loop3A_922 = arith.constant 2 : i32
        %parallel_loop3A_923 = arith.index_cast %parallel_loop3A_921 : i32 to index
        %parallel_loop3A_924 = arith.index_cast %parallel_loop3A_681 : i32 to index
        %parallel_loop3A_925 = arith.index_cast %parallel_loop3A_922 : i32 to index
        %parallel_loop3A_926 = arith.constant 32 : index
        %parallel_loop3A_927 = tpu.vector_load %arg7[%parallel_loop3A_923, %parallel_loop3A_924, %parallel_loop3A_925, %parallel_loop3A_926] {strides = array<i32>} : memref<2x32x8x128xf32, #tpu.memory_space<vmem>>, vector<1x1x1x16xf32>,
        %parallel_loop3A_928 = vector.shape_cast %parallel_loop3A_927 : vector<1x1x1x16xf32> to vector<16xf32>
        %parallel_loop3A_929 = vector.shape_cast %parallel_loop3A_920 : vector<16xf32> to vector<1x1x1x16xf32>
        tpu.vector_store %arg7[%parallel_loop3A_923, %parallel_loop3A_924, %parallel_loop3A_925, %parallel_loop3A_926], %parallel_loop3A_929 {strides = array<i32>} : memref<2x32x8x128xf32, #tpu.memory_space<vmem>>, vector<1x1x1x16xf32>,
        %parallel_loop3A_930 = arith.select %parallel_loop3A_896, %get3A_616, %get3A_456 : vector<16xi1>, vector<16xf32>
        %parallel_loop3A_931 = arith.select %parallel_loop3A_893, %get3A_536, %parallel_loop3A_930 : vector<16xi1>, vector<16xf32>
        %parallel_loop3A_932 = arith.constant 1 : i32
        %parallel_loop3A_933 = arith.constant 3 : i32
        %parallel_loop3A_934 = arith.index_cast %parallel_loop3A_932 : i32 to index
        %parallel_loop3A_935 = arith.index_cast %parallel_loop3A_681 : i32 to index
        %parallel_loop3A_936 = arith.index_cast %parallel_loop3A_933 : i32 to index
        %parallel_loop3A_937 = arith.constant 32 : index
        %parallel_loop3A_938 = tpu.vector_load %arg7[%parallel_loop3A_934, %parallel_loop3A_935, %parallel_loop3A_936, %parallel_loop3A_937] {strides = array<i32>} : memref<2x32x8x128xf32, #tpu.memory_space<vmem>>, vector<1x1x1x16xf32>,
        %parallel_loop3A_939 = vector.shape_cast %parallel_loop3A_938 : vector<1x1x1x16xf32> to vector<16xf32>
        %parallel_loop3A_940 = vector.shape_cast %parallel_loop3A_931 : vector<16xf32> to vector<1x1x1x16xf32>
        tpu.vector_store %arg7[%parallel_loop3A_934, %parallel_loop3A_935, %parallel_loop3A_936, %parallel_loop3A_937], %parallel_loop3A_940 {strides = array<i32>} : memref<2x32x8x128xf32, #tpu.memory_space<vmem>>, vector<1x1x1x16xf32>,
        %parallel_loop3A_941 = arith.select %parallel_loop3A_896, %get3A_626, %get3A_466 : vector<16xi1>, vector<16xf32>
        %parallel_loop3A_942 = arith.select %parallel_loop3A_893, %get3A_546, %parallel_loop3A_941 : vector<16xi1>, vector<16xf32>
        %parallel_loop3A_943 = arith.constant 1 : i32
        %parallel_loop3A_944 = arith.constant 4 : i32
        %parallel_loop3A_945 = arith.index_cast %parallel_loop3A_943 : i32 to index
        %parallel_loop3A_946 = arith.index_cast %parallel_loop3A_681 : i32 to index
        %parallel_loop3A_947 = arith.index_cast %parallel_loop3A_944 : i32 to index
        %parallel_loop3A_948 = arith.constant 32 : index
        %parallel_loop3A_949 = tpu.vector_load %arg7[%parallel_loop3A_945, %parallel_loop3A_946, %parallel_loop3A_947, %parallel_loop3A_948] {strides = array<i32>} : memref<2x32x8x128xf32, #tpu.memory_space<vmem>>, vector<1x1x1x16xf32>,
        %parallel_loop3A_950 = vector.shape_cast %parallel_loop3A_949 : vector<1x1x1x16xf32> to vector<16xf32>
        %parallel_loop3A_951 = vector.shape_cast %parallel_loop3A_942 : vector<16xf32> to vector<1x1x1x16xf32>
        tpu.vector_store %arg7[%parallel_loop3A_945, %parallel_loop3A_946, %parallel_loop3A_947, %parallel_loop3A_948], %parallel_loop3A_951 {strides = array<i32>} : memref<2x32x8x128xf32, #tpu.memory_space<vmem>>, vector<1x1x1x16xf32>,
        %parallel_loop3A_952 = arith.select %parallel_loop3A_896, %get3A_636, %get3A_476 : vector<16xi1>, vector<16xf32>
        %parallel_loop3A_953 = arith.select %parallel_loop3A_893, %get3A_556, %parallel_loop3A_952 : vector<16xi1>, vector<16xf32>
        %parallel_loop3A_954 = arith.constant 1 : i32
        %parallel_loop3A_955 = arith.constant 5 : i32
        %parallel_loop3A_956 = arith.index_cast %parallel_loop3A_954 : i32 to index
        %parallel_loop3A_957 = arith.index_cast %parallel_loop3A_681 : i32 to index
        %parallel_loop3A_958 = arith.index_cast %parallel_loop3A_955 : i32 to index
        %parallel_loop3A_959 = arith.constant 32 : index
        %parallel_loop3A_960 = tpu.vector_load %arg7[%parallel_loop3A_956, %parallel_loop3A_957, %parallel_loop3A_958, %parallel_loop3A_959] {strides = array<i32>} : memref<2x32x8x128xf32, #tpu.memory_space<vmem>>, vector<1x1x1x16xf32>,
        %parallel_loop3A_961 = vector.shape_cast %parallel_loop3A_960 : vector<1x1x1x16xf32> to vector<16xf32>
        %parallel_loop3A_962 = vector.shape_cast %parallel_loop3A_953 : vector<16xf32> to vector<1x1x1x16xf32>
        tpu.vector_store %arg7[%parallel_loop3A_956, %parallel_loop3A_957, %parallel_loop3A_958, %parallel_loop3A_959], %parallel_loop3A_962 {strides = array<i32>} : memref<2x32x8x128xf32, #tpu.memory_space<vmem>>, vector<1x1x1x16xf32>,
        %parallel_loop3A_963 = arith.select %parallel_loop3A_896, %get3A_646, %get3A_486 : vector<16xi1>, vector<16xf32>
        %parallel_loop3A_964 = arith.select %parallel_loop3A_893, %get3A_566, %parallel_loop3A_963 : vector<16xi1>, vector<16xf32>
        %parallel_loop3A_965 = arith.constant 1 : i32
        %parallel_loop3A_966 = arith.constant 6 : i32
        %parallel_loop3A_967 = arith.index_cast %parallel_loop3A_965 : i32 to index
        %parallel_loop3A_968 = arith.index_cast %parallel_loop3A_681 : i32 to index
        %parallel_loop3A_969 = arith.index_cast %parallel_loop3A_966 : i32 to index
        %parallel_loop3A_970 = arith.constant 32 : index
        %parallel_loop3A_971 = tpu.vector_load %arg7[%parallel_loop3A_967, %parallel_loop3A_968, %parallel_loop3A_969, %parallel_loop3A_970] {strides = array<i32>} : memref<2x32x8x128xf32, #tpu.memory_space<vmem>>, vector<1x1x1x16xf32>,
        %parallel_loop3A_972 = vector.shape_cast %parallel_loop3A_971 : vector<1x1x1x16xf32> to vector<16xf32>
        %parallel_loop3A_973 = vector.shape_cast %parallel_loop3A_964 : vector<16xf32> to vector<1x1x1x16xf32>
        tpu.vector_store %arg7[%parallel_loop3A_967, %parallel_loop3A_968, %parallel_loop3A_969, %parallel_loop3A_970], %parallel_loop3A_973 {strides = array<i32>} : memref<2x32x8x128xf32, #tpu.memory_space<vmem>>, vector<1x1x1x16xf32>,
        %parallel_loop3A_974 = arith.select %parallel_loop3A_896, %get3A_656, %get3A_496 : vector<16xi1>, vector<16xf32>
        %parallel_loop3A_975 = arith.select %parallel_loop3A_893, %get3A_576, %parallel_loop3A_974 : vector<16xi1>, vector<16xf32>
        %parallel_loop3A_976 = arith.constant 1 : i32
        %parallel_loop3A_977 = arith.constant 7 : i32
        %parallel_loop3A_978 = arith.index_cast %parallel_loop3A_976 : i32 to index
        %parallel_loop3A_979 = arith.index_cast %parallel_loop3A_681 : i32 to index
        %parallel_loop3A_980 = arith.index_cast %parallel_loop3A_977 : i32 to index
        %parallel_loop3A_981 = arith.constant 32 : index
        %parallel_loop3A_982 = tpu.vector_load %arg7[%parallel_loop3A_978, %parallel_loop3A_979, %parallel_loop3A_980, %parallel_loop3A_981] {strides = array<i32>} : memref<2x32x8x128xf32, #tpu.memory_space<vmem>>, vector<1x1x1x16xf32>,
        %parallel_loop3A_983 = vector.shape_cast %parallel_loop3A_982 : vector<1x1x1x16xf32> to vector<16xf32>
        %parallel_loop3A_984 = vector.shape_cast %parallel_loop3A_975 : vector<16xf32> to vector<1x1x1x16xf32>
        tpu.vector_store %arg7[%parallel_loop3A_978, %parallel_loop3A_979, %parallel_loop3A_980, %parallel_loop3A_981], %parallel_loop3A_984 {strides = array<i32>} : memref<2x32x8x128xf32, #tpu.memory_space<vmem>>, vector<1x1x1x16xf32>,
        %parallel_loop3A_985 = arith.constant 128 : i32
        %parallel_loop3A_986 = arith.muli %parallel_loop3A_681, %parallel_loop3A_985 : i32
        %parallel_loop3A_987 = arith.constant 48 : i32
        %parallel_loop3A_988 = arith.addi %parallel_loop3A_986, %parallel_loop3A_987 : i32
        %parallel_loop3A_989 = arith.index_cast %parallel_loop3A_988 : i32 to index
        %parallel_loop3A_990 = tpu.vector_load %arg5[%parallel_loop3A_989] {strides = array<i32>} : memref<4096xi32, #tpu.memory_space<vmem>>, vector<16xi32>,
        %parallel_loop3A_991 = vector.shape_cast %parallel_loop3A_990 : vector<16xi32> to vector<16xi32>
        %parallel_loop3A_992 = arith.constant 1 : i32
        %parallel_loop3A_993 = vector.broadcast %parallel_loop3A_992 : i32 to vector<16xi32>
        %parallel_loop3A_994 = arith.cmpi eq, %parallel_loop3A_991, %parallel_loop3A_993 : vector<16xi32>
        %parallel_loop3A_995 = arith.constant 2 : i32
        %parallel_loop3A_996 = vector.broadcast %parallel_loop3A_995 : i32 to vector<16xi32>
        %parallel_loop3A_997 = arith.cmpi eq, %parallel_loop3A_991, %parallel_loop3A_996 : vector<16xi32>
        %parallel_loop3A_998 = arith.select %parallel_loop3A_997, %get3A_586, %get3A_426 : vector<16xi1>, vector<16xf32>
        %parallel_loop3A_999 = arith.select %parallel_loop3A_994, %get3A_506, %parallel_loop3A_998 : vector<16xi1>, vector<16xf32>
        %parallel_loop3A_1000 = arith.constant 1 : i32
        %parallel_loop3A_1001 = arith.constant 0 : i32
        %parallel_loop3A_1002 = arith.index_cast %parallel_loop3A_1000 : i32 to index
        %parallel_loop3A_1003 = arith.index_cast %parallel_loop3A_681 : i32 to index
        %parallel_loop3A_1004 = arith.index_cast %parallel_loop3A_1001 : i32 to index
        %parallel_loop3A_1005 = arith.constant 48 : index
        %parallel_loop3A_1006 = tpu.vector_load %arg7[%parallel_loop3A_1002, %parallel_loop3A_1003, %parallel_loop3A_1004, %parallel_loop3A_1005] {strides = array<i32>} : memref<2x32x8x128xf32, #tpu.memory_space<vmem>>, vector<1x1x1x16xf32>,
        %parallel_loop3A_1007 = vector.shape_cast %parallel_loop3A_1006 : vector<1x1x1x16xf32> to vector<16xf32>
        %parallel_loop3A_1008 = vector.shape_cast %parallel_loop3A_999 : vector<16xf32> to vector<1x1x1x16xf32>
        tpu.vector_store %arg7[%parallel_loop3A_1002, %parallel_loop3A_1003, %parallel_loop3A_1004, %parallel_loop3A_1005], %parallel_loop3A_1008 {strides = array<i32>} : memref<2x32x8x128xf32, #tpu.memory_space<vmem>>, vector<1x1x1x16xf32>,
        %parallel_loop3A_1009 = arith.select %parallel_loop3A_997, %get3A_596, %get3A_436 : vector<16xi1>, vector<16xf32>
        %parallel_loop3A_1010 = arith.select %parallel_loop3A_994, %get3A_516, %parallel_loop3A_1009 : vector<16xi1>, vector<16xf32>
        %parallel_loop3A_1011 = arith.constant 1 : i32
        %parallel_loop3A_1012 = arith.constant 1 : i32
        %parallel_loop3A_1013 = arith.index_cast %parallel_loop3A_1011 : i32 to index
        %parallel_loop3A_1014 = arith.index_cast %parallel_loop3A_681 : i32 to index
        %parallel_loop3A_1015 = arith.index_cast %parallel_loop3A_1012 : i32 to index
        %parallel_loop3A_1016 = arith.constant 48 : index
        %parallel_loop3A_1017 = tpu.vector_load %arg7[%parallel_loop3A_1013, %parallel_loop3A_1014, %parallel_loop3A_1015, %parallel_loop3A_1016] {strides = array<i32>} : memref<2x32x8x128xf32, #tpu.memory_space<vmem>>, vector<1x1x1x16xf32>,
        %parallel_loop3A_1018 = vector.shape_cast %parallel_loop3A_1017 : vector<1x1x1x16xf32> to vector<16xf32>
        %parallel_loop3A_1019 = vector.shape_cast %parallel_loop3A_1010 : vector<16xf32> to vector<1x1x1x16xf32>
        tpu.vector_store %arg7[%parallel_loop3A_1013, %parallel_loop3A_1014, %parallel_loop3A_1015, %parallel_loop3A_1016], %parallel_loop3A_1019 {strides = array<i32>} : memref<2x32x8x128xf32, #tpu.memory_space<vmem>>, vector<1x1x1x16xf32>,
        %parallel_loop3A_1020 = arith.select %parallel_loop3A_997, %get3A_606, %get3A_446 : vector<16xi1>, vector<16xf32>
        %parallel_loop3A_1021 = arith.select %parallel_loop3A_994, %get3A_526, %parallel_loop3A_1020 : vector<16xi1>, vector<16xf32>
        %parallel_loop3A_1022 = arith.constant 1 : i32
        %parallel_loop3A_1023 = arith.constant 2 : i32
        %parallel_loop3A_1024 = arith.index_cast %parallel_loop3A_1022 : i32 to index
        %parallel_loop3A_1025 = arith.index_cast %parallel_loop3A_681 : i32 to index
        %parallel_loop3A_1026 = arith.index_cast %parallel_loop3A_1023 : i32 to index
        %parallel_loop3A_1027 = arith.constant 48 : index
        %parallel_loop3A_1028 = tpu.vector_load %arg7[%parallel_loop3A_1024, %parallel_loop3A_1025, %parallel_loop3A_1026, %parallel_loop3A_1027] {strides = array<i32>} : memref<2x32x8x128xf32, #tpu.memory_space<vmem>>, vector<1x1x1x16xf32>,
        %parallel_loop3A_1029 = vector.shape_cast %parallel_loop3A_1028 : vector<1x1x1x16xf32> to vector<16xf32>
        %parallel_loop3A_1030 = vector.shape_cast %parallel_loop3A_1021 : vector<16xf32> to vector<1x1x1x16xf32>
        tpu.vector_store %arg7[%parallel_loop3A_1024, %parallel_loop3A_1025, %parallel_loop3A_1026, %parallel_loop3A_1027], %parallel_loop3A_1030 {strides = array<i32>} : memref<2x32x8x128xf32, #tpu.memory_space<vmem>>, vector<1x1x1x16xf32>,
        %parallel_loop3A_1031 = arith.select %parallel_loop3A_997, %get3A_616, %get3A_456 : vector<16xi1>, vector<16xf32>
        %parallel_loop3A_1032 = arith.select %parallel_loop3A_994, %get3A_536, %parallel_loop3A_1031 : vector<16xi1>, vector<16xf32>
        %parallel_loop3A_1033 = arith.constant 1 : i32
        %parallel_loop3A_1034 = arith.constant 3 : i32
        %parallel_loop3A_1035 = arith.index_cast %parallel_loop3A_1033 : i32 to index
        %parallel_loop3A_1036 = arith.index_cast %parallel_loop3A_681 : i32 to index
        %parallel_loop3A_1037 = arith.index_cast %parallel_loop3A_1034 : i32 to index
        %parallel_loop3A_1038 = arith.constant 48 : index
        %parallel_loop3A_1039 = tpu.vector_load %arg7[%parallel_loop3A_1035, %parallel_loop3A_1036, %parallel_loop3A_1037, %parallel_loop3A_1038] {strides = array<i32>} : memref<2x32x8x128xf32, #tpu.memory_space<vmem>>, vector<1x1x1x16xf32>,
        %parallel_loop3A_1040 = vector.shape_cast %parallel_loop3A_1039 : vector<1x1x1x16xf32> to vector<16xf32>
        %parallel_loop3A_1041 = vector.shape_cast %parallel_loop3A_1032 : vector<16xf32> to vector<1x1x1x16xf32>
        tpu.vector_store %arg7[%parallel_loop3A_1035, %parallel_loop3A_1036, %parallel_loop3A_1037, %parallel_loop3A_1038], %parallel_loop3A_1041 {strides = array<i32>} : memref<2x32x8x128xf32, #tpu.memory_space<vmem>>, vector<1x1x1x16xf32>,
        %parallel_loop3A_1042 = arith.select %parallel_loop3A_997, %get3A_626, %get3A_466 : vector<16xi1>, vector<16xf32>
        %parallel_loop3A_1043 = arith.select %parallel_loop3A_994, %get3A_546, %parallel_loop3A_1042 : vector<16xi1>, vector<16xf32>
        %parallel_loop3A_1044 = arith.constant 1 : i32
        %parallel_loop3A_1045 = arith.constant 4 : i32
        %parallel_loop3A_1046 = arith.index_cast %parallel_loop3A_1044 : i32 to index
        %parallel_loop3A_1047 = arith.index_cast %parallel_loop3A_681 : i32 to index
        %parallel_loop3A_1048 = arith.index_cast %parallel_loop3A_1045 : i32 to index
        %parallel_loop3A_1049 = arith.constant 48 : index
        %parallel_loop3A_1050 = tpu.vector_load %arg7[%parallel_loop3A_1046, %parallel_loop3A_1047, %parallel_loop3A_1048, %parallel_loop3A_1049] {strides = array<i32>} : memref<2x32x8x128xf32, #tpu.memory_space<vmem>>, vector<1x1x1x16xf32>,
        %parallel_loop3A_1051 = vector.shape_cast %parallel_loop3A_1050 : vector<1x1x1x16xf32> to vector<16xf32>
        %parallel_loop3A_1052 = vector.shape_cast %parallel_loop3A_1043 : vector<16xf32> to vector<1x1x1x16xf32>
        tpu.vector_store %arg7[%parallel_loop3A_1046, %parallel_loop3A_1047, %parallel_loop3A_1048, %parallel_loop3A_1049], %parallel_loop3A_1052 {strides = array<i32>} : memref<2x32x8x128xf32, #tpu.memory_space<vmem>>, vector<1x1x1x16xf32>,
        %parallel_loop3A_1053 = arith.select %parallel_loop3A_997, %get3A_636, %get3A_476 : vector<16xi1>, vector<16xf32>
        %parallel_loop3A_1054 = arith.select %parallel_loop3A_994, %get3A_556, %parallel_loop3A_1053 : vector<16xi1>, vector<16xf32>
        %parallel_loop3A_1055 = arith.constant 1 : i32
        %parallel_loop3A_1056 = arith.constant 5 : i32
        %parallel_loop3A_1057 = arith.index_cast %parallel_loop3A_1055 : i32 to index
        %parallel_loop3A_1058 = arith.index_cast %parallel_loop3A_681 : i32 to index
        %parallel_loop3A_1059 = arith.index_cast %parallel_loop3A_1056 : i32 to index
        %parallel_loop3A_1060 = arith.constant 48 : index
        %parallel_loop3A_1061 = tpu.vector_load %arg7[%parallel_loop3A_1057, %parallel_loop3A_1058, %parallel_loop3A_1059, %parallel_loop3A_1060] {strides = array<i32>} : memref<2x32x8x128xf32, #tpu.memory_space<vmem>>, vector<1x1x1x16xf32>,
        %parallel_loop3A_1062 = vector.shape_cast %parallel_loop3A_1061 : vector<1x1x1x16xf32> to vector<16xf32>
        %parallel_loop3A_1063 = vector.shape_cast %parallel_loop3A_1054 : vector<16xf32> to vector<1x1x1x16xf32>
        tpu.vector_store %arg7[%parallel_loop3A_1057, %parallel_loop3A_1058, %parallel_loop3A_1059, %parallel_loop3A_1060], %parallel_loop3A_1063 {strides = array<i32>} : memref<2x32x8x128xf32, #tpu.memory_space<vmem>>, vector<1x1x1x16xf32>,
        %parallel_loop3A_1064 = arith.select %parallel_loop3A_997, %get3A_646, %get3A_486 : vector<16xi1>, vector<16xf32>
        %parallel_loop3A_1065 = arith.select %parallel_loop3A_994, %get3A_566, %parallel_loop3A_1064 : vector<16xi1>, vector<16xf32>
        %parallel_loop3A_1066 = arith.constant 1 : i32
        %parallel_loop3A_1067 = arith.constant 6 : i32
        %parallel_loop3A_1068 = arith.index_cast %parallel_loop3A_1066 : i32 to index
        %parallel_loop3A_1069 = arith.index_cast %parallel_loop3A_681 : i32 to index
        %parallel_loop3A_1070 = arith.index_cast %parallel_loop3A_1067 : i32 to index
        %parallel_loop3A_1071 = arith.constant 48 : index
        %parallel_loop3A_1072 = tpu.vector_load %arg7[%parallel_loop3A_1068, %parallel_loop3A_1069, %parallel_loop3A_1070, %parallel_loop3A_1071] {strides = array<i32>} : memref<2x32x8x128xf32, #tpu.memory_space<vmem>>, vector<1x1x1x16xf32>,
        %parallel_loop3A_1073 = vector.shape_cast %parallel_loop3A_1072 : vector<1x1x1x16xf32> to vector<16xf32>
        %parallel_loop3A_1074 = vector.shape_cast %parallel_loop3A_1065 : vector<16xf32> to vector<1x1x1x16xf32>
        tpu.vector_store %arg7[%parallel_loop3A_1068, %parallel_loop3A_1069, %parallel_loop3A_1070, %parallel_loop3A_1071], %parallel_loop3A_1074 {strides = array<i32>} : memref<2x32x8x128xf32, #tpu.memory_space<vmem>>, vector<1x1x1x16xf32>,
        %parallel_loop3A_1075 = arith.select %parallel_loop3A_997, %get3A_656, %get3A_496 : vector<16xi1>, vector<16xf32>
        %parallel_loop3A_1076 = arith.select %parallel_loop3A_994, %get3A_576, %parallel_loop3A_1075 : vector<16xi1>, vector<16xf32>
        %parallel_loop3A_1077 = arith.constant 1 : i32
        %parallel_loop3A_1078 = arith.constant 7 : i32
        %parallel_loop3A_1079 = arith.index_cast %parallel_loop3A_1077 : i32 to index
        %parallel_loop3A_1080 = arith.index_cast %parallel_loop3A_681 : i32 to index
        %parallel_loop3A_1081 = arith.index_cast %parallel_loop3A_1078 : i32 to index
        %parallel_loop3A_1082 = arith.constant 48 : index
        %parallel_loop3A_1083 = tpu.vector_load %arg7[%parallel_loop3A_1079, %parallel_loop3A_1080, %parallel_loop3A_1081, %parallel_loop3A_1082] {strides = array<i32>} : memref<2x32x8x128xf32, #tpu.memory_space<vmem>>, vector<1x1x1x16xf32>,
        %parallel_loop3A_1084 = vector.shape_cast %parallel_loop3A_1083 : vector<1x1x1x16xf32> to vector<16xf32>
        %parallel_loop3A_1085 = vector.shape_cast %parallel_loop3A_1076 : vector<16xf32> to vector<1x1x1x16xf32>
        tpu.vector_store %arg7[%parallel_loop3A_1079, %parallel_loop3A_1080, %parallel_loop3A_1081, %parallel_loop3A_1082], %parallel_loop3A_1085 {strides = array<i32>} : memref<2x32x8x128xf32, #tpu.memory_space<vmem>>, vector<1x1x1x16xf32>,
        %parallel_loop3A_1086 = arith.constant 128 : i32
        %parallel_loop3A_1087 = arith.muli %parallel_loop3A_681, %parallel_loop3A_1086 : i32
        %parallel_loop3A_1088 = arith.constant 64 : i32
        %parallel_loop3A_1089 = arith.addi %parallel_loop3A_1087, %parallel_loop3A_1088 : i32
        %parallel_loop3A_1090 = arith.index_cast %parallel_loop3A_1089 : i32 to index
        %parallel_loop3A_1091 = tpu.vector_load %arg5[%parallel_loop3A_1090] {strides = array<i32>} : memref<4096xi32, #tpu.memory_space<vmem>>, vector<16xi32>,
        %parallel_loop3A_1092 = vector.shape_cast %parallel_loop3A_1091 : vector<16xi32> to vector<16xi32>
        %parallel_loop3A_1093 = arith.constant 1 : i32
        %parallel_loop3A_1094 = vector.broadcast %parallel_loop3A_1093 : i32 to vector<16xi32>
        %parallel_loop3A_1095 = arith.cmpi eq, %parallel_loop3A_1092, %parallel_loop3A_1094 : vector<16xi32>
        %parallel_loop3A_1096 = arith.constant 2 : i32
        %parallel_loop3A_1097 = vector.broadcast %parallel_loop3A_1096 : i32 to vector<16xi32>
        %parallel_loop3A_1098 = arith.cmpi eq, %parallel_loop3A_1092, %parallel_loop3A_1097 : vector<16xi32>
        %parallel_loop3A_1099 = arith.select %parallel_loop3A_1098, %get3A_586, %get3A_426 : vector<16xi1>, vector<16xf32>
        %parallel_loop3A_1100 = arith.select %parallel_loop3A_1095, %get3A_506, %parallel_loop3A_1099 : vector<16xi1>, vector<16xf32>
        %parallel_loop3A_1101 = arith.constant 1 : i32
        %parallel_loop3A_1102 = arith.constant 0 : i32
        %parallel_loop3A_1103 = arith.index_cast %parallel_loop3A_1101 : i32 to index
        %parallel_loop3A_1104 = arith.index_cast %parallel_loop3A_681 : i32 to index
        %parallel_loop3A_1105 = arith.index_cast %parallel_loop3A_1102 : i32 to index
        %parallel_loop3A_1106 = arith.constant 64 : index
        %parallel_loop3A_1107 = tpu.vector_load %arg7[%parallel_loop3A_1103, %parallel_loop3A_1104, %parallel_loop3A_1105, %parallel_loop3A_1106] {strides = array<i32>} : memref<2x32x8x128xf32, #tpu.memory_space<vmem>>, vector<1x1x1x16xf32>,
        %parallel_loop3A_1108 = vector.shape_cast %parallel_loop3A_1107 : vector<1x1x1x16xf32> to vector<16xf32>
        %parallel_loop3A_1109 = vector.shape_cast %parallel_loop3A_1100 : vector<16xf32> to vector<1x1x1x16xf32>
        tpu.vector_store %arg7[%parallel_loop3A_1103, %parallel_loop3A_1104, %parallel_loop3A_1105, %parallel_loop3A_1106], %parallel_loop3A_1109 {strides = array<i32>} : memref<2x32x8x128xf32, #tpu.memory_space<vmem>>, vector<1x1x1x16xf32>,
        %parallel_loop3A_1110 = arith.select %parallel_loop3A_1098, %get3A_596, %get3A_436 : vector<16xi1>, vector<16xf32>
        %parallel_loop3A_1111 = arith.select %parallel_loop3A_1095, %get3A_516, %parallel_loop3A_1110 : vector<16xi1>, vector<16xf32>
        %parallel_loop3A_1112 = arith.constant 1 : i32
        %parallel_loop3A_1113 = arith.constant 1 : i32
        %parallel_loop3A_1114 = arith.index_cast %parallel_loop3A_1112 : i32 to index
        %parallel_loop3A_1115 = arith.index_cast %parallel_loop3A_681 : i32 to index
        %parallel_loop3A_1116 = arith.index_cast %parallel_loop3A_1113 : i32 to index
        %parallel_loop3A_1117 = arith.constant 64 : index
        %parallel_loop3A_1118 = tpu.vector_load %arg7[%parallel_loop3A_1114, %parallel_loop3A_1115, %parallel_loop3A_1116, %parallel_loop3A_1117] {strides = array<i32>} : memref<2x32x8x128xf32, #tpu.memory_space<vmem>>, vector<1x1x1x16xf32>,
        %parallel_loop3A_1119 = vector.shape_cast %parallel_loop3A_1118 : vector<1x1x1x16xf32> to vector<16xf32>
        %parallel_loop3A_1120 = vector.shape_cast %parallel_loop3A_1111 : vector<16xf32> to vector<1x1x1x16xf32>
        tpu.vector_store %arg7[%parallel_loop3A_1114, %parallel_loop3A_1115, %parallel_loop3A_1116, %parallel_loop3A_1117], %parallel_loop3A_1120 {strides = array<i32>} : memref<2x32x8x128xf32, #tpu.memory_space<vmem>>, vector<1x1x1x16xf32>,
        %parallel_loop3A_1121 = arith.select %parallel_loop3A_1098, %get3A_606, %get3A_446 : vector<16xi1>, vector<16xf32>
        %parallel_loop3A_1122 = arith.select %parallel_loop3A_1095, %get3A_526, %parallel_loop3A_1121 : vector<16xi1>, vector<16xf32>
        %parallel_loop3A_1123 = arith.constant 1 : i32
        %parallel_loop3A_1124 = arith.constant 2 : i32
        %parallel_loop3A_1125 = arith.index_cast %parallel_loop3A_1123 : i32 to index
        %parallel_loop3A_1126 = arith.index_cast %parallel_loop3A_681 : i32 to index
        %parallel_loop3A_1127 = arith.index_cast %parallel_loop3A_1124 : i32 to index
        %parallel_loop3A_1128 = arith.constant 64 : index
        %parallel_loop3A_1129 = tpu.vector_load %arg7[%parallel_loop3A_1125, %parallel_loop3A_1126, %parallel_loop3A_1127, %parallel_loop3A_1128] {strides = array<i32>} : memref<2x32x8x128xf32, #tpu.memory_space<vmem>>, vector<1x1x1x16xf32>,
        %parallel_loop3A_1130 = vector.shape_cast %parallel_loop3A_1129 : vector<1x1x1x16xf32> to vector<16xf32>
        %parallel_loop3A_1131 = vector.shape_cast %parallel_loop3A_1122 : vector<16xf32> to vector<1x1x1x16xf32>
        tpu.vector_store %arg7[%parallel_loop3A_1125, %parallel_loop3A_1126, %parallel_loop3A_1127, %parallel_loop3A_1128], %parallel_loop3A_1131 {strides = array<i32>} : memref<2x32x8x128xf32, #tpu.memory_space<vmem>>, vector<1x1x1x16xf32>,
        %parallel_loop3A_1132 = arith.select %parallel_loop3A_1098, %get3A_616, %get3A_456 : vector<16xi1>, vector<16xf32>
        %parallel_loop3A_1133 = arith.select %parallel_loop3A_1095, %get3A_536, %parallel_loop3A_1132 : vector<16xi1>, vector<16xf32>
        %parallel_loop3A_1134 = arith.constant 1 : i32
        %parallel_loop3A_1135 = arith.constant 3 : i32
        %parallel_loop3A_1136 = arith.index_cast %parallel_loop3A_1134 : i32 to index
        %parallel_loop3A_1137 = arith.index_cast %parallel_loop3A_681 : i32 to index
        %parallel_loop3A_1138 = arith.index_cast %parallel_loop3A_1135 : i32 to index
        %parallel_loop3A_1139 = arith.constant 64 : index
        %parallel_loop3A_1140 = tpu.vector_load %arg7[%parallel_loop3A_1136, %parallel_loop3A_1137, %parallel_loop3A_1138, %parallel_loop3A_1139] {strides = array<i32>} : memref<2x32x8x128xf32, #tpu.memory_space<vmem>>, vector<1x1x1x16xf32>,
        %parallel_loop3A_1141 = vector.shape_cast %parallel_loop3A_1140 : vector<1x1x1x16xf32> to vector<16xf32>
        %parallel_loop3A_1142 = vector.shape_cast %parallel_loop3A_1133 : vector<16xf32> to vector<1x1x1x16xf32>
        tpu.vector_store %arg7[%parallel_loop3A_1136, %parallel_loop3A_1137, %parallel_loop3A_1138, %parallel_loop3A_1139], %parallel_loop3A_1142 {strides = array<i32>} : memref<2x32x8x128xf32, #tpu.memory_space<vmem>>, vector<1x1x1x16xf32>,
        %parallel_loop3A_1143 = arith.select %parallel_loop3A_1098, %get3A_626, %get3A_466 : vector<16xi1>, vector<16xf32>
        %parallel_loop3A_1144 = arith.select %parallel_loop3A_1095, %get3A_546, %parallel_loop3A_1143 : vector<16xi1>, vector<16xf32>
        %parallel_loop3A_1145 = arith.constant 1 : i32
        %parallel_loop3A_1146 = arith.constant 4 : i32
        %parallel_loop3A_1147 = arith.index_cast %parallel_loop3A_1145 : i32 to index
        %parallel_loop3A_1148 = arith.index_cast %parallel_loop3A_681 : i32 to index
        %parallel_loop3A_1149 = arith.index_cast %parallel_loop3A_1146 : i32 to index
        %parallel_loop3A_1150 = arith.constant 64 : index
        %parallel_loop3A_1151 = tpu.vector_load %arg7[%parallel_loop3A_1147, %parallel_loop3A_1148, %parallel_loop3A_1149, %parallel_loop3A_1150] {strides = array<i32>} : memref<2x32x8x128xf32, #tpu.memory_space<vmem>>, vector<1x1x1x16xf32>,
        %parallel_loop3A_1152 = vector.shape_cast %parallel_loop3A_1151 : vector<1x1x1x16xf32> to vector<16xf32>
        %parallel_loop3A_1153 = vector.shape_cast %parallel_loop3A_1144 : vector<16xf32> to vector<1x1x1x16xf32>
        tpu.vector_store %arg7[%parallel_loop3A_1147, %parallel_loop3A_1148, %parallel_loop3A_1149, %parallel_loop3A_1150], %parallel_loop3A_1153 {strides = array<i32>} : memref<2x32x8x128xf32, #tpu.memory_space<vmem>>, vector<1x1x1x16xf32>,
        %parallel_loop3A_1154 = arith.select %parallel_loop3A_1098, %get3A_636, %get3A_476 : vector<16xi1>, vector<16xf32>
        %parallel_loop3A_1155 = arith.select %parallel_loop3A_1095, %get3A_556, %parallel_loop3A_1154 : vector<16xi1>, vector<16xf32>
        %parallel_loop3A_1156 = arith.constant 1 : i32
        %parallel_loop3A_1157 = arith.constant 5 : i32
        %parallel_loop3A_1158 = arith.index_cast %parallel_loop3A_1156 : i32 to index
        %parallel_loop3A_1159 = arith.index_cast %parallel_loop3A_681 : i32 to index
        %parallel_loop3A_1160 = arith.index_cast %parallel_loop3A_1157 : i32 to index
        %parallel_loop3A_1161 = arith.constant 64 : index
        %parallel_loop3A_1162 = tpu.vector_load %arg7[%parallel_loop3A_1158, %parallel_loop3A_1159, %parallel_loop3A_1160, %parallel_loop3A_1161] {strides = array<i32>} : memref<2x32x8x128xf32, #tpu.memory_space<vmem>>, vector<1x1x1x16xf32>,
        %parallel_loop3A_1163 = vector.shape_cast %parallel_loop3A_1162 : vector<1x1x1x16xf32> to vector<16xf32>
        %parallel_loop3A_1164 = vector.shape_cast %parallel_loop3A_1155 : vector<16xf32> to vector<1x1x1x16xf32>
        tpu.vector_store %arg7[%parallel_loop3A_1158, %parallel_loop3A_1159, %parallel_loop3A_1160, %parallel_loop3A_1161], %parallel_loop3A_1164 {strides = array<i32>} : memref<2x32x8x128xf32, #tpu.memory_space<vmem>>, vector<1x1x1x16xf32>,
        %parallel_loop3A_1165 = arith.select %parallel_loop3A_1098, %get3A_646, %get3A_486 : vector<16xi1>, vector<16xf32>
        %parallel_loop3A_1166 = arith.select %parallel_loop3A_1095, %get3A_566, %parallel_loop3A_1165 : vector<16xi1>, vector<16xf32>
        %parallel_loop3A_1167 = arith.constant 1 : i32
        %parallel_loop3A_1168 = arith.constant 6 : i32
        %parallel_loop3A_1169 = arith.index_cast %parallel_loop3A_1167 : i32 to index
        %parallel_loop3A_1170 = arith.index_cast %parallel_loop3A_681 : i32 to index
        %parallel_loop3A_1171 = arith.index_cast %parallel_loop3A_1168 : i32 to index
        %parallel_loop3A_1172 = arith.constant 64 : index
        %parallel_loop3A_1173 = tpu.vector_load %arg7[%parallel_loop3A_1169, %parallel_loop3A_1170, %parallel_loop3A_1171, %parallel_loop3A_1172] {strides = array<i32>} : memref<2x32x8x128xf32, #tpu.memory_space<vmem>>, vector<1x1x1x16xf32>,
        %parallel_loop3A_1174 = vector.shape_cast %parallel_loop3A_1173 : vector<1x1x1x16xf32> to vector<16xf32>
        %parallel_loop3A_1175 = vector.shape_cast %parallel_loop3A_1166 : vector<16xf32> to vector<1x1x1x16xf32>
        tpu.vector_store %arg7[%parallel_loop3A_1169, %parallel_loop3A_1170, %parallel_loop3A_1171, %parallel_loop3A_1172], %parallel_loop3A_1175 {strides = array<i32>} : memref<2x32x8x128xf32, #tpu.memory_space<vmem>>, vector<1x1x1x16xf32>,
        %parallel_loop3A_1176 = arith.select %parallel_loop3A_1098, %get3A_656, %get3A_496 : vector<16xi1>, vector<16xf32>
        %parallel_loop3A_1177 = arith.select %parallel_loop3A_1095, %get3A_576, %parallel_loop3A_1176 : vector<16xi1>, vector<16xf32>
        %parallel_loop3A_1178 = arith.constant 1 : i32
        %parallel_loop3A_1179 = arith.constant 7 : i32
        %parallel_loop3A_1180 = arith.index_cast %parallel_loop3A_1178 : i32 to index
        %parallel_loop3A_1181 = arith.index_cast %parallel_loop3A_681 : i32 to index
        %parallel_loop3A_1182 = arith.index_cast %parallel_loop3A_1179 : i32 to index
        %parallel_loop3A_1183 = arith.constant 64 : index
        %parallel_loop3A_1184 = tpu.vector_load %arg7[%parallel_loop3A_1180, %parallel_loop3A_1181, %parallel_loop3A_1182, %parallel_loop3A_1183] {strides = array<i32>} : memref<2x32x8x128xf32, #tpu.memory_space<vmem>>, vector<1x1x1x16xf32>,
        %parallel_loop3A_1185 = vector.shape_cast %parallel_loop3A_1184 : vector<1x1x1x16xf32> to vector<16xf32>
        %parallel_loop3A_1186 = vector.shape_cast %parallel_loop3A_1177 : vector<16xf32> to vector<1x1x1x16xf32>
        tpu.vector_store %arg7[%parallel_loop3A_1180, %parallel_loop3A_1181, %parallel_loop3A_1182, %parallel_loop3A_1183], %parallel_loop3A_1186 {strides = array<i32>} : memref<2x32x8x128xf32, #tpu.memory_space<vmem>>, vector<1x1x1x16xf32>,
        %parallel_loop3A_1187 = arith.constant 128 : i32
        %parallel_loop3A_1188 = arith.muli %parallel_loop3A_681, %parallel_loop3A_1187 : i32
        %parallel_loop3A_1189 = arith.constant 80 : i32
        %parallel_loop3A_1190 = arith.addi %parallel_loop3A_1188, %parallel_loop3A_1189 : i32
        %parallel_loop3A_1191 = arith.index_cast %parallel_loop3A_1190 : i32 to index
        %parallel_loop3A_1192 = tpu.vector_load %arg5[%parallel_loop3A_1191] {strides = array<i32>} : memref<4096xi32, #tpu.memory_space<vmem>>, vector<16xi32>,
        %parallel_loop3A_1193 = vector.shape_cast %parallel_loop3A_1192 : vector<16xi32> to vector<16xi32>
        %parallel_loop3A_1194 = arith.constant 1 : i32
        %parallel_loop3A_1195 = vector.broadcast %parallel_loop3A_1194 : i32 to vector<16xi32>
        %parallel_loop3A_1196 = arith.cmpi eq, %parallel_loop3A_1193, %parallel_loop3A_1195 : vector<16xi32>
        %parallel_loop3A_1197 = arith.constant 2 : i32
        %parallel_loop3A_1198 = vector.broadcast %parallel_loop3A_1197 : i32 to vector<16xi32>
        %parallel_loop3A_1199 = arith.cmpi eq, %parallel_loop3A_1193, %parallel_loop3A_1198 : vector<16xi32>
        %parallel_loop3A_1200 = arith.select %parallel_loop3A_1199, %get3A_586, %get3A_426 : vector<16xi1>, vector<16xf32>
        %parallel_loop3A_1201 = arith.select %parallel_loop3A_1196, %get3A_506, %parallel_loop3A_1200 : vector<16xi1>, vector<16xf32>
        %parallel_loop3A_1202 = arith.constant 1 : i32
        %parallel_loop3A_1203 = arith.constant 0 : i32
        %parallel_loop3A_1204 = arith.index_cast %parallel_loop3A_1202 : i32 to index
        %parallel_loop3A_1205 = arith.index_cast %parallel_loop3A_681 : i32 to index
        %parallel_loop3A_1206 = arith.index_cast %parallel_loop3A_1203 : i32 to index
        %parallel_loop3A_1207 = arith.constant 80 : index
        %parallel_loop3A_1208 = tpu.vector_load %arg7[%parallel_loop3A_1204, %parallel_loop3A_1205, %parallel_loop3A_1206, %parallel_loop3A_1207] {strides = array<i32>} : memref<2x32x8x128xf32, #tpu.memory_space<vmem>>, vector<1x1x1x16xf32>,
        %parallel_loop3A_1209 = vector.shape_cast %parallel_loop3A_1208 : vector<1x1x1x16xf32> to vector<16xf32>
        %parallel_loop3A_1210 = vector.shape_cast %parallel_loop3A_1201 : vector<16xf32> to vector<1x1x1x16xf32>
        tpu.vector_store %arg7[%parallel_loop3A_1204, %parallel_loop3A_1205, %parallel_loop3A_1206, %parallel_loop3A_1207], %parallel_loop3A_1210 {strides = array<i32>} : memref<2x32x8x128xf32, #tpu.memory_space<vmem>>, vector<1x1x1x16xf32>,
        %parallel_loop3A_1211 = arith.select %parallel_loop3A_1199, %get3A_596, %get3A_436 : vector<16xi1>, vector<16xf32>
        %parallel_loop3A_1212 = arith.select %parallel_loop3A_1196, %get3A_516, %parallel_loop3A_1211 : vector<16xi1>, vector<16xf32>
        %parallel_loop3A_1213 = arith.constant 1 : i32
        %parallel_loop3A_1214 = arith.constant 1 : i32
        %parallel_loop3A_1215 = arith.index_cast %parallel_loop3A_1213 : i32 to index
        %parallel_loop3A_1216 = arith.index_cast %parallel_loop3A_681 : i32 to index
        %parallel_loop3A_1217 = arith.index_cast %parallel_loop3A_1214 : i32 to index
        %parallel_loop3A_1218 = arith.constant 80 : index
        %parallel_loop3A_1219 = tpu.vector_load %arg7[%parallel_loop3A_1215, %parallel_loop3A_1216, %parallel_loop3A_1217, %parallel_loop3A_1218] {strides = array<i32>} : memref<2x32x8x128xf32, #tpu.memory_space<vmem>>, vector<1x1x1x16xf32>,
        %parallel_loop3A_1220 = vector.shape_cast %parallel_loop3A_1219 : vector<1x1x1x16xf32> to vector<16xf32>
        %parallel_loop3A_1221 = vector.shape_cast %parallel_loop3A_1212 : vector<16xf32> to vector<1x1x1x16xf32>
        tpu.vector_store %arg7[%parallel_loop3A_1215, %parallel_loop3A_1216, %parallel_loop3A_1217, %parallel_loop3A_1218], %parallel_loop3A_1221 {strides = array<i32>} : memref<2x32x8x128xf32, #tpu.memory_space<vmem>>, vector<1x1x1x16xf32>,
        %parallel_loop3A_1222 = arith.select %parallel_loop3A_1199, %get3A_606, %get3A_446 : vector<16xi1>, vector<16xf32>
        %parallel_loop3A_1223 = arith.select %parallel_loop3A_1196, %get3A_526, %parallel_loop3A_1222 : vector<16xi1>, vector<16xf32>
        %parallel_loop3A_1224 = arith.constant 1 : i32
        %parallel_loop3A_1225 = arith.constant 2 : i32
        %parallel_loop3A_1226 = arith.index_cast %parallel_loop3A_1224 : i32 to index
        %parallel_loop3A_1227 = arith.index_cast %parallel_loop3A_681 : i32 to index
        %parallel_loop3A_1228 = arith.index_cast %parallel_loop3A_1225 : i32 to index
        %parallel_loop3A_1229 = arith.constant 80 : index
        %parallel_loop3A_1230 = tpu.vector_load %arg7[%parallel_loop3A_1226, %parallel_loop3A_1227, %parallel_loop3A_1228, %parallel_loop3A_1229] {strides = array<i32>} : memref<2x32x8x128xf32, #tpu.memory_space<vmem>>, vector<1x1x1x16xf32>,
        %parallel_loop3A_1231 = vector.shape_cast %parallel_loop3A_1230 : vector<1x1x1x16xf32> to vector<16xf32>
        %parallel_loop3A_1232 = vector.shape_cast %parallel_loop3A_1223 : vector<16xf32> to vector<1x1x1x16xf32>
        tpu.vector_store %arg7[%parallel_loop3A_1226, %parallel_loop3A_1227, %parallel_loop3A_1228, %parallel_loop3A_1229], %parallel_loop3A_1232 {strides = array<i32>} : memref<2x32x8x128xf32, #tpu.memory_space<vmem>>, vector<1x1x1x16xf32>,
        %parallel_loop3A_1233 = arith.select %parallel_loop3A_1199, %get3A_616, %get3A_456 : vector<16xi1>, vector<16xf32>
        %parallel_loop3A_1234 = arith.select %parallel_loop3A_1196, %get3A_536, %parallel_loop3A_1233 : vector<16xi1>, vector<16xf32>
        %parallel_loop3A_1235 = arith.constant 1 : i32
        %parallel_loop3A_1236 = arith.constant 3 : i32
        %parallel_loop3A_1237 = arith.index_cast %parallel_loop3A_1235 : i32 to index
        %parallel_loop3A_1238 = arith.index_cast %parallel_loop3A_681 : i32 to index
        %parallel_loop3A_1239 = arith.index_cast %parallel_loop3A_1236 : i32 to index
        %parallel_loop3A_1240 = arith.constant 80 : index
        %parallel_loop3A_1241 = tpu.vector_load %arg7[%parallel_loop3A_1237, %parallel_loop3A_1238, %parallel_loop3A_1239, %parallel_loop3A_1240] {strides = array<i32>} : memref<2x32x8x128xf32, #tpu.memory_space<vmem>>, vector<1x1x1x16xf32>,
        %parallel_loop3A_1242 = vector.shape_cast %parallel_loop3A_1241 : vector<1x1x1x16xf32> to vector<16xf32>
        %parallel_loop3A_1243 = vector.shape_cast %parallel_loop3A_1234 : vector<16xf32> to vector<1x1x1x16xf32>
        tpu.vector_store %arg7[%parallel_loop3A_1237, %parallel_loop3A_1238, %parallel_loop3A_1239, %parallel_loop3A_1240], %parallel_loop3A_1243 {strides = array<i32>} : memref<2x32x8x128xf32, #tpu.memory_space<vmem>>, vector<1x1x1x16xf32>,
        %parallel_loop3A_1244 = arith.select %parallel_loop3A_1199, %get3A_626, %get3A_466 : vector<16xi1>, vector<16xf32>
        %parallel_loop3A_1245 = arith.select %parallel_loop3A_1196, %get3A_546, %parallel_loop3A_1244 : vector<16xi1>, vector<16xf32>
        %parallel_loop3A_1246 = arith.constant 1 : i32
        %parallel_loop3A_1247 = arith.constant 4 : i32
        %parallel_loop3A_1248 = arith.index_cast %parallel_loop3A_1246 : i32 to index
        %parallel_loop3A_1249 = arith.index_cast %parallel_loop3A_681 : i32 to index
        %parallel_loop3A_1250 = arith.index_cast %parallel_loop3A_1247 : i32 to index
        %parallel_loop3A_1251 = arith.constant 80 : index
        %parallel_loop3A_1252 = tpu.vector_load %arg7[%parallel_loop3A_1248, %parallel_loop3A_1249, %parallel_loop3A_1250, %parallel_loop3A_1251] {strides = array<i32>} : memref<2x32x8x128xf32, #tpu.memory_space<vmem>>, vector<1x1x1x16xf32>,
        %parallel_loop3A_1253 = vector.shape_cast %parallel_loop3A_1252 : vector<1x1x1x16xf32> to vector<16xf32>
        %parallel_loop3A_1254 = vector.shape_cast %parallel_loop3A_1245 : vector<16xf32> to vector<1x1x1x16xf32>
        tpu.vector_store %arg7[%parallel_loop3A_1248, %parallel_loop3A_1249, %parallel_loop3A_1250, %parallel_loop3A_1251], %parallel_loop3A_1254 {strides = array<i32>} : memref<2x32x8x128xf32, #tpu.memory_space<vmem>>, vector<1x1x1x16xf32>,
        %parallel_loop3A_1255 = arith.select %parallel_loop3A_1199, %get3A_636, %get3A_476 : vector<16xi1>, vector<16xf32>
        %parallel_loop3A_1256 = arith.select %parallel_loop3A_1196, %get3A_556, %parallel_loop3A_1255 : vector<16xi1>, vector<16xf32>
        %parallel_loop3A_1257 = arith.constant 1 : i32
        %parallel_loop3A_1258 = arith.constant 5 : i32
        %parallel_loop3A_1259 = arith.index_cast %parallel_loop3A_1257 : i32 to index
        %parallel_loop3A_1260 = arith.index_cast %parallel_loop3A_681 : i32 to index
        %parallel_loop3A_1261 = arith.index_cast %parallel_loop3A_1258 : i32 to index
        %parallel_loop3A_1262 = arith.constant 80 : index
        %parallel_loop3A_1263 = tpu.vector_load %arg7[%parallel_loop3A_1259, %parallel_loop3A_1260, %parallel_loop3A_1261, %parallel_loop3A_1262] {strides = array<i32>} : memref<2x32x8x128xf32, #tpu.memory_space<vmem>>, vector<1x1x1x16xf32>,
        %parallel_loop3A_1264 = vector.shape_cast %parallel_loop3A_1263 : vector<1x1x1x16xf32> to vector<16xf32>
        %parallel_loop3A_1265 = vector.shape_cast %parallel_loop3A_1256 : vector<16xf32> to vector<1x1x1x16xf32>
        tpu.vector_store %arg7[%parallel_loop3A_1259, %parallel_loop3A_1260, %parallel_loop3A_1261, %parallel_loop3A_1262], %parallel_loop3A_1265 {strides = array<i32>} : memref<2x32x8x128xf32, #tpu.memory_space<vmem>>, vector<1x1x1x16xf32>,
        %parallel_loop3A_1266 = arith.select %parallel_loop3A_1199, %get3A_646, %get3A_486 : vector<16xi1>, vector<16xf32>
        %parallel_loop3A_1267 = arith.select %parallel_loop3A_1196, %get3A_566, %parallel_loop3A_1266 : vector<16xi1>, vector<16xf32>
        %parallel_loop3A_1268 = arith.constant 1 : i32
        %parallel_loop3A_1269 = arith.constant 6 : i32
        %parallel_loop3A_1270 = arith.index_cast %parallel_loop3A_1268 : i32 to index
        %parallel_loop3A_1271 = arith.index_cast %parallel_loop3A_681 : i32 to index
        %parallel_loop3A_1272 = arith.index_cast %parallel_loop3A_1269 : i32 to index
        %parallel_loop3A_1273 = arith.constant 80 : index
        %parallel_loop3A_1274 = tpu.vector_load %arg7[%parallel_loop3A_1270, %parallel_loop3A_1271, %parallel_loop3A_1272, %parallel_loop3A_1273] {strides = array<i32>} : memref<2x32x8x128xf32, #tpu.memory_space<vmem>>, vector<1x1x1x16xf32>,
        %parallel_loop3A_1275 = vector.shape_cast %parallel_loop3A_1274 : vector<1x1x1x16xf32> to vector<16xf32>
        %parallel_loop3A_1276 = vector.shape_cast %parallel_loop3A_1267 : vector<16xf32> to vector<1x1x1x16xf32>
        tpu.vector_store %arg7[%parallel_loop3A_1270, %parallel_loop3A_1271, %parallel_loop3A_1272, %parallel_loop3A_1273], %parallel_loop3A_1276 {strides = array<i32>} : memref<2x32x8x128xf32, #tpu.memory_space<vmem>>, vector<1x1x1x16xf32>,
        %parallel_loop3A_1277 = arith.select %parallel_loop3A_1199, %get3A_656, %get3A_496 : vector<16xi1>, vector<16xf32>
        %parallel_loop3A_1278 = arith.select %parallel_loop3A_1196, %get3A_576, %parallel_loop3A_1277 : vector<16xi1>, vector<16xf32>
        %parallel_loop3A_1279 = arith.constant 1 : i32
        %parallel_loop3A_1280 = arith.constant 7 : i32
        %parallel_loop3A_1281 = arith.index_cast %parallel_loop3A_1279 : i32 to index
        %parallel_loop3A_1282 = arith.index_cast %parallel_loop3A_681 : i32 to index
        %parallel_loop3A_1283 = arith.index_cast %parallel_loop3A_1280 : i32 to index
        %parallel_loop3A_1284 = arith.constant 80 : index
        %parallel_loop3A_1285 = tpu.vector_load %arg7[%parallel_loop3A_1281, %parallel_loop3A_1282, %parallel_loop3A_1283, %parallel_loop3A_1284] {strides = array<i32>} : memref<2x32x8x128xf32, #tpu.memory_space<vmem>>, vector<1x1x1x16xf32>,
        %parallel_loop3A_1286 = vector.shape_cast %parallel_loop3A_1285 : vector<1x1x1x16xf32> to vector<16xf32>
        %parallel_loop3A_1287 = vector.shape_cast %parallel_loop3A_1278 : vector<16xf32> to vector<1x1x1x16xf32>
        tpu.vector_store %arg7[%parallel_loop3A_1281, %parallel_loop3A_1282, %parallel_loop3A_1283, %parallel_loop3A_1284], %parallel_loop3A_1287 {strides = array<i32>} : memref<2x32x8x128xf32, #tpu.memory_space<vmem>>, vector<1x1x1x16xf32>,
        %parallel_loop3A_1288 = arith.constant 128 : i32
        %parallel_loop3A_1289 = arith.muli %parallel_loop3A_681, %parallel_loop3A_1288 : i32
        %parallel_loop3A_1290 = arith.constant 96 : i32
        %parallel_loop3A_1291 = arith.addi %parallel_loop3A_1289, %parallel_loop3A_1290 : i32
        %parallel_loop3A_1292 = arith.index_cast %parallel_loop3A_1291 : i32 to index
        %parallel_loop3A_1293 = tpu.vector_load %arg5[%parallel_loop3A_1292] {strides = array<i32>} : memref<4096xi32, #tpu.memory_space<vmem>>, vector<16xi32>,
        %parallel_loop3A_1294 = vector.shape_cast %parallel_loop3A_1293 : vector<16xi32> to vector<16xi32>
        %parallel_loop3A_1295 = arith.constant 1 : i32
        %parallel_loop3A_1296 = vector.broadcast %parallel_loop3A_1295 : i32 to vector<16xi32>
        %parallel_loop3A_1297 = arith.cmpi eq, %parallel_loop3A_1294, %parallel_loop3A_1296 : vector<16xi32>
        %parallel_loop3A_1298 = arith.constant 2 : i32
        %parallel_loop3A_1299 = vector.broadcast %parallel_loop3A_1298 : i32 to vector<16xi32>
        %parallel_loop3A_1300 = arith.cmpi eq, %parallel_loop3A_1294, %parallel_loop3A_1299 : vector<16xi32>
        %parallel_loop3A_1301 = arith.select %parallel_loop3A_1300, %get3A_586, %get3A_426 : vector<16xi1>, vector<16xf32>
        %parallel_loop3A_1302 = arith.select %parallel_loop3A_1297, %get3A_506, %parallel_loop3A_1301 : vector<16xi1>, vector<16xf32>
        %parallel_loop3A_1303 = arith.constant 1 : i32
        %parallel_loop3A_1304 = arith.constant 0 : i32
        %parallel_loop3A_1305 = arith.index_cast %parallel_loop3A_1303 : i32 to index
        %parallel_loop3A_1306 = arith.index_cast %parallel_loop3A_681 : i32 to index
        %parallel_loop3A_1307 = arith.index_cast %parallel_loop3A_1304 : i32 to index
        %parallel_loop3A_1308 = arith.constant 96 : index
        %parallel_loop3A_1309 = tpu.vector_load %arg7[%parallel_loop3A_1305, %parallel_loop3A_1306, %parallel_loop3A_1307, %parallel_loop3A_1308] {strides = array<i32>} : memref<2x32x8x128xf32, #tpu.memory_space<vmem>>, vector<1x1x1x16xf32>,
        %parallel_loop3A_1310 = vector.shape_cast %parallel_loop3A_1309 : vector<1x1x1x16xf32> to vector<16xf32>
        %parallel_loop3A_1311 = vector.shape_cast %parallel_loop3A_1302 : vector<16xf32> to vector<1x1x1x16xf32>
        tpu.vector_store %arg7[%parallel_loop3A_1305, %parallel_loop3A_1306, %parallel_loop3A_1307, %parallel_loop3A_1308], %parallel_loop3A_1311 {strides = array<i32>} : memref<2x32x8x128xf32, #tpu.memory_space<vmem>>, vector<1x1x1x16xf32>,
        %parallel_loop3A_1312 = arith.select %parallel_loop3A_1300, %get3A_596, %get3A_436 : vector<16xi1>, vector<16xf32>
        %parallel_loop3A_1313 = arith.select %parallel_loop3A_1297, %get3A_516, %parallel_loop3A_1312 : vector<16xi1>, vector<16xf32>
        %parallel_loop3A_1314 = arith.constant 1 : i32
        %parallel_loop3A_1315 = arith.constant 1 : i32
        %parallel_loop3A_1316 = arith.index_cast %parallel_loop3A_1314 : i32 to index
        %parallel_loop3A_1317 = arith.index_cast %parallel_loop3A_681 : i32 to index
        %parallel_loop3A_1318 = arith.index_cast %parallel_loop3A_1315 : i32 to index
        %parallel_loop3A_1319 = arith.constant 96 : index
        %parallel_loop3A_1320 = tpu.vector_load %arg7[%parallel_loop3A_1316, %parallel_loop3A_1317, %parallel_loop3A_1318, %parallel_loop3A_1319] {strides = array<i32>} : memref<2x32x8x128xf32, #tpu.memory_space<vmem>>, vector<1x1x1x16xf32>,
        %parallel_loop3A_1321 = vector.shape_cast %parallel_loop3A_1320 : vector<1x1x1x16xf32> to vector<16xf32>
        %parallel_loop3A_1322 = vector.shape_cast %parallel_loop3A_1313 : vector<16xf32> to vector<1x1x1x16xf32>
        tpu.vector_store %arg7[%parallel_loop3A_1316, %parallel_loop3A_1317, %parallel_loop3A_1318, %parallel_loop3A_1319], %parallel_loop3A_1322 {strides = array<i32>} : memref<2x32x8x128xf32, #tpu.memory_space<vmem>>, vector<1x1x1x16xf32>,
        %parallel_loop3A_1323 = arith.select %parallel_loop3A_1300, %get3A_606, %get3A_446 : vector<16xi1>, vector<16xf32>
        %parallel_loop3A_1324 = arith.select %parallel_loop3A_1297, %get3A_526, %parallel_loop3A_1323 : vector<16xi1>, vector<16xf32>
        %parallel_loop3A_1325 = arith.constant 1 : i32
        %parallel_loop3A_1326 = arith.constant 2 : i32
        %parallel_loop3A_1327 = arith.index_cast %parallel_loop3A_1325 : i32 to index
        %parallel_loop3A_1328 = arith.index_cast %parallel_loop3A_681 : i32 to index
        %parallel_loop3A_1329 = arith.index_cast %parallel_loop3A_1326 : i32 to index
        %parallel_loop3A_1330 = arith.constant 96 : index
        %parallel_loop3A_1331 = tpu.vector_load %arg7[%parallel_loop3A_1327, %parallel_loop3A_1328, %parallel_loop3A_1329, %parallel_loop3A_1330] {strides = array<i32>} : memref<2x32x8x128xf32, #tpu.memory_space<vmem>>, vector<1x1x1x16xf32>,
        %parallel_loop3A_1332 = vector.shape_cast %parallel_loop3A_1331 : vector<1x1x1x16xf32> to vector<16xf32>
        %parallel_loop3A_1333 = vector.shape_cast %parallel_loop3A_1324 : vector<16xf32> to vector<1x1x1x16xf32>
        tpu.vector_store %arg7[%parallel_loop3A_1327, %parallel_loop3A_1328, %parallel_loop3A_1329, %parallel_loop3A_1330], %parallel_loop3A_1333 {strides = array<i32>} : memref<2x32x8x128xf32, #tpu.memory_space<vmem>>, vector<1x1x1x16xf32>,
        %parallel_loop3A_1334 = arith.select %parallel_loop3A_1300, %get3A_616, %get3A_456 : vector<16xi1>, vector<16xf32>
        %parallel_loop3A_1335 = arith.select %parallel_loop3A_1297, %get3A_536, %parallel_loop3A_1334 : vector<16xi1>, vector<16xf32>
        %parallel_loop3A_1336 = arith.constant 1 : i32
        %parallel_loop3A_1337 = arith.constant 3 : i32
        %parallel_loop3A_1338 = arith.index_cast %parallel_loop3A_1336 : i32 to index
        %parallel_loop3A_1339 = arith.index_cast %parallel_loop3A_681 : i32 to index
        %parallel_loop3A_1340 = arith.index_cast %parallel_loop3A_1337 : i32 to index
        %parallel_loop3A_1341 = arith.constant 96 : index
        %parallel_loop3A_1342 = tpu.vector_load %arg7[%parallel_loop3A_1338, %parallel_loop3A_1339, %parallel_loop3A_1340, %parallel_loop3A_1341] {strides = array<i32>} : memref<2x32x8x128xf32, #tpu.memory_space<vmem>>, vector<1x1x1x16xf32>,
        %parallel_loop3A_1343 = vector.shape_cast %parallel_loop3A_1342 : vector<1x1x1x16xf32> to vector<16xf32>
        %parallel_loop3A_1344 = vector.shape_cast %parallel_loop3A_1335 : vector<16xf32> to vector<1x1x1x16xf32>
        tpu.vector_store %arg7[%parallel_loop3A_1338, %parallel_loop3A_1339, %parallel_loop3A_1340, %parallel_loop3A_1341], %parallel_loop3A_1344 {strides = array<i32>} : memref<2x32x8x128xf32, #tpu.memory_space<vmem>>, vector<1x1x1x16xf32>,
        %parallel_loop3A_1345 = arith.select %parallel_loop3A_1300, %get3A_626, %get3A_466 : vector<16xi1>, vector<16xf32>
        %parallel_loop3A_1346 = arith.select %parallel_loop3A_1297, %get3A_546, %parallel_loop3A_1345 : vector<16xi1>, vector<16xf32>
        %parallel_loop3A_1347 = arith.constant 1 : i32
        %parallel_loop3A_1348 = arith.constant 4 : i32
        %parallel_loop3A_1349 = arith.index_cast %parallel_loop3A_1347 : i32 to index
        %parallel_loop3A_1350 = arith.index_cast %parallel_loop3A_681 : i32 to index
        %parallel_loop3A_1351 = arith.index_cast %parallel_loop3A_1348 : i32 to index
        %parallel_loop3A_1352 = arith.constant 96 : index
        %parallel_loop3A_1353 = tpu.vector_load %arg7[%parallel_loop3A_1349, %parallel_loop3A_1350, %parallel_loop3A_1351, %parallel_loop3A_1352] {strides = array<i32>} : memref<2x32x8x128xf32, #tpu.memory_space<vmem>>, vector<1x1x1x16xf32>,
        %parallel_loop3A_1354 = vector.shape_cast %parallel_loop3A_1353 : vector<1x1x1x16xf32> to vector<16xf32>
        %parallel_loop3A_1355 = vector.shape_cast %parallel_loop3A_1346 : vector<16xf32> to vector<1x1x1x16xf32>
        tpu.vector_store %arg7[%parallel_loop3A_1349, %parallel_loop3A_1350, %parallel_loop3A_1351, %parallel_loop3A_1352], %parallel_loop3A_1355 {strides = array<i32>} : memref<2x32x8x128xf32, #tpu.memory_space<vmem>>, vector<1x1x1x16xf32>,
        %parallel_loop3A_1356 = arith.select %parallel_loop3A_1300, %get3A_636, %get3A_476 : vector<16xi1>, vector<16xf32>
        %parallel_loop3A_1357 = arith.select %parallel_loop3A_1297, %get3A_556, %parallel_loop3A_1356 : vector<16xi1>, vector<16xf32>
        %parallel_loop3A_1358 = arith.constant 1 : i32
        %parallel_loop3A_1359 = arith.constant 5 : i32
        %parallel_loop3A_1360 = arith.index_cast %parallel_loop3A_1358 : i32 to index
        %parallel_loop3A_1361 = arith.index_cast %parallel_loop3A_681 : i32 to index
        %parallel_loop3A_1362 = arith.index_cast %parallel_loop3A_1359 : i32 to index
        %parallel_loop3A_1363 = arith.constant 96 : index
        %parallel_loop3A_1364 = tpu.vector_load %arg7[%parallel_loop3A_1360, %parallel_loop3A_1361, %parallel_loop3A_1362, %parallel_loop3A_1363] {strides = array<i32>} : memref<2x32x8x128xf32, #tpu.memory_space<vmem>>, vector<1x1x1x16xf32>,
        %parallel_loop3A_1365 = vector.shape_cast %parallel_loop3A_1364 : vector<1x1x1x16xf32> to vector<16xf32>
        %parallel_loop3A_1366 = vector.shape_cast %parallel_loop3A_1357 : vector<16xf32> to vector<1x1x1x16xf32>
        tpu.vector_store %arg7[%parallel_loop3A_1360, %parallel_loop3A_1361, %parallel_loop3A_1362, %parallel_loop3A_1363], %parallel_loop3A_1366 {strides = array<i32>} : memref<2x32x8x128xf32, #tpu.memory_space<vmem>>, vector<1x1x1x16xf32>,
        %parallel_loop3A_1367 = arith.select %parallel_loop3A_1300, %get3A_646, %get3A_486 : vector<16xi1>, vector<16xf32>
        %parallel_loop3A_1368 = arith.select %parallel_loop3A_1297, %get3A_566, %parallel_loop3A_1367 : vector<16xi1>, vector<16xf32>
        %parallel_loop3A_1369 = arith.constant 1 : i32
        %parallel_loop3A_1370 = arith.constant 6 : i32
        %parallel_loop3A_1371 = arith.index_cast %parallel_loop3A_1369 : i32 to index
        %parallel_loop3A_1372 = arith.index_cast %parallel_loop3A_681 : i32 to index
        %parallel_loop3A_1373 = arith.index_cast %parallel_loop3A_1370 : i32 to index
        %parallel_loop3A_1374 = arith.constant 96 : index
        %parallel_loop3A_1375 = tpu.vector_load %arg7[%parallel_loop3A_1371, %parallel_loop3A_1372, %parallel_loop3A_1373, %parallel_loop3A_1374] {strides = array<i32>} : memref<2x32x8x128xf32, #tpu.memory_space<vmem>>, vector<1x1x1x16xf32>,
        %parallel_loop3A_1376 = vector.shape_cast %parallel_loop3A_1375 : vector<1x1x1x16xf32> to vector<16xf32>
        %parallel_loop3A_1377 = vector.shape_cast %parallel_loop3A_1368 : vector<16xf32> to vector<1x1x1x16xf32>
        tpu.vector_store %arg7[%parallel_loop3A_1371, %parallel_loop3A_1372, %parallel_loop3A_1373, %parallel_loop3A_1374], %parallel_loop3A_1377 {strides = array<i32>} : memref<2x32x8x128xf32, #tpu.memory_space<vmem>>, vector<1x1x1x16xf32>,
        %parallel_loop3A_1378 = arith.select %parallel_loop3A_1300, %get3A_656, %get3A_496 : vector<16xi1>, vector<16xf32>
        %parallel_loop3A_1379 = arith.select %parallel_loop3A_1297, %get3A_576, %parallel_loop3A_1378 : vector<16xi1>, vector<16xf32>
        %parallel_loop3A_1380 = arith.constant 1 : i32
        %parallel_loop3A_1381 = arith.constant 7 : i32
        %parallel_loop3A_1382 = arith.index_cast %parallel_loop3A_1380 : i32 to index
        %parallel_loop3A_1383 = arith.index_cast %parallel_loop3A_681 : i32 to index
        %parallel_loop3A_1384 = arith.index_cast %parallel_loop3A_1381 : i32 to index
        %parallel_loop3A_1385 = arith.constant 96 : index
        %parallel_loop3A_1386 = tpu.vector_load %arg7[%parallel_loop3A_1382, %parallel_loop3A_1383, %parallel_loop3A_1384, %parallel_loop3A_1385] {strides = array<i32>} : memref<2x32x8x128xf32, #tpu.memory_space<vmem>>, vector<1x1x1x16xf32>,
        %parallel_loop3A_1387 = vector.shape_cast %parallel_loop3A_1386 : vector<1x1x1x16xf32> to vector<16xf32>
        %parallel_loop3A_1388 = vector.shape_cast %parallel_loop3A_1379 : vector<16xf32> to vector<1x1x1x16xf32>
        tpu.vector_store %arg7[%parallel_loop3A_1382, %parallel_loop3A_1383, %parallel_loop3A_1384, %parallel_loop3A_1385], %parallel_loop3A_1388 {strides = array<i32>} : memref<2x32x8x128xf32, #tpu.memory_space<vmem>>, vector<1x1x1x16xf32>,
        %parallel_loop3A_1389 = arith.constant 128 : i32
        %parallel_loop3A_1390 = arith.muli %parallel_loop3A_681, %parallel_loop3A_1389 : i32
        %parallel_loop3A_1391 = arith.constant 112 : i32
        %parallel_loop3A_1392 = arith.addi %parallel_loop3A_1390, %parallel_loop3A_1391 : i32
        %parallel_loop3A_1393 = arith.index_cast %parallel_loop3A_1392 : i32 to index
        %parallel_loop3A_1394 = tpu.vector_load %arg5[%parallel_loop3A_1393] {strides = array<i32>} : memref<4096xi32, #tpu.memory_space<vmem>>, vector<16xi32>,
        %parallel_loop3A_1395 = vector.shape_cast %parallel_loop3A_1394 : vector<16xi32> to vector<16xi32>
        %parallel_loop3A_1396 = arith.constant 1 : i32
        %parallel_loop3A_1397 = vector.broadcast %parallel_loop3A_1396 : i32 to vector<16xi32>
        %parallel_loop3A_1398 = arith.cmpi eq, %parallel_loop3A_1395, %parallel_loop3A_1397 : vector<16xi32>
        %parallel_loop3A_1399 = arith.constant 2 : i32
        %parallel_loop3A_1400 = vector.broadcast %parallel_loop3A_1399 : i32 to vector<16xi32>
        %parallel_loop3A_1401 = arith.cmpi eq, %parallel_loop3A_1395, %parallel_loop3A_1400 : vector<16xi32>
        %parallel_loop3A_1402 = arith.select %parallel_loop3A_1401, %get3A_586, %get3A_426 : vector<16xi1>, vector<16xf32>
        %parallel_loop3A_1403 = arith.select %parallel_loop3A_1398, %get3A_506, %parallel_loop3A_1402 : vector<16xi1>, vector<16xf32>
        %parallel_loop3A_1404 = arith.constant 1 : i32
        %parallel_loop3A_1405 = arith.constant 0 : i32
        %parallel_loop3A_1406 = arith.index_cast %parallel_loop3A_1404 : i32 to index
        %parallel_loop3A_1407 = arith.index_cast %parallel_loop3A_681 : i32 to index
        %parallel_loop3A_1408 = arith.index_cast %parallel_loop3A_1405 : i32 to index
        %parallel_loop3A_1409 = arith.constant 112 : index
        %parallel_loop3A_1410 = tpu.vector_load %arg7[%parallel_loop3A_1406, %parallel_loop3A_1407, %parallel_loop3A_1408, %parallel_loop3A_1409] {strides = array<i32>} : memref<2x32x8x128xf32, #tpu.memory_space<vmem>>, vector<1x1x1x16xf32>,
        %parallel_loop3A_1411 = vector.shape_cast %parallel_loop3A_1410 : vector<1x1x1x16xf32> to vector<16xf32>
        %parallel_loop3A_1412 = vector.shape_cast %parallel_loop3A_1403 : vector<16xf32> to vector<1x1x1x16xf32>
        tpu.vector_store %arg7[%parallel_loop3A_1406, %parallel_loop3A_1407, %parallel_loop3A_1408, %parallel_loop3A_1409], %parallel_loop3A_1412 {strides = array<i32>} : memref<2x32x8x128xf32, #tpu.memory_space<vmem>>, vector<1x1x1x16xf32>,
        %parallel_loop3A_1413 = arith.select %parallel_loop3A_1401, %get3A_596, %get3A_436 : vector<16xi1>, vector<16xf32>
        %parallel_loop3A_1414 = arith.select %parallel_loop3A_1398, %get3A_516, %parallel_loop3A_1413 : vector<16xi1>, vector<16xf32>
        %parallel_loop3A_1415 = arith.constant 1 : i32
        %parallel_loop3A_1416 = arith.constant 1 : i32
        %parallel_loop3A_1417 = arith.index_cast %parallel_loop3A_1415 : i32 to index
        %parallel_loop3A_1418 = arith.index_cast %parallel_loop3A_681 : i32 to index
        %parallel_loop3A_1419 = arith.index_cast %parallel_loop3A_1416 : i32 to index
        %parallel_loop3A_1420 = arith.constant 112 : index
        %parallel_loop3A_1421 = tpu.vector_load %arg7[%parallel_loop3A_1417, %parallel_loop3A_1418, %parallel_loop3A_1419, %parallel_loop3A_1420] {strides = array<i32>} : memref<2x32x8x128xf32, #tpu.memory_space<vmem>>, vector<1x1x1x16xf32>,
        %parallel_loop3A_1422 = vector.shape_cast %parallel_loop3A_1421 : vector<1x1x1x16xf32> to vector<16xf32>
        %parallel_loop3A_1423 = vector.shape_cast %parallel_loop3A_1414 : vector<16xf32> to vector<1x1x1x16xf32>
        tpu.vector_store %arg7[%parallel_loop3A_1417, %parallel_loop3A_1418, %parallel_loop3A_1419, %parallel_loop3A_1420], %parallel_loop3A_1423 {strides = array<i32>} : memref<2x32x8x128xf32, #tpu.memory_space<vmem>>, vector<1x1x1x16xf32>,
        %parallel_loop3A_1424 = arith.select %parallel_loop3A_1401, %get3A_606, %get3A_446 : vector<16xi1>, vector<16xf32>
        %parallel_loop3A_1425 = arith.select %parallel_loop3A_1398, %get3A_526, %parallel_loop3A_1424 : vector<16xi1>, vector<16xf32>
        %parallel_loop3A_1426 = arith.constant 1 : i32
        %parallel_loop3A_1427 = arith.constant 2 : i32
        %parallel_loop3A_1428 = arith.index_cast %parallel_loop3A_1426 : i32 to index
        %parallel_loop3A_1429 = arith.index_cast %parallel_loop3A_681 : i32 to index
        %parallel_loop3A_1430 = arith.index_cast %parallel_loop3A_1427 : i32 to index
        %parallel_loop3A_1431 = arith.constant 112 : index
        %parallel_loop3A_1432 = tpu.vector_load %arg7[%parallel_loop3A_1428, %parallel_loop3A_1429, %parallel_loop3A_1430, %parallel_loop3A_1431] {strides = array<i32>} : memref<2x32x8x128xf32, #tpu.memory_space<vmem>>, vector<1x1x1x16xf32>,
        %parallel_loop3A_1433 = vector.shape_cast %parallel_loop3A_1432 : vector<1x1x1x16xf32> to vector<16xf32>
        %parallel_loop3A_1434 = vector.shape_cast %parallel_loop3A_1425 : vector<16xf32> to vector<1x1x1x16xf32>
        tpu.vector_store %arg7[%parallel_loop3A_1428, %parallel_loop3A_1429, %parallel_loop3A_1430, %parallel_loop3A_1431], %parallel_loop3A_1434 {strides = array<i32>} : memref<2x32x8x128xf32, #tpu.memory_space<vmem>>, vector<1x1x1x16xf32>,
        %parallel_loop3A_1435 = arith.select %parallel_loop3A_1401, %get3A_616, %get3A_456 : vector<16xi1>, vector<16xf32>
        %parallel_loop3A_1436 = arith.select %parallel_loop3A_1398, %get3A_536, %parallel_loop3A_1435 : vector<16xi1>, vector<16xf32>
        %parallel_loop3A_1437 = arith.constant 1 : i32
        %parallel_loop3A_1438 = arith.constant 3 : i32
        %parallel_loop3A_1439 = arith.index_cast %parallel_loop3A_1437 : i32 to index
        %parallel_loop3A_1440 = arith.index_cast %parallel_loop3A_681 : i32 to index
        %parallel_loop3A_1441 = arith.index_cast %parallel_loop3A_1438 : i32 to index
        %parallel_loop3A_1442 = arith.constant 112 : index
        %parallel_loop3A_1443 = tpu.vector_load %arg7[%parallel_loop3A_1439, %parallel_loop3A_1440, %parallel_loop3A_1441, %parallel_loop3A_1442] {strides = array<i32>} : memref<2x32x8x128xf32, #tpu.memory_space<vmem>>, vector<1x1x1x16xf32>,
        %parallel_loop3A_1444 = vector.shape_cast %parallel_loop3A_1443 : vector<1x1x1x16xf32> to vector<16xf32>
        %parallel_loop3A_1445 = vector.shape_cast %parallel_loop3A_1436 : vector<16xf32> to vector<1x1x1x16xf32>
        tpu.vector_store %arg7[%parallel_loop3A_1439, %parallel_loop3A_1440, %parallel_loop3A_1441, %parallel_loop3A_1442], %parallel_loop3A_1445 {strides = array<i32>} : memref<2x32x8x128xf32, #tpu.memory_space<vmem>>, vector<1x1x1x16xf32>,
        %parallel_loop3A_1446 = arith.select %parallel_loop3A_1401, %get3A_626, %get3A_466 : vector<16xi1>, vector<16xf32>
        %parallel_loop3A_1447 = arith.select %parallel_loop3A_1398, %get3A_546, %parallel_loop3A_1446 : vector<16xi1>, vector<16xf32>
        %parallel_loop3A_1448 = arith.constant 1 : i32
        %parallel_loop3A_1449 = arith.constant 4 : i32
        %parallel_loop3A_1450 = arith.index_cast %parallel_loop3A_1448 : i32 to index
        %parallel_loop3A_1451 = arith.index_cast %parallel_loop3A_681 : i32 to index
        %parallel_loop3A_1452 = arith.index_cast %parallel_loop3A_1449 : i32 to index
        %parallel_loop3A_1453 = arith.constant 112 : index
        %parallel_loop3A_1454 = tpu.vector_load %arg7[%parallel_loop3A_1450, %parallel_loop3A_1451, %parallel_loop3A_1452, %parallel_loop3A_1453] {strides = array<i32>} : memref<2x32x8x128xf32, #tpu.memory_space<vmem>>, vector<1x1x1x16xf32>,
        %parallel_loop3A_1455 = vector.shape_cast %parallel_loop3A_1454 : vector<1x1x1x16xf32> to vector<16xf32>
        %parallel_loop3A_1456 = vector.shape_cast %parallel_loop3A_1447 : vector<16xf32> to vector<1x1x1x16xf32>
        tpu.vector_store %arg7[%parallel_loop3A_1450, %parallel_loop3A_1451, %parallel_loop3A_1452, %parallel_loop3A_1453], %parallel_loop3A_1456 {strides = array<i32>} : memref<2x32x8x128xf32, #tpu.memory_space<vmem>>, vector<1x1x1x16xf32>,
        %parallel_loop3A_1457 = arith.select %parallel_loop3A_1401, %get3A_636, %get3A_476 : vector<16xi1>, vector<16xf32>
        %parallel_loop3A_1458 = arith.select %parallel_loop3A_1398, %get3A_556, %parallel_loop3A_1457 : vector<16xi1>, vector<16xf32>
        %parallel_loop3A_1459 = arith.constant 1 : i32
        %parallel_loop3A_1460 = arith.constant 5 : i32
        %parallel_loop3A_1461 = arith.index_cast %parallel_loop3A_1459 : i32 to index
        %parallel_loop3A_1462 = arith.index_cast %parallel_loop3A_681 : i32 to index
        %parallel_loop3A_1463 = arith.index_cast %parallel_loop3A_1460 : i32 to index
        %parallel_loop3A_1464 = arith.constant 112 : index
        %parallel_loop3A_1465 = tpu.vector_load %arg7[%parallel_loop3A_1461, %parallel_loop3A_1462, %parallel_loop3A_1463, %parallel_loop3A_1464] {strides = array<i32>} : memref<2x32x8x128xf32, #tpu.memory_space<vmem>>, vector<1x1x1x16xf32>,
        %parallel_loop3A_1466 = vector.shape_cast %parallel_loop3A_1465 : vector<1x1x1x16xf32> to vector<16xf32>
        %parallel_loop3A_1467 = vector.shape_cast %parallel_loop3A_1458 : vector<16xf32> to vector<1x1x1x16xf32>
        tpu.vector_store %arg7[%parallel_loop3A_1461, %parallel_loop3A_1462, %parallel_loop3A_1463, %parallel_loop3A_1464], %parallel_loop3A_1467 {strides = array<i32>} : memref<2x32x8x128xf32, #tpu.memory_space<vmem>>, vector<1x1x1x16xf32>,
        %parallel_loop3A_1468 = arith.select %parallel_loop3A_1401, %get3A_646, %get3A_486 : vector<16xi1>, vector<16xf32>
        %parallel_loop3A_1469 = arith.select %parallel_loop3A_1398, %get3A_566, %parallel_loop3A_1468 : vector<16xi1>, vector<16xf32>
        %parallel_loop3A_1470 = arith.constant 1 : i32
        %parallel_loop3A_1471 = arith.constant 6 : i32
        %parallel_loop3A_1472 = arith.index_cast %parallel_loop3A_1470 : i32 to index
        %parallel_loop3A_1473 = arith.index_cast %parallel_loop3A_681 : i32 to index
        %parallel_loop3A_1474 = arith.index_cast %parallel_loop3A_1471 : i32 to index
        %parallel_loop3A_1475 = arith.constant 112 : index
        %parallel_loop3A_1476 = tpu.vector_load %arg7[%parallel_loop3A_1472, %parallel_loop3A_1473, %parallel_loop3A_1474, %parallel_loop3A_1475] {strides = array<i32>} : memref<2x32x8x128xf32, #tpu.memory_space<vmem>>, vector<1x1x1x16xf32>,
        %parallel_loop3A_1477 = vector.shape_cast %parallel_loop3A_1476 : vector<1x1x1x16xf32> to vector<16xf32>
        %parallel_loop3A_1478 = vector.shape_cast %parallel_loop3A_1469 : vector<16xf32> to vector<1x1x1x16xf32>
        tpu.vector_store %arg7[%parallel_loop3A_1472, %parallel_loop3A_1473, %parallel_loop3A_1474, %parallel_loop3A_1475], %parallel_loop3A_1478 {strides = array<i32>} : memref<2x32x8x128xf32, #tpu.memory_space<vmem>>, vector<1x1x1x16xf32>,
        %parallel_loop3A_1479 = arith.select %parallel_loop3A_1401, %get3A_656, %get3A_496 : vector<16xi1>, vector<16xf32>
        %parallel_loop3A_1480 = arith.select %parallel_loop3A_1398, %get3A_576, %parallel_loop3A_1479 : vector<16xi1>, vector<16xf32>
        %parallel_loop3A_1481 = arith.constant 1 : i32
        %parallel_loop3A_1482 = arith.constant 7 : i32
        %parallel_loop3A_1483 = arith.index_cast %parallel_loop3A_1481 : i32 to index
        %parallel_loop3A_1484 = arith.index_cast %parallel_loop3A_681 : i32 to index
        %parallel_loop3A_1485 = arith.index_cast %parallel_loop3A_1482 : i32 to index
        %parallel_loop3A_1486 = arith.constant 112 : index
        %parallel_loop3A_1487 = tpu.vector_load %arg7[%parallel_loop3A_1483, %parallel_loop3A_1484, %parallel_loop3A_1485, %parallel_loop3A_1486] {strides = array<i32>} : memref<2x32x8x128xf32, #tpu.memory_space<vmem>>, vector<1x1x1x16xf32>,
        %parallel_loop3A_1488 = vector.shape_cast %parallel_loop3A_1487 : vector<1x1x1x16xf32> to vector<16xf32>
        %parallel_loop3A_1489 = vector.shape_cast %parallel_loop3A_1480 : vector<16xf32> to vector<1x1x1x16xf32>
        tpu.vector_store %arg7[%parallel_loop3A_1483, %parallel_loop3A_1484, %parallel_loop3A_1485, %parallel_loop3A_1486], %parallel_loop3A_1489 {strides = array<i32>} : memref<2x32x8x128xf32, #tpu.memory_space<vmem>>, vector<1x1x1x16xf32>,
      } {sc.loop_unroll_factor = 2 : i64, sc.parallel_access}
      %dma_start3A_660 = arith.constant 1 : i32
      %dma_start3A_661 = arith.constant 0 : i32
      %dma_start3A_662 = arith.constant 0 : i32
      %dma_start3A_663 = arith.constant 0 : i32
      %dma_start3A_664 = tpu.memref_slice %arg7[%dma_start3A_660, %dma_start3A_661, %dma_start3A_662, %dma_start3A_663] : memref<2x32x8x128xf32, #tpu.memory_space<vmem>> -> memref<1x32x8x128xf32, #tpu.memory_space<vmem>>
      %dma_start3A_665 = tpu.memref_squeeze %dma_start3A_664 : memref<1x32x8x128xf32, #tpu.memory_space<vmem>> -> memref<32x8x128xf32, #tpu.memory_space<vmem>>
      %dma_start3A_666 = arith.constant 0 : i32
      %dma_start3A_667 = arith.constant 0 : i32
      %dma_start3A_668 = arith.constant 0 : i32
      %dma_start3A_669 = tpu.memref_slice %arg4[%select_n3A_392, %select_n3A_408, %dma_start3A_666, %dma_start3A_667, %dma_start3A_668] : memref<200x8x32x8x128xf32, #tpu.memory_space<hbm>> -> memref<1x1x32x8x128xf32, #tpu.memory_space<hbm>>
      %dma_start3A_670 = tpu.memref_squeeze %dma_start3A_669 : memref<1x1x32x8x128xf32, #tpu.memory_space<hbm>> -> memref<32x8x128xf32, #tpu.memory_space<hbm>>
      %dma_start3A_671 = arith.constant 0 : i32
      %dma_start3A_672 = arith.constant 0 : i32
      %dma_start3A_673 = arith.constant 0 : i32
      %dma_start3A_674 = tpu.memref_slice %arg4[%select_n3A_392, %select_n3A_408, %dma_start3A_671, %dma_start3A_672, %dma_start3A_673] : memref<200x8x32x8x128xf32, #tpu.memory_space<hbm>> -> memref<1x1x32x8x128xf32, #tpu.memory_space<hbm>>
      %dma_start3A_675 = tpu.memref_squeeze %dma_start3A_674 : memref<1x1x32x8x128xf32, #tpu.memory_space<hbm>> -> memref<32x8x128xf32, #tpu.memory_space<hbm>>
      %dma_start3A_676 = arith.constant 0 : i32
      %dma_start3A_677 = arith.constant 0 : i32
      %dma_start3A_678 = arith.constant 0 : i32
      %dma_start3A_679 = tpu.memref_slice %arg7[%dma_start3A_660, %dma_start3A_676, %dma_start3A_677, %dma_start3A_678] : memref<2x32x8x128xf32, #tpu.memory_space<vmem>> -> memref<1x32x8x128xf32, #tpu.memory_space<vmem>>
      %dma_start3A_680 = tpu.memref_squeeze %dma_start3A_679 : memref<1x32x8x128xf32, #tpu.memory_space<vmem>> -> memref<32x8x128xf32, #tpu.memory_space<vmem>>
      tpu.enqueue_dma source(%dma_start3A_680 : memref<32x8x128xf32, #tpu.memory_space<vmem>>) target(%dma_start3A_675 : memref<32x8x128xf32, #tpu.memory_space<hbm>>) target_semaphore(%arg8 : memref<!tpu.dma_semaphore, #tpu.memory_space<semaphore_mem>>)
    }
    %scan3A_7 = arith.constant 25 : i32
    %dma_wait3A = arith.constant 0 : i32
    %dma_wait3A_8 = arith.constant 0 : i32
    %dma_wait3A_9 = arith.constant 0 : i32
    %dma_wait3A_10 = arith.constant 0 : i32
    %dma_wait3A_11 = arith.constant 0 : i32
    %dma_wait3A_12 = arith.constant 0 : i32
    %dma_wait3A_13 = tpu.memref_slice %arg7[%dma_wait3A, %dma_wait3A_10, %dma_wait3A_11, %dma_wait3A_12] : memref<2x32x8x128xf32, #tpu.memory_space<vmem>> -> memref<1x32x8x128xf32, #tpu.memory_space<vmem>>
    %dma_wait3A_14 = tpu.memref_squeeze %dma_wait3A_13 : memref<1x32x8x128xf32, #tpu.memory_space<vmem>> -> memref<32x8x128xf32, #tpu.memory_space<vmem>>
    %dma_wait3A_15 = arith.constant 0 : i32
    %dma_wait3A_16 = arith.constant 0 : i32
    %dma_wait3A_17 = arith.constant 0 : i32
    %dma_wait3A_18 = tpu.memref_slice %arg4[%dma_wait3A_8, %dma_wait3A_9, %dma_wait3A_15, %dma_wait3A_16, %dma_wait3A_17] : memref<200x8x32x8x128xf32, #tpu.memory_space<hbm>> -> memref<1x1x32x8x128xf32, #tpu.memory_space<hbm>>
    %dma_wait3A_19 = tpu.memref_squeeze %dma_wait3A_18 : memref<1x1x32x8x128xf32, #tpu.memory_space<hbm>> -> memref<32x8x128xf32, #tpu.memory_space<hbm>>
    %dma_wait3A_20 = arith.constant 0 : i32
    %dma_wait3A_21 = arith.constant 0 : i32
    %dma_wait3A_22 = arith.constant 0 : i32
    %dma_wait3A_23 = tpu.memref_slice %arg4[%dma_wait3A_8, %dma_wait3A_9, %dma_wait3A_20, %dma_wait3A_21, %dma_wait3A_22] : memref<200x8x32x8x128xf32, #tpu.memory_space<hbm>> -> memref<1x1x32x8x128xf32, #tpu.memory_space<hbm>>
    %dma_wait3A_24 = tpu.memref_squeeze %dma_wait3A_23 : memref<1x1x32x8x128xf32, #tpu.memory_space<hbm>> -> memref<32x8x128xf32, #tpu.memory_space<hbm>>
    %dma_wait3A_25 = arith.constant 0 : i32
    %dma_wait3A_26 = arith.constant 0 : i32
    %dma_wait3A_27 = arith.constant 0 : i32
    %dma_wait3A_28 = tpu.memref_slice %arg7[%dma_wait3A, %dma_wait3A_25, %dma_wait3A_26, %dma_wait3A_27] : memref<2x32x8x128xf32, #tpu.memory_space<vmem>> -> memref<1x32x8x128xf32, #tpu.memory_space<vmem>>
    %dma_wait3A_29 = tpu.memref_squeeze %dma_wait3A_28 : memref<1x32x8x128xf32, #tpu.memory_space<vmem>> -> memref<32x8x128xf32, #tpu.memory_space<vmem>>
    tpu.wait_dma2 semaphore(%arg8 : memref<!tpu.dma_semaphore, #tpu.memory_space<semaphore_mem>>) src(%dma_wait3A_29 : memref<32x8x128xf32, #tpu.memory_space<vmem>>) dst(%dma_wait3A_24 : memref<32x8x128xf32, #tpu.memory_space<hbm>>)
    %dma_wait3A_30 = arith.constant 1 : i32
    %dma_wait3A_31 = arith.constant 0 : i32
    %dma_wait3A_32 = arith.constant 0 : i32
    %dma_wait3A_33 = arith.constant 0 : i32
    %dma_wait3A_34 = arith.constant 0 : i32
    %dma_wait3A_35 = arith.constant 0 : i32
    %dma_wait3A_36 = tpu.memref_slice %arg7[%dma_wait3A_30, %dma_wait3A_33, %dma_wait3A_34, %dma_wait3A_35] : memref<2x32x8x128xf32, #tpu.memory_space<vmem>> -> memref<1x32x8x128xf32, #tpu.memory_space<vmem>>
    %dma_wait3A_37 = tpu.memref_squeeze %dma_wait3A_36 : memref<1x32x8x128xf32, #tpu.memory_space<vmem>> -> memref<32x8x128xf32, #tpu.memory_space<vmem>>
    %dma_wait3A_38 = arith.constant 0 : i32
    %dma_wait3A_39 = arith.constant 0 : i32
    %dma_wait3A_40 = arith.constant 0 : i32
    %dma_wait3A_41 = tpu.memref_slice %arg4[%dma_wait3A_31, %dma_wait3A_32, %dma_wait3A_38, %dma_wait3A_39, %dma_wait3A_40] : memref<200x8x32x8x128xf32, #tpu.memory_space<hbm>> -> memref<1x1x32x8x128xf32, #tpu.memory_space<hbm>>
    %dma_wait3A_42 = tpu.memref_squeeze %dma_wait3A_41 : memref<1x1x32x8x128xf32, #tpu.memory_space<hbm>> -> memref<32x8x128xf32, #tpu.memory_space<hbm>>
    %dma_wait3A_43 = arith.constant 0 : i32
    %dma_wait3A_44 = arith.constant 0 : i32
    %dma_wait3A_45 = arith.constant 0 : i32
    %dma_wait3A_46 = tpu.memref_slice %arg4[%dma_wait3A_31, %dma_wait3A_32, %dma_wait3A_43, %dma_wait3A_44, %dma_wait3A_45] : memref<200x8x32x8x128xf32, #tpu.memory_space<hbm>> -> memref<1x1x32x8x128xf32, #tpu.memory_space<hbm>>
    %dma_wait3A_47 = tpu.memref_squeeze %dma_wait3A_46 : memref<1x1x32x8x128xf32, #tpu.memory_space<hbm>> -> memref<32x8x128xf32, #tpu.memory_space<hbm>>
    %dma_wait3A_48 = arith.constant 0 : i32
    %dma_wait3A_49 = arith.constant 0 : i32
    %dma_wait3A_50 = arith.constant 0 : i32
    %dma_wait3A_51 = tpu.memref_slice %arg7[%dma_wait3A_30, %dma_wait3A_48, %dma_wait3A_49, %dma_wait3A_50] : memref<2x32x8x128xf32, #tpu.memory_space<vmem>> -> memref<1x32x8x128xf32, #tpu.memory_space<vmem>>
    %dma_wait3A_52 = tpu.memref_squeeze %dma_wait3A_51 : memref<1x32x8x128xf32, #tpu.memory_space<vmem>> -> memref<32x8x128xf32, #tpu.memory_space<vmem>>
    tpu.wait_dma2 semaphore(%arg8 : memref<!tpu.dma_semaphore, #tpu.memory_space<semaphore_mem>>) src(%dma_wait3A_52 : memref<32x8x128xf32, #tpu.memory_space<vmem>>) dst(%dma_wait3A_47 : memref<32x8x128xf32, #tpu.memory_space<hbm>>)
    return
  }
}

</mosaic_0001>

<sc_bundles>
// kernel: kernel.3.cloned.1.call-start
scs
__scs_entry_jumppad:
0x0: {  	(pc) =	sbr.rel $0x88, $3  }
0x1: {  	(tag) =	ssettag $0x0;
	lr =	simm.s32 $0x1  }
0x2: {  	[smem:$0x3F9F] =	sst lr;
	_ =	strace $0xD0000000  }
0x3: {  	_ = 	snop  }
0x4: {  	_ = 	snop  }
0x5: {  	_ = 	snop  }
0x6: {  	_ = 	snop  }
0x7: {  	_ = 	snop  }
__scs_overlays_trampoline_lowered:
0x8: {  	[smem:$0x3FAE] =	sst s0  }
0x9: {  	[smem:$0x3FAF] =	sst s1  }
0xa: {  	[smem:$0x3FB0] =	sst s2  }
0xb: {  	[smem:$0x3FB1] =	sst s3  }
0xc: {  	[smem:$0x3FB2] =	sst s4  }
0xd: {  	[smem:$0x3FB3] =	sst s5  }
0xe: {  	[smem:$0x3FB4] =	sst s6  }
0xf: {  	[smem:$0x3FB5] =	sst s7  }
0x10: {  	[smem:$0x3FB6] =	sst s8  }
0x11: {  	[smem:$0x3FB7] =	sst s9;
	s0 =	simm.s32 @!p0 $0x0  }
0x12: {  	s1 =	sld [smem:$0x3F9D];
	s0 =	simm.s32 @p0 $0x1  }
0x13: {  	[smem:$0x3FB8] =	sst s0;
	s0 =	simm.s32 @!p1 $0x0  }
0x14: {  	s2 =	sld [smem:$0x3F9C];
	s0 =	simm.s32 @p1 $0x1  }
0x15: {  	[smem:$0x3FB9] =	sst s0;
	s0 =	simm.s32 @!p2 $0x0  }
0x16: {  	s3 =	sld [smem:$0x3FDB];
	s0 =	simm.s32 @p2 $0x1  }
0x17: {  	s4 =	simm.s32 $0x1BF5;
	[smem:$0x3FBB] =	sst s0  }
0x18: {  	s0 =	sld [smem:$0x3F9E];
	_ =	swait.ge [sflag:s4], $0x0  }
0x19: {  	s7 =	sld [smem:$0x3F9F]  }
0x1a: {  	s8 =	sadd.s32 $0xFFFFE003, lr  }
0x1b: {  	s9 =	sadd.s32 $0xFFFFFEF7, lr;
	s5 =	simm.s32 $0xFFFFFFFF;
	p2 =	slt.u32 s8, $0xFFFFF086  }
0x1c: {  	p1 =	slt.u32 s9, $0xF7A;
	s5 =	simm.s32 @!p2 $0x0  }
0x1d: {  	s5 =	simm.s32 @p1 $0x1;
	p0 =	seq.s32 s7, s2  }
0x1e: {  	s7 =	smul.u32 @!p0 $0xF7A, s2;
	p2 =	seq.s32 @!p0 s5, $0x0  }
0x1f: {  	s9 =	smul.u32 $0xF7A, s1;
	s8 =	simm.s32 @!p0 $0x1BF5;
	p2 =	por !p2, p0  }
0x20: {  	[sflag:s8] =	ssyncset.s32 @!p0 $0xFFFFF086;
	s6 =	sadd.s32 @!p0 s3, s7;
	s7 =	simm.s32 @!p0 $0x108  }
0x21: {  	s3 =	sadd.s32 s3, s9;
	s6 =	sadd.s32 @!p0 $0x88, s6;
	s7 =	simm.s32 @p2 $0x1082  }
0x22: {  	[simem:s7], [sflag:s8] =	dma.local @!p0 [hbm:s6], $0xF7A  }
0x23: {  	s9 =	sor.u32 $0xD0000000, s2;
	s6 =	simm.s32 $0x108;
	_ =	swait.ge @!p0 [sflag:s8], $0x0  }
0x24: {  	s3 =	sadd.s32 $0x88, s3;
	s6 =	simm.s32 @!p1 $0x1082;
	[sflag:s4] =	ssyncset.s32 $0xFFFFF086  }
0x25: {  	[simem:s6], [sflag:s4] =	dma.local [hbm:s3], $0xF7A  }
0x26: {  	[smem:$0x3F9F] =	sst s1;
	(tag) =	ssettag s2;
	_ =	strace s9  }
0x27: {  	s1 =	sld [smem:$0x3FAF]  }
0x28: {  	s2 =	sld [smem:$0x3FB0]  }
0x29: {  	s4 =	sld [smem:$0x3FB2]  }
0x2a: {  	p0 =	seq.s32 s5, $0x0;
	s5 =	sld [smem:$0x3FB3]  }
0x2b: {  	s6 =	sld [smem:$0x3FB4]  }
0x2c: {  	s7 =	sld [smem:$0x3FB5]  }
0x2d: {  	s3 =	simm.s32 $0x108;
	s8 =	sld [smem:$0x3FB6]  }
0x2e: {  	s3 =	simm.s32 @!p0 $0x1082;
	s9 =	sld [smem:$0x3FB7]  }
0x2f: {  	lr =	sadd.s32 s0, s3;
	s0 =	sld [smem:$0x3FAE]  }
0x30: {  	s3 =	sld [smem:$0x3FB1]  }
0x31: {  	[smem:$0x3FBA] =	sst s10  }
0x32: {  	s10 =	sld [smem:$0x3FB8];
	_ =	sdelay $0x3  }
0x33: {  	p0 =	seq.s32 s10, $0x1;
	s10 =	sld [smem:$0x3FBA];
	_ =	sdelay $0x3  }
0x34: {  	[smem:$0x3FBA] =	sst s10  }
0x35: {  	s10 =	sld [smem:$0x3FB9];
	_ =	sdelay $0x3  }
0x36: {  	p1 =	seq.s32 s10, $0x1;
	s10 =	sld [smem:$0x3FBA];
	_ =	sdelay $0x3  }
0x37: {  	[smem:$0x3FBA] =	sst s10  }
0x38: {  	s10 =	sld [smem:$0x3FBB]  }
0x39: {  	_ = 	snop;
	(pc) =	sbr.ind lr, $3  }
0x3a: {  	_ = 	snop  }
0x3b: {  	_ = 	snop  }
0x3c: {  	p2 =	seq.s32 s10, $0x1;
	s10 =	sld [smem:$0x3FBA]  }
0x3d: {  	_ =	shalt  }
0x3e: {  	_ =	shalt  }
0x3f: {  	_ =	shalt  }
0x40: {  	_ =	shalt  }
0x41: {  	_ =	shalt  }
0x42: {  	_ =	shalt  }
0x43: {  	_ =	shalt  }
0x44: {  	_ =	shalt  }
0x45: {  	_ =	shalt  }
0x46: {  	_ =	shalt  }
0x47: {  	_ =	shalt  }
0x48: {  	_ =	shalt  }
0x49: {  	_ =	shalt  }
0x4a: {  	_ =	shalt  }
0x4b: {  	_ =	shalt  }
0x4c: {  	_ =	shalt  }
0x4d: {  	_ =	shalt  }
0x4e: {  	_ =	shalt  }
0x4f: {  	_ =	shalt  }
0x50: {  	_ =	shalt  }
0x51: {  	_ =	shalt  }
0x52: {  	_ =	shalt  }
0x53: {  	_ =	shalt  }
0x54: {  	_ =	shalt  }
0x55: {  	_ =	shalt  }
0x56: {  	_ =	shalt  }
0x57: {  	_ =	shalt  }
0x58: {  	_ =	shalt  }
0x59: {  	_ =	shalt  }
0x5a: {  	_ =	shalt  }
0x5b: {  	_ =	shalt  }
0x5c: {  	_ =	shalt  }
0x5d: {  	_ =	shalt  }
0x5e: {  	_ =	shalt  }
0x5f: {  	_ =	shalt  }
0x60: {  	_ =	shalt  }
0x61: {  	_ =	shalt  }
0x62: {  	_ =	shalt  }
0x63: {  	_ =	shalt  }
0x64: {  	_ =	shalt  }
0x65: {  	_ =	shalt  }
0x66: {  	_ =	shalt  }
0x67: {  	_ =	shalt  }
0x68: {  	_ =	shalt  }
0x69: {  	_ =	shalt  }
0x6a: {  	_ =	shalt  }
0x6b: {  	_ =	shalt  }
0x6c: {  	_ =	shalt  }
0x6d: {  	_ =	shalt  }
0x6e: {  	_ =	shalt  }
0x6f: {  	_ =	shalt  }
0x70: {  	_ =	shalt  }
0x71: {  	_ =	shalt  }
0x72: {  	_ =	shalt  }
0x73: {  	_ =	shalt  }
0x74: {  	_ =	shalt  }
0x75: {  	_ =	shalt  }
0x76: {  	_ =	shalt  }
0x77: {  	_ =	shalt  }
0x78: {  	_ =	shalt  }
0x79: {  	_ =	shalt  }
0x7a: {  	_ =	shalt  }
0x7b: {  	_ =	shalt  }
0x7c: {  	_ =	shalt  }
0x7d: {  	_ =	shalt  }
0x7e: {  	_ =	shalt  }
0x7f: {  	_ =	shalt  }
0x80: {  	_ =	shalt  }
0x81: {  	_ =	shalt  }
0x82: {  	_ =	shalt  }
0x83: {  	_ =	shalt  }
0x84: {  	_ =	shalt  }
0x85: {  	_ =	shalt  }
0x86: {  	_ =	shalt  }
0x87: {  	_ =	shalt  }
.Lfunc_end0:
.L_simem_size_0:
called_computation_lowered:
.L_overlay_start_0:
0x88: {  	s2 =	sld [smem:$0x3FD9]  }
0x89: {  	s3 =	sld [smem:$0x3FFE];
	_ =	sdelay $0x1  }
0x8a: {  	s1 =	srdreg.scid  }
0x8b: {  	s0 =	sand.u32 $0x1, s1  }
0x8c: {  	s17 =	sshll.u32 s0, $0xA;
	s2 =	sadd.s32 s3, s2  }
0x8d: {  	s2 =	sadd.s32 s2, s17  }
0x8e: {  	[smem:$0x3FC6] =	sst s2  }
0x8f: {  	_ = 	snop  }
0x90: {  	s2 =	sld [smem:$0x3FC9]  }
0x91: {  	s18 =	sld [smem:$0x3FD0];
	(tm) =	ssettm $0x1  }
0x92: {  	s4 =	sld [smem:$0x3FFB];
	_ =	sdelay $0x3  }
0x93: {  	_ =	strace s4  }
0x94: {  	s4 =	sld [smem:$0x3FFC];
	_ =	sdelay $0x3  }
0x95: {  	_ =	strace s4  }
0x96: {  	s4 =	sld [smem:$0x3FFD];
	_ =	sdelay $0x3  }
0x97: {  	_ =	strace s4  }
0x98: {  	_ =	strace $0x8FFFFFFF  }
0x99: {  	s19 =	sld [smem:$0x3FDB];
	_ =	sdelay $0x1  }
0x9a: {  	s5 =	simm.s32 $_scs_section_size  }
0x9b: {  	s6 =	simm.s32 $_size__tile_overlayer_lowered;
	s7 =	simm.s32 $_tile_overlayer_lowered  }
0x9c: {  	s22 =	simm.s32 $0x1BFF;
	s21 =	sshll.u32 s7, $0x1;
	s4 =	sadd.s32 s5, s19  }
0x9d: {  	s8 =	simm.s32 $0x0;
	s20 =	sshll.u32 s6, $0x1;
	s6 =	sadd.s32 s21, s4  }
0x9e: {  	[timem:s8], [sflag:s22] =	dma.local [hbm:s6], s20  }
0x9f: {  	_ =	swait.ge [sflag:s22], s20  }
0xa0: {  	s5 =	ssub.s32 $0x0, s20;
	[sflag:s22] =	ssyncset.done $0x0  }
0xa1: {  	[sflag:s22] =	ssyncadd.s32 s5;
	_ =	sdelay $0x1  }
0xa2: {  	s23 =	simm.s32 $0x1B8B  }
0xa3: {  	_ =	swait.ge [sflag:s23], $0x1  }
0xa4: {  	[sflag:s23] =	ssyncset.done $0x0  }
0xa5: {  	s25 =	simm.s32 $0x1B8E;
	s24 =	sld [smem:$0x3FFE];
	[sflag:s23] =	ssyncadd.s32 $0xFFFFFFFF  }
0xa6: {  	s26 =	simm.s32 $execute0_lowered;
	[smem:$0x3FD2] =	sst s25  }
0xa7: {  	s6 =	sshll.u32 s26, $0x1;
	_ =	strace $0x80000046;
	[dreg:$0x1] =	wrdreg $0xFFFFFFFF  }
0xa8: {  	s28 =	simm.s32 $_size_execute0_lowered;
	s4 =	sadd.s32 s4, s6;
	[dreg:$0x0] =	wrdreg $0x0  }
0xa9: {  	s6 =	sshll.u32 s28, $0x1;
	[dreg:$0x2] =	wrdreg s4  }
0xaa: {  	[dreg:$0x3] =	wrdreg s6  }
0xab: {  	[dreg:$0x4] =	wrdreg $0xC0  }
0xac: {  	_ =	task [dreg:s8], $0x5FFFF  }
0xad: {  	[dreg:$0x1] =	wrdreg $0xFFFFFFFF  }
0xae: {  	[dreg:$0x0] =	wrdreg $0x60  }
0xaf: {  	[dreg:$0x2] =	wrdreg s2  }
0xb0: {  	[dreg:$0x3] =	wrdreg s24  }
0xb1: {  	[dreg:$0x4] =	wrdreg s18  }
0xb2: {  	[dreg:$0x5] =	wrdreg $0x9  }
0xb3: {  	_ =	task.clear_ibuf [dreg:s8], $0x6FFFF;
	_ =	strace $0x90000046  }
0xb4: {  	s29 =	simm.s32 $0x9;
	_ =	strace $0x80000048  }
0xb5: {  	_ =	swait.ge [sflag:s29], $0x1  }
0xb6: {  	[sflag:s29] =	ssyncadd.s32 $0xFFFFFFFF  }
0xb7: {  	_ =	strace $0x90000048  }
0xb8: {  	_ =	sfence  }
0xb9: {  	s30 =	sld [smem:$0x0];
	_ =	sdelay $0x2  }
0xba: {  	s31 =	sshll.u32 s1, $0xD;
	s1 =	sshrl.u32 s1, $0x2  }
0xbb: {  	s3 =	sand.u32 $0x4000, s31;
	s1 =	sadd.s32 s1, s30  }
0xbc: {  	s0 =	sor.u32 s3, s0;
	s1 =	sshll.u32 s1, $0x11  }
0xbd: {  	s0 =	sor.u32 s1, s0  }
0xbe: {  	s0 =	sadd.s32 $0x8F2B, s0  }
0xbf: {  	[sflag:s0] =	ssyncadd.remote.s32 $0x1  }
0xc0: {  	_ =	sfence.sel $0xFFFF  }
0xc1: {  	[dreg:$0x0] =	wrdreg $0xFFFFFFFF;
	(pc) =	sbr.abs _section_cstart, $3  }
0xc2: {  	[dreg:$0x1] =	wrdreg $0xFFFFFFFF  }
0xc3: {  	_ =	task.clear_ibuf [dreg:s8], $0x2FFFF;
	_ =	strace $0x9FFFFFFF  }
0xc4: {  	(tm) =	ssettm $0x7FFFFFFF  }
0xc5: {  	_ =	shalt  }
tec
execute0_lowered:
.L_overlay_start_1:
0x0: {  	(tag) =	ssettag $0x1  }
0x1: {  	s1 =	rddreg [dreg:$0x0]  }
0x2: {  	s6 =	rddreg [dreg:$0x1]  }
0x3: {  	s2 =	srdreg.scid;
	s0 =	stileid.u32  }
0x4: {  	s3 =	rddreg [dreg:$0x2];
	s4 =	simm.s32 $0x0;
	s10 =	simm.s32 $0x1000  }
0x5: {  	s11 =	simm.s32 $0x2;
	s12 =	simm.s32 $0x80;
	s13 =	simm.s32 $0x400  }
0x6: {  	s14 =	simm.s32 $0x7000;
	s15 =	simm.s32 $0xF000;
	s16 =	simm.s32 $0x1  }
0x7: {  	s17 =	simm.s32 $0x0;
	s5 =	sand.u32 $0x1, s2;
	s7 =	sshll.u32 s0, $0x1  }
0x8: {  	s2 =	rddreg [dreg:$0x3];
	s7 =	sor.u32 s5, s7;
	s8 =	ssub.s32 $0x2, s5  }
0x9: {  	[smem:$0x7FF] =	sst s4;
	s5 =	smul.u32 $0x32, s7;
	s31 =	sshrl.u32 s8, $0x1  }
0xa: {  	s6 =	sadd.s32 $0x400, s6;
	_ =	strace $0x80000047;
	s9 =	ssub.s32 s8, s31  }
0xb: {  	s7 =	sshrl.u32 s5, $0x3;
	s8 =	sand.u32 $0x6, s5;
	s9 =	smax.u32 s9, $0x1  }
.LBB2_1:
0xc: {  	[tilespmem:s10], [sflag:$0x2] =	stream.linear.gather [hbm4b:s6+s4], $0x6000, $0x38;
	[tilespmem:$0x17000] =	vst v63  }
0xd: {  	_ =	swait.ge [sflag:s11], $0x6000  }
0xe: {  	[sflag:s11] =	ssyncset.done $0x0  }
0xf: {  	s18 =	simm.s32 $0x0;
	[sflag:s11] =	ssyncadd.s32 $0xFFFFA000  }
.LBB2_2:
0x10: {  	s19 =	sshll.u32 s18, $0x1;
	p0 =	seq.s32 s18, $0x0  }
0x11: {  	s20 =	sadd.s32 @!p0 s5, s19  }
0x12: {  	s21 =	sand.u32 @!p0 $0x6, s20  }
0x13: {  	p1 =	sne.s32 @!p0 s21, $0x0  }
0x14: {  	p1 =	por p0, !p1  }
.Ltmp0:
0x15: {  	_ = 	snop;
	(pc) =	sbr.rel @!p1 .LBB2_4-.Ltmp0, $4  }
0x16: {  	s22 =	simm.s32 @!p0 $0x1  }
0x17: {  	_ =	swait.ge @!p0 [sflag:s22], $0x8000  }
0x18: {  	[sflag:s22] =	ssyncset.done @!p0 $0x0  }
0x19: {  	s20 =	sshrl.u32 @!p0 s20, $0x3;
	[sflag:s22] =	ssyncadd.s32 @!p0 $0xFFFF8000  }
0x1a: {  	s20 =	smov.u32 @p0 s7  }
0x1b: {  	s21 =	sshll.u32 s20, $0x4  }
0x1c: {  	s22 =	sshll.u32 s20, $0x9;
	s21 =	sand.u32 $0x70, s21  }
0x1d: {  	s22 =	sand.u32 $0xFFFF000, s22;
	s21 =	sadd.s32 s1, s21  }
0x1e: {  	s21 =	sadd.s32 s22, s21  }
0x1f: {  	[tilespmem:s4], [sflag:$0x2] =	stream.strided.gather [hbm4b:s21+s12], $0x1000, s13, s12, $0x38;
	[tilespmem:$0x17000] =	vst v63  }
0x20: {  	_ =	swait.ge [sflag:s11], $0x1000  }
0x21: {  	s21 =	smov.u32 s8;
	[sflag:s11] =	ssyncset.done $0x0  }
0x22: {  	s21 =	simm.s32 @!p0 $0x0;
	[sflag:s11] =	ssyncadd.s32 $0xFFFFF000  }
.LBB2_4:
0x23: {  	s21 =	sshll.u32 s21, $0xC;
	s25 =	simm.s32 $0x80  }
0x24: {  	s22 =	sshrl.u32 s21, $0x2;
	v17 =	vld [tilespmem:s25+$0x0]  }
0x25: {  	v12 =	vld [tilespmem:s22+$0x1000]  }
0x26: {  	v10 =	vld [tilespmem:s22+$0x1080]  }
0x27: {  	v8 =	vld [tilespmem:s22+$0x1100]  }
0x28: {  	v6 =	vld [tilespmem:s22+$0x1180]  }
0x29: {  	v4 =	vld [tilespmem:s22+$0x1200]  }
0x2a: {  	v2 =	vld [tilespmem:s22+$0x1280]  }
0x2b: {  	v1 =	vld [tilespmem:s22+$0x1300]  }
0x2c: {  	v0 =	vld [tilespmem:s22+$0x1380]  }
0x2d: {  	v15 =	vld [tilespmem:s22+$0x3000]  }
0x2e: {  	v14 =	vld [tilespmem:s22+$0x3080]  }
0x2f: {  	v13 =	vld [tilespmem:s22+$0x3100]  }
0x30: {  	v11 =	vld [tilespmem:s22+$0x3180]  }
0x31: {  	v9 =	vld [tilespmem:s22+$0x3200]  }
0x32: {  	v7 =	vld [tilespmem:s22+$0x3280]  }
0x33: {  	v5 =	vld [tilespmem:s22+$0x3300]  }
0x34: {  	v3 =	vld [tilespmem:s22+$0x3380]  }
0x35: {  	v22 =	vld [tilespmem:s22+$0x5000]  }
0x36: {  	v23 =	vld [tilespmem:s22+$0x5080]  }
0x37: {  	v21 =	vld [tilespmem:s22+$0x5100]  }
0x38: {  	v20 =	vld [tilespmem:s22+$0x5180]  }
0x39: {  	v19 =	vld [tilespmem:s22+$0x5200]  }
0x3a: {  	v18 =	vld [tilespmem:s22+$0x5280];
	vm0 =	veq.s32 v17, $0x2  }
0x3b: {  	v16 =	vld [tilespmem:s22+$0x5300];
	vm1 =	veq.s32 v17, $0x1;
	v24 =	vsel vm0, v22, v12  }
0x3c: {  	v17 =	vld [tilespmem:s22+$0x5380];
	s22 =	simm.s32 $0x7400;
	v25 =	vsel vm0, v23, v10;
	v24 =	vsel vm1, v15, v24  }
0x3d: {  	[tilespmem:s22+$0x0] =	vst v24;
	v24 =	vsel vm1, v14, v25;
	v25 =	vsel vm0, v21, v8  }
0x3e: {  	[tilespmem:s22+$0x80] =	vst v24;
	v24 =	vsel vm1, v13, v25;
	v25 =	vsel vm0, v20, v6  }
0x3f: {  	[tilespmem:s22+$0x100] =	vst v24;
	v24 =	vsel vm1, v11, v25;
	v25 =	vsel vm0, v19, v4  }
0x40: {  	[tilespmem:s22+$0x180] =	vst v24;
	v24 =	vsel vm1, v9, v25;
	v25 =	vsel vm0, v18, v2  }
0x41: {  	[tilespmem:s22+$0x200] =	vst v24;
	v24 =	vsel vm1, v7, v25;
	v25 =	vsel vm0, v16, v1  }
0x42: {  	[tilespmem:s22+$0x280] =	vst v24;
	v24 =	vsel vm1, v5, v25;
	v25 =	vsel vm0, v17, v0  }
0x43: {  	[tilespmem:s22+$0x300] =	vst v24;
	v24 =	vsel vm1, v3, v25  }
0x44: {  	[tilespmem:s22+$0x380] =	vst v24  }
0x45: {  	v24 =	vld [tilespmem:s25+$0x10];
	_ =	sdelay $0x4  }
0x46: {  	vm0 =	veq.s32 v24, $0x2  }
0x47: {  	vm1 =	veq.s32 v24, $0x1;
	v24 =	vsel vm0, v22, v12  }
0x48: {  	v25 =	vsel vm0, v23, v10;
	v24 =	vsel vm1, v15, v24  }
0x49: {  	[tilespmem:s22+$0x10] =	vst v24;
	v24 =	vsel vm1, v14, v25;
	v25 =	vsel vm0, v21, v8  }
0x4a: {  	[tilespmem:s22+$0x90] =	vst v24;
	v24 =	vsel vm1, v13, v25;
	v25 =	vsel vm0, v20, v6  }
0x4b: {  	[tilespmem:s22+$0x110] =	vst v24;
	v24 =	vsel vm1, v11, v25;
	v25 =	vsel vm0, v19, v4  }
0x4c: {  	[tilespmem:s22+$0x190] =	vst v24;
	v24 =	vsel vm1, v9, v25;
	v25 =	vsel vm0, v18, v2  }
0x4d: {  	[tilespmem:s22+$0x210] =	vst v24;
	v24 =	vsel vm1, v7, v25;
	v25 =	vsel vm0, v16, v1  }
0x4e: {  	[tilespmem:s22+$0x290] =	vst v24;
	v24 =	vsel vm1, v5, v25;
	v25 =	vsel vm0, v17, v0  }
0x4f: {  	[tilespmem:s22+$0x310] =	vst v24;
	v24 =	vsel vm1, v3, v25  }
0x50: {  	[tilespmem:s22+$0x390] =	vst v24  }
0x51: {  	v24 =	vld [tilespmem:s25+$0x20];
	_ =	sdelay $0x4  }
0x52: {  	vm0 =	veq.s32 v24, $0x2  }
0x53: {  	vm1 =	veq.s32 v24, $0x1;
	v24 =	vsel vm0, v22, v12  }
0x54: {  	v25 =	vsel vm0, v23, v10;
	v24 =	vsel vm1, v15, v24  }
0x55: {  	v26 =	vld [tilespmem:s25+$0xFFFFFF80];
	[tilespmem:s22+$0x20] =	vst v24;
	v24 =	vsel vm1, v14, v25;
	v25 =	vsel vm0, v21, v8  }
0x56: {  	[tilespmem:s22+$0xA0] =	vst v24;
	v24 =	vsel vm1, v13, v25;
	v25 =	vsel vm0, v20, v6  }
0x57: {  	[tilespmem:s22+$0x120] =	vst v24;
	v24 =	vsel vm1, v11, v25;
	v25 =	vsel vm0, v19, v4  }
0x58: {  	[tilespmem:s22+$0x1A0] =	vst v24;
	v24 =	vsel vm1, v9, v25;
	v25 =	vsel vm0, v18, v2  }
0x59: {  	[tilespmem:s22+$0x220] =	vst v24;
	v24 =	vsel vm1, v7, v25;
	v25 =	vsel vm0, v16, v1  }
0x5a: {  	vm2 =	veq.s32 v26, $0x2;
	[tilespmem:s22+$0x2A0] =	vst v24;
	v24 =	vsel vm1, v5, v25;
	v25 =	vsel vm0, v17, v0  }
0x5b: {  	v27 =	vsel vm2, v22, v12;
	vm0 =	veq.s32 v26, $0x1;
	[tilespmem:s22+$0x320] =	vst v24;
	v24 =	vsel vm1, v3, v25  }
0x5c: {  	v25 =	vsel vm2, v23, v10;
	v26 =	vsel vm0, v15, v27;
	[tilespmem:s22+$0x3A0] =	vst v24  }
0x5d: {  	v27 =	vsel vm2, v20, v6;
	v25 =	vsel vm0, v14, v25;
	[tilespmem:s22+$0xFFFFFC00] =	vst v26;
	v26 =	vld [tilespmem:s25+$0x30]  }
0x5e: {  	v24 =	vsel vm2, v21, v8;
	v27 =	vsel vm0, v11, v27;
	[tilespmem:s22+$0xFFFFFC80] =	vst v25  }
0x5f: {  	v24 =	vsel vm0, v13, v24;
	v25 =	vsel vm2, v19, v4;
	[tilespmem:s22+$0xFFFFFD80] =	vst v27  }
0x60: {  	v27 =	vsel vm2, v16, v1;
	[tilespmem:s22+$0xFFFFFD00] =	vst v24;
	v25 =	vsel vm0, v9, v25  }
0x61: {  	v24 =	vsel vm2, v18, v2;
	v27 =	vsel vm0, v5, v27;
	[tilespmem:s22+$0xFFFFFE00] =	vst v25  }
0x62: {  	v24 =	vsel vm0, v7, v24;
	v25 =	vsel vm2, v17, v0;
	[tilespmem:s22+$0xFFFFFF00] =	vst v27;
	vm1 =	veq.s32 v26, $0x2  }
0x63: {  	[tilespmem:s22+$0xFFFFFE80] =	vst v24;
	v24 =	vsel vm0, v3, v25;
	vm0 =	veq.s32 v26, $0x1;
	v25 =	vsel vm1, v22, v12  }
0x64: {  	[tilespmem:s22+$0xFFFFFF80] =	vst v24;
	v24 =	vsel vm0, v15, v25;
	v25 =	vsel vm1, v23, v10  }
0x65: {  	v26 =	vld [tilespmem:s25+$0xFFFFFF90];
	[tilespmem:s22+$0x30] =	vst v24;
	v24 =	vsel vm0, v14, v25;
	v25 =	vsel vm1, v21, v8  }
0x66: {  	[tilespmem:s22+$0xB0] =	vst v24;
	v24 =	vsel vm0, v13, v25;
	v25 =	vsel vm1, v20, v6  }
0x67: {  	[tilespmem:s22+$0x130] =	vst v24;
	v24 =	vsel vm0, v11, v25;
	v25 =	vsel vm1, v19, v4  }
0x68: {  	[tilespmem:s22+$0x1B0] =	vst v24;
	v24 =	vsel vm0, v9, v25;
	v25 =	vsel vm1, v18, v2  }
0x69: {  	[tilespmem:s22+$0x230] =	vst v24;
	v24 =	vsel vm0, v7, v25;
	v25 =	vsel vm1, v16, v1  }
0x6a: {  	vm2 =	veq.s32 v26, $0x2;
	[tilespmem:s22+$0x2B0] =	vst v24;
	v24 =	vsel vm0, v5, v25;
	v25 =	vsel vm1, v17, v0  }
0x6b: {  	v27 =	vsel vm2, v22, v12;
	vm1 =	veq.s32 v26, $0x1;
	[tilespmem:s22+$0x330] =	vst v24;
	v24 =	vsel vm0, v3, v25  }
0x6c: {  	v25 =	vsel vm2, v23, v10;
	v26 =	vsel vm1, v15, v27;
	[tilespmem:s22+$0x3B0] =	vst v24  }
0x6d: {  	v27 =	vsel vm2, v20, v6;
	v25 =	vsel vm1, v14, v25;
	[tilespmem:s22+$0xFFFFFC10] =	vst v26;
	v26 =	vld [tilespmem:s25+$0x40]  }
0x6e: {  	v24 =	vsel vm2, v21, v8;
	v27 =	vsel vm1, v11, v27;
	[tilespmem:s22+$0xFFFFFC90] =	vst v25  }
0x6f: {  	v24 =	vsel vm1, v13, v24;
	v25 =	vsel vm2, v19, v4;
	[tilespmem:s22+$0xFFFFFD90] =	vst v27  }
0x70: {  	v27 =	vsel vm2, v16, v1;
	[tilespmem:s22+$0xFFFFFD10] =	vst v24;
	v25 =	vsel vm1, v9, v25  }
0x71: {  	v24 =	vsel vm2, v18, v2;
	v27 =	vsel vm1, v5, v27;
	[tilespmem:s22+$0xFFFFFE10] =	vst v25  }
0x72: {  	v24 =	vsel vm1, v7, v24;
	v25 =	vsel vm2, v17, v0;
	[tilespmem:s22+$0xFFFFFF10] =	vst v27;
	vm0 =	veq.s32 v26, $0x2  }
0x73: {  	[tilespmem:s22+$0xFFFFFE90] =	vst v24;
	v24 =	vsel vm1, v3, v25;
	vm1 =	veq.s32 v26, $0x1;
	v25 =	vsel vm0, v22, v12  }
0x74: {  	[tilespmem:s22+$0xFFFFFF90] =	vst v24;
	v24 =	vsel vm1, v15, v25;
	v25 =	vsel vm0, v23, v10  }
0x75: {  	v26 =	vld [tilespmem:s25+$0xFFFFFFA0];
	[tilespmem:s22+$0x40] =	vst v24;
	v24 =	vsel vm1, v14, v25;
	v25 =	vsel vm0, v21, v8  }
0x76: {  	[tilespmem:s22+$0xC0] =	vst v24;
	v24 =	vsel vm1, v13, v25;
	v25 =	vsel vm0, v20, v6  }
0x77: {  	[tilespmem:s22+$0x140] =	vst v24;
	v24 =	vsel vm1, v11, v25;
	v25 =	vsel vm0, v19, v4  }
0x78: {  	[tilespmem:s22+$0x1C0] =	vst v24;
	v24 =	vsel vm1, v9, v25;
	v25 =	vsel vm0, v18, v2  }
0x79: {  	[tilespmem:s22+$0x240] =	vst v24;
	v24 =	vsel vm1, v7, v25;
	v25 =	vsel vm0, v16, v1  }
0x7a: {  	vm2 =	veq.s32 v26, $0x2;
	[tilespmem:s22+$0x2C0] =	vst v24;
	v24 =	vsel vm1, v5, v25;
	v25 =	vsel vm0, v17, v0  }
0x7b: {  	v27 =	vsel vm2, v22, v12;
	vm0 =	veq.s32 v26, $0x1;
	[tilespmem:s22+$0x340] =	vst v24;
	v24 =	vsel vm1, v3, v25  }
0x7c: {  	v25 =	vsel vm2, v23, v10;
	v26 =	vsel vm0, v15, v27;
	[tilespmem:s22+$0x3C0] =	vst v24  }
0x7d: {  	v27 =	vsel vm2, v20, v6;
	v25 =	vsel vm0, v14, v25;
	[tilespmem:s22+$0xFFFFFC20] =	vst v26;
	v26 =	vld [tilespmem:s25+$0x50]  }
0x7e: {  	v24 =	vsel vm2, v21, v8;
	v27 =	vsel vm0, v11, v27;
	[tilespmem:s22+$0xFFFFFCA0] =	vst v25  }
0x7f: {  	v24 =	vsel vm0, v13, v24;
	v25 =	vsel vm2, v19, v4;
	[tilespmem:s22+$0xFFFFFDA0] =	vst v27  }
0x80: {  	v27 =	vsel vm2, v16, v1;
	[tilespmem:s22+$0xFFFFFD20] =	vst v24;
	v25 =	vsel vm0, v9, v25  }
0x81: {  	v24 =	vsel vm2, v18, v2;
	v27 =	vsel vm0, v5, v27;
	[tilespmem:s22+$0xFFFFFE20] =	vst v25  }
0x82: {  	v24 =	vsel vm0, v7, v24;
	v25 =	vsel vm2, v17, v0;
	[tilespmem:s22+$0xFFFFFF20] =	vst v27;
	vm1 =	veq.s32 v26, $0x2  }
0x83: {  	[tilespmem:s22+$0xFFFFFEA0] =	vst v24;
	v24 =	vsel vm0, v3, v25;
	vm0 =	veq.s32 v26, $0x1;
	v25 =	vsel vm1, v22, v12  }
0x84: {  	[tilespmem:s22+$0xFFFFFFA0] =	vst v24;
	v24 =	vsel vm0, v15, v25;
	v25 =	vsel vm1, v23, v10  }
0x85: {  	v26 =	vld [tilespmem:s25+$0xFFFFFFB0];
	[tilespmem:s22+$0x50] =	vst v24;
	v24 =	vsel vm0, v14, v25;
	v25 =	vsel vm1, v21, v8  }
0x86: {  	[tilespmem:s22+$0xD0] =	vst v24;
	v24 =	vsel vm0, v13, v25;
	v25 =	vsel vm1, v20, v6  }
0x87: {  	[tilespmem:s22+$0x150] =	vst v24;
	v24 =	vsel vm0, v11, v25;
	v25 =	vsel vm1, v19, v4  }
0x88: {  	[tilespmem:s22+$0x1D0] =	vst v24;
	v24 =	vsel vm0, v9, v25;
	v25 =	vsel vm1, v18, v2  }
0x89: {  	[tilespmem:s22+$0x250] =	vst v24;
	v24 =	vsel vm0, v7, v25;
	v25 =	vsel vm1, v16, v1  }
0x8a: {  	vm2 =	veq.s32 v26, $0x2;
	[tilespmem:s22+$0x2D0] =	vst v24;
	v24 =	vsel vm0, v5, v25;
	v25 =	vsel vm1, v17, v0  }
0x8b: {  	v27 =	vsel vm2, v22, v12;
	vm1 =	veq.s32 v26, $0x1;
	[tilespmem:s22+$0x350] =	vst v24;
	v24 =	vsel vm0, v3, v25  }
0x8c: {  	v25 =	vsel vm2, v23, v10;
	v26 =	vsel vm1, v15, v27;
	[tilespmem:s22+$0x3D0] =	vst v24  }
0x8d: {  	v27 =	vsel vm2, v20, v6;
	v25 =	vsel vm1, v14, v25;
	[tilespmem:s22+$0xFFFFFC30] =	vst v26;
	v26 =	vld [tilespmem:s25+$0x60]  }
0x8e: {  	v24 =	vsel vm2, v21, v8;
	v27 =	vsel vm1, v11, v27;
	[tilespmem:s22+$0xFFFFFCB0] =	vst v25  }
0x8f: {  	v24 =	vsel vm1, v13, v24;
	v25 =	vsel vm2, v19, v4;
	[tilespmem:s22+$0xFFFFFDB0] =	vst v27  }
0x90: {  	v27 =	vsel vm2, v16, v1;
	[tilespmem:s22+$0xFFFFFD30] =	vst v24;
	v25 =	vsel vm1, v9, v25  }
0x91: {  	v24 =	vsel vm2, v18, v2;
	v27 =	vsel vm1, v5, v27;
	[tilespmem:s22+$0xFFFFFE30] =	vst v25  }
0x92: {  	v24 =	vsel vm1, v7, v24;
	v25 =	vsel vm2, v17, v0;
	[tilespmem:s22+$0xFFFFFF30] =	vst v27;
	vm0 =	veq.s32 v26, $0x2  }
0x93: {  	[tilespmem:s22+$0xFFFFFEB0] =	vst v24;
	v24 =	vsel vm1, v3, v25;
	vm1 =	veq.s32 v26, $0x1;
	v25 =	vsel vm0, v22, v12  }
0x94: {  	[tilespmem:s22+$0xFFFFFFB0] =	vst v24;
	v24 =	vsel vm1, v15, v25;
	v25 =	vsel vm0, v23, v10  }
0x95: {  	v26 =	vld [tilespmem:s25+$0xFFFFFFC0];
	[tilespmem:s22+$0x60] =	vst v24;
	v24 =	vsel vm1, v14, v25;
	v25 =	vsel vm0, v21, v8  }
0x96: {  	[tilespmem:s22+$0xE0] =	vst v24;
	v24 =	vsel vm1, v13, v25;
	v25 =	vsel vm0, v20, v6  }
0x97: {  	[tilespmem:s22+$0x160] =	vst v24;
	v24 =	vsel vm1, v11, v25;
	v25 =	vsel vm0, v19, v4  }
0x98: {  	[tilespmem:s22+$0x1E0] =	vst v24;
	v24 =	vsel vm1, v9, v25;
	v25 =	vsel vm0, v18, v2  }
0x99: {  	[tilespmem:s22+$0x260] =	vst v24;
	v24 =	vsel vm1, v7, v25;
	v25 =	vsel vm0, v16, v1  }
0x9a: {  	vm2 =	veq.s32 v26, $0x2;
	[tilespmem:s22+$0x2E0] =	vst v24;
	v24 =	vsel vm1, v5, v25;
	v25 =	vsel vm0, v17, v0  }
0x9b: {  	vm0 =	veq.s32 v26, $0x1;
	v26 =	vsel vm2, v21, v8;
	[tilespmem:s22+$0x360] =	vst v24;
	v24 =	vsel vm1, v3, v25  }
0x9c: {  	v27 =	vsel vm2, v22, v12;
	v26 =	vsel vm0, v13, v26;
	[tilespmem:s22+$0x3E0] =	vst v24  }
0x9d: {  	v25 =	vsel vm2, v23, v10;
	v24 =	vsel vm0, v15, v27;
	[tilespmem:s22+$0xFFFFFD40] =	vst v26  }
0x9e: {  	v25 =	vsel vm0, v14, v25;
	v26 =	vsel vm2, v18, v2;
	[tilespmem:s22+$0xFFFFFC40] =	vst v24  }
0x9f: {  	v24 =	vsel vm2, v20, v6;
	[tilespmem:s22+$0xFFFFFCC0] =	vst v25;
	v26 =	vsel vm0, v7, v26  }
0xa0: {  	v25 =	vsel vm2, v19, v4;
	v24 =	vsel vm0, v11, v24;
	[tilespmem:s22+$0xFFFFFEC0] =	vst v26  }
0xa1: {  	v25 =	vsel vm0, v9, v25;
	[tilespmem:s22+$0xFFFFFDC0] =	vst v24;
	v24 =	vsel vm2, v16, v1  }
0xa2: {  	[tilespmem:s22+$0xFFFFFE40] =	vst v25;
	v25 =	vsel vm2, v17, v0;
	v24 =	vsel vm0, v5, v24  }
0xa3: {  	v26 =	vld [tilespmem:s25+$0x70];
	v25 =	vsel vm0, v3, v25;
	[tilespmem:s22+$0xFFFFFF40] =	vst v24  }
0xa4: {  	[tilespmem:s22+$0xFFFFFFC0] =	vst v25  }
0xa5: {  	v24 =	vld [tilespmem:s25+$0xFFFFFFD0]  }
0xa6: {  	s23 =	simm.s32 $0x180  }
0xa7: {  	v25 =	vld [tilespmem:s23+$0x0]  }
0xa8: {  	vm1 =	veq.s32 v26, $0x2  }
0xa9: {  	vm0 =	veq.s32 v26, $0x1;
	v26 =	vsel vm1, v17, v0  }
0xaa: {  	v27 =	vsel vm1, v22, v12;
	v26 =	vsel vm0, v3, v26;
	vm3 =	veq.s32 v24, $0x2  }
0xab: {  	[tilespmem:s22+$0x3F0] =	vst v26;
	v26 =	vsel vm0, v15, v27;
	vm2 =	veq.s32 v24, $0x1;
	v24 =	vsel vm3, v22, v12  }
0xac: {  	vm4 =	veq.s32 v25, $0x2;
	[tilespmem:s22+$0x70] =	vst v26;
	v26 =	vsel vm3, v23, v10;
	v24 =	vsel vm2, v15, v24  }
0xad: {  	vm5 =	veq.s32 v25, $0x1;
	v25 =	vsel vm4, v22, v12;
	[tilespmem:s22+$0xFFFFFC50] =	vst v24;
	v24 =	vsel vm2, v14, v26  }
0xae: {  	s24 =	simm.s32 $0x7C00;
	v26 =	vld [tilespmem:s23+$0xFFFFFF80];
	[tilespmem:s22+$0xFFFFFCD0] =	vst v24;
	v24 =	vsel vm5, v15, v25;
	v25 =	vsel vm4, v23, v10  }
0xaf: {  	[tilespmem:s24+$0x0] =	vst v24;
	v24 =	vsel vm5, v14, v25;
	v25 =	vsel vm4, v21, v8  }
0xb0: {  	[tilespmem:s24+$0x80] =	vst v24;
	v24 =	vsel vm5, v13, v25;
	v25 =	vsel vm4, v20, v6  }
0xb1: {  	[tilespmem:s24+$0x100] =	vst v24;
	v24 =	vsel vm5, v11, v25;
	v25 =	vsel vm4, v19, v4  }
0xb2: {  	[tilespmem:s24+$0x180] =	vst v24;
	v24 =	vsel vm5, v9, v25;
	v25 =	vsel vm4, v18, v2  }
0xb3: {  	vm6 =	veq.s32 v26, $0x2;
	[tilespmem:s24+$0x200] =	vst v24;
	v24 =	vsel vm5, v7, v25;
	v25 =	vsel vm4, v16, v1  }
0xb4: {  	vm10 =	veq.s32 v26, $0x1;
	v27 =	vsel vm6, v22, v12;
	[tilespmem:s24+$0x280] =	vst v24;
	v24 =	vsel vm5, v5, v25  }
0xb5: {  	v25 =	vsel vm4, v17, v0;
	v26 =	vsel vm10, v15, v27;
	[tilespmem:s24+$0x300] =	vst v24  }
0xb6: {  	v27 =	vsel vm6, v20, v6;
	v24 =	vsel vm5, v3, v25;
	[tilespmem:s24+$0xFFFFFC00] =	vst v26  }
0xb7: {  	v25 =	vsel vm6, v23, v10;
	v27 =	vsel vm10, v11, v27;
	[tilespmem:s24+$0x380] =	vst v24  }
0xb8: {  	v24 =	vsel vm6, v21, v8;
	v25 =	vsel vm10, v14, v25;
	[tilespmem:s24+$0xFFFFFD80] =	vst v27;
	v26 =	vld [tilespmem:s23+$0x10]  }
0xb9: {  	v27 =	vsel vm6, v16, v1;
	v24 =	vsel vm10, v13, v24;
	[tilespmem:s24+$0xFFFFFC80] =	vst v25  }
0xba: {  	v25 =	vsel vm6, v19, v4;
	v27 =	vsel vm10, v5, v27;
	[tilespmem:s24+$0xFFFFFD00] =	vst v24  }
0xbb: {  	v24 =	vsel vm6, v18, v2;
	v25 =	vsel vm10, v9, v25;
	[tilespmem:s24+$0xFFFFFF00] =	vst v27  }
0xbc: {  	v27 =	vsel vm3, v21, v8;
	v24 =	vsel vm10, v7, v24;
	[tilespmem:s24+$0xFFFFFE00] =	vst v25  }
0xbd: {  	v25 =	vsel vm6, v17, v0;
	v27 =	vsel vm2, v13, v27;
	[tilespmem:s24+$0xFFFFFE80] =	vst v24;
	vm11 =	veq.s32 v26, $0x2  }
0xbe: {  	v24 =	vsel vm10, v3, v25;
	[tilespmem:s22+$0xFFFFFD50] =	vst v27;
	vm12 =	veq.s32 v26, $0x1;
	v25 =	vsel vm11, v22, v12  }
0xbf: {  	[tilespmem:s24+$0xFFFFFF80] =	vst v24;
	v24 =	vsel vm12, v15, v25;
	v25 =	vsel vm11, v23, v10  }
0xc0: {  	[tilespmem:s24+$0x10] =	vst v24;
	v24 =	vsel vm12, v14, v25;
	v25 =	vsel vm11, v21, v8  }
0xc1: {  	[tilespmem:s24+$0x90] =	vst v24;
	v24 =	vsel vm12, v13, v25;
	v25 =	vsel vm11, v20, v6  }
0xc2: {  	[tilespmem:s24+$0x110] =	vst v24;
	v24 =	vsel vm12, v11, v25;
	v25 =	vsel vm11, v19, v4  }
0xc3: {  	v26 =	vld [tilespmem:s23+$0xFFFFFF90];
	[tilespmem:s24+$0x190] =	vst v24;
	v24 =	vsel vm12, v9, v25;
	v25 =	vsel vm11, v18, v2  }
0xc4: {  	[tilespmem:s24+$0x210] =	vst v24;
	v24 =	vsel vm12, v7, v25;
	v25 =	vsel vm11, v16, v1  }
0xc5: {  	[tilespmem:s24+$0x290] =	vst v24;
	v24 =	vsel vm12, v5, v25;
	v25 =	vsel vm11, v17, v0  }
0xc6: {  	[tilespmem:s24+$0x310] =	vst v24;
	v24 =	vsel vm12, v3, v25;
	v25 =	vsel vm3, v20, v6  }
0xc7: {  	[tilespmem:s24+$0x390] =	vst v24;
	v24 =	vsel vm3, v19, v4;
	v25 =	vsel vm2, v11, v25  }
0xc8: {  	v28 =	vsel vm3, v18, v2;
	vm13 =	veq.s32 v26, $0x2;
	v27 =	vld [tilespmem:s23+$0x20];
	v24 =	vsel vm2, v9, v24;
	[tilespmem:s22+$0xFFFFFDD0] =	vst v25  }
0xc9: {  	vm14 =	veq.s32 v26, $0x1;
	v25 =	vsel vm2, v7, v28;
	v28 =	vsel vm13, v22, v12;
	[tilespmem:s22+$0xFFFFFE50] =	vst v24  }
0xca: {  	v24 =	vsel vm13, v23, v10;
	v26 =	vsel vm14, v15, v28;
	[tilespmem:s22+$0xFFFFFED0] =	vst v25  }
0xcb: {  	v25 =	vsel vm13, v21, v8;
	v24 =	vsel vm14, v14, v24;
	[tilespmem:s24+$0xFFFFFC10] =	vst v26;
	v26 =	vsel vm13, v20, v6  }
0xcc: {  	v25 =	vsel vm14, v13, v25;
	[tilespmem:s24+$0xFFFFFC90] =	vst v24;
	v24 =	vsel vm14, v11, v26  }
0xcd: {  	[tilespmem:s24+$0xFFFFFD10] =	vst v25;
	vm15 =	veq.s32 v27, $0x2;
	vm7 =	veq.s32 v27, $0x1;
	v27 =	vsel vm13, v17, v0  }
0xce: {  	[tilespmem:s24+$0xFFFFFD90] =	vst v24;
	v25 =	vsel vm15, v22, v12;
	v27 =	vsel vm14, v3, v27  }
0xcf: {  	v24 =	vsel vm7, v15, v25;
	v25 =	vsel vm15, v23, v10;
	[tilespmem:s24+$0xFFFFFF90] =	vst v27  }
0xd0: {  	[tilespmem:s24+$0x20] =	vst v24;
	v24 =	vsel vm7, v14, v25;
	v25 =	vsel vm15, v21, v8  }
0xd1: {  	[tilespmem:s24+$0xA0] =	vst v24;
	v24 =	vsel vm7, v13, v25;
	v25 =	vsel vm15, v20, v6  }
0xd2: {  	[tilespmem:s24+$0x120] =	vst v24;
	v24 =	vsel vm7, v11, v25;
	v25 =	vsel vm15, v19, v4  }
0xd3: {  	[tilespmem:s24+$0x1A0] =	vst v24;
	v24 =	vsel vm7, v9, v25;
	v25 =	vsel vm15, v18, v2  }
0xd4: {  	[tilespmem:s24+$0x220] =	vst v24;
	v24 =	vsel vm7, v7, v25;
	v25 =	vsel vm15, v16, v1  }
0xd5: {  	v26 =	vsel vm15, v17, v0;
	[tilespmem:s24+$0x2A0] =	vst v24;
	v24 =	vsel vm7, v5, v25  }
0xd6: {  	v25 =	vsel vm7, v3, v26;
	v26 =	vsel vm13, v19, v4;
	[tilespmem:s24+$0x320] =	vst v24  }
0xd7: {  	v28 =	vsel vm1, v18, v2;
	v26 =	vsel vm14, v9, v26;
	[tilespmem:s24+$0x3A0] =	vst v25  }
0xd8: {  	v28 =	vsel vm0, v7, v28;
	v27 =	vsel vm1, v23, v10;
	[tilespmem:s24+$0xFFFFFE10] =	vst v26;
	v26 =	vld [tilespmem:s23+$0x30]  }
0xd9: {  	[tilespmem:s22+$0x2F0] =	vst v28;
	v27 =	vsel vm0, v14, v27;
	v24 =	vsel vm13, v18, v2  }
0xda: {  	[tilespmem:s22+$0xF0] =	vst v27;
	v25 =	vsel vm13, v16, v1;
	v24 =	vsel vm14, v7, v24  }
0xdb: {  	v25 =	vsel vm14, v5, v25;
	[tilespmem:s24+$0xFFFFFE90] =	vst v24;
	v24 =	vsel vm3, v16, v1  }
0xdc: {  	[tilespmem:s24+$0xFFFFFF10] =	vst v25;
	v25 =	vsel vm3, v17, v0;
	v24 =	vsel vm2, v5, v24  }
0xdd: {  	v25 =	vsel vm2, v3, v25;
	[tilespmem:s22+$0xFFFFFF50] =	vst v24;
	v24 =	vsel vm1, v21, v8;
	vm2 =	veq.s32 v26, $0x2  }
0xde: {  	[tilespmem:s22+$0xFFFFFFD0] =	vst v25;
	v24 =	vsel vm0, v13, v24;
	vm3 =	veq.s32 v26, $0x1;
	v25 =	vsel vm2, v22, v12  }
0xdf: {  	[tilespmem:s22+$0x170] =	vst v24;
	v26 =	vsel vm2, v23, v10;
	v25 =	vsel vm3, v15, v25  }
0xe0: {  	v24 =	vsel vm3, v14, v26;
	[tilespmem:s24+$0x30] =	vst v25;
	v25 =	vsel vm2, v21, v8  }
0xe1: {  	v26 =	vld [tilespmem:s23+$0xFFFFFFA0];
	[tilespmem:s24+$0xB0] =	vst v24;
	v24 =	vsel vm3, v13, v25;
	v25 =	vsel vm2, v20, v6  }
0xe2: {  	[tilespmem:s24+$0x130] =	vst v24;
	v24 =	vsel vm3, v11, v25;
	v25 =	vsel vm2, v19, v4  }
0xe3: {  	[tilespmem:s24+$0x1B0] =	vst v24;
	v24 =	vsel vm3, v9, v25;
	v25 =	vsel vm2, v18, v2  }
0xe4: {  	[tilespmem:s24+$0x230] =	vst v24;
	v24 =	vsel vm3, v7, v25;
	v25 =	vsel vm2, v16, v1  }
0xe5: {  	[tilespmem:s24+$0x2B0] =	vst v24;
	v24 =	vsel vm3, v5, v25;
	v25 =	vsel vm2, v17, v0  }
0xe6: {  	v27 =	vsel vm1, v20, v6;
	vm2 =	veq.s32 v26, $0x2;
	[tilespmem:s24+$0x330] =	vst v24;
	v24 =	vsel vm3, v3, v25  }
0xe7: {  	v25 =	vsel vm0, v11, v27;
	v27 =	vsel vm2, v22, v12;
	vm3 =	veq.s32 v26, $0x1;
	[tilespmem:s24+$0x3B0] =	vst v24  }
0xe8: {  	v24 =	vsel vm2, v23, v10;
	v26 =	vsel vm3, v15, v27;
	[tilespmem:s22+$0x1F0] =	vst v25;
	v27 =	vld [tilespmem:s23+$0x40]  }
0xe9: {  	v25 =	vsel vm2, v21, v8;
	v24 =	vsel vm3, v14, v24;
	[tilespmem:s24+$0xFFFFFC20] =	vst v26  }
0xea: {  	v26 =	vsel vm2, v20, v6;
	v25 =	vsel vm3, v13, v25;
	[tilespmem:s24+$0xFFFFFCA0] =	vst v24  }
0xeb: {  	v24 =	vsel vm2, v19, v4;
	v26 =	vsel vm3, v11, v26;
	[tilespmem:s24+$0xFFFFFD20] =	vst v25  }
0xec: {  	v25 =	vsel vm2, v18, v2;
	v24 =	vsel vm3, v9, v24;
	[tilespmem:s24+$0xFFFFFDA0] =	vst v26  }
0xed: {  	v26 =	vsel vm2, v16, v1;
	v25 =	vsel vm3, v7, v25;
	[tilespmem:s24+$0xFFFFFE20] =	vst v24;
	vm8 =	veq.s32 v27, $0x2  }
0xee: {  	v24 =	vsel vm3, v5, v26;
	[tilespmem:s24+$0xFFFFFEA0] =	vst v25;
	vm9 =	veq.s32 v27, $0x1;
	v25 =	vsel vm8, v22, v12  }
0xef: {  	[tilespmem:s24+$0xFFFFFF20] =	vst v24;
	v24 =	vsel vm9, v15, v25;
	v25 =	vsel vm8, v23, v10  }
0xf0: {  	[tilespmem:s24+$0x40] =	vst v24;
	v24 =	vsel vm9, v14, v25;
	v25 =	vsel vm8, v21, v8  }
0xf1: {  	v26 =	vld [tilespmem:s25+$0xFFFFFFE0];
	[tilespmem:s24+$0xC0] =	vst v24;
	v24 =	vsel vm9, v13, v25;
	v25 =	vsel vm8, v20, v6  }
0xf2: {  	[tilespmem:s24+$0x140] =	vst v24;
	v24 =	vsel vm9, v11, v25;
	v25 =	vsel vm8, v19, v4  }
0xf3: {  	[tilespmem:s24+$0x1C0] =	vst v24;
	v24 =	vsel vm9, v9, v25;
	v25 =	vsel vm8, v18, v2  }
0xf4: {  	[tilespmem:s24+$0x240] =	vst v24;
	v24 =	vsel vm9, v7, v25;
	v25 =	vsel vm8, v16, v1  }
0xf5: {  	[tilespmem:s24+$0x2C0] =	vst v24;
	v24 =	vsel vm9, v5, v25;
	v25 =	vsel vm8, v17, v0  }
0xf6: {  	v27 =	vsel vm2, v17, v0;
	vm2 =	veq.s32 v26, $0x2;
	[tilespmem:s24+$0x340] =	vst v24;
	v24 =	vsel vm9, v3, v25  }
0xf7: {  	v25 =	vsel vm3, v3, v27;
	v27 =	vsel vm2, v22, v12;
	vm3 =	veq.s32 v26, $0x1;
	[tilespmem:s24+$0x3C0] =	vst v24  }
0xf8: {  	v24 =	vsel vm2, v23, v10;
	v26 =	vsel vm3, v15, v27;
	[tilespmem:s24+$0xFFFFFFA0] =	vst v25;
	v25 =	vld [tilespmem:s23+$0x50]  }
0xf9: {  	v27 =	vsel vm2, v21, v8;
	v24 =	vsel vm3, v14, v24;
	[tilespmem:s22+$0xFFFFFC60] =	vst v26  }
0xfa: {  	v26 =	vsel vm2, v20, v6;
	v27 =	vsel vm3, v13, v27;
	[tilespmem:s22+$0xFFFFFCE0] =	vst v24  }
0xfb: {  	v24 =	vsel vm2, v19, v4;
	v26 =	vsel vm3, v11, v26;
	[tilespmem:s22+$0xFFFFFD60] =	vst v27  }
0xfc: {  	v27 =	vsel vm2, v18, v2;
	v24 =	vsel vm3, v9, v24;
	[tilespmem:s22+$0xFFFFFDE0] =	vst v26  }
0xfd: {  	v26 =	vsel vm2, v16, v1;
	v27 =	vsel vm3, v7, v27;
	[tilespmem:s22+$0xFFFFFE60] =	vst v24;
	vm10 =	veq.s32 v25, $0x2  }
0xfe: {  	v24 =	vsel vm3, v5, v26;
	[tilespmem:s22+$0xFFFFFEE0] =	vst v27;
	vm11 =	veq.s32 v25, $0x1;
	v25 =	vsel vm10, v22, v12  }
0xff: {  	[tilespmem:s22+$0xFFFFFF60] =	vst v24;
	v27 =	vsel vm10, v17, v0;
	v25 =	vsel vm11, v15, v25  }
0x100: {  	v24 =	vld [tilespmem:s23+$0xFFFFFFB0];
	v26 =	vsel vm10, v23, v10;
	v27 =	vsel vm11, v3, v27;
	[tilespmem:s24+$0x50] =	vst v25  }
0x101: {  	v25 =	vsel vm11, v14, v26;
	v26 =	vsel vm10, v21, v8;
	[tilespmem:s24+$0x3D0] =	vst v27  }
0x102: {  	[tilespmem:s24+$0xD0] =	vst v25;
	v25 =	vsel vm11, v13, v26;
	v26 =	vsel vm10, v20, v6  }
0x103: {  	[tilespmem:s24+$0x150] =	vst v25;
	v25 =	vsel vm11, v11, v26;
	v26 =	vsel vm10, v19, v4  }
0x104: {  	[tilespmem:s24+$0x1D0] =	vst v25;
	v25 =	vsel vm11, v9, v26;
	v26 =	vsel vm10, v18, v2  }
0x105: {  	vm12 =	veq.s32 v24, $0x2;
	[tilespmem:s24+$0x250] =	vst v25;
	v25 =	vsel vm11, v7, v26;
	v26 =	vsel vm10, v16, v1  }
0x106: {  	vm13 =	veq.s32 v24, $0x1;
	[tilespmem:s24+$0x2D0] =	vst v25;
	v25 =	vsel vm11, v5, v26;
	v26 =	vsel vm12, v22, v12  }
0x107: {  	v24 =	vsel vm12, v23, v10;
	[tilespmem:s24+$0x350] =	vst v25;
	v25 =	vsel vm13, v15, v26  }
0x108: {  	v27 =	vsel vm12, v20, v6;
	v24 =	vsel vm13, v14, v24;
	[tilespmem:s24+$0xFFFFFC30] =	vst v25;
	v25 =	vld [tilespmem:s23+$0x60]  }
0x109: {  	v27 =	vsel vm13, v11, v27;
	[tilespmem:s24+$0xFFFFFCB0] =	vst v24;
	v24 =	vsel vm12, v19, v4  }
0x10a: {  	[tilespmem:s24+$0xFFFFFDB0] =	vst v27;
	v27 =	vsel vm12, v16, v1;
	v24 =	vsel vm13, v9, v24  }
0x10b: {  	v27 =	vsel vm13, v5, v27;
	v26 =	vsel vm12, v21, v8;
	[tilespmem:s24+$0xFFFFFE30] =	vst v24  }
0x10c: {  	v24 =	vsel vm12, v17, v0;
	[tilespmem:s24+$0xFFFFFF30] =	vst v27;
	v26 =	vsel vm13, v13, v26  }
0x10d: {  	v24 =	vsel vm13, v3, v24;
	[tilespmem:s24+$0xFFFFFD30] =	vst v26;
	v26 =	vsel vm12, v18, v2;
	vm14 =	veq.s32 v25, $0x2  }
0x10e: {  	[tilespmem:s24+$0xFFFFFFB0] =	vst v24;
	v26 =	vsel vm13, v7, v26;
	vm15 =	veq.s32 v25, $0x1;
	v25 =	vsel vm14, v22, v12  }
0x10f: {  	[tilespmem:s24+$0xFFFFFEB0] =	vst v26;
	v24 =	vsel vm15, v15, v25;
	v25 =	vsel vm14, v23, v10  }
0x110: {  	[tilespmem:s24+$0x60] =	vst v24;
	v24 =	vsel vm15, v14, v25;
	v25 =	vsel vm14, v21, v8  }
0x111: {  	[tilespmem:s24+$0xE0] =	vst v24;
	v24 =	vsel vm15, v13, v25;
	v25 =	vsel vm14, v20, v6  }
0x112: {  	v27 =	vld [tilespmem:s23+$0xFFFFFFC0];
	[tilespmem:s24+$0x160] =	vst v24;
	v24 =	vsel vm15, v11, v25;
	v25 =	vsel vm14, v19, v4  }
0x113: {  	[tilespmem:s24+$0x1E0] =	vst v24;
	v24 =	vsel vm15, v9, v25;
	v25 =	vsel vm14, v18, v2  }
0x114: {  	v29 =	vsel vm1, v16, v1;
	[tilespmem:s24+$0x260] =	vst v24;
	v24 =	vsel vm15, v7, v25;
	v25 =	vsel vm14, v16, v1  }
0x115: {  	v33 =	vsel vm0, v5, v29;
	[tilespmem:s24+$0x2E0] =	vst v24;
	v24 =	vsel vm15, v5, v25;
	v25 =	vsel vm14, v17, v0  }
0x116: {  	v30 =	vsel vm2, v17, v0;
	v26 =	vsel vm1, v19, v4;
	[tilespmem:s24+$0x360] =	vst v24;
	v24 =	vsel vm15, v3, v25  }
0x117: {  	v26 =	vsel vm0, v9, v26;
	vm0 =	veq.s32 v27, $0x2;
	v25 =	vsel vm3, v3, v30;
	[tilespmem:s24+$0x3E0] =	vst v24  }
0x118: {  	vm1 =	veq.s32 v27, $0x1;
	v29 =	vsel vm0, v23, v10;
	v32 =	vsel vm0, v19, v4;
	[tilespmem:s22+$0xFFFFFFE0] =	vst v25;
	v31 =	vld [tilespmem:s23+$0x70]  }
0x119: {  	[tilespmem:s22+$0x270] =	vst v26;
	v26 =	vsel vm0, v18, v2;
	v34 =	vsel vm0, v16, v1;
	v28 =	vsel vm0, v17, v0;
	v27 =	vld [tilespmem:s25+$0xFFFFFFF0]  }
0x11a: {  	v29 =	vsel vm1, v14, v29;
	v26 =	vsel vm1, v7, v26;
	v28 =	vsel vm1, v3, v28  }
0x11b: {  	[tilespmem:s24+$0xFFFFFCC0] =	vst v29;
	v29 =	vsel vm1, v5, v34;
	v30 =	vsel vm0, v21, v8;
	v24 =	vsel vm0, v22, v12  }
0x11c: {  	[tilespmem:s24+$0xFFFFFEC0] =	vst v26;
	v25 =	vsel vm0, v20, v6;
	v30 =	vsel vm1, v13, v30;
	v24 =	vsel vm1, v15, v24  }
0x11d: {  	[tilespmem:s24+$0xFFFFFC40] =	vst v24;
	v24 =	vsel vm1, v11, v25;
	v25 =	vsel vm1, v9, v32;
	vm1 =	veq.s32 v31, $0x2  }
0x11e: {  	[tilespmem:s24+$0xFFFFFDC0] =	vst v24;
	vm0 =	veq.s32 v31, $0x1;
	vm2 =	veq.s32 v27, $0x2;
	v24 =	vsel vm1, v17, v0  }
0x11f: {  	[tilespmem:s24+$0xFFFFFD40] =	vst v30;
	v30 =	vsel vm2, v22, v12;
	v63 =	vsel vm2, v23, v10;
	v35 =	vsel vm2, v21, v8  }
0x120: {  	[tilespmem:s24+$0xFFFFFFC0] =	vst v28;
	v37 =	vsel vm2, v20, v6;
	v38 =	vsel vm2, v19, v4;
	v31 =	vsel vm1, v22, v12  }
0x121: {  	[tilespmem:s24+$0xFFFFFF40] =	vst v29;
	v41 =	vsel vm1, v23, v10;
	v29 =	vsel vm1, v20, v6;
	v32 =	vsel vm1, v19, v4  }
0x122: {  	[tilespmem:s24+$0xFFFFFE40] =	vst v25;
	v25 =	vsel vm1, v18, v2;
	v24 =	vsel vm0, v3, v24;
	v28 =	vsel vm0, v15, v31  }
0x123: {  	v31 =	vsel vm1, v16, v1;
	[tilespmem:s24+$0x3F0] =	vst v24;
	v24 =	vsel vm1, v21, v8;
	vm1 =	veq.s32 v27, $0x1  }
0x124: {  	[tilespmem:s22+$0x370] =	vst v33;
	v26 =	vsel vm2, v18, v2;
	v36 =	vsel vm1, v13, v35;
	v35 =	vsel vm1, v11, v37;
	v37 =	vld [tilespmem:s23+$0xFFFFFFD0]  }
0x125: {  	v39 =	vsel vm2, v16, v1;
	v40 =	vsel vm2, v17, v0;
	[tilespmem:s24+$0x70] =	vst v28;
	v27 =	vsel vm1, v15, v30  }
0x126: {  	v28 =	vsel vm1, v14, v63;
	v34 =	vsel vm1, v9, v38;
	v33 =	vsel vm1, v7, v26;
	[tilespmem:s22+$0xFFFFFC70] =	vst v27  }
0x127: {  	s26 =	simm.s32 $0x2;
	s28 =	simm.s32 $0x280;
	s25 =	simm.s32 $0x7C00;
	v26 =	vsel vm1, v5, v39;
	v27 =	vsel vm0, v14, v41;
	[tilespmem:s22+$0xFFFFFCF0] =	vst v28;
	v28 =	vsel vm1, v3, v40  }
.LBB2_5:
0x128: {  	v38 =	vld [tilespmem:s28+$0x0];
	v30 =	vsel vm0, v13, v24;
	v29 =	vsel vm0, v11, v29;
	v24 =	vsel vm0, v9, v32;
	[tilespmem:s22+$0xFFFFFD70] =	vst v36  }
0x129: {  	v25 =	vsel vm0, v7, v25;
	v32 =	vld [tilespmem:s28+$0xFFFFFF80];
	vm1 =	veq.s32 v37, $0x1;
	vm2 =	veq.s32 v37, $0x2;
	[tilespmem:s22+$0xFFFFFDF0] =	vst v35  }
0x12a: {  	v35 =	vsel vm2, v22, v12;
	v36 =	vsel vm2, v23, v10;
	v37 =	vsel vm2, v21, v8;
	[tilespmem:s22+$0xFFFFFE70] =	vst v34  }
0x12b: {  	v34 =	vsel vm2, v20, v6;
	v39 =	vsel vm2, v19, v4;
	v40 =	vsel vm2, v18, v2;
	[tilespmem:s22+$0xFFFFFEF0] =	vst v33  }
0x12c: {  	v41 =	vsel vm2, v17, v0;
	v33 =	vsel vm1, v15, v35;
	v35 =	vsel vm2, v16, v1;
	[tilespmem:s22+$0xFFFFFF70] =	vst v26  }
0x12d: {  	v26 =	vsel vm1, v14, v36;
	vm2 =	veq.s32 v38, $0x2;
	[tilespmem:s24+$0xFFFFFC50] =	vst v33;
	v33 =	vsel vm1, v13, v37  }
0x12e: {  	vm3 =	veq.s32 v38, $0x1;
	vm4 =	veq.s32 v32, $0x2;
	v36 =	vsel vm2, v22, v12;
	[tilespmem:s24+$0xFFFFFCD0] =	vst v26  }
0x12f: {  	v37 =	vsel vm2, v23, v10;
	s24 =	sadd.s32 $0x800, s24;
	v26 =	vsel vm4, v22, v12;
	v36 =	vsel vm3, v15, v36;
	[tilespmem:s25+$0xFFFFFD50] =	vst v33  }
0x130: {  	v33 =	vsel vm4, v23, v10;
	[tilespmem:s24+$0x0] =	vst v36;
	v36 =	vsel vm3, v14, v37;
	v37 =	vsel vm2, v21, v8  }
0x131: {  	v38 =	vsel vm4, v21, v8;
	[tilespmem:s24+$0x80] =	vst v36;
	v36 =	vsel vm3, v13, v37;
	v37 =	vsel vm2, v20, v6  }
0x132: {  	v42 =	vsel vm4, v20, v6;
	[tilespmem:s24+$0x100] =	vst v36;
	v36 =	vsel vm3, v11, v37;
	v37 =	vsel vm2, v19, v4  }
0x133: {  	v43 =	vsel vm4, v19, v4;
	[tilespmem:s24+$0x180] =	vst v36;
	v36 =	vsel vm3, v9, v37;
	v37 =	vsel vm2, v18, v2  }
0x134: {  	v44 =	vsel vm4, v18, v2;
	[tilespmem:s24+$0x200] =	vst v36;
	v36 =	vsel vm3, v7, v37;
	v37 =	vsel vm2, v16, v1  }
0x135: {  	v45 =	vsel vm4, v16, v1;
	[tilespmem:s24+$0x280] =	vst v36;
	v36 =	vsel vm3, v5, v37;
	v37 =	vsel vm2, v17, v0  }
0x136: {  	vm2 =	veq.s32 v32, $0x1;
	v32 =	vsel vm4, v17, v0;
	[tilespmem:s24+$0x300] =	vst v36;
	v36 =	vsel vm3, v3, v37  }
0x137: {  	v26 =	vsel vm2, v15, v26;
	v33 =	vsel vm2, v14, v33;
	v37 =	vsel vm2, v13, v38;
	[tilespmem:s24+$0x380] =	vst v36  }
0x138: {  	v38 =	vsel vm2, v7, v44;
	v36 =	vsel vm2, v9, v43;
	[tilespmem:s24+$0xFFFFFC00] =	vst v26;
	v26 =	vsel vm2, v11, v42;
	v42 =	vld [tilespmem:s28+$0x10]  }
0x139: {  	v34 =	vsel vm1, v11, v34;
	v32 =	vsel vm2, v3, v32;
	[tilespmem:s24+$0xFFFFFC80] =	vst v33;
	v33 =	vsel vm2, v5, v45  }
0x13a: {  	v35 =	vsel vm1, v5, v35;
	[tilespmem:s24+$0xFFFFFD00] =	vst v37;
	v37 =	vsel vm1, v9, v39;
	v39 =	vsel vm1, v7, v40  }
0x13b: {  	v40 =	vsel vm1, v3, v41;
	[tilespmem:s24+$0xFFFFFD80] =	vst v26;
	v26 =	vsel vm0, v5, v31  }
0x13c: {  	[tilespmem:s24+$0xFFFFFE00] =	vst v36  }
0x13d: {  	[tilespmem:s24+$0xFFFFFE80] =	vst v38;
	vm1 =	veq.s32 v42, $0x2  }
0x13e: {  	vm0 =	veq.s32 v42, $0x1;
	[tilespmem:s24+$0xFFFFFF00] =	vst v33;
	v31 =	vsel vm1, v22, v12  }
0x13f: {  	[tilespmem:s24+$0xFFFFFF80] =	vst v32;
	v31 =	vsel vm0, v15, v31;
	v32 =	vsel vm1, v23, v10  }
0x140: {  	v33 =	vld [tilespmem:s28+$0xFFFFFF90];
	[tilespmem:s24+$0x10] =	vst v31;
	v31 =	vsel vm0, v14, v32;
	v32 =	vsel vm1, v21, v8  }
0x141: {  	[tilespmem:s24+$0x90] =	vst v31;
	v31 =	vsel vm0, v13, v32;
	v32 =	vsel vm1, v20, v6  }
0x142: {  	[tilespmem:s24+$0x110] =	vst v31;
	v31 =	vsel vm0, v11, v32;
	v32 =	vsel vm1, v19, v4  }
0x143: {  	[tilespmem:s24+$0x190] =	vst v31;
	v31 =	vsel vm0, v9, v32;
	v32 =	vsel vm1, v18, v2  }
0x144: {  	[tilespmem:s24+$0x210] =	vst v31;
	v31 =	vsel vm0, v7, v32;
	v32 =	vsel vm1, v16, v1  }
0x145: {  	vm2 =	veq.s32 v33, $0x2;
	[tilespmem:s24+$0x290] =	vst v31;
	v31 =	vsel vm0, v5, v32;
	v32 =	vsel vm1, v17, v0  }
0x146: {  	v36 =	vsel vm2, v22, v12;
	v38 =	vsel vm2, v23, v10;
	[tilespmem:s24+$0x310] =	vst v31;
	v31 =	vsel vm0, v3, v32  }
0x147: {  	v32 =	vsel vm2, v21, v8;
	v41 =	vsel vm2, v20, v6;
	v42 =	vsel vm2, v19, v4;
	[tilespmem:s24+$0x390] =	vst v31  }
0x148: {  	v43 =	vsel vm2, v16, v1;
	v44 =	vsel vm2, v17, v0;
	v31 =	vsel vm2, v18, v2;
	v45 =	vld [tilespmem:s28+$0x20];
	[tilespmem:s25+$0xFFFFFDD0] =	vst v34  }
0x149: {  	vm0 =	veq.s32 v33, $0x1;
	[tilespmem:s25+$0xFFFFFE50] =	vst v37  }
0x14a: {  	v33 =	vsel vm0, v15, v36;
	v32 =	vsel vm0, v13, v32;
	v34 =	vsel vm0, v14, v38;
	[tilespmem:s25+$0xFFFFFED0] =	vst v39  }
0x14b: {  	v36 =	vsel vm0, v9, v42;
	v31 =	vsel vm0, v7, v31;
	[tilespmem:s24+$0xFFFFFC10] =	vst v33;
	v33 =	vsel vm0, v11, v41  }
0x14c: {  	v37 =	vsel vm0, v3, v44;
	[tilespmem:s24+$0xFFFFFC90] =	vst v34;
	v34 =	vsel vm0, v5, v43  }
0x14d: {  	[tilespmem:s24+$0xFFFFFD10] =	vst v32;
	vm0 =	veq.s32 v45, $0x2  }
0x14e: {  	vm1 =	veq.s32 v45, $0x1;
	[tilespmem:s24+$0xFFFFFD90] =	vst v33;
	v32 =	vsel vm0, v22, v12  }
0x14f: {  	v33 =	vsel vm0, v23, v10;
	[tilespmem:s24+$0xFFFFFE10] =	vst v36;
	v32 =	vsel vm1, v15, v32  }
0x150: {  	[tilespmem:s24+$0x20] =	vst v32;
	v32 =	vsel vm1, v14, v33;
	v33 =	vsel vm0, v21, v8  }
0x151: {  	[tilespmem:s24+$0xA0] =	vst v32;
	v32 =	vsel vm1, v13, v33;
	v33 =	vsel vm0, v20, v6  }
0x152: {  	[tilespmem:s24+$0x120] =	vst v32;
	v32 =	vsel vm1, v11, v33;
	v33 =	vsel vm0, v19, v4  }
0x153: {  	[tilespmem:s24+$0x1A0] =	vst v32;
	v32 =	vsel vm1, v9, v33;
	v33 =	vsel vm0, v18, v2  }
0x154: {  	[tilespmem:s24+$0x220] =	vst v32;
	v32 =	vsel vm1, v7, v33;
	v33 =	vsel vm0, v16, v1  }
0x155: {  	[tilespmem:s24+$0x2A0] =	vst v32;
	v32 =	vsel vm1, v5, v33;
	v33 =	vsel vm0, v17, v0  }
0x156: {  	[tilespmem:s24+$0x320] =	vst v32;
	v32 =	vsel vm1, v3, v33  }
0x157: {  	[tilespmem:s24+$0x3A0] =	vst v32  }
0x158: {  	[tilespmem:s24+$0xFFFFFE90] =	vst v31;
	v31 =	vld [tilespmem:s28+$0x30]  }
0x159: {  	s26 =	sadd.s32 $0x2, s26;
	[tilespmem:s24+$0xFFFFFF10] =	vst v34  }
0x15a: {  	p1 =	slt.u32 s26, $0x1E;
	[tilespmem:s24+$0xFFFFFF90] =	vst v37  }
0x15b: {  	v32 =	vld [tilespmem:s28+$0xFFFFFFA0];
	[tilespmem:s25+$0xFFFFFF50] =	vst v35  }
0x15c: {  	[tilespmem:s25+$0xFFFFFFD0] =	vst v40  }
0x15d: {  	vm0 =	veq.s32 v31, $0x2;
	v33 =	vld [tilespmem:s23+$0xFFFFFFE0];
	[tilespmem:s22+$0xFFFFFFF0] =	vst v28;
	s22 =	smov.u32 s25;
	s25 =	smov.u32 s24  }
0x15e: {  	vm1 =	veq.s32 v31, $0x1;
	v28 =	vsel vm0, v22, v12;
	[tilespmem:s22+$0xF0] =	vst v27  }
0x15f: {  	v27 =	vsel vm1, v15, v28;
	v28 =	vsel vm0, v23, v10;
	[tilespmem:s22+$0x170] =	vst v30  }
0x160: {  	vm2 =	veq.s32 v32, $0x2;
	[tilespmem:s24+$0x30] =	vst v27;
	v27 =	vsel vm1, v14, v28;
	v28 =	vsel vm0, v21, v8  }
0x161: {  	v30 =	vsel vm2, v22, v12;
	[tilespmem:s24+$0xB0] =	vst v27;
	v27 =	vsel vm1, v13, v28;
	v28 =	vsel vm0, v20, v6  }
0x162: {  	v31 =	vsel vm2, v23, v10;
	[tilespmem:s24+$0x130] =	vst v27;
	v27 =	vsel vm1, v11, v28;
	v28 =	vsel vm0, v19, v4  }
0x163: {  	v34 =	vsel vm2, v21, v8;
	[tilespmem:s24+$0x1B0] =	vst v27;
	v27 =	vsel vm1, v9, v28;
	v28 =	vsel vm0, v18, v2  }
0x164: {  	v35 =	vsel vm2, v20, v6;
	[tilespmem:s24+$0x230] =	vst v27;
	v27 =	vsel vm1, v7, v28;
	v28 =	vsel vm0, v16, v1  }
0x165: {  	v36 =	vsel vm2, v19, v4;
	[tilespmem:s24+$0x2B0] =	vst v27;
	v27 =	vsel vm1, v5, v28;
	v28 =	vsel vm0, v17, v0  }
0x166: {  	v37 =	vsel vm2, v18, v2;
	v38 =	vsel vm2, v16, v1;
	[tilespmem:s24+$0x330] =	vst v27;
	v27 =	vsel vm1, v3, v28  }
0x167: {  	vm0 =	veq.s32 v32, $0x1;
	v28 =	vsel vm2, v17, v0;
	vm2 =	veq.s32 v33, $0x2;
	[tilespmem:s24+$0x3B0] =	vst v27  }
0x168: {  	v27 =	vsel vm0, v15, v30;
	v30 =	vsel vm0, v14, v31;
	v31 =	vsel vm0, v13, v34;
	v32 =	vld [tilespmem:s28+$0x40];
	[tilespmem:s22+$0x1F0] =	vst v29  }
0x169: {  	v34 =	vsel vm0, v7, v37;
	v29 =	vsel vm0, v9, v36;
	[tilespmem:s24+$0xFFFFFC20] =	vst v27;
	v27 =	vsel vm0, v11, v35  }
0x16a: {  	v28 =	vsel vm0, v3, v28;
	v35 =	vsel vm2, v22, v12;
	[tilespmem:s24+$0xFFFFFCA0] =	vst v30;
	v30 =	vsel vm0, v5, v38  }
0x16b: {  	v37 =	vsel vm2, v20, v6;
	v36 =	vsel vm2, v21, v8;
	[tilespmem:s24+$0xFFFFFD20] =	vst v31;
	v31 =	vsel vm2, v23, v10  }
0x16c: {  	v39 =	vsel vm2, v16, v1;
	v38 =	vsel vm2, v18, v2;
	[tilespmem:s24+$0xFFFFFDA0] =	vst v27;
	v27 =	vsel vm2, v19, v4  }
0x16d: {  	vm0 =	veq.s32 v33, $0x1;
	[tilespmem:s24+$0xFFFFFE20] =	vst v29;
	vm1 =	veq.s32 v32, $0x2;
	v29 =	vsel vm2, v17, v0  }
0x16e: {  	v33 =	vsel vm0, v15, v35;
	vm2 =	veq.s32 v32, $0x1;
	[tilespmem:s24+$0xFFFFFEA0] =	vst v34;
	v32 =	vsel vm1, v22, v12  }
0x16f: {  	v31 =	vsel vm0, v14, v31;
	[tilespmem:s24+$0xFFFFFF20] =	vst v30;
	v30 =	vsel vm2, v15, v32;
	v32 =	vsel vm1, v23, v10  }
0x170: {  	v34 =	vsel vm0, v13, v36;
	[tilespmem:s24+$0x40] =	vst v30;
	v30 =	vsel vm2, v14, v32;
	v32 =	vsel vm1, v21, v8  }
0x171: {  	v35 =	vsel vm0, v11, v37;
	[tilespmem:s24+$0xC0] =	vst v30;
	v30 =	vsel vm2, v13, v32;
	v32 =	vsel vm1, v20, v6  }
0x172: {  	v36 =	vsel vm0, v9, v27;
	[tilespmem:s24+$0x140] =	vst v30;
	v30 =	vsel vm2, v11, v32;
	v32 =	vsel vm1, v19, v4  }
0x173: {  	[tilespmem:s24+$0x1C0] =	vst v30;
	v27 =	vsel vm2, v9, v32;
	v30 =	vsel vm1, v18, v2;
	v32 =	vsel vm0, v7, v38  }
0x174: {  	v37 =	vsel vm0, v5, v39;
	[tilespmem:s24+$0x240] =	vst v27;
	v27 =	vsel vm2, v7, v30;
	v30 =	vsel vm1, v16, v1  }
0x175: {  	v38 =	vsel vm1, v17, v0;
	[tilespmem:s24+$0x2C0] =	vst v27;
	v30 =	vsel vm2, v5, v30;
	v27 =	vsel vm0, v3, v29  }
0x176: {  	v29 =	vsel vm2, v3, v38;
	[tilespmem:s24+$0x340] =	vst v30  }
0x177: {  	[tilespmem:s24+$0x3C0] =	vst v29  }
0x178: {  	[tilespmem:s24+$0xFFFFFFA0] =	vst v28;
	v28 =	vld [tilespmem:s28+$0x50]  }
0x179: {  	v29 =	vld [tilespmem:s28+$0xFFFFFFB0];
	[tilespmem:s22+$0xFFFFFC60] =	vst v33  }
0x17a: {  	[tilespmem:s22+$0xFFFFFCE0] =	vst v31  }
0x17b: {  	[tilespmem:s22+$0xFFFFFD60] =	vst v34  }
0x17c: {  	[tilespmem:s22+$0xFFFFFDE0] =	vst v35  }
0x17d: {  	vm2 =	veq.s32 v28, $0x2;
	[tilespmem:s22+$0xFFFFFE60] =	vst v36  }
0x17e: {  	vm0 =	veq.s32 v28, $0x1;
	vm1 =	veq.s32 v29, $0x2;
	v28 =	vsel vm2, v22, v12;
	[tilespmem:s22+$0xFFFFFEE0] =	vst v32  }
0x17f: {  	v31 =	vsel vm2, v23, v10;
	v30 =	vsel vm1, v22, v12;
	v28 =	vsel vm0, v15, v28;
	[tilespmem:s22+$0xFFFFFF60] =	vst v37  }
0x180: {  	v32 =	vsel vm1, v23, v10;
	[tilespmem:s24+$0x50] =	vst v28;
	v28 =	vsel vm0, v14, v31;
	v31 =	vsel vm2, v21, v8  }
0x181: {  	v33 =	vsel vm1, v21, v8;
	[tilespmem:s24+$0xD0] =	vst v28;
	v28 =	vsel vm0, v13, v31;
	v31 =	vsel vm2, v20, v6  }
0x182: {  	v34 =	vsel vm1, v20, v6;
	[tilespmem:s24+$0x150] =	vst v28;
	v28 =	vsel vm0, v11, v31;
	v31 =	vsel vm2, v19, v4  }
0x183: {  	v35 =	vsel vm1, v19, v4;
	[tilespmem:s24+$0x1D0] =	vst v28;
	v28 =	vsel vm0, v9, v31;
	v31 =	vsel vm2, v18, v2  }
0x184: {  	v36 =	vsel vm1, v18, v2;
	[tilespmem:s24+$0x250] =	vst v28;
	v28 =	vsel vm0, v7, v31;
	v31 =	vsel vm2, v16, v1  }
0x185: {  	v37 =	vsel vm1, v16, v1;
	[tilespmem:s24+$0x2D0] =	vst v28;
	v28 =	vsel vm0, v5, v31;
	v31 =	vsel vm2, v17, v0  }
0x186: {  	vm2 =	veq.s32 v29, $0x1;
	v29 =	vsel vm1, v17, v0;
	[tilespmem:s24+$0x350] =	vst v28;
	v28 =	vsel vm0, v3, v31  }
0x187: {  	v30 =	vsel vm2, v15, v30;
	v31 =	vsel vm2, v14, v32;
	v32 =	vsel vm2, v13, v33;
	[tilespmem:s24+$0x3D0] =	vst v28  }
0x188: {  	v33 =	vsel vm2, v7, v36;
	v28 =	vsel vm2, v11, v34;
	[tilespmem:s24+$0xFFFFFC30] =	vst v30;
	v30 =	vsel vm2, v9, v35;
	v34 =	vld [tilespmem:s28+$0x60]  }
0x189: {  	v29 =	vsel vm2, v3, v29;
	[tilespmem:s24+$0xFFFFFCB0] =	vst v31;
	v31 =	vsel vm2, v5, v37  }
0x18a: {  	[tilespmem:s24+$0xFFFFFD30] =	vst v32  }
0x18b: {  	[tilespmem:s24+$0xFFFFFDB0] =	vst v28  }
0x18c: {  	[tilespmem:s24+$0xFFFFFE30] =	vst v30  }
0x18d: {  	[tilespmem:s24+$0xFFFFFEB0] =	vst v33;
	vm1 =	veq.s32 v34, $0x2  }
0x18e: {  	vm0 =	veq.s32 v34, $0x1;
	[tilespmem:s24+$0xFFFFFF30] =	vst v31;
	v28 =	vsel vm1, v22, v12  }
0x18f: {  	[tilespmem:s24+$0xFFFFFFB0] =	vst v29;
	v28 =	vsel vm0, v15, v28;
	v29 =	vsel vm1, v23, v10  }
0x190: {  	v30 =	vld [tilespmem:s28+$0xFFFFFFC0];
	[tilespmem:s24+$0x60] =	vst v28;
	v28 =	vsel vm0, v14, v29;
	v29 =	vsel vm1, v21, v8  }
0x191: {  	[tilespmem:s24+$0xE0] =	vst v28;
	v28 =	vsel vm0, v13, v29;
	v29 =	vsel vm1, v20, v6  }
0x192: {  	[tilespmem:s24+$0x160] =	vst v28;
	v28 =	vsel vm0, v11, v29;
	v29 =	vsel vm1, v19, v4  }
0x193: {  	[tilespmem:s24+$0x1E0] =	vst v28;
	v28 =	vsel vm0, v9, v29;
	v29 =	vsel vm1, v18, v2  }
0x194: {  	[tilespmem:s24+$0x260] =	vst v28;
	v28 =	vsel vm0, v7, v29;
	v29 =	vsel vm1, v16, v1  }
0x195: {  	vm2 =	veq.s32 v30, $0x2;
	[tilespmem:s24+$0x2E0] =	vst v28;
	v28 =	vsel vm0, v5, v29;
	v29 =	vsel vm1, v17, v0  }
0x196: {  	v31 =	vsel vm2, v22, v12;
	v32 =	vsel vm2, v23, v10;
	[tilespmem:s24+$0x360] =	vst v28;
	v28 =	vsel vm0, v3, v29  }
0x197: {  	v29 =	vsel vm2, v21, v8;
	v33 =	vsel vm2, v20, v6;
	v34 =	vsel vm2, v19, v4;
	[tilespmem:s24+$0x3E0] =	vst v28  }
0x198: {  	v35 =	vsel vm2, v16, v1;
	v36 =	vsel vm2, v17, v0;
	v28 =	vsel vm2, v18, v2;
	v37 =	vld [tilespmem:s28+$0x70];
	[tilespmem:s22+$0xFFFFFFE0] =	vst v27  }
0x199: {  	vm0 =	veq.s32 v30, $0x1;
	v27 =	vld [tilespmem:s23+$0xFFFFFFF0];
	[tilespmem:s22+$0x270] =	vst v24;
	s23 =	smov.u32 s28  }
0x19a: {  	v30 =	vsel vm0, v14, v32;
	v29 =	vsel vm0, v13, v29;
	v24 =	vsel vm0, v15, v31;
	[tilespmem:s22+$0x2F0] =	vst v25  }
0x19b: {  	v28 =	vsel vm0, v7, v28;
	v25 =	vsel vm0, v9, v34;
	[tilespmem:s24+$0xFFFFFC40] =	vst v24;
	v24 =	vsel vm0, v11, v33  }
0x19c: {  	v31 =	vsel vm0, v3, v36;
	[tilespmem:s24+$0xFFFFFCC0] =	vst v30;
	v30 =	vsel vm0, v5, v35  }
0x19d: {  	[tilespmem:s24+$0xFFFFFD40] =	vst v29;
	vm1 =	veq.s32 v37, $0x2  }
0x19e: {  	vm0 =	veq.s32 v37, $0x1;
	[tilespmem:s24+$0xFFFFFDC0] =	vst v24;
	v24 =	vsel vm1, v17, v0;
	vm2 =	veq.s32 v27, $0x2  }
0x19f: {  	[tilespmem:s24+$0xFFFFFE40] =	vst v25;
	v24 =	vsel vm0, v3, v24;
	v33 =	vsel vm2, v22, v12;
	v34 =	vsel vm2, v23, v10  }
0x1a0: {  	v35 =	vsel vm2, v21, v8;
	v38 =	vsel vm2, v20, v6;
	v39 =	vsel vm2, v19, v4;
	[tilespmem:s24+$0x3F0] =	vst v24  }
0x1a1: {  	v40 =	vsel vm2, v16, v1;
	v41 =	vsel vm2, v17, v0;
	[tilespmem:s24+$0xFFFFFEC0] =	vst v28;
	v28 =	vsel vm2, v18, v2  }
0x1a2: {  	v42 =	vsel vm1, v23, v10;
	v24 =	vsel vm1, v21, v8;
	[tilespmem:s24+$0xFFFFFF40] =	vst v30;
	v30 =	vsel vm1, v22, v12  }
.Ltmp1:
0x1a3: {  	v29 =	vsel vm1, v20, v6;
	v32 =	vsel vm1, v19, v4;
	v25 =	vsel vm1, v18, v2;
	[tilespmem:s24+$0xFFFFFFC0] =	vst v31;
	(pc) =	sbr.rel @p1 .LBB2_5-.Ltmp1, $4  }
0x1a4: {  	v30 =	vsel vm0, v15, v30;
	v31 =	vsel vm1, v16, v1;
	vm1 =	veq.s32 v27, $0x1;
	v37 =	vld [tilespmem:s28+$0xFFFFFFD0];
	[tilespmem:s22+$0x370] =	vst v26  }
0x1a5: {  	v26 =	vsel vm1, v15, v33;
	v36 =	vsel vm1, v13, v35;
	[tilespmem:s24+$0x70] =	vst v30;
	v30 =	vsel vm1, v14, v34  }
0x1a6: {  	v35 =	vsel vm1, v11, v38;
	v33 =	vsel vm1, v7, v28;
	v34 =	vsel vm1, v9, v39;
	[tilespmem:s22+$0xFFFFFC70] =	vst v26  }
0x1a7: {  	v27 =	vsel vm0, v14, v42;
	s28 =	sadd.s32 $0x100, s28;
	v28 =	vsel vm1, v3, v41;
	v26 =	vsel vm1, v5, v40;
	[tilespmem:s22+$0xFFFFFCF0] =	vst v30  }
0x1a8: {  	_ = 	snop  }
0x1a9: {  	vm1 =	veq.s32 v37, $0x2  }
0x1aa: {  	vm2 =	veq.s32 v37, $0x1;
	v30 =	vsel vm1, v22, v12  }
0x1ab: {  	v47 =	vsel vm1, v23, v10;
	v30 =	vsel vm2, v15, v30  }
0x1ac: {  	v38 =	vsel vm1, v21, v8;
	[tilespmem:s24+$0xFFFFFC50] =	vst v30;
	v30 =	vsel vm2, v14, v47  }
0x1ad: {  	v48 =	vsel vm1, v20, v6;
	v38 =	vsel vm2, v13, v38;
	[tilespmem:s24+$0xFFFFFCD0] =	vst v30  }
0x1ae: {  	v37 =	vsel vm2, v11, v48;
	v30 =	vsel vm1, v19, v4;
	[tilespmem:s25+$0xFFFFFD50] =	vst v38  }
0x1af: {  	v49 =	vsel vm1, v18, v2;
	v30 =	vsel vm2, v9, v30;
	[tilespmem:s25+$0xFFFFFDD0] =	vst v37  }
0x1b0: {  	v50 =	vsel vm1, v16, v1;
	v38 =	vsel vm2, v7, v49;
	[tilespmem:s25+$0xFFFFFE50] =	vst v30  }
0x1b1: {  	v37 =	vsel vm2, v5, v50;
	v30 =	vsel vm1, v17, v0;
	[tilespmem:s25+$0xFFFFFED0] =	vst v38  }
0x1b2: {  	[tilespmem:s25+$0xFFFFFF50] =	vst v37;
	v30 =	vsel vm2, v3, v30  }
0x1b3: {  	[tilespmem:s25+$0xFFFFFFD0] =	vst v30  }
0x1b4: {  	v30 =	vld [tilespmem:s23+$0xFFFFFFE0];
	_ =	sdelay $0x3  }
0x1b5: {  	[tilespmem:s22+$0xFFFFFD70] =	vst v36  }
0x1b6: {  	[tilespmem:s22+$0xFFFFFDF0] =	vst v35;
	vm1 =	veq.s32 v30, $0x2  }
0x1b7: {  	[tilespmem:s22+$0xFFFFFE70] =	vst v34;
	vm2 =	veq.s32 v30, $0x1;
	v51 =	vsel vm1, v22, v12  }
0x1b8: {  	[tilespmem:s22+$0xFFFFFEF0] =	vst v33;
	v30 =	vsel vm1, v23, v10;
	v52 =	vsel vm2, v15, v51  }
0x1b9: {  	v53 =	vsel vm1, v21, v8;
	v30 =	vsel vm2, v14, v30;
	[tilespmem:s25+$0xFFFFFC60] =	vst v52  }
0x1ba: {  	v54 =	vsel vm1, v20, v6;
	v34 =	vsel vm2, v13, v53;
	[tilespmem:s25+$0xFFFFFCE0] =	vst v30  }
0x1bb: {  	v55 =	vsel vm1, v18, v2;
	v33 =	vsel vm2, v11, v54;
	[tilespmem:s25+$0xFFFFFD60] =	vst v34  }
0x1bc: {  	v30 =	vsel vm1, v19, v4;
	[tilespmem:s25+$0xFFFFFDE0] =	vst v33;
	v34 =	vsel vm2, v7, v55  }
0x1bd: {  	v56 =	vsel vm1, v16, v1;
	v30 =	vsel vm2, v9, v30;
	[tilespmem:s25+$0xFFFFFEE0] =	vst v34  }
0x1be: {  	v33 =	vsel vm2, v5, v56;
	[tilespmem:s25+$0xFFFFFE60] =	vst v30;
	v30 =	vsel vm1, v17, v0  }
0x1bf: {  	[tilespmem:s25+$0xFFFFFF60] =	vst v33;
	v30 =	vsel vm2, v3, v30  }
0x1c0: {  	[tilespmem:s25+$0xFFFFFFE0] =	vst v30  }
0x1c1: {  	[tilespmem:s22+$0xFFFFFF70] =	vst v26;
	v26 =	vld [tilespmem:s23+$0xFFFFFFF0]  }
0x1c2: {  	[tilespmem:s22+$0xFFFFFFF0] =	vst v28  }
0x1c3: {  	v24 =	vsel vm0, v13, v24;
	[tilespmem:s25+$0xF0] =	vst v27  }
0x1c4: {  	v27 =	vsel vm0, v11, v29;
	[tilespmem:s25+$0x170] =	vst v24  }
0x1c5: {  	v25 =	vsel vm0, v7, v25;
	[tilespmem:s25+$0x1F0] =	vst v27  }
0x1c6: {  	v24 =	vsel vm0, v9, v32;
	[tilespmem:s25+$0x2F0] =	vst v25;
	vm1 =	veq.s32 v26, $0x2  }
0x1c7: {  	[tilespmem:s25+$0x270] =	vst v24;
	v24 =	vsel vm0, v5, v31;
	vm0 =	veq.s32 v26, $0x1;
	v12 =	vsel vm1, v22, v12  }
0x1c8: {  	[tilespmem:s25+$0x370] =	vst v24;
	v10 =	vsel vm1, v23, v10;
	v12 =	vsel vm0, v15, v12  }
0x1c9: {  	v8 =	vsel vm1, v21, v8;
	v10 =	vsel vm0, v14, v10;
	[tilespmem:s25+$0xFFFFFC70] =	vst v12  }
0x1ca: {  	v6 =	vsel vm1, v20, v6;
	v8 =	vsel vm0, v13, v8;
	[tilespmem:s25+$0xFFFFFCF0] =	vst v10  }
0x1cb: {  	v4 =	vsel vm1, v19, v4;
	v6 =	vsel vm0, v11, v6;
	[tilespmem:s25+$0xFFFFFD70] =	vst v8  }
0x1cc: {  	v2 =	vsel vm1, v18, v2;
	v4 =	vsel vm0, v9, v4;
	[tilespmem:s25+$0xFFFFFDF0] =	vst v6  }
0x1cd: {  	v1 =	vsel vm1, v16, v1;
	v2 =	vsel vm0, v7, v2;
	[tilespmem:s25+$0xFFFFFE70] =	vst v4  }
0x1ce: {  	v0 =	vsel vm1, v17, v0;
	v1 =	vsel vm0, v5, v1;
	[tilespmem:s25+$0xFFFFFEF0] =	vst v2  }
0x1cf: {  	s20 =	sshll.u32 s20, $0xF;
	s21 =	sadd.s32 s3, s21;
	v0 =	vsel vm0, v3, v0;
	[tilespmem:s25+$0xFFFFFF70] =	vst v1  }
0x1d0: {  	s20 =	sadd.s32 s20, s21;
	[tilespmem:s25+$0xFFFFFFF0] =	vst v0  }
0x1d1: {  	[hbm4b:s20+s4] =	stream.linear.scatter [tilespmem:s14], [sflag:$0x1], $0x8000, $0x38;
	[tilespmem:$0x17000] =	vst v63  }
0x1d2: {  	s19 =	sor.u32 $0x1, s19;
	s20 =	simm.s32 @!p0 $0x1  }
0x1d3: {  	s19 =	sadd.s32 s5, s19;
	_ =	swait.ge @!p0 [sflag:s20], $0x8000  }
0x1d4: {  	s29 =	sshll.u32 s19, $0xA;
	[sflag:s20] =	ssyncset.done @!p0 $0x0  }
0x1d5: {  	s30 =	sand.u32 $0x1C00, s29;
	[sflag:s20] =	ssyncadd.s32 @!p0 $0xFFFF8000  }
0x1d6: {  	v12 =	vld [tilespmem:s30+$0x1000]  }
0x1d7: {  	v10 =	vld [tilespmem:s30+$0x1080]  }
0x1d8: {  	v8 =	vld [tilespmem:s30+$0x1100]  }
0x1d9: {  	v6 =	vld [tilespmem:s30+$0x1180]  }
0x1da: {  	v4 =	vld [tilespmem:s30+$0x1200]  }
0x1db: {  	v2 =	vld [tilespmem:s30+$0x1280]  }
0x1dc: {  	v1 =	vld [tilespmem:s30+$0x1300]  }
0x1dd: {  	v0 =	vld [tilespmem:s30+$0x1380]  }
0x1de: {  	v15 =	vld [tilespmem:s30+$0x3000]  }
0x1df: {  	v14 =	vld [tilespmem:s30+$0x3080]  }
0x1e0: {  	v13 =	vld [tilespmem:s30+$0x3100]  }
0x1e1: {  	v11 =	vld [tilespmem:s30+$0x3180]  }
0x1e2: {  	v9 =	vld [tilespmem:s30+$0x3200]  }
0x1e3: {  	v7 =	vld [tilespmem:s30+$0x3280]  }
0x1e4: {  	v5 =	vld [tilespmem:s30+$0x3300]  }
0x1e5: {  	s31 =	simm.s32 $0x80;
	v3 =	vld [tilespmem:s30+$0x3380]  }
0x1e6: {  	v17 =	vld [tilespmem:s31+$0x0]  }
0x1e7: {  	v22 =	vld [tilespmem:s30+$0x5000]  }
0x1e8: {  	v23 =	vld [tilespmem:s30+$0x5080]  }
0x1e9: {  	v21 =	vld [tilespmem:s30+$0x5100]  }
0x1ea: {  	v20 =	vld [tilespmem:s30+$0x5180]  }
0x1eb: {  	v19 =	vld [tilespmem:s30+$0x5200];
	vm0 =	veq.s32 v17, $0x2  }
0x1ec: {  	v18 =	vld [tilespmem:s30+$0x5280];
	vm1 =	veq.s32 v17, $0x1;
	v24 =	vsel vm0, v22, v12  }
0x1ed: {  	s20 =	simm.s32 $0xF7F0;
	v16 =	vld [tilespmem:s30+$0x5300];
	v25 =	vsel vm0, v23, v10;
	v24 =	vsel vm1, v15, v24  }
0x1ee: {  	v17 =	vld [tilespmem:s30+$0x5380];
	[tilespmem:s20+$0xFFFFFC10] =	vst v24;
	v24 =	vsel vm1, v14, v25;
	v25 =	vsel vm0, v21, v8  }
0x1ef: {  	[tilespmem:s20+$0xFFFFFC90] =	vst v24;
	v24 =	vsel vm1, v13, v25;
	v25 =	vsel vm0, v20, v6  }
0x1f0: {  	[tilespmem:s20+$0xFFFFFD10] =	vst v24;
	v24 =	vsel vm1, v11, v25;
	v25 =	vsel vm0, v19, v4  }
0x1f1: {  	[tilespmem:s20+$0xFFFFFD90] =	vst v24;
	v24 =	vsel vm1, v9, v25;
	v25 =	vsel vm0, v18, v2  }
0x1f2: {  	[tilespmem:s20+$0xFFFFFE10] =	vst v24;
	v24 =	vsel vm1, v7, v25;
	v25 =	vsel vm0, v16, v1  }
0x1f3: {  	[tilespmem:s20+$0xFFFFFE90] =	vst v24;
	v24 =	vsel vm1, v5, v25;
	v25 =	vsel vm0, v17, v0  }
0x1f4: {  	[tilespmem:s20+$0xFFFFFF10] =	vst v24;
	v24 =	vsel vm1, v3, v25  }
0x1f5: {  	[tilespmem:s20+$0xFFFFFF90] =	vst v24  }
0x1f6: {  	v24 =	vld [tilespmem:s31+$0x10];
	_ =	sdelay $0x4  }
0x1f7: {  	vm0 =	veq.s32 v24, $0x2  }
0x1f8: {  	vm1 =	veq.s32 v24, $0x1;
	v24 =	vsel vm0, v22, v12  }
0x1f9: {  	v25 =	vsel vm0, v23, v10;
	v24 =	vsel vm1, v15, v24  }
0x1fa: {  	[tilespmem:s20+$0xFFFFFC20] =	vst v24;
	v24 =	vsel vm1, v14, v25;
	v25 =	vsel vm0, v21, v8  }
0x1fb: {  	[tilespmem:s20+$0xFFFFFCA0] =	vst v24;
	v24 =	vsel vm1, v13, v25;
	v25 =	vsel vm0, v20, v6  }
0x1fc: {  	[tilespmem:s20+$0xFFFFFD20] =	vst v24;
	v24 =	vsel vm1, v11, v25;
	v25 =	vsel vm0, v19, v4  }
0x1fd: {  	[tilespmem:s20+$0xFFFFFDA0] =	vst v24;
	v24 =	vsel vm1, v9, v25;
	v25 =	vsel vm0, v18, v2  }
0x1fe: {  	[tilespmem:s20+$0xFFFFFE20] =	vst v24;
	v24 =	vsel vm1, v7, v25;
	v25 =	vsel vm0, v16, v1  }
0x1ff: {  	[tilespmem:s20+$0xFFFFFEA0] =	vst v24;
	v24 =	vsel vm1, v5, v25;
	v25 =	vsel vm0, v17, v0  }
0x200: {  	[tilespmem:s20+$0xFFFFFF20] =	vst v24;
	v24 =	vsel vm1, v3, v25  }
0x201: {  	[tilespmem:s20+$0xFFFFFFA0] =	vst v24  }
0x202: {  	v24 =	vld [tilespmem:s31+$0x20];
	_ =	sdelay $0x4  }
0x203: {  	vm0 =	veq.s32 v24, $0x2  }
0x204: {  	vm1 =	veq.s32 v24, $0x1;
	v24 =	vsel vm0, v22, v12  }
0x205: {  	v25 =	vsel vm0, v23, v10;
	v24 =	vsel vm1, v15, v24  }
0x206: {  	v26 =	vld [tilespmem:s31+$0xFFFFFF80];
	[tilespmem:s20+$0xFFFFFC30] =	vst v24;
	v24 =	vsel vm1, v14, v25;
	v25 =	vsel vm0, v21, v8  }
0x207: {  	[tilespmem:s20+$0xFFFFFCB0] =	vst v24;
	v24 =	vsel vm1, v13, v25;
	v25 =	vsel vm0, v20, v6  }
0x208: {  	[tilespmem:s20+$0xFFFFFD30] =	vst v24;
	v24 =	vsel vm1, v11, v25;
	v25 =	vsel vm0, v19, v4  }
0x209: {  	[tilespmem:s20+$0xFFFFFDB0] =	vst v24;
	v24 =	vsel vm1, v9, v25;
	v25 =	vsel vm0, v18, v2  }
0x20a: {  	[tilespmem:s20+$0xFFFFFE30] =	vst v24;
	v24 =	vsel vm1, v7, v25;
	v25 =	vsel vm0, v16, v1  }
0x20b: {  	vm2 =	veq.s32 v26, $0x2;
	[tilespmem:s20+$0xFFFFFEB0] =	vst v24;
	v24 =	vsel vm1, v5, v25;
	v25 =	vsel vm0, v17, v0  }
0x20c: {  	v27 =	vsel vm2, v22, v12;
	vm0 =	veq.s32 v26, $0x1;
	[tilespmem:s20+$0xFFFFFF30] =	vst v24;
	v24 =	vsel vm1, v3, v25  }
0x20d: {  	v25 =	vsel vm2, v23, v10;
	v26 =	vsel vm0, v15, v27;
	[tilespmem:s20+$0xFFFFFFB0] =	vst v24  }
0x20e: {  	v27 =	vsel vm2, v20, v6;
	v25 =	vsel vm0, v14, v25;
	[tilespmem:s20+$0xFFFFF810] =	vst v26;
	v26 =	vld [tilespmem:s31+$0x30]  }
0x20f: {  	v24 =	vsel vm2, v21, v8;
	v27 =	vsel vm0, v11, v27;
	[tilespmem:s20+$0xFFFFF890] =	vst v25  }
0x210: {  	v24 =	vsel vm0, v13, v24;
	v25 =	vsel vm2, v19, v4;
	[tilespmem:s20+$0xFFFFF990] =	vst v27  }
0x211: {  	v27 =	vsel vm2, v16, v1;
	[tilespmem:s20+$0xFFFFF910] =	vst v24;
	v25 =	vsel vm0, v9, v25  }
0x212: {  	v24 =	vsel vm2, v18, v2;
	v27 =	vsel vm0, v5, v27;
	[tilespmem:s20+$0xFFFFFA10] =	vst v25  }
0x213: {  	v24 =	vsel vm0, v7, v24;
	v25 =	vsel vm2, v17, v0;
	[tilespmem:s20+$0xFFFFFB10] =	vst v27;
	vm1 =	veq.s32 v26, $0x2  }
0x214: {  	[tilespmem:s20+$0xFFFFFA90] =	vst v24;
	v24 =	vsel vm0, v3, v25;
	vm0 =	veq.s32 v26, $0x1;
	v25 =	vsel vm1, v22, v12  }
0x215: {  	[tilespmem:s20+$0xFFFFFB90] =	vst v24;
	v24 =	vsel vm0, v15, v25;
	v25 =	vsel vm1, v23, v10  }
0x216: {  	v26 =	vld [tilespmem:s31+$0xFFFFFF90];
	[tilespmem:s20+$0xFFFFFC40] =	vst v24;
	v24 =	vsel vm0, v14, v25;
	v25 =	vsel vm1, v21, v8  }
0x217: {  	[tilespmem:s20+$0xFFFFFCC0] =	vst v24;
	v24 =	vsel vm0, v13, v25;
	v25 =	vsel vm1, v20, v6  }
0x218: {  	[tilespmem:s20+$0xFFFFFD40] =	vst v24;
	v24 =	vsel vm0, v11, v25;
	v25 =	vsel vm1, v19, v4  }
0x219: {  	[tilespmem:s20+$0xFFFFFDC0] =	vst v24;
	v24 =	vsel vm0, v9, v25;
	v25 =	vsel vm1, v18, v2  }
0x21a: {  	[tilespmem:s20+$0xFFFFFE40] =	vst v24;
	v24 =	vsel vm0, v7, v25;
	v25 =	vsel vm1, v16, v1  }
0x21b: {  	vm2 =	veq.s32 v26, $0x2;
	[tilespmem:s20+$0xFFFFFEC0] =	vst v24;
	v24 =	vsel vm0, v5, v25;
	v25 =	vsel vm1, v17, v0  }
0x21c: {  	v27 =	vsel vm2, v22, v12;
	vm1 =	veq.s32 v26, $0x1;
	[tilespmem:s20+$0xFFFFFF40] =	vst v24;
	v24 =	vsel vm0, v3, v25  }
0x21d: {  	v25 =	vsel vm2, v23, v10;
	v26 =	vsel vm1, v15, v27;
	[tilespmem:s20+$0xFFFFFFC0] =	vst v24  }
0x21e: {  	v27 =	vsel vm2, v20, v6;
	v25 =	vsel vm1, v14, v25;
	[tilespmem:s20+$0xFFFFF820] =	vst v26;
	v26 =	vld [tilespmem:s31+$0x40]  }
0x21f: {  	v24 =	vsel vm2, v21, v8;
	v27 =	vsel vm1, v11, v27;
	[tilespmem:s20+$0xFFFFF8A0] =	vst v25  }
0x220: {  	v24 =	vsel vm1, v13, v24;
	v25 =	vsel vm2, v19, v4;
	[tilespmem:s20+$0xFFFFF9A0] =	vst v27  }
0x221: {  	v27 =	vsel vm2, v16, v1;
	[tilespmem:s20+$0xFFFFF920] =	vst v24;
	v25 =	vsel vm1, v9, v25  }
0x222: {  	v24 =	vsel vm2, v18, v2;
	v27 =	vsel vm1, v5, v27;
	[tilespmem:s20+$0xFFFFFA20] =	vst v25  }
0x223: {  	v24 =	vsel vm1, v7, v24;
	v25 =	vsel vm2, v17, v0;
	[tilespmem:s20+$0xFFFFFB20] =	vst v27;
	vm0 =	veq.s32 v26, $0x2  }
0x224: {  	[tilespmem:s20+$0xFFFFFAA0] =	vst v24;
	v24 =	vsel vm1, v3, v25;
	vm1 =	veq.s32 v26, $0x1;
	v25 =	vsel vm0, v22, v12  }
0x225: {  	[tilespmem:s20+$0xFFFFFBA0] =	vst v24;
	v24 =	vsel vm1, v15, v25;
	v25 =	vsel vm0, v23, v10  }
0x226: {  	v26 =	vld [tilespmem:s31+$0xFFFFFFA0];
	[tilespmem:s20+$0xFFFFFC50] =	vst v24;
	v24 =	vsel vm1, v14, v25;
	v25 =	vsel vm0, v21, v8  }
0x227: {  	[tilespmem:s20+$0xFFFFFCD0] =	vst v24;
	v24 =	vsel vm1, v13, v25;
	v25 =	vsel vm0, v20, v6  }
0x228: {  	[tilespmem:s20+$0xFFFFFD50] =	vst v24;
	v24 =	vsel vm1, v11, v25;
	v25 =	vsel vm0, v19, v4  }
0x229: {  	[tilespmem:s20+$0xFFFFFDD0] =	vst v24;
	v24 =	vsel vm1, v9, v25;
	v25 =	vsel vm0, v18, v2  }
0x22a: {  	[tilespmem:s20+$0xFFFFFE50] =	vst v24;
	v24 =	vsel vm1, v7, v25;
	v25 =	vsel vm0, v16, v1  }
0x22b: {  	vm2 =	veq.s32 v26, $0x2;
	[tilespmem:s20+$0xFFFFFED0] =	vst v24;
	v24 =	vsel vm1, v5, v25;
	v25 =	vsel vm0, v17, v0  }
0x22c: {  	v27 =	vsel vm2, v22, v12;
	vm0 =	veq.s32 v26, $0x1;
	[tilespmem:s20+$0xFFFFFF50] =	vst v24;
	v24 =	vsel vm1, v3, v25  }
0x22d: {  	v25 =	vsel vm2, v23, v10;
	v26 =	vsel vm0, v15, v27;
	[tilespmem:s20+$0xFFFFFFD0] =	vst v24  }
0x22e: {  	v27 =	vsel vm2, v20, v6;
	v25 =	vsel vm0, v14, v25;
	[tilespmem:s20+$0xFFFFF830] =	vst v26;
	v26 =	vld [tilespmem:s31+$0x50]  }
0x22f: {  	v24 =	vsel vm2, v21, v8;
	v27 =	vsel vm0, v11, v27;
	[tilespmem:s20+$0xFFFFF8B0] =	vst v25  }
0x230: {  	v24 =	vsel vm0, v13, v24;
	v25 =	vsel vm2, v19, v4;
	[tilespmem:s20+$0xFFFFF9B0] =	vst v27  }
0x231: {  	v27 =	vsel vm2, v16, v1;
	[tilespmem:s20+$0xFFFFF930] =	vst v24;
	v25 =	vsel vm0, v9, v25  }
0x232: {  	v24 =	vsel vm2, v18, v2;
	v27 =	vsel vm0, v5, v27;
	[tilespmem:s20+$0xFFFFFA30] =	vst v25  }
0x233: {  	v24 =	vsel vm0, v7, v24;
	v25 =	vsel vm2, v17, v0;
	[tilespmem:s20+$0xFFFFFB30] =	vst v27;
	vm1 =	veq.s32 v26, $0x2  }
0x234: {  	[tilespmem:s20+$0xFFFFFAB0] =	vst v24;
	v24 =	vsel vm0, v3, v25;
	vm0 =	veq.s32 v26, $0x1;
	v25 =	vsel vm1, v22, v12  }
0x235: {  	[tilespmem:s20+$0xFFFFFBB0] =	vst v24;
	v24 =	vsel vm0, v15, v25;
	v25 =	vsel vm1, v23, v10  }
0x236: {  	v26 =	vld [tilespmem:s31+$0xFFFFFFB0];
	[tilespmem:s20+$0xFFFFFC60] =	vst v24;
	v24 =	vsel vm0, v14, v25;
	v25 =	vsel vm1, v21, v8  }
0x237: {  	[tilespmem:s20+$0xFFFFFCE0] =	vst v24;
	v24 =	vsel vm0, v13, v25;
	v25 =	vsel vm1, v20, v6  }
0x238: {  	[tilespmem:s20+$0xFFFFFD60] =	vst v24;
	v24 =	vsel vm0, v11, v25;
	v25 =	vsel vm1, v19, v4  }
0x239: {  	[tilespmem:s20+$0xFFFFFDE0] =	vst v24;
	v24 =	vsel vm0, v9, v25;
	v25 =	vsel vm1, v18, v2  }
0x23a: {  	[tilespmem:s20+$0xFFFFFE60] =	vst v24;
	v24 =	vsel vm0, v7, v25;
	v25 =	vsel vm1, v16, v1  }
0x23b: {  	vm2 =	veq.s32 v26, $0x2;
	[tilespmem:s20+$0xFFFFFEE0] =	vst v24;
	v24 =	vsel vm0, v5, v25;
	v25 =	vsel vm1, v17, v0  }
0x23c: {  	v27 =	vsel vm2, v22, v12;
	vm1 =	veq.s32 v26, $0x1;
	[tilespmem:s20+$0xFFFFFF60] =	vst v24;
	v24 =	vsel vm0, v3, v25  }
0x23d: {  	v25 =	vsel vm2, v23, v10;
	v26 =	vsel vm1, v15, v27;
	[tilespmem:s20+$0xFFFFFFE0] =	vst v24  }
0x23e: {  	v27 =	vsel vm2, v20, v6;
	v25 =	vsel vm1, v14, v25;
	[tilespmem:s20+$0xFFFFF840] =	vst v26;
	v26 =	vld [tilespmem:s31+$0x60]  }
0x23f: {  	v24 =	vsel vm2, v21, v8;
	v27 =	vsel vm1, v11, v27;
	[tilespmem:s20+$0xFFFFF8C0] =	vst v25  }
0x240: {  	v24 =	vsel vm1, v13, v24;
	v25 =	vsel vm2, v19, v4;
	[tilespmem:s20+$0xFFFFF9C0] =	vst v27  }
0x241: {  	v27 =	vsel vm2, v16, v1;
	[tilespmem:s20+$0xFFFFF940] =	vst v24;
	v25 =	vsel vm1, v9, v25  }
0x242: {  	v24 =	vsel vm2, v18, v2;
	v27 =	vsel vm1, v5, v27;
	[tilespmem:s20+$0xFFFFFA40] =	vst v25  }
0x243: {  	v24 =	vsel vm1, v7, v24;
	v25 =	vsel vm2, v17, v0;
	[tilespmem:s20+$0xFFFFFB40] =	vst v27;
	vm0 =	veq.s32 v26, $0x2  }
0x244: {  	[tilespmem:s20+$0xFFFFFAC0] =	vst v24;
	v24 =	vsel vm1, v3, v25;
	vm1 =	veq.s32 v26, $0x1;
	v25 =	vsel vm0, v22, v12  }
0x245: {  	[tilespmem:s20+$0xFFFFFBC0] =	vst v24;
	v24 =	vsel vm1, v15, v25;
	v25 =	vsel vm0, v23, v10  }
0x246: {  	v26 =	vld [tilespmem:s31+$0xFFFFFFC0];
	[tilespmem:s20+$0xFFFFFC70] =	vst v24;
	v24 =	vsel vm1, v14, v25;
	v25 =	vsel vm0, v21, v8  }
0x247: {  	[tilespmem:s20+$0xFFFFFCF0] =	vst v24;
	v24 =	vsel vm1, v13, v25;
	v25 =	vsel vm0, v20, v6  }
0x248: {  	[tilespmem:s20+$0xFFFFFD70] =	vst v24;
	v24 =	vsel vm1, v11, v25;
	v25 =	vsel vm0, v19, v4  }
0x249: {  	[tilespmem:s20+$0xFFFFFDF0] =	vst v24;
	v24 =	vsel vm1, v9, v25;
	v25 =	vsel vm0, v18, v2  }
0x24a: {  	[tilespmem:s20+$0xFFFFFE70] =	vst v24;
	v24 =	vsel vm1, v7, v25;
	v25 =	vsel vm0, v16, v1  }
0x24b: {  	vm2 =	veq.s32 v26, $0x2;
	[tilespmem:s20+$0xFFFFFEF0] =	vst v24;
	v24 =	vsel vm1, v5, v25;
	v25 =	vsel vm0, v17, v0  }
0x24c: {  	vm0 =	veq.s32 v26, $0x1;
	v26 =	vsel vm2, v21, v8;
	[tilespmem:s20+$0xFFFFFF70] =	vst v24;
	v24 =	vsel vm1, v3, v25  }
0x24d: {  	v27 =	vsel vm2, v22, v12;
	v26 =	vsel vm0, v13, v26;
	[tilespmem:s20+$0xFFFFFFF0] =	vst v24  }
0x24e: {  	v25 =	vsel vm2, v23, v10;
	v24 =	vsel vm0, v15, v27;
	[tilespmem:s20+$0xFFFFF950] =	vst v26  }
0x24f: {  	v25 =	vsel vm0, v14, v25;
	v26 =	vsel vm2, v18, v2;
	[tilespmem:s20+$0xFFFFF850] =	vst v24  }
0x250: {  	v24 =	vsel vm2, v20, v6;
	[tilespmem:s20+$0xFFFFF8D0] =	vst v25;
	v26 =	vsel vm0, v7, v26  }
0x251: {  	v25 =	vsel vm2, v19, v4;
	v24 =	vsel vm0, v11, v24;
	[tilespmem:s20+$0xFFFFFAD0] =	vst v26  }
0x252: {  	v25 =	vsel vm0, v9, v25;
	[tilespmem:s20+$0xFFFFF9D0] =	vst v24;
	v24 =	vsel vm2, v16, v1  }
0x253: {  	[tilespmem:s20+$0xFFFFFA50] =	vst v25;
	v25 =	vsel vm2, v17, v0;
	v24 =	vsel vm0, v5, v24  }
0x254: {  	v26 =	vld [tilespmem:s31+$0x70];
	v25 =	vsel vm0, v3, v25;
	[tilespmem:s20+$0xFFFFFB50] =	vst v24  }
0x255: {  	[tilespmem:s20+$0xFFFFFBD0] =	vst v25  }
0x256: {  	v24 =	vld [tilespmem:s31+$0xFFFFFFD0]  }
0x257: {  	s21 =	simm.s32 $0x180  }
0x258: {  	v25 =	vld [tilespmem:s21+$0x0]  }
0x259: {  	vm1 =	veq.s32 v26, $0x2  }
0x25a: {  	vm0 =	veq.s32 v26, $0x1;
	v26 =	vsel vm1, v17, v0  }
0x25b: {  	v27 =	vsel vm1, v22, v12;
	v26 =	vsel vm0, v3, v26;
	vm3 =	veq.s32 v24, $0x2  }
0x25c: {  	[tilespmem:s20+$0x0] =	vst v26;
	v26 =	vsel vm0, v15, v27;
	vm2 =	veq.s32 v24, $0x1;
	v24 =	vsel vm3, v22, v12  }
0x25d: {  	vm4 =	veq.s32 v25, $0x2;
	[tilespmem:s20+$0xFFFFFC80] =	vst v26;
	v26 =	vsel vm3, v23, v10;
	v24 =	vsel vm2, v15, v24  }
0x25e: {  	vm5 =	veq.s32 v25, $0x1;
	v25 =	vsel vm4, v22, v12;
	[tilespmem:s20+$0xFFFFF860] =	vst v24;
	v24 =	vsel vm2, v14, v26  }
0x25f: {  	s22 =	simm.s32 $0xFFF0;
	v26 =	vld [tilespmem:s21+$0xFFFFFF80];
	[tilespmem:s20+$0xFFFFF8E0] =	vst v24;
	v24 =	vsel vm5, v15, v25;
	v25 =	vsel vm4, v23, v10  }
0x260: {  	[tilespmem:s22+$0xFFFFFC10] =	vst v24;
	v24 =	vsel vm5, v14, v25;
	v25 =	vsel vm4, v21, v8  }
0x261: {  	[tilespmem:s22+$0xFFFFFC90] =	vst v24;
	v24 =	vsel vm5, v13, v25;
	v25 =	vsel vm4, v20, v6  }
0x262: {  	[tilespmem:s22+$0xFFFFFD10] =	vst v24;
	v24 =	vsel vm5, v11, v25;
	v25 =	vsel vm4, v19, v4  }
0x263: {  	[tilespmem:s22+$0xFFFFFD90] =	vst v24;
	v24 =	vsel vm5, v9, v25;
	v25 =	vsel vm4, v18, v2  }
0x264: {  	vm6 =	veq.s32 v26, $0x2;
	[tilespmem:s22+$0xFFFFFE10] =	vst v24;
	v24 =	vsel vm5, v7, v25;
	v25 =	vsel vm4, v16, v1  }
0x265: {  	vm10 =	veq.s32 v26, $0x1;
	v27 =	vsel vm6, v22, v12;
	[tilespmem:s22+$0xFFFFFE90] =	vst v24;
	v24 =	vsel vm5, v5, v25  }
0x266: {  	v25 =	vsel vm4, v17, v0;
	v26 =	vsel vm10, v15, v27;
	[tilespmem:s22+$0xFFFFFF10] =	vst v24  }
0x267: {  	v27 =	vsel vm6, v20, v6;
	v24 =	vsel vm5, v3, v25;
	[tilespmem:s22+$0xFFFFF810] =	vst v26  }
0x268: {  	v25 =	vsel vm6, v23, v10;
	v27 =	vsel vm10, v11, v27;
	[tilespmem:s22+$0xFFFFFF90] =	vst v24  }
0x269: {  	v24 =	vsel vm6, v21, v8;
	v25 =	vsel vm10, v14, v25;
	[tilespmem:s22+$0xFFFFF990] =	vst v27;
	v26 =	vld [tilespmem:s21+$0x10]  }
0x26a: {  	v27 =	vsel vm6, v16, v1;
	v24 =	vsel vm10, v13, v24;
	[tilespmem:s22+$0xFFFFF890] =	vst v25  }
0x26b: {  	v25 =	vsel vm6, v19, v4;
	v27 =	vsel vm10, v5, v27;
	[tilespmem:s22+$0xFFFFF910] =	vst v24  }
0x26c: {  	v24 =	vsel vm6, v18, v2;
	v25 =	vsel vm10, v9, v25;
	[tilespmem:s22+$0xFFFFFB10] =	vst v27  }
0x26d: {  	v27 =	vsel vm3, v21, v8;
	v24 =	vsel vm10, v7, v24;
	[tilespmem:s22+$0xFFFFFA10] =	vst v25  }
0x26e: {  	v25 =	vsel vm6, v17, v0;
	v27 =	vsel vm2, v13, v27;
	[tilespmem:s22+$0xFFFFFA90] =	vst v24;
	vm11 =	veq.s32 v26, $0x2  }
0x26f: {  	v24 =	vsel vm10, v3, v25;
	[tilespmem:s20+$0xFFFFF960] =	vst v27;
	vm12 =	veq.s32 v26, $0x1;
	v25 =	vsel vm11, v22, v12  }
0x270: {  	[tilespmem:s22+$0xFFFFFB90] =	vst v24;
	v24 =	vsel vm12, v15, v25;
	v25 =	vsel vm11, v23, v10  }
0x271: {  	[tilespmem:s22+$0xFFFFFC20] =	vst v24;
	v24 =	vsel vm12, v14, v25;
	v25 =	vsel vm11, v21, v8  }
0x272: {  	[tilespmem:s22+$0xFFFFFCA0] =	vst v24;
	v24 =	vsel vm12, v13, v25;
	v25 =	vsel vm11, v20, v6  }
0x273: {  	[tilespmem:s22+$0xFFFFFD20] =	vst v24;
	v24 =	vsel vm12, v11, v25;
	v25 =	vsel vm11, v19, v4  }
0x274: {  	v26 =	vld [tilespmem:s21+$0xFFFFFF90];
	[tilespmem:s22+$0xFFFFFDA0] =	vst v24;
	v24 =	vsel vm12, v9, v25;
	v25 =	vsel vm11, v18, v2  }
0x275: {  	[tilespmem:s22+$0xFFFFFE20] =	vst v24;
	v24 =	vsel vm12, v7, v25;
	v25 =	vsel vm11, v16, v1  }
0x276: {  	[tilespmem:s22+$0xFFFFFEA0] =	vst v24;
	v24 =	vsel vm12, v5, v25;
	v25 =	vsel vm11, v17, v0  }
0x277: {  	[tilespmem:s22+$0xFFFFFF20] =	vst v24;
	v24 =	vsel vm12, v3, v25;
	v25 =	vsel vm3, v20, v6  }
0x278: {  	[tilespmem:s22+$0xFFFFFFA0] =	vst v24;
	v24 =	vsel vm3, v19, v4;
	v25 =	vsel vm2, v11, v25  }
0x279: {  	v28 =	vsel vm3, v18, v2;
	vm13 =	veq.s32 v26, $0x2;
	v27 =	vld [tilespmem:s21+$0x20];
	v24 =	vsel vm2, v9, v24;
	[tilespmem:s20+$0xFFFFF9E0] =	vst v25  }
0x27a: {  	vm14 =	veq.s32 v26, $0x1;
	v25 =	vsel vm2, v7, v28;
	v28 =	vsel vm13, v22, v12;
	[tilespmem:s20+$0xFFFFFA60] =	vst v24  }
0x27b: {  	v24 =	vsel vm13, v23, v10;
	v26 =	vsel vm14, v15, v28;
	[tilespmem:s20+$0xFFFFFAE0] =	vst v25  }
0x27c: {  	v25 =	vsel vm13, v21, v8;
	v24 =	vsel vm14, v14, v24;
	[tilespmem:s22+$0xFFFFF820] =	vst v26;
	v26 =	vsel vm13, v20, v6  }
0x27d: {  	v25 =	vsel vm14, v13, v25;
	[tilespmem:s22+$0xFFFFF8A0] =	vst v24;
	v24 =	vsel vm14, v11, v26  }
0x27e: {  	[tilespmem:s22+$0xFFFFF920] =	vst v25;
	vm15 =	veq.s32 v27, $0x2;
	vm7 =	veq.s32 v27, $0x1;
	v27 =	vsel vm13, v17, v0  }
0x27f: {  	[tilespmem:s22+$0xFFFFF9A0] =	vst v24;
	v25 =	vsel vm15, v22, v12;
	v27 =	vsel vm14, v3, v27  }
0x280: {  	v24 =	vsel vm7, v15, v25;
	v25 =	vsel vm15, v23, v10;
	[tilespmem:s22+$0xFFFFFBA0] =	vst v27  }
0x281: {  	[tilespmem:s22+$0xFFFFFC30] =	vst v24;
	v24 =	vsel vm7, v14, v25;
	v25 =	vsel vm15, v21, v8  }
0x282: {  	[tilespmem:s22+$0xFFFFFCB0] =	vst v24;
	v24 =	vsel vm7, v13, v25;
	v25 =	vsel vm15, v20, v6  }
0x283: {  	[tilespmem:s22+$0xFFFFFD30] =	vst v24;
	v24 =	vsel vm7, v11, v25;
	v25 =	vsel vm15, v19, v4  }
0x284: {  	[tilespmem:s22+$0xFFFFFDB0] =	vst v24;
	v24 =	vsel vm7, v9, v25;
	v25 =	vsel vm15, v18, v2  }
0x285: {  	[tilespmem:s22+$0xFFFFFE30] =	vst v24;
	v24 =	vsel vm7, v7, v25;
	v25 =	vsel vm15, v16, v1  }
0x286: {  	v26 =	vsel vm15, v17, v0;
	[tilespmem:s22+$0xFFFFFEB0] =	vst v24;
	v24 =	vsel vm7, v5, v25  }
0x287: {  	v25 =	vsel vm7, v3, v26;
	v26 =	vsel vm13, v19, v4;
	[tilespmem:s22+$0xFFFFFF30] =	vst v24  }
0x288: {  	v28 =	vsel vm1, v18, v2;
	v26 =	vsel vm14, v9, v26;
	[tilespmem:s22+$0xFFFFFFB0] =	vst v25  }
0x289: {  	v28 =	vsel vm0, v7, v28;
	v27 =	vsel vm1, v23, v10;
	[tilespmem:s22+$0xFFFFFA20] =	vst v26;
	v26 =	vld [tilespmem:s21+$0x30]  }
0x28a: {  	[tilespmem:s20+$0xFFFFFF00] =	vst v28;
	v27 =	vsel vm0, v14, v27;
	v24 =	vsel vm13, v18, v2  }
0x28b: {  	[tilespmem:s20+$0xFFFFFD00] =	vst v27;
	v25 =	vsel vm13, v16, v1;
	v24 =	vsel vm14, v7, v24  }
0x28c: {  	v25 =	vsel vm14, v5, v25;
	[tilespmem:s22+$0xFFFFFAA0] =	vst v24;
	v24 =	vsel vm3, v16, v1  }
0x28d: {  	[tilespmem:s22+$0xFFFFFB20] =	vst v25;
	v25 =	vsel vm3, v17, v0;
	v24 =	vsel vm2, v5, v24  }
0x28e: {  	v25 =	vsel vm2, v3, v25;
	[tilespmem:s20+$0xFFFFFB60] =	vst v24;
	v24 =	vsel vm1, v21, v8;
	vm2 =	veq.s32 v26, $0x2  }
0x28f: {  	[tilespmem:s20+$0xFFFFFBE0] =	vst v25;
	v24 =	vsel vm0, v13, v24;
	vm3 =	veq.s32 v26, $0x1;
	v25 =	vsel vm2, v22, v12  }
0x290: {  	[tilespmem:s20+$0xFFFFFD80] =	vst v24;
	v26 =	vsel vm2, v23, v10;
	v25 =	vsel vm3, v15, v25  }
0x291: {  	v24 =	vsel vm3, v14, v26;
	[tilespmem:s22+$0xFFFFFC40] =	vst v25;
	v25 =	vsel vm2, v21, v8  }
0x292: {  	v26 =	vld [tilespmem:s21+$0xFFFFFFA0];
	[tilespmem:s22+$0xFFFFFCC0] =	vst v24;
	v24 =	vsel vm3, v13, v25;
	v25 =	vsel vm2, v20, v6  }
0x293: {  	[tilespmem:s22+$0xFFFFFD40] =	vst v24;
	v24 =	vsel vm3, v11, v25;
	v25 =	vsel vm2, v19, v4  }
0x294: {  	[tilespmem:s22+$0xFFFFFDC0] =	vst v24;
	v24 =	vsel vm3, v9, v25;
	v25 =	vsel vm2, v18, v2  }
0x295: {  	[tilespmem:s22+$0xFFFFFE40] =	vst v24;
	v24 =	vsel vm3, v7, v25;
	v25 =	vsel vm2, v16, v1  }
0x296: {  	[tilespmem:s22+$0xFFFFFEC0] =	vst v24;
	v24 =	vsel vm3, v5, v25;
	v25 =	vsel vm2, v17, v0  }
0x297: {  	v27 =	vsel vm1, v20, v6;
	vm2 =	veq.s32 v26, $0x2;
	[tilespmem:s22+$0xFFFFFF40] =	vst v24;
	v24 =	vsel vm3, v3, v25  }
0x298: {  	v25 =	vsel vm0, v11, v27;
	v27 =	vsel vm2, v22, v12;
	vm3 =	veq.s32 v26, $0x1;
	[tilespmem:s22+$0xFFFFFFC0] =	vst v24  }
0x299: {  	v24 =	vsel vm2, v23, v10;
	v26 =	vsel vm3, v15, v27;
	[tilespmem:s20+$0xFFFFFE00] =	vst v25;
	v27 =	vld [tilespmem:s21+$0x40]  }
0x29a: {  	v25 =	vsel vm2, v21, v8;
	v24 =	vsel vm3, v14, v24;
	[tilespmem:s22+$0xFFFFF830] =	vst v26  }
0x29b: {  	v26 =	vsel vm2, v20, v6;
	v25 =	vsel vm3, v13, v25;
	[tilespmem:s22+$0xFFFFF8B0] =	vst v24  }
0x29c: {  	v24 =	vsel vm2, v19, v4;
	v26 =	vsel vm3, v11, v26;
	[tilespmem:s22+$0xFFFFF930] =	vst v25  }
0x29d: {  	v25 =	vsel vm2, v18, v2;
	v24 =	vsel vm3, v9, v24;
	[tilespmem:s22+$0xFFFFF9B0] =	vst v26  }
0x29e: {  	v26 =	vsel vm2, v16, v1;
	v25 =	vsel vm3, v7, v25;
	[tilespmem:s22+$0xFFFFFA30] =	vst v24;
	vm8 =	veq.s32 v27, $0x2  }
0x29f: {  	v24 =	vsel vm3, v5, v26;
	[tilespmem:s22+$0xFFFFFAB0] =	vst v25;
	vm9 =	veq.s32 v27, $0x1;
	v25 =	vsel vm8, v22, v12  }
0x2a0: {  	[tilespmem:s22+$0xFFFFFB30] =	vst v24;
	v24 =	vsel vm9, v15, v25;
	v25 =	vsel vm8, v23, v10  }
0x2a1: {  	[tilespmem:s22+$0xFFFFFC50] =	vst v24;
	v24 =	vsel vm9, v14, v25;
	v25 =	vsel vm8, v21, v8  }
0x2a2: {  	v26 =	vld [tilespmem:s31+$0xFFFFFFE0];
	[tilespmem:s22+$0xFFFFFCD0] =	vst v24;
	v24 =	vsel vm9, v13, v25;
	v25 =	vsel vm8, v20, v6  }
0x2a3: {  	[tilespmem:s22+$0xFFFFFD50] =	vst v24;
	v24 =	vsel vm9, v11, v25;
	v25 =	vsel vm8, v19, v4  }
0x2a4: {  	[tilespmem:s22+$0xFFFFFDD0] =	vst v24;
	v24 =	vsel vm9, v9, v25;
	v25 =	vsel vm8, v18, v2  }
0x2a5: {  	[tilespmem:s22+$0xFFFFFE50] =	vst v24;
	v24 =	vsel vm9, v7, v25;
	v25 =	vsel vm8, v16, v1  }
0x2a6: {  	[tilespmem:s22+$0xFFFFFED0] =	vst v24;
	v24 =	vsel vm9, v5, v25;
	v25 =	vsel vm8, v17, v0  }
0x2a7: {  	v27 =	vsel vm2, v17, v0;
	vm2 =	veq.s32 v26, $0x2;
	[tilespmem:s22+$0xFFFFFF50] =	vst v24;
	v24 =	vsel vm9, v3, v25  }
0x2a8: {  	v25 =	vsel vm3, v3, v27;
	v27 =	vsel vm2, v22, v12;
	vm3 =	veq.s32 v26, $0x1;
	[tilespmem:s22+$0xFFFFFFD0] =	vst v24  }
0x2a9: {  	v24 =	vsel vm2, v23, v10;
	v26 =	vsel vm3, v15, v27;
	[tilespmem:s22+$0xFFFFFBB0] =	vst v25;
	v25 =	vld [tilespmem:s21+$0x50]  }
0x2aa: {  	v27 =	vsel vm2, v21, v8;
	v24 =	vsel vm3, v14, v24;
	[tilespmem:s20+$0xFFFFF870] =	vst v26  }
0x2ab: {  	v26 =	vsel vm2, v20, v6;
	v27 =	vsel vm3, v13, v27;
	[tilespmem:s20+$0xFFFFF8F0] =	vst v24  }
0x2ac: {  	v24 =	vsel vm2, v19, v4;
	v26 =	vsel vm3, v11, v26;
	[tilespmem:s20+$0xFFFFF970] =	vst v27  }
0x2ad: {  	v27 =	vsel vm2, v18, v2;
	v24 =	vsel vm3, v9, v24;
	[tilespmem:s20+$0xFFFFF9F0] =	vst v26  }
0x2ae: {  	v26 =	vsel vm2, v16, v1;
	v27 =	vsel vm3, v7, v27;
	[tilespmem:s20+$0xFFFFFA70] =	vst v24;
	vm10 =	veq.s32 v25, $0x2  }
0x2af: {  	v24 =	vsel vm3, v5, v26;
	[tilespmem:s20+$0xFFFFFAF0] =	vst v27;
	vm11 =	veq.s32 v25, $0x1;
	v25 =	vsel vm10, v22, v12  }
0x2b0: {  	[tilespmem:s20+$0xFFFFFB70] =	vst v24;
	v27 =	vsel vm10, v17, v0;
	v25 =	vsel vm11, v15, v25  }
0x2b1: {  	v24 =	vld [tilespmem:s21+$0xFFFFFFB0];
	v26 =	vsel vm10, v23, v10;
	v27 =	vsel vm11, v3, v27;
	[tilespmem:s22+$0xFFFFFC60] =	vst v25  }
0x2b2: {  	v25 =	vsel vm11, v14, v26;
	v26 =	vsel vm10, v21, v8;
	[tilespmem:s22+$0xFFFFFFE0] =	vst v27  }
0x2b3: {  	[tilespmem:s22+$0xFFFFFCE0] =	vst v25;
	v25 =	vsel vm11, v13, v26;
	v26 =	vsel vm10, v20, v6  }
0x2b4: {  	[tilespmem:s22+$0xFFFFFD60] =	vst v25;
	v25 =	vsel vm11, v11, v26;
	v26 =	vsel vm10, v19, v4  }
0x2b5: {  	[tilespmem:s22+$0xFFFFFDE0] =	vst v25;
	v25 =	vsel vm11, v9, v26;
	v26 =	vsel vm10, v18, v2  }
0x2b6: {  	vm12 =	veq.s32 v24, $0x2;
	[tilespmem:s22+$0xFFFFFE60] =	vst v25;
	v25 =	vsel vm11, v7, v26;
	v26 =	vsel vm10, v16, v1  }
0x2b7: {  	vm13 =	veq.s32 v24, $0x1;
	[tilespmem:s22+$0xFFFFFEE0] =	vst v25;
	v25 =	vsel vm11, v5, v26;
	v26 =	vsel vm12, v22, v12  }
0x2b8: {  	v24 =	vsel vm12, v23, v10;
	[tilespmem:s22+$0xFFFFFF60] =	vst v25;
	v25 =	vsel vm13, v15, v26  }
0x2b9: {  	v27 =	vsel vm12, v20, v6;
	v24 =	vsel vm13, v14, v24;
	[tilespmem:s22+$0xFFFFF840] =	vst v25;
	v25 =	vld [tilespmem:s21+$0x60]  }
0x2ba: {  	v27 =	vsel vm13, v11, v27;
	[tilespmem:s22+$0xFFFFF8C0] =	vst v24;
	v24 =	vsel vm12, v19, v4  }
0x2bb: {  	[tilespmem:s22+$0xFFFFF9C0] =	vst v27;
	v27 =	vsel vm12, v16, v1;
	v24 =	vsel vm13, v9, v24  }
0x2bc: {  	v27 =	vsel vm13, v5, v27;
	v26 =	vsel vm12, v21, v8;
	[tilespmem:s22+$0xFFFFFA40] =	vst v24  }
0x2bd: {  	v24 =	vsel vm12, v17, v0;
	[tilespmem:s22+$0xFFFFFB40] =	vst v27;
	v26 =	vsel vm13, v13, v26  }
0x2be: {  	v24 =	vsel vm13, v3, v24;
	[tilespmem:s22+$0xFFFFF940] =	vst v26;
	v26 =	vsel vm12, v18, v2;
	vm14 =	veq.s32 v25, $0x2  }
0x2bf: {  	[tilespmem:s22+$0xFFFFFBC0] =	vst v24;
	v26 =	vsel vm13, v7, v26;
	vm15 =	veq.s32 v25, $0x1;
	v25 =	vsel vm14, v22, v12  }
0x2c0: {  	[tilespmem:s22+$0xFFFFFAC0] =	vst v26;
	v24 =	vsel vm15, v15, v25;
	v25 =	vsel vm14, v23, v10  }
0x2c1: {  	[tilespmem:s22+$0xFFFFFC70] =	vst v24;
	v24 =	vsel vm15, v14, v25;
	v25 =	vsel vm14, v21, v8  }
0x2c2: {  	[tilespmem:s22+$0xFFFFFCF0] =	vst v24;
	v24 =	vsel vm15, v13, v25;
	v25 =	vsel vm14, v20, v6  }
0x2c3: {  	v27 =	vld [tilespmem:s21+$0xFFFFFFC0];
	[tilespmem:s22+$0xFFFFFD70] =	vst v24;
	v24 =	vsel vm15, v11, v25;
	v25 =	vsel vm14, v19, v4  }
0x2c4: {  	[tilespmem:s22+$0xFFFFFDF0] =	vst v24;
	v24 =	vsel vm15, v9, v25;
	v25 =	vsel vm14, v18, v2  }
0x2c5: {  	v29 =	vsel vm1, v16, v1;
	[tilespmem:s22+$0xFFFFFE70] =	vst v24;
	v24 =	vsel vm15, v7, v25;
	v25 =	vsel vm14, v16, v1  }
0x2c6: {  	v57 =	vsel vm0, v5, v29;
	[tilespmem:s22+$0xFFFFFEF0] =	vst v24;
	v24 =	vsel vm15, v5, v25;
	v25 =	vsel vm14, v17, v0  }
0x2c7: {  	v30 =	vsel vm2, v17, v0;
	v26 =	vsel vm1, v19, v4;
	[tilespmem:s22+$0xFFFFFF70] =	vst v24;
	v24 =	vsel vm15, v3, v25  }
0x2c8: {  	v26 =	vsel vm0, v9, v26;
	vm0 =	veq.s32 v27, $0x2;
	v25 =	vsel vm3, v3, v30;
	[tilespmem:s22+$0xFFFFFFF0] =	vst v24  }
0x2c9: {  	vm1 =	veq.s32 v27, $0x1;
	v29 =	vsel vm0, v23, v10;
	v58 =	vsel vm0, v19, v4;
	[tilespmem:s20+$0xFFFFFBF0] =	vst v25;
	v31 =	vld [tilespmem:s21+$0x70]  }
0x2ca: {  	[tilespmem:s20+$0xFFFFFE80] =	vst v26;
	v26 =	vsel vm0, v18, v2;
	v59 =	vsel vm0, v16, v1;
	v28 =	vsel vm0, v17, v0;
	v27 =	vld [tilespmem:s31+$0xFFFFFFF0]  }
0x2cb: {  	v29 =	vsel vm1, v14, v29;
	v26 =	vsel vm1, v7, v26;
	v28 =	vsel vm1, v3, v28  }
0x2cc: {  	[tilespmem:s22+$0xFFFFF8D0] =	vst v29;
	v29 =	vsel vm1, v5, v59;
	v30 =	vsel vm0, v21, v8;
	v24 =	vsel vm0, v22, v12  }
0x2cd: {  	[tilespmem:s20+$0xFFFFFF80] =	vst v57;
	v25 =	vsel vm0, v20, v6;
	v30 =	vsel vm1, v13, v30;
	v24 =	vsel vm1, v15, v24  }
0x2ce: {  	[tilespmem:s22+$0xFFFFF850] =	vst v24;
	v24 =	vsel vm1, v11, v25;
	v25 =	vsel vm1, v9, v58;
	vm1 =	veq.s32 v31, $0x2  }
0x2cf: {  	[tilespmem:s22+$0xFFFFF9D0] =	vst v24;
	vm0 =	veq.s32 v31, $0x1;
	vm2 =	veq.s32 v27, $0x2;
	v24 =	vsel vm1, v17, v0  }
0x2d0: {  	[tilespmem:s22+$0xFFFFF950] =	vst v30;
	v30 =	vsel vm2, v22, v12;
	v60 =	vsel vm2, v23, v10;
	v61 =	vsel vm2, v21, v8  }
0x2d1: {  	[tilespmem:s22+$0xFFFFFAD0] =	vst v26;
	v62 =	vsel vm2, v20, v6;
	v63 =	vsel vm2, v19, v4;
	v26 =	vsel vm2, v18, v2  }
0x2d2: {  	[tilespmem:s22+$0xFFFFFBD0] =	vst v28;
	v39 =	vsel vm2, v16, v1;
	v40 =	vsel vm2, v17, v0;
	v31 =	vsel vm1, v22, v12  }
0x2d3: {  	[tilespmem:s22+$0xFFFFFB50] =	vst v29;
	v41 =	vsel vm1, v23, v10;
	v29 =	vsel vm1, v20, v6;
	v32 =	vsel vm1, v19, v4  }
0x2d4: {  	[tilespmem:s22+$0xFFFFFA50] =	vst v25;
	v25 =	vsel vm1, v18, v2;
	v24 =	vsel vm0, v3, v24;
	v28 =	vsel vm0, v15, v31  }
0x2d5: {  	v37 =	vld [tilespmem:s21+$0xFFFFFFD0];
	v31 =	vsel vm1, v16, v1;
	[tilespmem:s22+$0x0] =	vst v24;
	v24 =	vsel vm1, v21, v8;
	vm1 =	veq.s32 v27, $0x1  }
0x2d6: {  	[tilespmem:s22+$0xFFFFFC80] =	vst v28;
	v27 =	vsel vm1, v15, v30;
	v28 =	vsel vm1, v14, v60;
	v36 =	vsel vm1, v13, v61  }
0x2d7: {  	v35 =	vsel vm1, v11, v62;
	v34 =	vsel vm1, v9, v63;
	v33 =	vsel vm1, v7, v26;
	[tilespmem:s20+$0xFFFFF880] =	vst v27  }
0x2d8: {  	s24 =	simm.s32 $0x2;
	s23 =	simm.s32 $0xFFF0;
	s25 =	simm.s32 $0x280;
	v26 =	vsel vm1, v5, v39;
	v27 =	vsel vm0, v14, v41;
	[tilespmem:s20+$0xFFFFF900] =	vst v28;
	v28 =	vsel vm1, v3, v40  }
.LBB2_7:
0x2d9: {  	v38 =	vld [tilespmem:s25+$0x0];
	v30 =	vsel vm0, v13, v24;
	v29 =	vsel vm0, v11, v29;
	v24 =	vsel vm0, v9, v32;
	[tilespmem:s20+$0xFFFFF980] =	vst v36  }
0x2da: {  	v25 =	vsel vm0, v7, v25;
	v32 =	vld [tilespmem:s25+$0xFFFFFF80];
	vm1 =	veq.s32 v37, $0x1;
	vm2 =	veq.s32 v37, $0x2;
	[tilespmem:s20+$0xFFFFFA00] =	vst v35  }
0x2db: {  	v35 =	vsel vm2, v22, v12;
	v36 =	vsel vm2, v23, v10;
	v37 =	vsel vm2, v21, v8;
	[tilespmem:s20+$0xFFFFFA80] =	vst v34  }
0x2dc: {  	v34 =	vsel vm2, v20, v6;
	v39 =	vsel vm2, v19, v4;
	v40 =	vsel vm2, v18, v2;
	[tilespmem:s20+$0xFFFFFB00] =	vst v33  }
0x2dd: {  	v41 =	vsel vm2, v17, v0;
	v33 =	vsel vm1, v15, v35;
	v35 =	vsel vm2, v16, v1;
	[tilespmem:s20+$0xFFFFFB80] =	vst v26  }
0x2de: {  	v26 =	vsel vm1, v14, v36;
	vm2 =	veq.s32 v38, $0x2;
	[tilespmem:s22+$0xFFFFF860] =	vst v33;
	v33 =	vsel vm1, v13, v37  }
0x2df: {  	vm3 =	veq.s32 v38, $0x1;
	vm4 =	veq.s32 v32, $0x2;
	v36 =	vsel vm2, v22, v12;
	[tilespmem:s22+$0xFFFFF8E0] =	vst v26  }
0x2e0: {  	v37 =	vsel vm2, v23, v10;
	s22 =	sadd.s32 $0x800, s22;
	v26 =	vsel vm4, v22, v12;
	v36 =	vsel vm3, v15, v36;
	[tilespmem:s23+$0xFFFFF960] =	vst v33  }
0x2e1: {  	v33 =	vsel vm4, v23, v10;
	[tilespmem:s22+$0xFFFFFC10] =	vst v36;
	v36 =	vsel vm3, v14, v37;
	v37 =	vsel vm2, v21, v8  }
0x2e2: {  	v38 =	vsel vm4, v21, v8;
	[tilespmem:s22+$0xFFFFFC90] =	vst v36;
	v36 =	vsel vm3, v13, v37;
	v37 =	vsel vm2, v20, v6  }
0x2e3: {  	v42 =	vsel vm4, v20, v6;
	[tilespmem:s22+$0xFFFFFD10] =	vst v36;
	v36 =	vsel vm3, v11, v37;
	v37 =	vsel vm2, v19, v4  }
0x2e4: {  	v43 =	vsel vm4, v19, v4;
	[tilespmem:s22+$0xFFFFFD90] =	vst v36;
	v36 =	vsel vm3, v9, v37;
	v37 =	vsel vm2, v18, v2  }
0x2e5: {  	v44 =	vsel vm4, v18, v2;
	[tilespmem:s22+$0xFFFFFE10] =	vst v36;
	v36 =	vsel vm3, v7, v37;
	v37 =	vsel vm2, v16, v1  }
0x2e6: {  	v45 =	vsel vm4, v16, v1;
	[tilespmem:s22+$0xFFFFFE90] =	vst v36;
	v36 =	vsel vm3, v5, v37;
	v37 =	vsel vm2, v17, v0  }
0x2e7: {  	vm2 =	veq.s32 v32, $0x1;
	v32 =	vsel vm4, v17, v0;
	[tilespmem:s22+$0xFFFFFF10] =	vst v36;
	v36 =	vsel vm3, v3, v37  }
0x2e8: {  	v26 =	vsel vm2, v15, v26;
	v33 =	vsel vm2, v14, v33;
	v37 =	vsel vm2, v13, v38;
	[tilespmem:s22+$0xFFFFFF90] =	vst v36  }
0x2e9: {  	v38 =	vsel vm2, v7, v44;
	v36 =	vsel vm2, v9, v43;
	[tilespmem:s22+$0xFFFFF810] =	vst v26;
	v26 =	vsel vm2, v11, v42;
	v42 =	vld [tilespmem:s25+$0x10]  }
0x2ea: {  	v34 =	vsel vm1, v11, v34;
	v32 =	vsel vm2, v3, v32;
	[tilespmem:s22+$0xFFFFF890] =	vst v33;
	v33 =	vsel vm2, v5, v45  }
0x2eb: {  	v35 =	vsel vm1, v5, v35;
	[tilespmem:s22+$0xFFFFF910] =	vst v37;
	v37 =	vsel vm1, v9, v39;
	v39 =	vsel vm1, v7, v40  }
0x2ec: {  	v40 =	vsel vm1, v3, v41;
	[tilespmem:s22+$0xFFFFF990] =	vst v26;
	v26 =	vsel vm0, v5, v31  }
0x2ed: {  	[tilespmem:s22+$0xFFFFFA10] =	vst v36  }
0x2ee: {  	[tilespmem:s22+$0xFFFFFA90] =	vst v38;
	vm1 =	veq.s32 v42, $0x2  }
0x2ef: {  	vm0 =	veq.s32 v42, $0x1;
	[tilespmem:s22+$0xFFFFFB10] =	vst v33;
	v31 =	vsel vm1, v22, v12  }
0x2f0: {  	[tilespmem:s22+$0xFFFFFB90] =	vst v32;
	v31 =	vsel vm0, v15, v31;
	v32 =	vsel vm1, v23, v10  }
0x2f1: {  	v33 =	vld [tilespmem:s25+$0xFFFFFF90];
	[tilespmem:s22+$0xFFFFFC20] =	vst v31;
	v31 =	vsel vm0, v14, v32;
	v32 =	vsel vm1, v21, v8  }
0x2f2: {  	[tilespmem:s22+$0xFFFFFCA0] =	vst v31;
	v31 =	vsel vm0, v13, v32;
	v32 =	vsel vm1, v20, v6  }
0x2f3: {  	[tilespmem:s22+$0xFFFFFD20] =	vst v31;
	v31 =	vsel vm0, v11, v32;
	v32 =	vsel vm1, v19, v4  }
0x2f4: {  	[tilespmem:s22+$0xFFFFFDA0] =	vst v31;
	v31 =	vsel vm0, v9, v32;
	v32 =	vsel vm1, v18, v2  }
0x2f5: {  	[tilespmem:s22+$0xFFFFFE20] =	vst v31;
	v31 =	vsel vm0, v7, v32;
	v32 =	vsel vm1, v16, v1  }
0x2f6: {  	vm2 =	veq.s32 v33, $0x2;
	[tilespmem:s22+$0xFFFFFEA0] =	vst v31;
	v31 =	vsel vm0, v5, v32;
	v32 =	vsel vm1, v17, v0  }
0x2f7: {  	v36 =	vsel vm2, v22, v12;
	v38 =	vsel vm2, v23, v10;
	[tilespmem:s22+$0xFFFFFF20] =	vst v31;
	v31 =	vsel vm0, v3, v32  }
0x2f8: {  	v32 =	vsel vm2, v21, v8;
	v41 =	vsel vm2, v20, v6;
	v42 =	vsel vm2, v19, v4;
	[tilespmem:s22+$0xFFFFFFA0] =	vst v31  }
0x2f9: {  	v43 =	vsel vm2, v16, v1;
	v44 =	vsel vm2, v17, v0;
	v31 =	vsel vm2, v18, v2;
	v45 =	vld [tilespmem:s25+$0x20];
	[tilespmem:s23+$0xFFFFF9E0] =	vst v34  }
0x2fa: {  	vm0 =	veq.s32 v33, $0x1;
	[tilespmem:s23+$0xFFFFFA60] =	vst v37  }
0x2fb: {  	v33 =	vsel vm0, v15, v36;
	v32 =	vsel vm0, v13, v32;
	v34 =	vsel vm0, v14, v38;
	[tilespmem:s23+$0xFFFFFAE0] =	vst v39  }
0x2fc: {  	v36 =	vsel vm0, v9, v42;
	v31 =	vsel vm0, v7, v31;
	[tilespmem:s22+$0xFFFFF820] =	vst v33;
	v33 =	vsel vm0, v11, v41  }
0x2fd: {  	v37 =	vsel vm0, v3, v44;
	[tilespmem:s22+$0xFFFFF8A0] =	vst v34;
	v34 =	vsel vm0, v5, v43  }
0x2fe: {  	[tilespmem:s22+$0xFFFFF920] =	vst v32;
	vm0 =	veq.s32 v45, $0x2  }
0x2ff: {  	vm1 =	veq.s32 v45, $0x1;
	[tilespmem:s22+$0xFFFFF9A0] =	vst v33;
	v32 =	vsel vm0, v22, v12  }
0x300: {  	v33 =	vsel vm0, v23, v10;
	[tilespmem:s22+$0xFFFFFA20] =	vst v36;
	v32 =	vsel vm1, v15, v32  }
0x301: {  	[tilespmem:s22+$0xFFFFFC30] =	vst v32;
	v32 =	vsel vm1, v14, v33;
	v33 =	vsel vm0, v21, v8  }
0x302: {  	[tilespmem:s22+$0xFFFFFCB0] =	vst v32;
	v32 =	vsel vm1, v13, v33;
	v33 =	vsel vm0, v20, v6  }
0x303: {  	[tilespmem:s22+$0xFFFFFD30] =	vst v32;
	v32 =	vsel vm1, v11, v33;
	v33 =	vsel vm0, v19, v4  }
0x304: {  	[tilespmem:s22+$0xFFFFFDB0] =	vst v32;
	v32 =	vsel vm1, v9, v33;
	v33 =	vsel vm0, v18, v2  }
0x305: {  	[tilespmem:s22+$0xFFFFFE30] =	vst v32;
	v32 =	vsel vm1, v7, v33;
	v33 =	vsel vm0, v16, v1  }
0x306: {  	[tilespmem:s22+$0xFFFFFEB0] =	vst v32;
	v32 =	vsel vm1, v5, v33;
	v33 =	vsel vm0, v17, v0  }
0x307: {  	[tilespmem:s22+$0xFFFFFF30] =	vst v32;
	v32 =	vsel vm1, v3, v33  }
0x308: {  	[tilespmem:s22+$0xFFFFFFB0] =	vst v32  }
0x309: {  	[tilespmem:s22+$0xFFFFFAA0] =	vst v31;
	v31 =	vld [tilespmem:s25+$0x30]  }
0x30a: {  	s24 =	sadd.s32 $0x2, s24;
	[tilespmem:s22+$0xFFFFFB20] =	vst v34  }
0x30b: {  	p0 =	slt.u32 s24, $0x1E;
	[tilespmem:s22+$0xFFFFFBA0] =	vst v37  }
0x30c: {  	v32 =	vld [tilespmem:s25+$0xFFFFFFA0];
	[tilespmem:s23+$0xFFFFFB60] =	vst v35  }
0x30d: {  	[tilespmem:s23+$0xFFFFFBE0] =	vst v40  }
0x30e: {  	vm0 =	veq.s32 v31, $0x2;
	v33 =	vld [tilespmem:s21+$0xFFFFFFE0];
	[tilespmem:s20+$0xFFFFFC00] =	vst v28;
	s20 =	smov.u32 s23;
	s23 =	smov.u32 s22  }
0x30f: {  	vm1 =	veq.s32 v31, $0x1;
	v28 =	vsel vm0, v22, v12;
	[tilespmem:s20+$0xFFFFFD00] =	vst v27  }
0x310: {  	v27 =	vsel vm1, v15, v28;
	v28 =	vsel vm0, v23, v10;
	[tilespmem:s20+$0xFFFFFD80] =	vst v30  }
0x311: {  	vm2 =	veq.s32 v32, $0x2;
	[tilespmem:s22+$0xFFFFFC40] =	vst v27;
	v27 =	vsel vm1, v14, v28;
	v28 =	vsel vm0, v21, v8  }
0x312: {  	v30 =	vsel vm2, v22, v12;
	[tilespmem:s22+$0xFFFFFCC0] =	vst v27;
	v27 =	vsel vm1, v13, v28;
	v28 =	vsel vm0, v20, v6  }
0x313: {  	v31 =	vsel vm2, v23, v10;
	[tilespmem:s22+$0xFFFFFD40] =	vst v27;
	v27 =	vsel vm1, v11, v28;
	v28 =	vsel vm0, v19, v4  }
0x314: {  	v34 =	vsel vm2, v21, v8;
	[tilespmem:s22+$0xFFFFFDC0] =	vst v27;
	v27 =	vsel vm1, v9, v28;
	v28 =	vsel vm0, v18, v2  }
0x315: {  	v35 =	vsel vm2, v20, v6;
	[tilespmem:s22+$0xFFFFFE40] =	vst v27;
	v27 =	vsel vm1, v7, v28;
	v28 =	vsel vm0, v16, v1  }
0x316: {  	v36 =	vsel vm2, v19, v4;
	[tilespmem:s22+$0xFFFFFEC0] =	vst v27;
	v27 =	vsel vm1, v5, v28;
	v28 =	vsel vm0, v17, v0  }
0x317: {  	v37 =	vsel vm2, v18, v2;
	v38 =	vsel vm2, v16, v1;
	[tilespmem:s22+$0xFFFFFF40] =	vst v27;
	v27 =	vsel vm1, v3, v28  }
0x318: {  	vm0 =	veq.s32 v32, $0x1;
	v28 =	vsel vm2, v17, v0;
	vm2 =	veq.s32 v33, $0x2;
	[tilespmem:s22+$0xFFFFFFC0] =	vst v27  }
0x319: {  	v27 =	vsel vm0, v15, v30;
	v30 =	vsel vm0, v14, v31;
	v31 =	vsel vm0, v13, v34;
	v32 =	vld [tilespmem:s25+$0x40];
	[tilespmem:s20+$0xFFFFFE00] =	vst v29  }
0x31a: {  	v34 =	vsel vm0, v7, v37;
	v29 =	vsel vm0, v9, v36;
	[tilespmem:s22+$0xFFFFF830] =	vst v27;
	v27 =	vsel vm0, v11, v35  }
0x31b: {  	v28 =	vsel vm0, v3, v28;
	v35 =	vsel vm2, v22, v12;
	[tilespmem:s22+$0xFFFFF8B0] =	vst v30;
	v30 =	vsel vm0, v5, v38  }
0x31c: {  	v37 =	vsel vm2, v20, v6;
	v36 =	vsel vm2, v21, v8;
	[tilespmem:s22+$0xFFFFF930] =	vst v31;
	v31 =	vsel vm2, v23, v10  }
0x31d: {  	v39 =	vsel vm2, v16, v1;
	v38 =	vsel vm2, v18, v2;
	[tilespmem:s22+$0xFFFFF9B0] =	vst v27;
	v27 =	vsel vm2, v19, v4  }
0x31e: {  	vm0 =	veq.s32 v33, $0x1;
	[tilespmem:s22+$0xFFFFFA30] =	vst v29;
	vm1 =	veq.s32 v32, $0x2;
	v29 =	vsel vm2, v17, v0  }
0x31f: {  	v33 =	vsel vm0, v15, v35;
	vm2 =	veq.s32 v32, $0x1;
	[tilespmem:s22+$0xFFFFFAB0] =	vst v34;
	v32 =	vsel vm1, v22, v12  }
0x320: {  	v31 =	vsel vm0, v14, v31;
	[tilespmem:s22+$0xFFFFFB30] =	vst v30;
	v30 =	vsel vm2, v15, v32;
	v32 =	vsel vm1, v23, v10  }
0x321: {  	v34 =	vsel vm0, v13, v36;
	[tilespmem:s22+$0xFFFFFC50] =	vst v30;
	v30 =	vsel vm2, v14, v32;
	v32 =	vsel vm1, v21, v8  }
0x322: {  	v35 =	vsel vm0, v11, v37;
	[tilespmem:s22+$0xFFFFFCD0] =	vst v30;
	v30 =	vsel vm2, v13, v32;
	v32 =	vsel vm1, v20, v6  }
0x323: {  	v36 =	vsel vm0, v9, v27;
	[tilespmem:s22+$0xFFFFFD50] =	vst v30;
	v30 =	vsel vm2, v11, v32;
	v32 =	vsel vm1, v19, v4  }
0x324: {  	[tilespmem:s22+$0xFFFFFDD0] =	vst v30;
	v27 =	vsel vm2, v9, v32;
	v30 =	vsel vm1, v18, v2;
	v32 =	vsel vm0, v7, v38  }
0x325: {  	v37 =	vsel vm0, v5, v39;
	[tilespmem:s22+$0xFFFFFE50] =	vst v27;
	v27 =	vsel vm2, v7, v30;
	v30 =	vsel vm1, v16, v1  }
0x326: {  	v38 =	vsel vm1, v17, v0;
	[tilespmem:s22+$0xFFFFFED0] =	vst v27;
	v30 =	vsel vm2, v5, v30;
	v27 =	vsel vm0, v3, v29  }
0x327: {  	v29 =	vsel vm2, v3, v38;
	[tilespmem:s22+$0xFFFFFF50] =	vst v30  }
0x328: {  	[tilespmem:s22+$0xFFFFFFD0] =	vst v29  }
0x329: {  	[tilespmem:s22+$0xFFFFFBB0] =	vst v28;
	v28 =	vld [tilespmem:s25+$0x50]  }
0x32a: {  	v29 =	vld [tilespmem:s25+$0xFFFFFFB0];
	[tilespmem:s20+$0xFFFFF870] =	vst v33  }
0x32b: {  	[tilespmem:s20+$0xFFFFF8F0] =	vst v31  }
0x32c: {  	[tilespmem:s20+$0xFFFFF970] =	vst v34  }
0x32d: {  	[tilespmem:s20+$0xFFFFF9F0] =	vst v35  }
0x32e: {  	vm2 =	veq.s32 v28, $0x2;
	[tilespmem:s20+$0xFFFFFA70] =	vst v36  }
0x32f: {  	vm0 =	veq.s32 v28, $0x1;
	vm1 =	veq.s32 v29, $0x2;
	v28 =	vsel vm2, v22, v12;
	[tilespmem:s20+$0xFFFFFAF0] =	vst v32  }
0x330: {  	v31 =	vsel vm2, v23, v10;
	v30 =	vsel vm1, v22, v12;
	v28 =	vsel vm0, v15, v28;
	[tilespmem:s20+$0xFFFFFB70] =	vst v37  }
0x331: {  	v32 =	vsel vm1, v23, v10;
	[tilespmem:s22+$0xFFFFFC60] =	vst v28;
	v28 =	vsel vm0, v14, v31;
	v31 =	vsel vm2, v21, v8  }
0x332: {  	v33 =	vsel vm1, v21, v8;
	[tilespmem:s22+$0xFFFFFCE0] =	vst v28;
	v28 =	vsel vm0, v13, v31;
	v31 =	vsel vm2, v20, v6  }
0x333: {  	v34 =	vsel vm1, v20, v6;
	[tilespmem:s22+$0xFFFFFD60] =	vst v28;
	v28 =	vsel vm0, v11, v31;
	v31 =	vsel vm2, v19, v4  }
0x334: {  	v35 =	vsel vm1, v19, v4;
	[tilespmem:s22+$0xFFFFFDE0] =	vst v28;
	v28 =	vsel vm0, v9, v31;
	v31 =	vsel vm2, v18, v2  }
0x335: {  	v36 =	vsel vm1, v18, v2;
	[tilespmem:s22+$0xFFFFFE60] =	vst v28;
	v28 =	vsel vm0, v7, v31;
	v31 =	vsel vm2, v16, v1  }
0x336: {  	v37 =	vsel vm1, v16, v1;
	[tilespmem:s22+$0xFFFFFEE0] =	vst v28;
	v28 =	vsel vm0, v5, v31;
	v31 =	vsel vm2, v17, v0  }
0x337: {  	vm2 =	veq.s32 v29, $0x1;
	v29 =	vsel vm1, v17, v0;
	[tilespmem:s22+$0xFFFFFF60] =	vst v28;
	v28 =	vsel vm0, v3, v31  }
0x338: {  	v30 =	vsel vm2, v15, v30;
	v31 =	vsel vm2, v14, v32;
	v32 =	vsel vm2, v13, v33;
	[tilespmem:s22+$0xFFFFFFE0] =	vst v28  }
0x339: {  	v33 =	vsel vm2, v7, v36;
	v28 =	vsel vm2, v11, v34;
	[tilespmem:s22+$0xFFFFF840] =	vst v30;
	v30 =	vsel vm2, v9, v35;
	v34 =	vld [tilespmem:s25+$0x60]  }
0x33a: {  	v29 =	vsel vm2, v3, v29;
	[tilespmem:s22+$0xFFFFF8C0] =	vst v31;
	v31 =	vsel vm2, v5, v37  }
0x33b: {  	[tilespmem:s22+$0xFFFFF940] =	vst v32  }
0x33c: {  	[tilespmem:s22+$0xFFFFF9C0] =	vst v28  }
0x33d: {  	[tilespmem:s22+$0xFFFFFA40] =	vst v30  }
0x33e: {  	[tilespmem:s22+$0xFFFFFAC0] =	vst v33;
	vm1 =	veq.s32 v34, $0x2  }
0x33f: {  	vm0 =	veq.s32 v34, $0x1;
	[tilespmem:s22+$0xFFFFFB40] =	vst v31;
	v28 =	vsel vm1, v22, v12  }
0x340: {  	[tilespmem:s22+$0xFFFFFBC0] =	vst v29;
	v28 =	vsel vm0, v15, v28;
	v29 =	vsel vm1, v23, v10  }
0x341: {  	v30 =	vld [tilespmem:s25+$0xFFFFFFC0];
	[tilespmem:s22+$0xFFFFFC70] =	vst v28;
	v28 =	vsel vm0, v14, v29;
	v29 =	vsel vm1, v21, v8  }
0x342: {  	[tilespmem:s22+$0xFFFFFCF0] =	vst v28;
	v28 =	vsel vm0, v13, v29;
	v29 =	vsel vm1, v20, v6  }
0x343: {  	[tilespmem:s22+$0xFFFFFD70] =	vst v28;
	v28 =	vsel vm0, v11, v29;
	v29 =	vsel vm1, v19, v4  }
0x344: {  	[tilespmem:s22+$0xFFFFFDF0] =	vst v28;
	v28 =	vsel vm0, v9, v29;
	v29 =	vsel vm1, v18, v2  }
0x345: {  	[tilespmem:s22+$0xFFFFFE70] =	vst v28;
	v28 =	vsel vm0, v7, v29;
	v29 =	vsel vm1, v16, v1  }
0x346: {  	vm2 =	veq.s32 v30, $0x2;
	[tilespmem:s22+$0xFFFFFEF0] =	vst v28;
	v28 =	vsel vm0, v5, v29;
	v29 =	vsel vm1, v17, v0  }
0x347: {  	v31 =	vsel vm2, v22, v12;
	v32 =	vsel vm2, v23, v10;
	[tilespmem:s22+$0xFFFFFF70] =	vst v28;
	v28 =	vsel vm0, v3, v29  }
0x348: {  	v29 =	vsel vm2, v21, v8;
	v33 =	vsel vm2, v20, v6;
	v34 =	vsel vm2, v19, v4;
	[tilespmem:s22+$0xFFFFFFF0] =	vst v28  }
0x349: {  	v35 =	vsel vm2, v16, v1;
	v36 =	vsel vm2, v17, v0;
	v28 =	vsel vm2, v18, v2;
	v37 =	vld [tilespmem:s25+$0x70];
	[tilespmem:s20+$0xFFFFFBF0] =	vst v27  }
0x34a: {  	vm0 =	veq.s32 v30, $0x1;
	v27 =	vld [tilespmem:s21+$0xFFFFFFF0];
	[tilespmem:s20+$0xFFFFFE80] =	vst v24;
	s21 =	smov.u32 s25  }
0x34b: {  	v30 =	vsel vm0, v14, v32;
	v29 =	vsel vm0, v13, v29;
	v24 =	vsel vm0, v15, v31;
	[tilespmem:s20+$0xFFFFFF00] =	vst v25  }
0x34c: {  	v28 =	vsel vm0, v7, v28;
	v25 =	vsel vm0, v9, v34;
	[tilespmem:s22+$0xFFFFF850] =	vst v24;
	v24 =	vsel vm0, v11, v33  }
0x34d: {  	v31 =	vsel vm0, v3, v36;
	[tilespmem:s22+$0xFFFFF8D0] =	vst v30;
	v30 =	vsel vm0, v5, v35  }
0x34e: {  	[tilespmem:s22+$0xFFFFF950] =	vst v29;
	vm1 =	veq.s32 v37, $0x2  }
0x34f: {  	vm0 =	veq.s32 v37, $0x1;
	[tilespmem:s22+$0xFFFFF9D0] =	vst v24;
	v24 =	vsel vm1, v17, v0;
	vm2 =	veq.s32 v27, $0x2  }
0x350: {  	[tilespmem:s22+$0xFFFFFA50] =	vst v25;
	v24 =	vsel vm0, v3, v24;
	v33 =	vsel vm2, v22, v12;
	v34 =	vsel vm2, v23, v10  }
0x351: {  	v35 =	vsel vm2, v21, v8;
	v38 =	vsel vm2, v20, v6;
	v39 =	vsel vm2, v19, v4;
	[tilespmem:s22+$0x0] =	vst v24  }
0x352: {  	v40 =	vsel vm2, v16, v1;
	v41 =	vsel vm2, v17, v0;
	[tilespmem:s22+$0xFFFFFAD0] =	vst v28;
	v28 =	vsel vm2, v18, v2  }
0x353: {  	v42 =	vsel vm1, v23, v10;
	v24 =	vsel vm1, v21, v8;
	[tilespmem:s22+$0xFFFFFB50] =	vst v30;
	v30 =	vsel vm1, v22, v12  }
.Ltmp2:
0x354: {  	v29 =	vsel vm1, v20, v6;
	v32 =	vsel vm1, v19, v4;
	v25 =	vsel vm1, v18, v2;
	[tilespmem:s22+$0xFFFFFBD0] =	vst v31;
	(pc) =	sbr.rel @p0 .LBB2_7-.Ltmp2, $4  }
0x355: {  	v30 =	vsel vm0, v15, v30;
	v31 =	vsel vm1, v16, v1;
	vm1 =	veq.s32 v27, $0x1;
	v37 =	vld [tilespmem:s25+$0xFFFFFFD0];
	[tilespmem:s20+$0xFFFFFF80] =	vst v26  }
0x356: {  	v26 =	vsel vm1, v15, v33;
	v36 =	vsel vm1, v13, v35;
	[tilespmem:s22+$0xFFFFFC80] =	vst v30;
	v30 =	vsel vm1, v14, v34  }
0x357: {  	v35 =	vsel vm1, v11, v38;
	v33 =	vsel vm1, v7, v28;
	v34 =	vsel vm1, v9, v39;
	[tilespmem:s20+$0xFFFFF880] =	vst v26  }
0x358: {  	v27 =	vsel vm0, v14, v42;
	s25 =	sadd.s32 $0x100, s25;
	v28 =	vsel vm1, v3, v41;
	v26 =	vsel vm1, v5, v40;
	[tilespmem:s20+$0xFFFFF900] =	vst v30  }
0x359: {  	_ = 	snop  }
0x35a: {  	vm1 =	veq.s32 v37, $0x2  }
0x35b: {  	vm2 =	veq.s32 v37, $0x1;
	v30 =	vsel vm1, v22, v12  }
0x35c: {  	v60 =	vsel vm1, v23, v10;
	v30 =	vsel vm2, v15, v30  }
0x35d: {  	v38 =	vsel vm1, v21, v8;
	v61 =	vsel vm2, v14, v60;
	[tilespmem:s22+$0xFFFFF860] =	vst v30  }
0x35e: {  	v62 =	vsel vm1, v20, v6;
	v38 =	vsel vm2, v13, v38;
	[tilespmem:s22+$0xFFFFF8E0] =	vst v61  }
0x35f: {  	v63 =	vsel vm1, v19, v4;
	v37 =	vsel vm2, v11, v62;
	[tilespmem:s23+$0xFFFFF960] =	vst v38  }
0x360: {  	v40 =	vsel vm1, v18, v2;
	v30 =	vsel vm2, v9, v63;
	[tilespmem:s23+$0xFFFFF9E0] =	vst v37  }
0x361: {  	v41 =	vsel vm1, v16, v1;
	v38 =	vsel vm2, v7, v40;
	[tilespmem:s23+$0xFFFFFA60] =	vst v30  }
0x362: {  	v42 =	vsel vm1, v17, v0;
	v37 =	vsel vm2, v5, v41;
	[tilespmem:s23+$0xFFFFFAE0] =	vst v38  }
0x363: {  	v30 =	vsel vm2, v3, v42;
	[tilespmem:s23+$0xFFFFFB60] =	vst v37  }
0x364: {  	[tilespmem:s23+$0xFFFFFBE0] =	vst v30  }
0x365: {  	v30 =	vld [tilespmem:s21+$0xFFFFFFE0];
	_ =	sdelay $0x3  }
0x366: {  	[tilespmem:s20+$0xFFFFF980] =	vst v36  }
0x367: {  	[tilespmem:s20+$0xFFFFFA00] =	vst v35;
	vm12 =	veq.s32 v30, $0x2  }
0x368: {  	[tilespmem:s20+$0xFFFFFA80] =	vst v34;
	vm13 =	veq.s32 v30, $0x1;
	v43 =	vsel vm12, v22, v12  }
0x369: {  	[tilespmem:s20+$0xFFFFFB00] =	vst v33;
	v44 =	vsel vm12, v23, v10;
	v45 =	vsel vm13, v15, v43  }
0x36a: {  	v46 =	vsel vm12, v21, v8;
	v30 =	vsel vm13, v14, v44;
	[tilespmem:s23+$0xFFFFF870] =	vst v45  }
0x36b: {  	v47 =	vsel vm12, v20, v6;
	v34 =	vsel vm13, v13, v46;
	[tilespmem:s23+$0xFFFFF8F0] =	vst v30  }
0x36c: {  	v48 =	vsel vm12, v19, v4;
	v33 =	vsel vm13, v11, v47;
	[tilespmem:s23+$0xFFFFF970] =	vst v34  }
0x36d: {  	v49 =	vsel vm12, v18, v2;
	v30 =	vsel vm13, v9, v48;
	[tilespmem:s23+$0xFFFFF9F0] =	vst v33  }
0x36e: {  	v50 =	vsel vm12, v16, v1;
	v34 =	vsel vm13, v7, v49;
	[tilespmem:s23+$0xFFFFFA70] =	vst v30  }
0x36f: {  	v51 =	vsel vm12, v17, v0;
	v33 =	vsel vm13, v5, v50;
	[tilespmem:s23+$0xFFFFFAF0] =	vst v34  }
0x370: {  	v30 =	vsel vm13, v3, v51;
	[tilespmem:s23+$0xFFFFFB70] =	vst v33  }
0x371: {  	[tilespmem:s23+$0xFFFFFBF0] =	vst v30  }
0x372: {  	[tilespmem:s20+$0xFFFFFB80] =	vst v26;
	v52 =	vld [tilespmem:s21+$0xFFFFFFF0]  }
0x373: {  	[tilespmem:s20+$0xFFFFFC00] =	vst v28  }
0x374: {  	v24 =	vsel vm0, v13, v24;
	[tilespmem:s23+$0xFFFFFD00] =	vst v27  }
0x375: {  	v53 =	vsel vm0, v11, v29;
	[tilespmem:s23+$0xFFFFFD80] =	vst v24  }
0x376: {  	v54 =	vsel vm0, v9, v32;
	[tilespmem:s23+$0xFFFFFE00] =	vst v53  }
0x377: {  	v25 =	vsel vm0, v7, v25;
	[tilespmem:s23+$0xFFFFFE80] =	vst v54;
	vm14 =	veq.s32 v52, $0x2  }
0x378: {  	v55 =	vsel vm0, v5, v31;
	[tilespmem:s23+$0xFFFFFF00] =	vst v25;
	vm15 =	veq.s32 v52, $0x1;
	v56 =	vsel vm14, v22, v12  }
0x379: {  	[tilespmem:s23+$0xFFFFFF80] =	vst v55;
	v57 =	vsel vm14, v23, v10;
	v12 =	vsel vm15, v15, v56  }
0x37a: {  	v58 =	vsel vm14, v21, v8;
	v10 =	vsel vm15, v14, v57;
	[tilespmem:s23+$0xFFFFF880] =	vst v12  }
0x37b: {  	v59 =	vsel vm14, v20, v6;
	v8 =	vsel vm15, v13, v58;
	[tilespmem:s23+$0xFFFFF900] =	vst v10  }
0x37c: {  	s18 =	sadd.s32 $0x1, s18;
	v60 =	vsel vm14, v19, v4;
	v6 =	vsel vm15, v11, v59;
	[tilespmem:s23+$0xFFFFF980] =	vst v8  }
0x37d: {  	p0 =	sne.s32 s18, $0x19;
	v61 =	vsel vm14, v18, v2;
	v4 =	vsel vm15, v9, v60;
	[tilespmem:s23+$0xFFFFFA00] =	vst v6  }
.Ltmp3:
0x37e: {  	v62 =	vsel vm14, v16, v1;
	v2 =	vsel vm15, v7, v61;
	[tilespmem:s23+$0xFFFFFA80] =	vst v4;
	(pc) =	sbr.rel @p0 .LBB2_2-.Ltmp3, $4  }
0x37f: {  	v63 =	vsel vm14, v17, v0;
	v1 =	vsel vm15, v5, v62;
	[tilespmem:s23+$0xFFFFFB00] =	vst v2  }
0x380: {  	s19 =	sshll.u32 s19, $0xC;
	v0 =	vsel vm15, v3, v63;
	[tilespmem:s23+$0xFFFFFB80] =	vst v1  }
0x381: {  	s19 =	sadd.s32 s3, s19;
	[tilespmem:s23+$0xFFFFFC00] =	vst v0  }
0x382: {  	[hbm4b:s19+s4] =	stream.linear.scatter [tilespmem:s15], [sflag:$0x1], $0x8000, $0x38;
	[tilespmem:$0x17000] =	vst v63  }
0x383: {  	s17 =	sadd.s32 $0x1, s17  }
0x384: {  	_ =	swait.ge [sflag:s16], $0x8000;
	p0 =	sne.s32 s17, s9  }
.Ltmp4:
0x385: {  	[sflag:s16] =	ssyncset.done $0x0;
	(pc) =	sbr.rel @p0 .LBB2_1-.Ltmp4, $4  }
0x386: {  	[sflag:s16] =	ssyncadd.s32 $0xFFFF8000  }
0x387: {  	_ =	swait.ge [sflag:s16], $0x8000  }
0x388: {  	[sflag:s16] =	ssyncset.done $0x0  }
0x389: {  	[sflag:s16] =	ssyncadd.s32 $0xFFFF8000  }
0x38a: {  	_ =	sfence.sel $0x180000  }
0x38b: {  	[bflag:$0x0] =	sbarrier.arrive $0xFFFF  }
0x38c: {  	p0 =	sne.s32 s0, $0x0;
	_ =	strace $0x90000047  }
0x38d: {  	s0 =	sadd.s32 @!p0 $0x100000, s2;
	[bflag:$0x2] =	sbarrier.arrive $0xFFFF  }
0x38e: {  	[sflag:s0] =	ssyncadd.tile.s32 @!p0 $0x1;
	_ =	shalt  }
.Lfunc_end2:
_tile_overlayer_lowered:
.L_overlay_start_2:
0x38f: {  	(tag) =	ssettag $0x2  }
0x390: {  	s0 =	rddreg [dreg:$0x0];
	s2 =	stileid.u32  }
0x391: {  	s1 =	rddreg [dreg:$0x1];
	p0 =	sne.s32 s2, $0x0  }
0x392: {  	s3 =	rddreg [dreg:$0x2];
	[bflag:$0x3] =	sbarrier.arrive $0xFFFF;
	s2 =	simm.s32 @!p0 $0x1C02  }
0x393: {  	[timem:s3], [sflag:s2] =	dma.local @!p0 [hbm:s0], s1  }
0x394: {  	s0 =	simm.s32 @!p0 $0x2  }
0x395: {  	_ =	swait.ge @!p0 [sflag:s0], s1  }
0x396: {  	s1 =	ssub.s32 @!p0 $0x0, s1;
	[sflag:s0] =	ssyncset.done @!p0 $0x0  }
0x397: {  	[sflag:s0] =	ssyncadd.s32 @!p0 s1  }
0x398: {  	[bflag:$0x3] =	sbarrier.arrive $0xFFFF  }
0x399: {  	_ =	shalt  }

</sc_bundles>
